<compile_context>
chip_gen: v7x
topology: tpu7x:2x2x1
jax: 0.10.2.dev20260603
libtpu: 0.0.44.dev20260713+nightly
codegen_flags: <defaults>
</compile_context>

<pallas_src>
import functools

import jax
import jax.numpy as jnp
from jax import lax
from jax.experimental import pallas as pl
from jax.experimental.pallas import tpu as pltpu
from jax.experimental.pallas import tpu_sc as plsc

N = 10000
E = 320000
G = 16
D = 128
NCLASSES_OUT = 10
NC = 2
NS = 16
NW = NC * NS
NPAD = 10240
SLAB = NPAD // NS
CHUNK = 128
KCH = 80
MBLK = 8
EPW = KCH * CHUNK
EPAD = NW * EPW
NPADROWS = 240

def _deg_body(c2_hbm, ones_hbm, zrow_hbm, out_hbm, cidx, ones_v, deg_sh, dsem):
    cc = lax.axis_index("c")
    ss = lax.axis_index("s")
    pltpu.sync_copy(zrow_hbm, deg_sh.at[pl.ds(ss * SLAB, SLAB)])
    pltpu.sync_copy(ones_hbm, ones_v)
    brow = (cc * NS + ss) * KCH
    pltpu.sync_copy(c2_hbm.at[pl.ds(brow, KCH)], cidx)
    plsc.subcore_barrier()

    def body(m, carry):
        for k in range(MBLK):
            pltpu.async_copy(ones_v, deg_sh.at[cidx.at[MBLK * m + k]], dsem,
                             add=True)
        for k in range(MBLK):
            pltpu.make_async_copy(ones_v, deg_sh.at[cidx.at[0]], dsem).wait()
        return carry

    lax.fori_loop(0, KCH // MBLK, body, 0)
    plsc.subcore_barrier()
    pltpu.sync_copy(deg_sh.at[pl.ds(ss * SLAB, SLAB)],
                    out_hbm.at[cc, pl.ds(ss * SLAB, SLAB)])


def _mp_body(src_hbm, r2_hbm, c2_hbm, zslab_hbm, out_hbm,
             ridx, cblk0, cblk1, rows0, rows1, acc_sh, sem0, sem1):
    cc = lax.axis_index("c")
    ss = lax.axis_index("s")
    pltpu.sync_copy(zslab_hbm, acc_sh.at[pl.ds(ss * SLAB, SLAB)])
    brow = (cc * NS + ss) * KCH
    pltpu.sync_copy(r2_hbm.at[pl.ds(brow, KCH)], ridx)
    plsc.subcore_barrier()

    pltpu.async_copy(src_hbm.at[ridx.at[0]], rows0, sem0)

    def block(m, cblk, last):
        pltpu.sync_copy(c2_hbm.at[pl.ds(brow + MBLK * m, MBLK)], cblk)
        for q in range(MBLK // 2):
            a = MBLK * m + 2 * q + 1
            pltpu.async_copy(src_hbm.at[ridx.at[a]], rows1, sem1)
            pltpu.make_async_copy(src_hbm.at[ridx.at[0]], rows0, sem0).wait()
            pltpu.sync_copy(rows0, acc_sh.at[cblk.at[2 * q]], add=True)
            if not (last and q == MBLK // 2 - 1):
                pltpu.async_copy(src_hbm.at[ridx.at[a + 1]], rows0, sem0)
            pltpu.make_async_copy(src_hbm.at[ridx.at[0]], rows1, sem1).wait()
            pltpu.sync_copy(rows1, acc_sh.at[cblk.at[2 * q + 1]], add=True)

    def body(p, carry):
        block(2 * p, cblk0, False)
        block(2 * p + 1, cblk1, False)
        return carry

    nblk = KCH // MBLK
    lax.fori_loop(0, nblk // 2 - 1, body, 0)
    block(nblk - 2, cblk0, False)
    block(nblk - 1, cblk1, True)
    plsc.subcore_barrier()
    pltpu.sync_copy(acc_sh.at[pl.ds(ss * SLAB, SLAB)],
                    out_hbm.at[cc, pl.ds(ss * SLAB, SLAB)])


def _bn(x, g, b):
    m = jnp.mean(x, axis=0)
    v = jnp.var(x, axis=0)
    return (x - m) / jnp.sqrt(v + 1e-5) * g + b


def _dis_from(deg2_ref):
    deg = deg2_ref[0, :N] + deg2_ref[1, :N] + 1.0
    return lax.rsqrt(deg)


def _dense1_body(x0_ref, w_ref, b_ref, g_ref, be_ref, cw_ref, deg2_ref, out_ref):
    h = jnp.maximum(jnp.dot(x0_ref[...], w_ref[...],
                            preferred_element_type=jnp.float32) + b_ref[...], 0.0)
    h = _bn(h, g_ref[...], be_ref[...])
    gmat = jnp.dot(h, cw_ref[...], preferred_element_type=jnp.float32)
    out_ref[:N] = _dis_from(deg2_ref)[:, None] * gmat
    out_ref[N:] = jnp.zeros((NPAD - N, D), jnp.float32)


def _dense2_body(acc_ref, gp_ref, deg2_ref, cb_ref, ng_ref, nb_ref,
                 w_ref, b_ref, g_ref, be_ref, cw_ref, out_ref):
    dis = _dis_from(deg2_ref)
    x = dis[:, None] * (acc_ref[0, :N] + acc_ref[1, :N] + gp_ref[:N]) + cb_ref[...]
    x = jnp.maximum(_bn(x, ng_ref[...], nb_ref[...]), 0.0)
    h = jnp.maximum(jnp.dot(x, w_ref[...],
                            preferred_element_type=jnp.float32) + b_ref[...], 0.0)
    h = _bn(h, g_ref[...], be_ref[...])
    gmat = jnp.dot(h, cw_ref[...], preferred_element_type=jnp.float32)
    out_ref[:N] = dis[:, None] * gmat
    out_ref[N:] = jnp.zeros((NPAD - N, D), jnp.float32)


def _dense3_body(acc_ref, gp_ref, deg2_ref, cb_ref, ng_ref, nb_ref, batch_ref,
                 f1w_ref, f1b_ref, f2w_ref, f2b_ref, out_ref):
    dis = _dis_from(deg2_ref)
    x = dis[:, None] * (acc_ref[0, :N] + acc_ref[1, :N] + gp_ref[:N]) + cb_ref[...]
    x = jnp.maximum(_bn(x, ng_ref[...], nb_ref[...]), 0.0)
    onehot = (batch_ref[...][:, None]
              == lax.broadcasted_iota(jnp.int32, (N, G), 1)).astype(jnp.float32)
    sums = lax.dot_general(onehot, x, (((0,), (0,)), ((), ())),
                           preferred_element_type=jnp.float32)
    cnt = jnp.sum(onehot, axis=0)
    pooled = sums / jnp.maximum(cnt, 1.0)[:, None]
    y = jnp.maximum(jnp.dot(pooled, f1w_ref[...],
                            preferred_element_type=jnp.float32) + f1b_ref[...], 0.0)
    out_ref[...] = jnp.dot(y, f2w_ref[...],
                           preferred_element_type=jnp.float32) + f2b_ref[...]


def _tc_call(body, out_shape, *args):
    return pl.pallas_call(body, out_shape=out_shape)(*args)


@functools.lru_cache(maxsize=None)
def _sc_kernels():
    mesh = plsc.VectorSubcoreMesh(core_axis_name="c", subcore_axis_name="s",
                                  num_cores=NC, num_subcores=NS)
    params = pltpu.CompilerParams()
    deg_k = pl.kernel(
        _deg_body,
        out_type=jax.ShapeDtypeStruct((NC, NPAD), jnp.float32),
        mesh=mesh,
        compiler_params=params,
        scratch_types=[
            pltpu.VMEM((KCH, CHUNK), jnp.int32),
            pltpu.VMEM((CHUNK,), jnp.float32),
            pltpu.VMEM_SHARED((NPAD,), jnp.float32),
            pltpu.SemaphoreType.DMA,
        ],
    )
    mp_k = pl.kernel(
        _mp_body,
        out_type=jax.ShapeDtypeStruct((NC, NPAD, D), jnp.float32),
        mesh=mesh,
        compiler_params=params,
        scratch_types=[
            pltpu.VMEM((KCH, CHUNK), jnp.int32),
            pltpu.VMEM((MBLK, CHUNK), jnp.int32),
            pltpu.VMEM((MBLK, CHUNK), jnp.int32),
            pltpu.VMEM((CHUNK, D), jnp.float32),
            pltpu.VMEM((CHUNK, D), jnp.float32),
            pltpu.VMEM_SHARED((NPAD, D), jnp.float32),
            pltpu.SemaphoreType.DMA,
            pltpu.SemaphoreType.DMA,
        ],
    )
    return deg_k, mp_k


def kernel(x0, edge_index, batch,
           mlp0_W, mlp0_b, mlp0_gamma, mlp0_beta,
           conv0_W, conv0_b, norm0_gamma, norm0_beta,
           mlp1_W, mlp1_b, mlp1_gamma, mlp1_beta,
           conv1_W, conv1_b, norm1_gamma, norm1_beta,
           fc1_W, fc1_b, fc2_W, fc2_b):
    padv = N + (jnp.arange(EPAD - E, dtype=jnp.int32) % NPADROWS)
    r2 = jnp.concatenate([edge_index[0], padv]).reshape(EPAD // CHUNK, CHUNK)
    c2 = jnp.concatenate([edge_index[1], padv]).reshape(EPAD // CHUNK, CHUNK)
    ones_chunk = jnp.ones((CHUNK,), jnp.float32)
    zrow = jnp.zeros((SLAB,), jnp.float32)
    zslab = jnp.zeros((SLAB, D), jnp.float32)

    deg_kernel, mp_kernel = _sc_kernels()
    deg2 = deg_kernel(c2, ones_chunk, zrow)

    g0p = _tc_call(_dense1_body, jax.ShapeDtypeStruct((NPAD, D), jnp.float32),
                   x0, mlp0_W, mlp0_b, mlp0_gamma, mlp0_beta, conv0_W, deg2)
    acc0 = mp_kernel(g0p, r2, c2, zslab)
    g1p = _tc_call(_dense2_body, jax.ShapeDtypeStruct((NPAD, D), jnp.float32),
                   acc0, g0p, deg2, conv0_b, norm0_gamma, norm0_beta,
                   mlp1_W, mlp1_b, mlp1_gamma, mlp1_beta, conv1_W)
    acc1 = mp_kernel(g1p, r2, c2, zslab)
    y = _tc_call(_dense3_body, jax.ShapeDtypeStruct((G, NCLASSES_OUT), jnp.float32),
                 acc1, g1p, deg2, conv1_b, norm1_gamma, norm1_beta, batch,
                 fc1_W, fc1_b, fc2_W, fc2_b)
    return (y, y)

# --- scband reference (transcript-rebuilt; emitter-appended) ---
"""Pipeline reference for scband-visualization-net-85916525789219 (READ-ONLY COPY).

The authoritative reference and input builder live on the scoring server;
editing this copy changes nothing except your own understanding.
"""

import jax, jax.numpy as jnp
import numpy as np

N = 10000
E = 320000
G = 16
DIMS = [5, 128, 128]
FC_N = 128
NCLASSES = 10
PNAMES = []
for _i in range(2):
    PNAMES += ['mlp%d_W' % _i, 'mlp%d_b' % _i, 'mlp%d_gamma' % _i, 'mlp%d_beta' % _i,
               'conv%d_W' % _i, 'conv%d_b' % _i, 'norm%d_gamma' % _i, 'norm%d_beta' % _i]
PNAMES += ['fc1_W', 'fc1_b', 'fc2_W', 'fc2_b']


def setup_inputs(seed=0):
    key = jax.random.key(seed)
    ks = list(jax.random.split(key, 16))
    inp = {}
    inp['x0'] = jax.random.normal(ks[0], (N, 5), jnp.float32)
    inp['edge_index'] = jax.random.randint(ks[1], (2, E), 0, N, dtype=jnp.int32)
    inp['batch'] = jnp.sort(jax.random.randint(ks[2], (N,), 0, G, dtype=jnp.int32))
    j = 3
    for i in range(2):
        di, do = DIMS[i], DIMS[i + 1]
        inp['mlp%d_W' % i] = jax.random.normal(ks[j], (di, do), jnp.float32) * 0.05; j += 1
        inp['mlp%d_b' % i] = jnp.zeros((do,), jnp.float32)
        inp['mlp%d_gamma' % i] = jnp.ones((do,), jnp.float32)
        inp['mlp%d_beta' % i] = jnp.zeros((do,), jnp.float32)
        inp['conv%d_W' % i] = jax.random.normal(ks[j], (do, do), jnp.float32) * 0.05; j += 1
        inp['conv%d_b' % i] = jnp.zeros((do,), jnp.float32)
        inp['norm%d_gamma' % i] = jnp.ones((do,), jnp.float32)
        inp['norm%d_beta' % i] = jnp.zeros((do,), jnp.float32)
    inp['fc1_W'] = jax.random.normal(ks[j], (DIMS[-1], FC_N), jnp.float32) * 0.05; j += 1
    inp['fc1_b'] = jnp.zeros((FC_N,), jnp.float32)
    inp['fc2_W'] = jax.random.normal(ks[j], (FC_N, NCLASSES), jnp.float32) * 0.05; j += 1
    inp['fc2_b'] = jnp.zeros((NCLASSES,), jnp.float32)
    return inp


def _bn(x, g, b):
    m = jnp.mean(x, axis=0)
    v = jnp.var(x, axis=0)
    return (x - m) / jnp.sqrt(v + 1e-5) * g + b


def _gcn(x, row, col, W, bias):
    # GCNConv with add_self_loops=True, normalize=True (flow source_to_target:
    # messages from row (src) aggregated at col (dst))
    loop = jnp.arange(N, dtype=row.dtype)
    r = jnp.concatenate([row, loop])
    c = jnp.concatenate([col, loop])
    deg = jax.ops.segment_sum(jnp.ones(r.shape[0], jnp.float32), c, num_segments=N)
    dis = jnp.where(deg > 0, 1.0 / jnp.sqrt(deg), 0.0)
    norm = dis[r] * dis[c]
    h = x @ W
    out = jax.ops.segment_sum(norm[:, None] * h[r], c, num_segments=N)
    return out + bias


def _forward(x0, edge_index, batch, p):
    x = x0.reshape(-1, 5)
    row = edge_index.reshape(2, -1)[0]
    col = edge_index.reshape(2, -1)[1]
    batch = batch.reshape(-1)
    for i in range(2):
        # MLP: Linear -> ReLU -> BatchNorm1d
        x = jnp.maximum(x @ p['mlp%d_W' % i] + p['mlp%d_b' % i], 0.0)
        x = _bn(x, p['mlp%d_gamma' % i], p['mlp%d_beta' % i])
        # GCNConv
        x = _gcn(x, row, col, p['conv%d_W' % i], p['conv%d_b' % i])
        # BatchNorm + ReLU
        x = _bn(x, p['norm%d_gamma' % i], p['norm%d_beta' % i])
        x = jnp.maximum(x, 0.0)
    # global_mean_pool
    sums = jax.ops.segment_sum(x, batch, num_segments=G)
    cnt = jax.ops.segment_sum(jnp.ones((x.shape[0],), jnp.float32), batch, num_segments=G)
    x = sums / jnp.maximum(cnt, 1.0)[:, None]
    x = jnp.maximum(x @ p['fc1_W'] + p['fc1_b'], 0.0)
    x = x @ p['fc2_W'] + p['fc2_b']
    return (x, x)


def reference(x0, edge_index, batch,
              mlp0_W, mlp0_b, mlp0_gamma, mlp0_beta,
              conv0_W, conv0_b, norm0_gamma, norm0_beta,
              mlp1_W, mlp1_b, mlp1_gamma, mlp1_beta,
              conv1_W, conv1_b, norm1_gamma, norm1_beta,
              fc1_W, fc1_b, fc2_W, fc2_b):
    _args = locals()
    p = {n: _args[n] for n in PNAMES}
    return _forward(x0, edge_index, batch, p)

if __name__ == "__main__":
    import jax
    _d = setup_inputs()
    print(jax.jit(kernel)(*tuple(_d.values())))

</pallas_src>

<mosaic_0001>
#map = affine_map<(d0, d1) -> (0, 0)>
#map1 = affine_map<(d0, d1) -> (0)>
module attributes {stable_mosaic.version = 14 : i64} {
  func.func @_deg_body(%arg0: i32, %arg1: i32, %arg2: memref<2560x128xi32, #tpu.memory_space<hbm>>, %arg3: memref<128xf32, #tpu.memory_space<hbm>>, %arg4: memref<640xf32, #tpu.memory_space<hbm>>, %arg5: memref<2x10240xf32, #tpu.memory_space<hbm>>, %arg6: memref<80x128xi32, #tpu.memory_space<vmem>>, %arg7: memref<128xf32, #tpu.memory_space<vmem>>, %arg8: memref<10240xf32, #tpu.memory_space<vmem_shared>>, %arg9: memref<!tpu.dma_semaphore, #tpu.memory_space<semaphore_mem>>) attributes {dimension_semantics = [#tpu.dimension_semantics<core_parallel>, #tpu.dimension_semantics<subcore_parallel>], iteration_bounds = array<i64: 2, 16>, scalar_prefetch = 0 : i64, scratch_operands = 4 : i64, tpu.core_type = #tpu.core_type<sc_vector_subcore>, window_params = [{transform_indices = #map}, {transform_indices = #map1}, {transform_indices = #map1}, {transform_indices = #map}]} {
    %mul3A = arith.constant 640 : i32
    %mul3A_0 = arith.muli %arg1, %mul3A : i32
    "tpu.region"() ({
      %run_scoped3A = tpu.sem_alloc : memref<!tpu.dma_semaphore, #tpu.memory_space<semaphore_mem>>
      %dma_start3A = tpu.memref_slice %arg8[%mul3A_0] : memref<10240xf32, #tpu.memory_space<vmem_shared>> -> memref<640xf32, #tpu.memory_space<vmem_shared>>
      tpu.enqueue_dma source(%arg4 : memref<640xf32, #tpu.memory_space<hbm>>) target(%dma_start3A : memref<640xf32, #tpu.memory_space<vmem_shared>>) target_semaphore(%run_scoped3A : memref<!tpu.dma_semaphore, #tpu.memory_space<semaphore_mem>>)
      %dma_wait3A = tpu.memref_slice %arg8[%mul3A_0] : memref<10240xf32, #tpu.memory_space<vmem_shared>> -> memref<640xf32, #tpu.memory_space<vmem_shared>>
      tpu.wait_dma2 semaphore(%run_scoped3A : memref<!tpu.dma_semaphore, #tpu.memory_space<semaphore_mem>>) src(%arg4 : memref<640xf32, #tpu.memory_space<hbm>>) dst(%dma_wait3A : memref<640xf32, #tpu.memory_space<vmem_shared>>)
      tpu.yield
    }) : () -> ()
    "tpu.region"() ({
      %run_scoped3A = tpu.sem_alloc : memref<!tpu.dma_semaphore, #tpu.memory_space<semaphore_mem>>
      tpu.enqueue_dma source(%arg3 : memref<128xf32, #tpu.memory_space<hbm>>) target(%arg7 : memref<128xf32, #tpu.memory_space<vmem>>) target_semaphore(%run_scoped3A : memref<!tpu.dma_semaphore, #tpu.memory_space<semaphore_mem>>)
      tpu.wait_dma2 semaphore(%run_scoped3A : memref<!tpu.dma_semaphore, #tpu.memory_space<semaphore_mem>>) src(%arg3 : memref<128xf32, #tpu.memory_space<hbm>>) dst(%arg7 : memref<128xf32, #tpu.memory_space<vmem>>)
      tpu.yield
    }) : () -> ()
    %mul3A_1 = arith.constant 16 : i32
    %mul3A_2 = arith.muli %arg0, %mul3A_1 : i32
    %add3A = arith.addi %mul3A_2, %arg1 : i32
    %mul3A_3 = arith.constant 80 : i32
    %mul3A_4 = arith.muli %add3A, %mul3A_3 : i32
    "tpu.region"() ({
      %run_scoped3A = tpu.sem_alloc : memref<!tpu.dma_semaphore, #tpu.memory_space<semaphore_mem>>
      %dma_start3A = arith.constant 0 : i32
      %dma_start3A_15 = tpu.memref_slice %arg2[%mul3A_4, %dma_start3A] : memref<2560x128xi32, #tpu.memory_space<hbm>> -> memref<80x128xi32, #tpu.memory_space<hbm>>
      %dma_start3A_16 = arith.constant 0 : i32
      %dma_start3A_17 = tpu.memref_slice %arg2[%mul3A_4, %dma_start3A_16] : memref<2560x128xi32, #tpu.memory_space<hbm>> -> memref<80x128xi32, #tpu.memory_space<hbm>>
      tpu.enqueue_dma source(%dma_start3A_17 : memref<80x128xi32, #tpu.memory_space<hbm>>) target(%arg6 : memref<80x128xi32, #tpu.memory_space<vmem>>) target_semaphore(%run_scoped3A : memref<!tpu.dma_semaphore, #tpu.memory_space<semaphore_mem>>)
      %dma_wait3A = arith.constant 0 : i32
      %dma_wait3A_18 = tpu.memref_slice %arg2[%mul3A_4, %dma_wait3A] : memref<2560x128xi32, #tpu.memory_space<hbm>> -> memref<80x128xi32, #tpu.memory_space<hbm>>
      %dma_wait3A_19 = arith.constant 0 : i32
      %dma_wait3A_20 = tpu.memref_slice %arg2[%mul3A_4, %dma_wait3A_19] : memref<2560x128xi32, #tpu.memory_space<hbm>> -> memref<80x128xi32, #tpu.memory_space<hbm>>
      tpu.wait_dma2 semaphore(%run_scoped3A : memref<!tpu.dma_semaphore, #tpu.memory_space<semaphore_mem>>) src(%dma_wait3A_20 : memref<80x128xi32, #tpu.memory_space<hbm>>) dst(%arg6 : memref<80x128xi32, #tpu.memory_space<vmem>>)
      tpu.yield
    }) : () -> ()
    %barrier3A = arith.constant 0 : index
    tpu.barrier barrier_id(%barrier3A)
    %scan3A = arith.constant 0 : i32
    %scan3A_5 = arith.constant 0 : i32
    %scan3A_6 = arith.constant 10 : i32
    %scan3A_7 = arith.addi %scan3A_5, %scan3A_6 : i32
    %scan3A_8 = arith.constant 1 : i32
    scf.for %scan3A_15 = %scan3A_5 to %scan3A_7 step %scan3A_8  : i32 {
      %mul3A_16 = arith.constant 8 : i32
      %mul3A_17 = arith.muli %mul3A_16, %scan3A_15 : i32
      %add3A_18 = arith.constant 0 : i32
      %add3A_19 = arith.addi %mul3A_17, %add3A_18 : i32
      %dma_start3A = arith.constant 0 : i32
      %dma_start3A_20 = tpu.memref_slice %arg6[%add3A_19, %dma_start3A] : memref<80x128xi32, #tpu.memory_space<vmem>> -> memref<1x128xi32, #tpu.memory_space<vmem>>
      %dma_start3A_21 = tpu.memref_squeeze %dma_start3A_20 : memref<1x128xi32, #tpu.memory_space<vmem>> -> memref<128xi32, #tpu.memory_space<vmem>>
      %dma_start3A_22 = arith.constant 0 : i32
      %dma_start3A_23 = tpu.memref_slice %arg8[%dma_start3A_22] : memref<10240xf32, #tpu.memory_space<vmem_shared>> -> memref<10240xf32, #tpu.memory_space<vmem_shared>>
      tpu.enqueue_indirect_dma source(%arg7 : memref<128xf32, #tpu.memory_space<vmem>>) target(%dma_start3A_23 : memref<10240xf32, #tpu.memory_space<vmem_shared>>) offsets(%dma_start3A_21 : memref<128xi32, #tpu.memory_space<vmem>>) semaphore(%arg9 : memref<!tpu.dma_semaphore, #tpu.memory_space<semaphore_mem>>) {add = true}
      %mul3A_24 = arith.constant 8 : i32
      %mul3A_25 = arith.muli %mul3A_24, %scan3A_15 : i32
      %add3A_26 = arith.constant 1 : i32
      %add3A_27 = arith.addi %mul3A_25, %add3A_26 : i32
      %dma_start3A_28 = arith.constant 0 : i32
      %dma_start3A_29 = tpu.memref_slice %arg6[%add3A_27, %dma_start3A_28] : memref<80x128xi32, #tpu.memory_space<vmem>> -> memref<1x128xi32, #tpu.memory_space<vmem>>
      %dma_start3A_30 = tpu.memref_squeeze %dma_start3A_29 : memref<1x128xi32, #tpu.memory_space<vmem>> -> memref<128xi32, #tpu.memory_space<vmem>>
      %dma_start3A_31 = arith.constant 0 : i32
      %dma_start3A_32 = tpu.memref_slice %arg8[%dma_start3A_31] : memref<10240xf32, #tpu.memory_space<vmem_shared>> -> memref<10240xf32, #tpu.memory_space<vmem_shared>>
      tpu.enqueue_indirect_dma source(%arg7 : memref<128xf32, #tpu.memory_space<vmem>>) target(%dma_start3A_32 : memref<10240xf32, #tpu.memory_space<vmem_shared>>) offsets(%dma_start3A_30 : memref<128xi32, #tpu.memory_space<vmem>>) semaphore(%arg9 : memref<!tpu.dma_semaphore, #tpu.memory_space<semaphore_mem>>) {add = true}
      %mul3A_33 = arith.constant 8 : i32
      %mul3A_34 = arith.muli %mul3A_33, %scan3A_15 : i32
      %add3A_35 = arith.constant 2 : i32
      %add3A_36 = arith.addi %mul3A_34, %add3A_35 : i32
      %dma_start3A_37 = arith.constant 0 : i32
      %dma_start3A_38 = tpu.memref_slice %arg6[%add3A_36, %dma_start3A_37] : memref<80x128xi32, #tpu.memory_space<vmem>> -> memref<1x128xi32, #tpu.memory_space<vmem>>
      %dma_start3A_39 = tpu.memref_squeeze %dma_start3A_38 : memref<1x128xi32, #tpu.memory_space<vmem>> -> memref<128xi32, #tpu.memory_space<vmem>>
      %dma_start3A_40 = arith.constant 0 : i32
      %dma_start3A_41 = tpu.memref_slice %arg8[%dma_start3A_40] : memref<10240xf32, #tpu.memory_space<vmem_shared>> -> memref<10240xf32, #tpu.memory_space<vmem_shared>>
      tpu.enqueue_indirect_dma source(%arg7 : memref<128xf32, #tpu.memory_space<vmem>>) target(%dma_start3A_41 : memref<10240xf32, #tpu.memory_space<vmem_shared>>) offsets(%dma_start3A_39 : memref<128xi32, #tpu.memory_space<vmem>>) semaphore(%arg9 : memref<!tpu.dma_semaphore, #tpu.memory_space<semaphore_mem>>) {add = true}
      %mul3A_42 = arith.constant 8 : i32
      %mul3A_43 = arith.muli %mul3A_42, %scan3A_15 : i32
      %add3A_44 = arith.constant 3 : i32
      %add3A_45 = arith.addi %mul3A_43, %add3A_44 : i32
      %dma_start3A_46 = arith.constant 0 : i32
      %dma_start3A_47 = tpu.memref_slice %arg6[%add3A_45, %dma_start3A_46] : memref<80x128xi32, #tpu.memory_space<vmem>> -> memref<1x128xi32, #tpu.memory_space<vmem>>
      %dma_start3A_48 = tpu.memref_squeeze %dma_start3A_47 : memref<1x128xi32, #tpu.memory_space<vmem>> -> memref<128xi32, #tpu.memory_space<vmem>>
      %dma_start3A_49 = arith.constant 0 : i32
      %dma_start3A_50 = tpu.memref_slice %arg8[%dma_start3A_49] : memref<10240xf32, #tpu.memory_space<vmem_shared>> -> memref<10240xf32, #tpu.memory_space<vmem_shared>>
      tpu.enqueue_indirect_dma source(%arg7 : memref<128xf32, #tpu.memory_space<vmem>>) target(%dma_start3A_50 : memref<10240xf32, #tpu.memory_space<vmem_shared>>) offsets(%dma_start3A_48 : memref<128xi32, #tpu.memory_space<vmem>>) semaphore(%arg9 : memref<!tpu.dma_semaphore, #tpu.memory_space<semaphore_mem>>) {add = true}
      %mul3A_51 = arith.constant 8 : i32
      %mul3A_52 = arith.muli %mul3A_51, %scan3A_15 : i32
      %add3A_53 = arith.constant 4 : i32
      %add3A_54 = arith.addi %mul3A_52, %add3A_53 : i32
      %dma_start3A_55 = arith.constant 0 : i32
      %dma_start3A_56 = tpu.memref_slice %arg6[%add3A_54, %dma_start3A_55] : memref<80x128xi32, #tpu.memory_space<vmem>> -> memref<1x128xi32, #tpu.memory_space<vmem>>
      %dma_start3A_57 = tpu.memref_squeeze %dma_start3A_56 : memref<1x128xi32, #tpu.memory_space<vmem>> -> memref<128xi32, #tpu.memory_space<vmem>>
      %dma_start3A_58 = arith.constant 0 : i32
      %dma_start3A_59 = tpu.memref_slice %arg8[%dma_start3A_58] : memref<10240xf32, #tpu.memory_space<vmem_shared>> -> memref<10240xf32, #tpu.memory_space<vmem_shared>>
      tpu.enqueue_indirect_dma source(%arg7 : memref<128xf32, #tpu.memory_space<vmem>>) target(%dma_start3A_59 : memref<10240xf32, #tpu.memory_space<vmem_shared>>) offsets(%dma_start3A_57 : memref<128xi32, #tpu.memory_space<vmem>>) semaphore(%arg9 : memref<!tpu.dma_semaphore, #tpu.memory_space<semaphore_mem>>) {add = true}
      %mul3A_60 = arith.constant 8 : i32
      %mul3A_61 = arith.muli %mul3A_60, %scan3A_15 : i32
      %add3A_62 = arith.constant 5 : i32
      %add3A_63 = arith.addi %mul3A_61, %add3A_62 : i32
      %dma_start3A_64 = arith.constant 0 : i32
      %dma_start3A_65 = tpu.memref_slice %arg6[%add3A_63, %dma_start3A_64] : memref<80x128xi32, #tpu.memory_space<vmem>> -> memref<1x128xi32, #tpu.memory_space<vmem>>
      %dma_start3A_66 = tpu.memref_squeeze %dma_start3A_65 : memref<1x128xi32, #tpu.memory_space<vmem>> -> memref<128xi32, #tpu.memory_space<vmem>>
      %dma_start3A_67 = arith.constant 0 : i32
      %dma_start3A_68 = tpu.memref_slice %arg8[%dma_start3A_67] : memref<10240xf32, #tpu.memory_space<vmem_shared>> -> memref<10240xf32, #tpu.memory_space<vmem_shared>>
      tpu.enqueue_indirect_dma source(%arg7 : memref<128xf32, #tpu.memory_space<vmem>>) target(%dma_start3A_68 : memref<10240xf32, #tpu.memory_space<vmem_shared>>) offsets(%dma_start3A_66 : memref<128xi32, #tpu.memory_space<vmem>>) semaphore(%arg9 : memref<!tpu.dma_semaphore, #tpu.memory_space<semaphore_mem>>) {add = true}
      %mul3A_69 = arith.constant 8 : i32
      %mul3A_70 = arith.muli %mul3A_69, %scan3A_15 : i32
      %add3A_71 = arith.constant 6 : i32
      %add3A_72 = arith.addi %mul3A_70, %add3A_71 : i32
      %dma_start3A_73 = arith.constant 0 : i32
      %dma_start3A_74 = tpu.memref_slice %arg6[%add3A_72, %dma_start3A_73] : memref<80x128xi32, #tpu.memory_space<vmem>> -> memref<1x128xi32, #tpu.memory_space<vmem>>
      %dma_start3A_75 = tpu.memref_squeeze %dma_start3A_74 : memref<1x128xi32, #tpu.memory_space<vmem>> -> memref<128xi32, #tpu.memory_space<vmem>>
      %dma_start3A_76 = arith.constant 0 : i32
      %dma_start3A_77 = tpu.memref_slice %arg8[%dma_start3A_76] : memref<10240xf32, #tpu.memory_space<vmem_shared>> -> memref<10240xf32, #tpu.memory_space<vmem_shared>>
      tpu.enqueue_indirect_dma source(%arg7 : memref<128xf32, #tpu.memory_space<vmem>>) target(%dma_start3A_77 : memref<10240xf32, #tpu.memory_space<vmem_shared>>) offsets(%dma_start3A_75 : memref<128xi32, #tpu.memory_space<vmem>>) semaphore(%arg9 : memref<!tpu.dma_semaphore, #tpu.memory_space<semaphore_mem>>) {add = true}
      %mul3A_78 = arith.constant 8 : i32
      %mul3A_79 = arith.muli %mul3A_78, %scan3A_15 : i32
      %add3A_80 = arith.constant 7 : i32
      %add3A_81 = arith.addi %mul3A_79, %add3A_80 : i32
      %dma_start3A_82 = arith.constant 0 : i32
      %dma_start3A_83 = tpu.memref_slice %arg6[%add3A_81, %dma_start3A_82] : memref<80x128xi32, #tpu.memory_space<vmem>> -> memref<1x128xi32, #tpu.memory_space<vmem>>
      %dma_start3A_84 = tpu.memref_squeeze %dma_start3A_83 : memref<1x128xi32, #tpu.memory_space<vmem>> -> memref<128xi32, #tpu.memory_space<vmem>>
      %dma_start3A_85 = arith.constant 0 : i32
      %dma_start3A_86 = tpu.memref_slice %arg8[%dma_start3A_85] : memref<10240xf32, #tpu.memory_space<vmem_shared>> -> memref<10240xf32, #tpu.memory_space<vmem_shared>>
      tpu.enqueue_indirect_dma source(%arg7 : memref<128xf32, #tpu.memory_space<vmem>>) target(%dma_start3A_86 : memref<10240xf32, #tpu.memory_space<vmem_shared>>) offsets(%dma_start3A_84 : memref<128xi32, #tpu.memory_space<vmem>>) semaphore(%arg9 : memref<!tpu.dma_semaphore, #tpu.memory_space<semaphore_mem>>) {add = true}
      %dma_wait3A = arith.constant 0 : i32
      %dma_wait3A_87 = arith.constant 0 : i32
      %dma_wait3A_88 = tpu.memref_slice %arg6[%dma_wait3A, %dma_wait3A_87] : memref<80x128xi32, #tpu.memory_space<vmem>> -> memref<1x128xi32, #tpu.memory_space<vmem>>
      %dma_wait3A_89 = tpu.memref_squeeze %dma_wait3A_88 : memref<1x128xi32, #tpu.memory_space<vmem>> -> memref<128xi32, #tpu.memory_space<vmem>>
      %dma_wait3A_90 = arith.constant 0 : i32
      %dma_wait3A_91 = tpu.memref_slice %arg8[%dma_wait3A_90] : memref<10240xf32, #tpu.memory_space<vmem_shared>> -> memref<10240xf32, #tpu.memory_space<vmem_shared>>
      tpu.wait_indirect_dma semaphore(%arg9 : memref<!tpu.dma_semaphore, #tpu.memory_space<semaphore_mem>>) src(%arg7 : memref<128xf32, #tpu.memory_space<vmem>>) dst(%dma_wait3A_91 : memref<10240xf32, #tpu.memory_space<vmem_shared>>)
      %dma_wait3A_92 = arith.constant 0 : i32
      %dma_wait3A_93 = arith.constant 0 : i32
      %dma_wait3A_94 = tpu.memref_slice %arg6[%dma_wait3A_92, %dma_wait3A_93] : memref<80x128xi32, #tpu.memory_space<vmem>> -> memref<1x128xi32, #tpu.memory_space<vmem>>
      %dma_wait3A_95 = tpu.memref_squeeze %dma_wait3A_94 : memref<1x128xi32, #tpu.memory_space<vmem>> -> memref<128xi32, #tpu.memory_space<vmem>>
      %dma_wait3A_96 = arith.constant 0 : i32
      %dma_wait3A_97 = tpu.memref_slice %arg8[%dma_wait3A_96] : memref<10240xf32, #tpu.memory_space<vmem_shared>> -> memref<10240xf32, #tpu.memory_space<vmem_shared>>
      tpu.wait_indirect_dma semaphore(%arg9 : memref<!tpu.dma_semaphore, #tpu.memory_space<semaphore_mem>>) src(%arg7 : memref<128xf32, #tpu.memory_space<vmem>>) dst(%dma_wait3A_97 : memref<10240xf32, #tpu.memory_space<vmem_shared>>)
      %dma_wait3A_98 = arith.constant 0 : i32
      %dma_wait3A_99 = arith.constant 0 : i32
      %dma_wait3A_100 = tpu.memref_slice %arg6[%dma_wait3A_98, %dma_wait3A_99] : memref<80x128xi32, #tpu.memory_space<vmem>> -> memref<1x128xi32, #tpu.memory_space<vmem>>
      %dma_wait3A_101 = tpu.memref_squeeze %dma_wait3A_100 : memref<1x128xi32, #tpu.memory_space<vmem>> -> memref<128xi32, #tpu.memory_space<vmem>>
      %dma_wait3A_102 = arith.constant 0 : i32
      %dma_wait3A_103 = tpu.memref_slice %arg8[%dma_wait3A_102] : memref<10240xf32, #tpu.memory_space<vmem_shared>> -> memref<10240xf32, #tpu.memory_space<vmem_shared>>
      tpu.wait_indirect_dma semaphore(%arg9 : memref<!tpu.dma_semaphore, #tpu.memory_space<semaphore_mem>>) src(%arg7 : memref<128xf32, #tpu.memory_space<vmem>>) dst(%dma_wait3A_103 : memref<10240xf32, #tpu.memory_space<vmem_shared>>)
      %dma_wait3A_104 = arith.constant 0 : i32
      %dma_wait3A_105 = arith.constant 0 : i32
      %dma_wait3A_106 = tpu.memref_slice %arg6[%dma_wait3A_104, %dma_wait3A_105] : memref<80x128xi32, #tpu.memory_space<vmem>> -> memref<1x128xi32, #tpu.memory_space<vmem>>
      %dma_wait3A_107 = tpu.memref_squeeze %dma_wait3A_106 : memref<1x128xi32, #tpu.memory_space<vmem>> -> memref<128xi32, #tpu.memory_space<vmem>>
      %dma_wait3A_108 = arith.constant 0 : i32
      %dma_wait3A_109 = tpu.memref_slice %arg8[%dma_wait3A_108] : memref<10240xf32, #tpu.memory_space<vmem_shared>> -> memref<10240xf32, #tpu.memory_space<vmem_shared>>
      tpu.wait_indirect_dma semaphore(%arg9 : memref<!tpu.dma_semaphore, #tpu.memory_space<semaphore_mem>>) src(%arg7 : memref<128xf32, #tpu.memory_space<vmem>>) dst(%dma_wait3A_109 : memref<10240xf32, #tpu.memory_space<vmem_shared>>)
      %dma_wait3A_110 = arith.constant 0 : i32
      %dma_wait3A_111 = arith.constant 0 : i32
      %dma_wait3A_112 = tpu.memref_slice %arg6[%dma_wait3A_110, %dma_wait3A_111] : memref<80x128xi32, #tpu.memory_space<vmem>> -> memref<1x128xi32, #tpu.memory_space<vmem>>
      %dma_wait3A_113 = tpu.memref_squeeze %dma_wait3A_112 : memref<1x128xi32, #tpu.memory_space<vmem>> -> memref<128xi32, #tpu.memory_space<vmem>>
      %dma_wait3A_114 = arith.constant 0 : i32
      %dma_wait3A_115 = tpu.memref_slice %arg8[%dma_wait3A_114] : memref<10240xf32, #tpu.memory_space<vmem_shared>> -> memref<10240xf32, #tpu.memory_space<vmem_shared>>
      tpu.wait_indirect_dma semaphore(%arg9 : memref<!tpu.dma_semaphore, #tpu.memory_space<semaphore_mem>>) src(%arg7 : memref<128xf32, #tpu.memory_space<vmem>>) dst(%dma_wait3A_115 : memref<10240xf32, #tpu.memory_space<vmem_shared>>)
      %dma_wait3A_116 = arith.constant 0 : i32
      %dma_wait3A_117 = arith.constant 0 : i32
      %dma_wait3A_118 = tpu.memref_slice %arg6[%dma_wait3A_116, %dma_wait3A_117] : memref<80x128xi32, #tpu.memory_space<vmem>> -> memref<1x128xi32, #tpu.memory_space<vmem>>
      %dma_wait3A_119 = tpu.memref_squeeze %dma_wait3A_118 : memref<1x128xi32, #tpu.memory_space<vmem>> -> memref<128xi32, #tpu.memory_space<vmem>>
      %dma_wait3A_120 = arith.constant 0 : i32
      %dma_wait3A_121 = tpu.memref_slice %arg8[%dma_wait3A_120] : memref<10240xf32, #tpu.memory_space<vmem_shared>> -> memref<10240xf32, #tpu.memory_space<vmem_shared>>
      tpu.wait_indirect_dma semaphore(%arg9 : memref<!tpu.dma_semaphore, #tpu.memory_space<semaphore_mem>>) src(%arg7 : memref<128xf32, #tpu.memory_space<vmem>>) dst(%dma_wait3A_121 : memref<10240xf32, #tpu.memory_space<vmem_shared>>)
      %dma_wait3A_122 = arith.constant 0 : i32
      %dma_wait3A_123 = arith.constant 0 : i32
      %dma_wait3A_124 = tpu.memref_slice %arg6[%dma_wait3A_122, %dma_wait3A_123] : memref<80x128xi32, #tpu.memory_space<vmem>> -> memref<1x128xi32, #tpu.memory_space<vmem>>
      %dma_wait3A_125 = tpu.memref_squeeze %dma_wait3A_124 : memref<1x128xi32, #tpu.memory_space<vmem>> -> memref<128xi32, #tpu.memory_space<vmem>>
      %dma_wait3A_126 = arith.constant 0 : i32
      %dma_wait3A_127 = tpu.memref_slice %arg8[%dma_wait3A_126] : memref<10240xf32, #tpu.memory_space<vmem_shared>> -> memref<10240xf32, #tpu.memory_space<vmem_shared>>
      tpu.wait_indirect_dma semaphore(%arg9 : memref<!tpu.dma_semaphore, #tpu.memory_space<semaphore_mem>>) src(%arg7 : memref<128xf32, #tpu.memory_space<vmem>>) dst(%dma_wait3A_127 : memref<10240xf32, #tpu.memory_space<vmem_shared>>)
      %dma_wait3A_128 = arith.constant 0 : i32
      %dma_wait3A_129 = arith.constant 0 : i32
      %dma_wait3A_130 = tpu.memref_slice %arg6[%dma_wait3A_128, %dma_wait3A_129] : memref<80x128xi32, #tpu.memory_space<vmem>> -> memref<1x128xi32, #tpu.memory_space<vmem>>
      %dma_wait3A_131 = tpu.memref_squeeze %dma_wait3A_130 : memref<1x128xi32, #tpu.memory_space<vmem>> -> memref<128xi32, #tpu.memory_space<vmem>>
      %dma_wait3A_132 = arith.constant 0 : i32
      %dma_wait3A_133 = tpu.memref_slice %arg8[%dma_wait3A_132] : memref<10240xf32, #tpu.memory_space<vmem_shared>> -> memref<10240xf32, #tpu.memory_space<vmem_shared>>
      tpu.wait_indirect_dma semaphore(%arg9 : memref<!tpu.dma_semaphore, #tpu.memory_space<semaphore_mem>>) src(%arg7 : memref<128xf32, #tpu.memory_space<vmem>>) dst(%dma_wait3A_133 : memref<10240xf32, #tpu.memory_space<vmem_shared>>)
    }
    %scan3A_9 = arith.constant 10 : i32
    %barrier3A_10 = arith.constant 0 : index
    tpu.barrier barrier_id(%barrier3A_10)
    %mul3A_11 = arith.constant 640 : i32
    %mul3A_12 = arith.muli %arg1, %mul3A_11 : i32
    %mul3A_13 = arith.constant 640 : i32
    %mul3A_14 = arith.muli %arg1, %mul3A_13 : i32
    "tpu.region"() ({
      %run_scoped3A = tpu.sem_alloc : memref<!tpu.dma_semaphore, #tpu.memory_space<semaphore_mem>>
      %dma_start3A = tpu.memref_slice %arg5[%arg0, %mul3A_14] : memref<2x10240xf32, #tpu.memory_space<hbm>> -> memref<1x640xf32, #tpu.memory_space<hbm>>
      %dma_start3A_15 = tpu.memref_squeeze %dma_start3A : memref<1x640xf32, #tpu.memory_space<hbm>> -> memref<640xf32, #tpu.memory_space<hbm>>
      %dma_start3A_16 = tpu.memref_slice %arg8[%mul3A_12] : memref<10240xf32, #tpu.memory_space<vmem_shared>> -> memref<640xf32, #tpu.memory_space<vmem_shared>>
      tpu.enqueue_dma source(%dma_start3A_16 : memref<640xf32, #tpu.memory_space<vmem_shared>>) target(%dma_start3A_15 : memref<640xf32, #tpu.memory_space<hbm>>) target_semaphore(%run_scoped3A : memref<!tpu.dma_semaphore, #tpu.memory_space<semaphore_mem>>)
      %dma_wait3A = tpu.memref_slice %arg5[%arg0, %mul3A_14] : memref<2x10240xf32, #tpu.memory_space<hbm>> -> memref<1x640xf32, #tpu.memory_space<hbm>>
      %dma_wait3A_17 = tpu.memref_squeeze %dma_wait3A : memref<1x640xf32, #tpu.memory_space<hbm>> -> memref<640xf32, #tpu.memory_space<hbm>>
      %dma_wait3A_18 = tpu.memref_slice %arg8[%mul3A_12] : memref<10240xf32, #tpu.memory_space<vmem_shared>> -> memref<640xf32, #tpu.memory_space<vmem_shared>>
      tpu.wait_dma2 semaphore(%run_scoped3A : memref<!tpu.dma_semaphore, #tpu.memory_space<semaphore_mem>>) src(%dma_wait3A_18 : memref<640xf32, #tpu.memory_space<vmem_shared>>) dst(%dma_wait3A_17 : memref<640xf32, #tpu.memory_space<hbm>>)
      tpu.yield
    }) : () -> ()
    return
  }
}

#map = affine_map<(d0, d1) -> (0, 0)>
#map1 = affine_map<(d0, d1) -> (0, 0, 0)>
module attributes {stable_mosaic.version = 14 : i64} {
  func.func @_mp_body(%arg0: i32, %arg1: i32, %arg2: memref<10240x128xf32, #tpu.memory_space<hbm>>, %arg3: memref<2560x128xi32, #tpu.memory_space<hbm>>, %arg4: memref<2560x128xi32, #tpu.memory_space<hbm>>, %arg5: memref<640x128xf32, #tpu.memory_space<hbm>>, %arg6: memref<2x10240x128xf32, #tpu.memory_space<hbm>>, %arg7: memref<80x128xi32, #tpu.memory_space<vmem>>, %arg8: memref<8x128xi32, #tpu.memory_space<vmem>>, %arg9: memref<8x128xi32, #tpu.memory_space<vmem>>, %arg10: memref<128x128xf32, #tpu.memory_space<vmem>>, %arg11: memref<128x128xf32, #tpu.memory_space<vmem>>, %arg12: memref<10240x128xf32, #tpu.memory_space<vmem_shared>>, %arg13: memref<!tpu.dma_semaphore, #tpu.memory_space<semaphore_mem>>, %arg14: memref<!tpu.dma_semaphore, #tpu.memory_space<semaphore_mem>>) attributes {dimension_semantics = [#tpu.dimension_semantics<core_parallel>, #tpu.dimension_semantics<subcore_parallel>], iteration_bounds = array<i64: 2, 16>, scalar_prefetch = 0 : i64, scratch_operands = 8 : i64, tpu.core_type = #tpu.core_type<sc_vector_subcore>, window_params = [{transform_indices = #map}, {transform_indices = #map}, {transform_indices = #map}, {transform_indices = #map}, {transform_indices = #map1}]} {
    %mul3A = arith.constant 640 : i32
    %mul3A_0 = arith.muli %arg1, %mul3A : i32
    "tpu.region"() ({
      %run_scoped3A_256 = tpu.sem_alloc : memref<!tpu.dma_semaphore, #tpu.memory_space<semaphore_mem>>
      %dma_start3A_257 = arith.constant 0 : i32
      %dma_start3A_258 = tpu.memref_slice %arg12[%mul3A_0, %dma_start3A_257] : memref<10240x128xf32, #tpu.memory_space<vmem_shared>> -> memref<640x128xf32, #tpu.memory_space<vmem_shared>>
      tpu.enqueue_dma source(%arg5 : memref<640x128xf32, #tpu.memory_space<hbm>>) target(%dma_start3A_258 : memref<640x128xf32, #tpu.memory_space<vmem_shared>>) target_semaphore(%run_scoped3A_256 : memref<!tpu.dma_semaphore, #tpu.memory_space<semaphore_mem>>)
      %dma_wait3A_259 = arith.constant 0 : i32
      %dma_wait3A_260 = tpu.memref_slice %arg12[%mul3A_0, %dma_wait3A_259] : memref<10240x128xf32, #tpu.memory_space<vmem_shared>> -> memref<640x128xf32, #tpu.memory_space<vmem_shared>>
      tpu.wait_dma2 semaphore(%run_scoped3A_256 : memref<!tpu.dma_semaphore, #tpu.memory_space<semaphore_mem>>) src(%arg5 : memref<640x128xf32, #tpu.memory_space<hbm>>) dst(%dma_wait3A_260 : memref<640x128xf32, #tpu.memory_space<vmem_shared>>)
      tpu.yield
    }) : () -> ()
    %mul3A_1 = arith.constant 16 : i32
    %mul3A_2 = arith.muli %arg0, %mul3A_1 : i32
    %add3A = arith.addi %mul3A_2, %arg1 : i32
    %mul3A_3 = arith.constant 80 : i32
    %mul3A_4 = arith.muli %add3A, %mul3A_3 : i32
    "tpu.region"() ({
      %run_scoped3A_256 = tpu.sem_alloc : memref<!tpu.dma_semaphore, #tpu.memory_space<semaphore_mem>>
      %dma_start3A_257 = arith.constant 0 : i32
      %dma_start3A_258 = tpu.memref_slice %arg3[%mul3A_4, %dma_start3A_257] : memref<2560x128xi32, #tpu.memory_space<hbm>> -> memref<80x128xi32, #tpu.memory_space<hbm>>
      %dma_start3A_259 = arith.constant 0 : i32
      %dma_start3A_260 = tpu.memref_slice %arg3[%mul3A_4, %dma_start3A_259] : memref<2560x128xi32, #tpu.memory_space<hbm>> -> memref<80x128xi32, #tpu.memory_space<hbm>>
      tpu.enqueue_dma source(%dma_start3A_260 : memref<80x128xi32, #tpu.memory_space<hbm>>) target(%arg7 : memref<80x128xi32, #tpu.memory_space<vmem>>) target_semaphore(%run_scoped3A_256 : memref<!tpu.dma_semaphore, #tpu.memory_space<semaphore_mem>>)
      %dma_wait3A_261 = arith.constant 0 : i32
      %dma_wait3A_262 = tpu.memref_slice %arg3[%mul3A_4, %dma_wait3A_261] : memref<2560x128xi32, #tpu.memory_space<hbm>> -> memref<80x128xi32, #tpu.memory_space<hbm>>
      %dma_wait3A_263 = arith.constant 0 : i32
      %dma_wait3A_264 = tpu.memref_slice %arg3[%mul3A_4, %dma_wait3A_263] : memref<2560x128xi32, #tpu.memory_space<hbm>> -> memref<80x128xi32, #tpu.memory_space<hbm>>
      tpu.wait_dma2 semaphore(%run_scoped3A_256 : memref<!tpu.dma_semaphore, #tpu.memory_space<semaphore_mem>>) src(%dma_wait3A_264 : memref<80x128xi32, #tpu.memory_space<hbm>>) dst(%arg7 : memref<80x128xi32, #tpu.memory_space<vmem>>)
      tpu.yield
    }) : () -> ()
    %barrier3A = arith.constant 0 : index
    tpu.barrier barrier_id(%barrier3A)
    %dma_start3A = arith.constant 0 : i32
    %dma_start3A_5 = arith.constant 0 : i32
    %dma_start3A_6 = tpu.memref_slice %arg7[%dma_start3A, %dma_start3A_5] : memref<80x128xi32, #tpu.memory_space<vmem>> -> memref<1x128xi32, #tpu.memory_space<vmem>>
    %dma_start3A_7 = tpu.memref_squeeze %dma_start3A_6 : memref<1x128xi32, #tpu.memory_space<vmem>> -> memref<128xi32, #tpu.memory_space<vmem>>
    %dma_start3A_8 = arith.constant 0 : i32
    %dma_start3A_9 = arith.constant 0 : i32
    %dma_start3A_10 = tpu.memref_slice %arg2[%dma_start3A_8, %dma_start3A_9] : memref<10240x128xf32, #tpu.memory_space<hbm>> -> memref<10240x128xf32, #tpu.memory_space<hbm>>
    tpu.enqueue_indirect_dma source(%dma_start3A_10 : memref<10240x128xf32, #tpu.memory_space<hbm>>) target(%arg10 : memref<128x128xf32, #tpu.memory_space<vmem>>) offsets(%dma_start3A_7 : memref<128xi32, #tpu.memory_space<vmem>>) semaphore(%arg13 : memref<!tpu.dma_semaphore, #tpu.memory_space<semaphore_mem>>)
    %scan3A = arith.constant 0 : i32
    %scan3A_11 = arith.constant 0 : i32
    %scan3A_12 = arith.constant 4 : i32
    %scan3A_13 = arith.addi %scan3A_11, %scan3A_12 : i32
    %scan3A_14 = arith.constant 1 : i32
    scf.for %scan3A_256 = %scan3A_11 to %scan3A_13 step %scan3A_14  : i32 {
      %mul3A_257 = arith.constant 2 : i32
      %mul3A_258 = arith.muli %mul3A_257, %scan3A_256 : i32
      %mul3A_259 = arith.constant 8 : i32
      %mul3A_260 = arith.muli %mul3A_259, %mul3A_258 : i32
      %add3A_261 = arith.addi %mul3A_4, %mul3A_260 : i32
      "tpu.region"() ({
        %run_scoped3A_557 = tpu.sem_alloc : memref<!tpu.dma_semaphore, #tpu.memory_space<semaphore_mem>>
        %dma_start3A_558 = arith.constant 0 : i32
        %dma_start3A_559 = tpu.memref_slice %arg4[%add3A_261, %dma_start3A_558] : memref<2560x128xi32, #tpu.memory_space<hbm>> -> memref<8x128xi32, #tpu.memory_space<hbm>>
        %dma_start3A_560 = arith.constant 0 : i32
        %dma_start3A_561 = tpu.memref_slice %arg4[%add3A_261, %dma_start3A_560] : memref<2560x128xi32, #tpu.memory_space<hbm>> -> memref<8x128xi32, #tpu.memory_space<hbm>>
        tpu.enqueue_dma source(%dma_start3A_561 : memref<8x128xi32, #tpu.memory_space<hbm>>) target(%arg8 : memref<8x128xi32, #tpu.memory_space<vmem>>) target_semaphore(%run_scoped3A_557 : memref<!tpu.dma_semaphore, #tpu.memory_space<semaphore_mem>>)
        %dma_wait3A_562 = arith.constant 0 : i32
        %dma_wait3A_563 = tpu.memref_slice %arg4[%add3A_261, %dma_wait3A_562] : memref<2560x128xi32, #tpu.memory_space<hbm>> -> memref<8x128xi32, #tpu.memory_space<hbm>>
        %dma_wait3A_564 = arith.constant 0 : i32
        %dma_wait3A_565 = tpu.memref_slice %arg4[%add3A_261, %dma_wait3A_564] : memref<2560x128xi32, #tpu.memory_space<hbm>> -> memref<8x128xi32, #tpu.memory_space<hbm>>
        tpu.wait_dma2 semaphore(%run_scoped3A_557 : memref<!tpu.dma_semaphore, #tpu.memory_space<semaphore_mem>>) src(%dma_wait3A_565 : memref<8x128xi32, #tpu.memory_space<hbm>>) dst(%arg8 : memref<8x128xi32, #tpu.memory_space<vmem>>)
        tpu.yield
      }) : () -> ()
      %mul3A_262 = arith.constant 8 : i32
      %mul3A_263 = arith.muli %mul3A_262, %mul3A_258 : i32
      %add3A_264 = arith.constant 0 : i32
      %add3A_265 = arith.addi %mul3A_263, %add3A_264 : i32
      %add3A_266 = arith.constant 1 : i32
      %add3A_267 = arith.addi %add3A_265, %add3A_266 : i32
      %dma_start3A_268 = arith.constant 0 : i32
      %dma_start3A_269 = tpu.memref_slice %arg7[%add3A_267, %dma_start3A_268] : memref<80x128xi32, #tpu.memory_space<vmem>> -> memref<1x128xi32, #tpu.memory_space<vmem>>
      %dma_start3A_270 = tpu.memref_squeeze %dma_start3A_269 : memref<1x128xi32, #tpu.memory_space<vmem>> -> memref<128xi32, #tpu.memory_space<vmem>>
      %dma_start3A_271 = arith.constant 0 : i32
      %dma_start3A_272 = arith.constant 0 : i32
      %dma_start3A_273 = tpu.memref_slice %arg2[%dma_start3A_271, %dma_start3A_272] : memref<10240x128xf32, #tpu.memory_space<hbm>> -> memref<10240x128xf32, #tpu.memory_space<hbm>>
      tpu.enqueue_indirect_dma source(%dma_start3A_273 : memref<10240x128xf32, #tpu.memory_space<hbm>>) target(%arg11 : memref<128x128xf32, #tpu.memory_space<vmem>>) offsets(%dma_start3A_270 : memref<128xi32, #tpu.memory_space<vmem>>) semaphore(%arg14 : memref<!tpu.dma_semaphore, #tpu.memory_space<semaphore_mem>>)
      %dma_wait3A_274 = arith.constant 0 : i32
      %dma_wait3A_275 = arith.constant 0 : i32
      %dma_wait3A_276 = tpu.memref_slice %arg7[%dma_wait3A_274, %dma_wait3A_275] : memref<80x128xi32, #tpu.memory_space<vmem>> -> memref<1x128xi32, #tpu.memory_space<vmem>>
      %dma_wait3A_277 = tpu.memref_squeeze %dma_wait3A_276 : memref<1x128xi32, #tpu.memory_space<vmem>> -> memref<128xi32, #tpu.memory_space<vmem>>
      %dma_wait3A_278 = arith.constant 0 : i32
      %dma_wait3A_279 = arith.constant 0 : i32
      %dma_wait3A_280 = tpu.memref_slice %arg2[%dma_wait3A_278, %dma_wait3A_279] : memref<10240x128xf32, #tpu.memory_space<hbm>> -> memref<10240x128xf32, #tpu.memory_space<hbm>>
      tpu.wait_indirect_dma semaphore(%arg13 : memref<!tpu.dma_semaphore, #tpu.memory_space<semaphore_mem>>) src(%dma_wait3A_280 : memref<10240x128xf32, #tpu.memory_space<hbm>>) dst(%arg10 : memref<128x128xf32, #tpu.memory_space<vmem>>)
      %run_scoped3A_281 = arith.constant 0 : i32
      "tpu.region"() ({
        %run_scoped3A_557 = tpu.sem_alloc : memref<!tpu.dma_semaphore, #tpu.memory_space<semaphore_mem>>
        %dma_start3A_558 = arith.constant 0 : i32
        %dma_start3A_559 = tpu.memref_slice %arg8[%run_scoped3A_281, %dma_start3A_558] : memref<8x128xi32, #tpu.memory_space<vmem>> -> memref<1x128xi32, #tpu.memory_space<vmem>>
        %dma_start3A_560 = tpu.memref_squeeze %dma_start3A_559 : memref<1x128xi32, #tpu.memory_space<vmem>> -> memref<128xi32, #tpu.memory_space<vmem>>
        %dma_start3A_561 = arith.constant 0 : i32
        %dma_start3A_562 = arith.constant 0 : i32
        %dma_start3A_563 = tpu.memref_slice %arg12[%dma_start3A_561, %dma_start3A_562] : memref<10240x128xf32, #tpu.memory_space<vmem_shared>> -> memref<10240x128xf32, #tpu.memory_space<vmem_shared>>
        tpu.enqueue_indirect_dma source(%arg10 : memref<128x128xf32, #tpu.memory_space<vmem>>) target(%dma_start3A_563 : memref<10240x128xf32, #tpu.memory_space<vmem_shared>>) offsets(%dma_start3A_560 : memref<128xi32, #tpu.memory_space<vmem>>) semaphore(%run_scoped3A_557 : memref<!tpu.dma_semaphore, #tpu.memory_space<semaphore_mem>>) {add = true}
        %dma_wait3A_564 = arith.constant 0 : i32
        %dma_wait3A_565 = tpu.memref_slice %arg8[%run_scoped3A_281, %dma_wait3A_564] : memref<8x128xi32, #tpu.memory_space<vmem>> -> memref<1x128xi32, #tpu.memory_space<vmem>>
        %dma_wait3A_566 = tpu.memref_squeeze %dma_wait3A_565 : memref<1x128xi32, #tpu.memory_space<vmem>> -> memref<128xi32, #tpu.memory_space<vmem>>
        %dma_wait3A_567 = arith.constant 0 : i32
        %dma_wait3A_568 = arith.constant 0 : i32
        %dma_wait3A_569 = tpu.memref_slice %arg12[%dma_wait3A_567, %dma_wait3A_568] : memref<10240x128xf32, #tpu.memory_space<vmem_shared>> -> memref<10240x128xf32, #tpu.memory_space<vmem_shared>>
        tpu.wait_indirect_dma semaphore(%run_scoped3A_557 : memref<!tpu.dma_semaphore, #tpu.memory_space<semaphore_mem>>) src(%arg10 : memref<128x128xf32, #tpu.memory_space<vmem>>) dst(%dma_wait3A_569 : memref<10240x128xf32, #tpu.memory_space<vmem_shared>>)
        tpu.yield
      }) : () -> ()
      %add3A_282 = arith.constant 1 : i32
      %add3A_283 = arith.addi %add3A_267, %add3A_282 : i32
      %dma_start3A_284 = arith.constant 0 : i32
      %dma_start3A_285 = tpu.memref_slice %arg7[%add3A_283, %dma_start3A_284] : memref<80x128xi32, #tpu.memory_space<vmem>> -> memref<1x128xi32, #tpu.memory_space<vmem>>
      %dma_start3A_286 = tpu.memref_squeeze %dma_start3A_285 : memref<1x128xi32, #tpu.memory_space<vmem>> -> memref<128xi32, #tpu.memory_space<vmem>>
      %dma_start3A_287 = arith.constant 0 : i32
      %dma_start3A_288 = arith.constant 0 : i32
      %dma_start3A_289 = tpu.memref_slice %arg2[%dma_start3A_287, %dma_start3A_288] : memref<10240x128xf32, #tpu.memory_space<hbm>> -> memref<10240x128xf32, #tpu.memory_space<hbm>>
      tpu.enqueue_indirect_dma source(%dma_start3A_289 : memref<10240x128xf32, #tpu.memory_space<hbm>>) target(%arg10 : memref<128x128xf32, #tpu.memory_space<vmem>>) offsets(%dma_start3A_286 : memref<128xi32, #tpu.memory_space<vmem>>) semaphore(%arg13 : memref<!tpu.dma_semaphore, #tpu.memory_space<semaphore_mem>>)
      %dma_wait3A_290 = arith.constant 0 : i32
      %dma_wait3A_291 = arith.constant 0 : i32
      %dma_wait3A_292 = tpu.memref_slice %arg7[%dma_wait3A_290, %dma_wait3A_291] : memref<80x128xi32, #tpu.memory_space<vmem>> -> memref<1x128xi32, #tpu.memory_space<vmem>>
      %dma_wait3A_293 = tpu.memref_squeeze %dma_wait3A_292 : memref<1x128xi32, #tpu.memory_space<vmem>> -> memref<128xi32, #tpu.memory_space<vmem>>
      %dma_wait3A_294 = arith.constant 0 : i32
      %dma_wait3A_295 = arith.constant 0 : i32
      %dma_wait3A_296 = tpu.memref_slice %arg2[%dma_wait3A_294, %dma_wait3A_295] : memref<10240x128xf32, #tpu.memory_space<hbm>> -> memref<10240x128xf32, #tpu.memory_space<hbm>>
      tpu.wait_indirect_dma semaphore(%arg14 : memref<!tpu.dma_semaphore, #tpu.memory_space<semaphore_mem>>) src(%dma_wait3A_296 : memref<10240x128xf32, #tpu.memory_space<hbm>>) dst(%arg11 : memref<128x128xf32, #tpu.memory_space<vmem>>)
      %run_scoped3A_297 = arith.constant 1 : i32
      "tpu.region"() ({
        %run_scoped3A_557 = tpu.sem_alloc : memref<!tpu.dma_semaphore, #tpu.memory_space<semaphore_mem>>
        %dma_start3A_558 = arith.constant 0 : i32
        %dma_start3A_559 = tpu.memref_slice %arg8[%run_scoped3A_297, %dma_start3A_558] : memref<8x128xi32, #tpu.memory_space<vmem>> -> memref<1x128xi32, #tpu.memory_space<vmem>>
        %dma_start3A_560 = tpu.memref_squeeze %dma_start3A_559 : memref<1x128xi32, #tpu.memory_space<vmem>> -> memref<128xi32, #tpu.memory_space<vmem>>
        %dma_start3A_561 = arith.constant 0 : i32
        %dma_start3A_562 = arith.constant 0 : i32
        %dma_start3A_563 = tpu.memref_slice %arg12[%dma_start3A_561, %dma_start3A_562] : memref<10240x128xf32, #tpu.memory_space<vmem_shared>> -> memref<10240x128xf32, #tpu.memory_space<vmem_shared>>
        tpu.enqueue_indirect_dma source(%arg11 : memref<128x128xf32, #tpu.memory_space<vmem>>) target(%dma_start3A_563 : memref<10240x128xf32, #tpu.memory_space<vmem_shared>>) offsets(%dma_start3A_560 : memref<128xi32, #tpu.memory_space<vmem>>) semaphore(%run_scoped3A_557 : memref<!tpu.dma_semaphore, #tpu.memory_space<semaphore_mem>>) {add = true}
        %dma_wait3A_564 = arith.constant 0 : i32
        %dma_wait3A_565 = tpu.memref_slice %arg8[%run_scoped3A_297, %dma_wait3A_564] : memref<8x128xi32, #tpu.memory_space<vmem>> -> memref<1x128xi32, #tpu.memory_space<vmem>>
        %dma_wait3A_566 = tpu.memref_squeeze %dma_wait3A_565 : memref<1x128xi32, #tpu.memory_space<vmem>> -> memref<128xi32, #tpu.memory_space<vmem>>
        %dma_wait3A_567 = arith.constant 0 : i32
        %dma_wait3A_568 = arith.constant 0 : i32
        %dma_wait3A_569 = tpu.memref_slice %arg12[%dma_wait3A_567, %dma_wait3A_568] : memref<10240x128xf32, #tpu.memory_space<vmem_shared>> -> memref<10240x128xf32, #tpu.memory_space<vmem_shared>>
        tpu.wait_indirect_dma semaphore(%run_scoped3A_557 : memref<!tpu.dma_semaphore, #tpu.memory_space<semaphore_mem>>) src(%arg11 : memref<128x128xf32, #tpu.memory_space<vmem>>) dst(%dma_wait3A_569 : memref<10240x128xf32, #tpu.memory_space<vmem_shared>>)
        tpu.yield
      }) : () -> ()
      %mul3A_298 = arith.constant 8 : i32
      %mul3A_299 = arith.muli %mul3A_298, %mul3A_258 : i32
      %add3A_300 = arith.constant 2 : i32
      %add3A_301 = arith.addi %mul3A_299, %add3A_300 : i32
      %add3A_302 = arith.constant 1 : i32
      %add3A_303 = arith.addi %add3A_301, %add3A_302 : i32
      %dma_start3A_304 = arith.constant 0 : i32
      %dma_start3A_305 = tpu.memref_slice %arg7[%add3A_303, %dma_start3A_304] : memref<80x128xi32, #tpu.memory_space<vmem>> -> memref<1x128xi32, #tpu.memory_space<vmem>>
      %dma_start3A_306 = tpu.memref_squeeze %dma_start3A_305 : memref<1x128xi32, #tpu.memory_space<vmem>> -> memref<128xi32, #tpu.memory_space<vmem>>
      %dma_start3A_307 = arith.constant 0 : i32
      %dma_start3A_308 = arith.constant 0 : i32
      %dma_start3A_309 = tpu.memref_slice %arg2[%dma_start3A_307, %dma_start3A_308] : memref<10240x128xf32, #tpu.memory_space<hbm>> -> memref<10240x128xf32, #tpu.memory_space<hbm>>
      tpu.enqueue_indirect_dma source(%dma_start3A_309 : memref<10240x128xf32, #tpu.memory_space<hbm>>) target(%arg11 : memref<128x128xf32, #tpu.memory_space<vmem>>) offsets(%dma_start3A_306 : memref<128xi32, #tpu.memory_space<vmem>>) semaphore(%arg14 : memref<!tpu.dma_semaphore, #tpu.memory_space<semaphore_mem>>)
      %dma_wait3A_310 = arith.constant 0 : i32
      %dma_wait3A_311 = arith.constant 0 : i32
      %dma_wait3A_312 = tpu.memref_slice %arg7[%dma_wait3A_310, %dma_wait3A_311] : memref<80x128xi32, #tpu.memory_space<vmem>> -> memref<1x128xi32, #tpu.memory_space<vmem>>
      %dma_wait3A_313 = tpu.memref_squeeze %dma_wait3A_312 : memref<1x128xi32, #tpu.memory_space<vmem>> -> memref<128xi32, #tpu.memory_space<vmem>>
      %dma_wait3A_314 = arith.constant 0 : i32
      %dma_wait3A_315 = arith.constant 0 : i32
      %dma_wait3A_316 = tpu.memref_slice %arg2[%dma_wait3A_314, %dma_wait3A_315] : memref<10240x128xf32, #tpu.memory_space<hbm>> -> memref<10240x128xf32, #tpu.memory_space<hbm>>
      tpu.wait_indirect_dma semaphore(%arg13 : memref<!tpu.dma_semaphore, #tpu.memory_space<semaphore_mem>>) src(%dma_wait3A_316 : memref<10240x128xf32, #tpu.memory_space<hbm>>) dst(%arg10 : memref<128x128xf32, #tpu.memory_space<vmem>>)
      %run_scoped3A_317 = arith.constant 2 : i32
      "tpu.region"() ({
        %run_scoped3A_557 = tpu.sem_alloc : memref<!tpu.dma_semaphore, #tpu.memory_space<semaphore_mem>>
        %dma_start3A_558 = arith.constant 0 : i32
        %dma_start3A_559 = tpu.memref_slice %arg8[%run_scoped3A_317, %dma_start3A_558] : memref<8x128xi32, #tpu.memory_space<vmem>> -> memref<1x128xi32, #tpu.memory_space<vmem>>
        %dma_start3A_560 = tpu.memref_squeeze %dma_start3A_559 : memref<1x128xi32, #tpu.memory_space<vmem>> -> memref<128xi32, #tpu.memory_space<vmem>>
        %dma_start3A_561 = arith.constant 0 : i32
        %dma_start3A_562 = arith.constant 0 : i32
        %dma_start3A_563 = tpu.memref_slice %arg12[%dma_start3A_561, %dma_start3A_562] : memref<10240x128xf32, #tpu.memory_space<vmem_shared>> -> memref<10240x128xf32, #tpu.memory_space<vmem_shared>>
        tpu.enqueue_indirect_dma source(%arg10 : memref<128x128xf32, #tpu.memory_space<vmem>>) target(%dma_start3A_563 : memref<10240x128xf32, #tpu.memory_space<vmem_shared>>) offsets(%dma_start3A_560 : memref<128xi32, #tpu.memory_space<vmem>>) semaphore(%run_scoped3A_557 : memref<!tpu.dma_semaphore, #tpu.memory_space<semaphore_mem>>) {add = true}
        %dma_wait3A_564 = arith.constant 0 : i32
        %dma_wait3A_565 = tpu.memref_slice %arg8[%run_scoped3A_317, %dma_wait3A_564] : memref<8x128xi32, #tpu.memory_space<vmem>> -> memref<1x128xi32, #tpu.memory_space<vmem>>
        %dma_wait3A_566 = tpu.memref_squeeze %dma_wait3A_565 : memref<1x128xi32, #tpu.memory_space<vmem>> -> memref<128xi32, #tpu.memory_space<vmem>>
        %dma_wait3A_567 = arith.constant 0 : i32
        %dma_wait3A_568 = arith.constant 0 : i32
        %dma_wait3A_569 = tpu.memref_slice %arg12[%dma_wait3A_567, %dma_wait3A_568] : memref<10240x128xf32, #tpu.memory_space<vmem_shared>> -> memref<10240x128xf32, #tpu.memory_space<vmem_shared>>
        tpu.wait_indirect_dma semaphore(%run_scoped3A_557 : memref<!tpu.dma_semaphore, #tpu.memory_space<semaphore_mem>>) src(%arg10 : memref<128x128xf32, #tpu.memory_space<vmem>>) dst(%dma_wait3A_569 : memref<10240x128xf32, #tpu.memory_space<vmem_shared>>)
        tpu.yield
      }) : () -> ()
      %add3A_318 = arith.constant 1 : i32
      %add3A_319 = arith.addi %add3A_303, %add3A_318 : i32
      %dma_start3A_320 = arith.constant 0 : i32
      %dma_start3A_321 = tpu.memref_slice %arg7[%add3A_319, %dma_start3A_320] : memref<80x128xi32, #tpu.memory_space<vmem>> -> memref<1x128xi32, #tpu.memory_space<vmem>>
      %dma_start3A_322 = tpu.memref_squeeze %dma_start3A_321 : memref<1x128xi32, #tpu.memory_space<vmem>> -> memref<128xi32, #tpu.memory_space<vmem>>
      %dma_start3A_323 = arith.constant 0 : i32
      %dma_start3A_324 = arith.constant 0 : i32
      %dma_start3A_325 = tpu.memref_slice %arg2[%dma_start3A_323, %dma_start3A_324] : memref<10240x128xf32, #tpu.memory_space<hbm>> -> memref<10240x128xf32, #tpu.memory_space<hbm>>
      tpu.enqueue_indirect_dma source(%dma_start3A_325 : memref<10240x128xf32, #tpu.memory_space<hbm>>) target(%arg10 : memref<128x128xf32, #tpu.memory_space<vmem>>) offsets(%dma_start3A_322 : memref<128xi32, #tpu.memory_space<vmem>>) semaphore(%arg13 : memref<!tpu.dma_semaphore, #tpu.memory_space<semaphore_mem>>)
      %dma_wait3A_326 = arith.constant 0 : i32
      %dma_wait3A_327 = arith.constant 0 : i32
      %dma_wait3A_328 = tpu.memref_slice %arg7[%dma_wait3A_326, %dma_wait3A_327] : memref<80x128xi32, #tpu.memory_space<vmem>> -> memref<1x128xi32, #tpu.memory_space<vmem>>
      %dma_wait3A_329 = tpu.memref_squeeze %dma_wait3A_328 : memref<1x128xi32, #tpu.memory_space<vmem>> -> memref<128xi32, #tpu.memory_space<vmem>>
      %dma_wait3A_330 = arith.constant 0 : i32
      %dma_wait3A_331 = arith.constant 0 : i32
      %dma_wait3A_332 = tpu.memref_slice %arg2[%dma_wait3A_330, %dma_wait3A_331] : memref<10240x128xf32, #tpu.memory_space<hbm>> -> memref<10240x128xf32, #tpu.memory_space<hbm>>
      tpu.wait_indirect_dma semaphore(%arg14 : memref<!tpu.dma_semaphore, #tpu.memory_space<semaphore_mem>>) src(%dma_wait3A_332 : memref<10240x128xf32, #tpu.memory_space<hbm>>) dst(%arg11 : memref<128x128xf32, #tpu.memory_space<vmem>>)
      %run_scoped3A_333 = arith.constant 3 : i32
      "tpu.region"() ({
        %run_scoped3A_557 = tpu.sem_alloc : memref<!tpu.dma_semaphore, #tpu.memory_space<semaphore_mem>>
        %dma_start3A_558 = arith.constant 0 : i32
        %dma_start3A_559 = tpu.memref_slice %arg8[%run_scoped3A_333, %dma_start3A_558] : memref<8x128xi32, #tpu.memory_space<vmem>> -> memref<1x128xi32, #tpu.memory_space<vmem>>
        %dma_start3A_560 = tpu.memref_squeeze %dma_start3A_559 : memref<1x128xi32, #tpu.memory_space<vmem>> -> memref<128xi32, #tpu.memory_space<vmem>>
        %dma_start3A_561 = arith.constant 0 : i32
        %dma_start3A_562 = arith.constant 0 : i32
        %dma_start3A_563 = tpu.memref_slice %arg12[%dma_start3A_561, %dma_start3A_562] : memref<10240x128xf32, #tpu.memory_space<vmem_shared>> -> memref<10240x128xf32, #tpu.memory_space<vmem_shared>>
        tpu.enqueue_indirect_dma source(%arg11 : memref<128x128xf32, #tpu.memory_space<vmem>>) target(%dma_start3A_563 : memref<10240x128xf32, #tpu.memory_space<vmem_shared>>) offsets(%dma_start3A_560 : memref<128xi32, #tpu.memory_space<vmem>>) semaphore(%run_scoped3A_557 : memref<!tpu.dma_semaphore, #tpu.memory_space<semaphore_mem>>) {add = true}
        %dma_wait3A_564 = arith.constant 0 : i32
        %dma_wait3A_565 = tpu.memref_slice %arg8[%run_scoped3A_333, %dma_wait3A_564] : memref<8x128xi32, #tpu.memory_space<vmem>> -> memref<1x128xi32, #tpu.memory_space<vmem>>
        %dma_wait3A_566 = tpu.memref_squeeze %dma_wait3A_565 : memref<1x128xi32, #tpu.memory_space<vmem>> -> memref<128xi32, #tpu.memory_space<vmem>>
        %dma_wait3A_567 = arith.constant 0 : i32
        %dma_wait3A_568 = arith.constant 0 : i32
        %dma_wait3A_569 = tpu.memref_slice %arg12[%dma_wait3A_567, %dma_wait3A_568] : memref<10240x128xf32, #tpu.memory_space<vmem_shared>> -> memref<10240x128xf32, #tpu.memory_space<vmem_shared>>
        tpu.wait_indirect_dma semaphore(%run_scoped3A_557 : memref<!tpu.dma_semaphore, #tpu.memory_space<semaphore_mem>>) src(%arg11 : memref<128x128xf32, #tpu.memory_space<vmem>>) dst(%dma_wait3A_569 : memref<10240x128xf32, #tpu.memory_space<vmem_shared>>)
        tpu.yield
      }) : () -> ()
      %mul3A_334 = arith.constant 8 : i32
      %mul3A_335 = arith.muli %mul3A_334, %mul3A_258 : i32
      %add3A_336 = arith.constant 4 : i32
      %add3A_337 = arith.addi %mul3A_335, %add3A_336 : i32
      %add3A_338 = arith.constant 1 : i32
      %add3A_339 = arith.addi %add3A_337, %add3A_338 : i32
      %dma_start3A_340 = arith.constant 0 : i32
      %dma_start3A_341 = tpu.memref_slice %arg7[%add3A_339, %dma_start3A_340] : memref<80x128xi32, #tpu.memory_space<vmem>> -> memref<1x128xi32, #tpu.memory_space<vmem>>
      %dma_start3A_342 = tpu.memref_squeeze %dma_start3A_341 : memref<1x128xi32, #tpu.memory_space<vmem>> -> memref<128xi32, #tpu.memory_space<vmem>>
      %dma_start3A_343 = arith.constant 0 : i32
      %dma_start3A_344 = arith.constant 0 : i32
      %dma_start3A_345 = tpu.memref_slice %arg2[%dma_start3A_343, %dma_start3A_344] : memref<10240x128xf32, #tpu.memory_space<hbm>> -> memref<10240x128xf32, #tpu.memory_space<hbm>>
      tpu.enqueue_indirect_dma source(%dma_start3A_345 : memref<10240x128xf32, #tpu.memory_space<hbm>>) target(%arg11 : memref<128x128xf32, #tpu.memory_space<vmem>>) offsets(%dma_start3A_342 : memref<128xi32, #tpu.memory_space<vmem>>) semaphore(%arg14 : memref<!tpu.dma_semaphore, #tpu.memory_space<semaphore_mem>>)
      %dma_wait3A_346 = arith.constant 0 : i32
      %dma_wait3A_347 = arith.constant 0 : i32
      %dma_wait3A_348 = tpu.memref_slice %arg7[%dma_wait3A_346, %dma_wait3A_347] : memref<80x128xi32, #tpu.memory_space<vmem>> -> memref<1x128xi32, #tpu.memory_space<vmem>>
      %dma_wait3A_349 = tpu.memref_squeeze %dma_wait3A_348 : memref<1x128xi32, #tpu.memory_space<vmem>> -> memref<128xi32, #tpu.memory_space<vmem>>
      %dma_wait3A_350 = arith.constant 0 : i32
      %dma_wait3A_351 = arith.constant 0 : i32
      %dma_wait3A_352 = tpu.memref_slice %arg2[%dma_wait3A_350, %dma_wait3A_351] : memref<10240x128xf32, #tpu.memory_space<hbm>> -> memref<10240x128xf32, #tpu.memory_space<hbm>>
      tpu.wait_indirect_dma semaphore(%arg13 : memref<!tpu.dma_semaphore, #tpu.memory_space<semaphore_mem>>) src(%dma_wait3A_352 : memref<10240x128xf32, #tpu.memory_space<hbm>>) dst(%arg10 : memref<128x128xf32, #tpu.memory_space<vmem>>)
      %run_scoped3A_353 = arith.constant 4 : i32
      "tpu.region"() ({
        %run_scoped3A_557 = tpu.sem_alloc : memref<!tpu.dma_semaphore, #tpu.memory_space<semaphore_mem>>
        %dma_start3A_558 = arith.constant 0 : i32
        %dma_start3A_559 = tpu.memref_slice %arg8[%run_scoped3A_353, %dma_start3A_558] : memref<8x128xi32, #tpu.memory_space<vmem>> -> memref<1x128xi32, #tpu.memory_space<vmem>>
        %dma_start3A_560 = tpu.memref_squeeze %dma_start3A_559 : memref<1x128xi32, #tpu.memory_space<vmem>> -> memref<128xi32, #tpu.memory_space<vmem>>
        %dma_start3A_561 = arith.constant 0 : i32
        %dma_start3A_562 = arith.constant 0 : i32
        %dma_start3A_563 = tpu.memref_slice %arg12[%dma_start3A_561, %dma_start3A_562] : memref<10240x128xf32, #tpu.memory_space<vmem_shared>> -> memref<10240x128xf32, #tpu.memory_space<vmem_shared>>
        tpu.enqueue_indirect_dma source(%arg10 : memref<128x128xf32, #tpu.memory_space<vmem>>) target(%dma_start3A_563 : memref<10240x128xf32, #tpu.memory_space<vmem_shared>>) offsets(%dma_start3A_560 : memref<128xi32, #tpu.memory_space<vmem>>) semaphore(%run_scoped3A_557 : memref<!tpu.dma_semaphore, #tpu.memory_space<semaphore_mem>>) {add = true}
        %dma_wait3A_564 = arith.constant 0 : i32
        %dma_wait3A_565 = tpu.memref_slice %arg8[%run_scoped3A_353, %dma_wait3A_564] : memref<8x128xi32, #tpu.memory_space<vmem>> -> memref<1x128xi32, #tpu.memory_space<vmem>>
        %dma_wait3A_566 = tpu.memref_squeeze %dma_wait3A_565 : memref<1x128xi32, #tpu.memory_space<vmem>> -> memref<128xi32, #tpu.memory_space<vmem>>
        %dma_wait3A_567 = arith.constant 0 : i32
        %dma_wait3A_568 = arith.constant 0 : i32
        %dma_wait3A_569 = tpu.memref_slice %arg12[%dma_wait3A_567, %dma_wait3A_568] : memref<10240x128xf32, #tpu.memory_space<vmem_shared>> -> memref<10240x128xf32, #tpu.memory_space<vmem_shared>>
        tpu.wait_indirect_dma semaphore(%run_scoped3A_557 : memref<!tpu.dma_semaphore, #tpu.memory_space<semaphore_mem>>) src(%arg10 : memref<128x128xf32, #tpu.memory_space<vmem>>) dst(%dma_wait3A_569 : memref<10240x128xf32, #tpu.memory_space<vmem_shared>>)
        tpu.yield
      }) : () -> ()
      %add3A_354 = arith.constant 1 : i32
      %add3A_355 = arith.addi %add3A_339, %add3A_354 : i32
      %dma_start3A_356 = arith.constant 0 : i32
      %dma_start3A_357 = tpu.memref_slice %arg7[%add3A_355, %dma_start3A_356] : memref<80x128xi32, #tpu.memory_space<vmem>> -> memref<1x128xi32, #tpu.memory_space<vmem>>
      %dma_start3A_358 = tpu.memref_squeeze %dma_start3A_357 : memref<1x128xi32, #tpu.memory_space<vmem>> -> memref<128xi32, #tpu.memory_space<vmem>>
      %dma_start3A_359 = arith.constant 0 : i32
      %dma_start3A_360 = arith.constant 0 : i32
      %dma_start3A_361 = tpu.memref_slice %arg2[%dma_start3A_359, %dma_start3A_360] : memref<10240x128xf32, #tpu.memory_space<hbm>> -> memref<10240x128xf32, #tpu.memory_space<hbm>>
      tpu.enqueue_indirect_dma source(%dma_start3A_361 : memref<10240x128xf32, #tpu.memory_space<hbm>>) target(%arg10 : memref<128x128xf32, #tpu.memory_space<vmem>>) offsets(%dma_start3A_358 : memref<128xi32, #tpu.memory_space<vmem>>) semaphore(%arg13 : memref<!tpu.dma_semaphore, #tpu.memory_space<semaphore_mem>>)
      %dma_wait3A_362 = arith.constant 0 : i32
      %dma_wait3A_363 = arith.constant 0 : i32
      %dma_wait3A_364 = tpu.memref_slice %arg7[%dma_wait3A_362, %dma_wait3A_363] : memref<80x128xi32, #tpu.memory_space<vmem>> -> memref<1x128xi32, #tpu.memory_space<vmem>>
      %dma_wait3A_365 = tpu.memref_squeeze %dma_wait3A_364 : memref<1x128xi32, #tpu.memory_space<vmem>> -> memref<128xi32, #tpu.memory_space<vmem>>
      %dma_wait3A_366 = arith.constant 0 : i32
      %dma_wait3A_367 = arith.constant 0 : i32
      %dma_wait3A_368 = tpu.memref_slice %arg2[%dma_wait3A_366, %dma_wait3A_367] : memref<10240x128xf32, #tpu.memory_space<hbm>> -> memref<10240x128xf32, #tpu.memory_space<hbm>>
      tpu.wait_indirect_dma semaphore(%arg14 : memref<!tpu.dma_semaphore, #tpu.memory_space<semaphore_mem>>) src(%dma_wait3A_368 : memref<10240x128xf32, #tpu.memory_space<hbm>>) dst(%arg11 : memref<128x128xf32, #tpu.memory_space<vmem>>)
      %run_scoped3A_369 = arith.constant 5 : i32
      "tpu.region"() ({
        %run_scoped3A_557 = tpu.sem_alloc : memref<!tpu.dma_semaphore, #tpu.memory_space<semaphore_mem>>
        %dma_start3A_558 = arith.constant 0 : i32
        %dma_start3A_559 = tpu.memref_slice %arg8[%run_scoped3A_369, %dma_start3A_558] : memref<8x128xi32, #tpu.memory_space<vmem>> -> memref<1x128xi32, #tpu.memory_space<vmem>>
        %dma_start3A_560 = tpu.memref_squeeze %dma_start3A_559 : memref<1x128xi32, #tpu.memory_space<vmem>> -> memref<128xi32, #tpu.memory_space<vmem>>
        %dma_start3A_561 = arith.constant 0 : i32
        %dma_start3A_562 = arith.constant 0 : i32
        %dma_start3A_563 = tpu.memref_slice %arg12[%dma_start3A_561, %dma_start3A_562] : memref<10240x128xf32, #tpu.memory_space<vmem_shared>> -> memref<10240x128xf32, #tpu.memory_space<vmem_shared>>
        tpu.enqueue_indirect_dma source(%arg11 : memref<128x128xf32, #tpu.memory_space<vmem>>) target(%dma_start3A_563 : memref<10240x128xf32, #tpu.memory_space<vmem_shared>>) offsets(%dma_start3A_560 : memref<128xi32, #tpu.memory_space<vmem>>) semaphore(%run_scoped3A_557 : memref<!tpu.dma_semaphore, #tpu.memory_space<semaphore_mem>>) {add = true}
        %dma_wait3A_564 = arith.constant 0 : i32
        %dma_wait3A_565 = tpu.memref_slice %arg8[%run_scoped3A_369, %dma_wait3A_564] : memref<8x128xi32, #tpu.memory_space<vmem>> -> memref<1x128xi32, #tpu.memory_space<vmem>>
        %dma_wait3A_566 = tpu.memref_squeeze %dma_wait3A_565 : memref<1x128xi32, #tpu.memory_space<vmem>> -> memref<128xi32, #tpu.memory_space<vmem>>
        %dma_wait3A_567 = arith.constant 0 : i32
        %dma_wait3A_568 = arith.constant 0 : i32
        %dma_wait3A_569 = tpu.memref_slice %arg12[%dma_wait3A_567, %dma_wait3A_568] : memref<10240x128xf32, #tpu.memory_space<vmem_shared>> -> memref<10240x128xf32, #tpu.memory_space<vmem_shared>>
        tpu.wait_indirect_dma semaphore(%run_scoped3A_557 : memref<!tpu.dma_semaphore, #tpu.memory_space<semaphore_mem>>) src(%arg11 : memref<128x128xf32, #tpu.memory_space<vmem>>) dst(%dma_wait3A_569 : memref<10240x128xf32, #tpu.memory_space<vmem_shared>>)
        tpu.yield
      }) : () -> ()
      %mul3A_370 = arith.constant 8 : i32
      %mul3A_371 = arith.muli %mul3A_370, %mul3A_258 : i32
      %add3A_372 = arith.constant 6 : i32
      %add3A_373 = arith.addi %mul3A_371, %add3A_372 : i32
      %add3A_374 = arith.constant 1 : i32
      %add3A_375 = arith.addi %add3A_373, %add3A_374 : i32
      %dma_start3A_376 = arith.constant 0 : i32
      %dma_start3A_377 = tpu.memref_slice %arg7[%add3A_375, %dma_start3A_376] : memref<80x128xi32, #tpu.memory_space<vmem>> -> memref<1x128xi32, #tpu.memory_space<vmem>>
      %dma_start3A_378 = tpu.memref_squeeze %dma_start3A_377 : memref<1x128xi32, #tpu.memory_space<vmem>> -> memref<128xi32, #tpu.memory_space<vmem>>
      %dma_start3A_379 = arith.constant 0 : i32
      %dma_start3A_380 = arith.constant 0 : i32
      %dma_start3A_381 = tpu.memref_slice %arg2[%dma_start3A_379, %dma_start3A_380] : memref<10240x128xf32, #tpu.memory_space<hbm>> -> memref<10240x128xf32, #tpu.memory_space<hbm>>
      tpu.enqueue_indirect_dma source(%dma_start3A_381 : memref<10240x128xf32, #tpu.memory_space<hbm>>) target(%arg11 : memref<128x128xf32, #tpu.memory_space<vmem>>) offsets(%dma_start3A_378 : memref<128xi32, #tpu.memory_space<vmem>>) semaphore(%arg14 : memref<!tpu.dma_semaphore, #tpu.memory_space<semaphore_mem>>)
      %dma_wait3A_382 = arith.constant 0 : i32
      %dma_wait3A_383 = arith.constant 0 : i32
      %dma_wait3A_384 = tpu.memref_slice %arg7[%dma_wait3A_382, %dma_wait3A_383] : memref<80x128xi32, #tpu.memory_space<vmem>> -> memref<1x128xi32, #tpu.memory_space<vmem>>
      %dma_wait3A_385 = tpu.memref_squeeze %dma_wait3A_384 : memref<1x128xi32, #tpu.memory_space<vmem>> -> memref<128xi32, #tpu.memory_space<vmem>>
      %dma_wait3A_386 = arith.constant 0 : i32
      %dma_wait3A_387 = arith.constant 0 : i32
      %dma_wait3A_388 = tpu.memref_slice %arg2[%dma_wait3A_386, %dma_wait3A_387] : memref<10240x128xf32, #tpu.memory_space<hbm>> -> memref<10240x128xf32, #tpu.memory_space<hbm>>
      tpu.wait_indirect_dma semaphore(%arg13 : memref<!tpu.dma_semaphore, #tpu.memory_space<semaphore_mem>>) src(%dma_wait3A_388 : memref<10240x128xf32, #tpu.memory_space<hbm>>) dst(%arg10 : memref<128x128xf32, #tpu.memory_space<vmem>>)
      %run_scoped3A_389 = arith.constant 6 : i32
      "tpu.region"() ({
        %run_scoped3A_557 = tpu.sem_alloc : memref<!tpu.dma_semaphore, #tpu.memory_space<semaphore_mem>>
        %dma_start3A_558 = arith.constant 0 : i32
        %dma_start3A_559 = tpu.memref_slice %arg8[%run_scoped3A_389, %dma_start3A_558] : memref<8x128xi32, #tpu.memory_space<vmem>> -> memref<1x128xi32, #tpu.memory_space<vmem>>
        %dma_start3A_560 = tpu.memref_squeeze %dma_start3A_559 : memref<1x128xi32, #tpu.memory_space<vmem>> -> memref<128xi32, #tpu.memory_space<vmem>>
        %dma_start3A_561 = arith.constant 0 : i32
        %dma_start3A_562 = arith.constant 0 : i32
        %dma_start3A_563 = tpu.memref_slice %arg12[%dma_start3A_561, %dma_start3A_562] : memref<10240x128xf32, #tpu.memory_space<vmem_shared>> -> memref<10240x128xf32, #tpu.memory_space<vmem_shared>>
        tpu.enqueue_indirect_dma source(%arg10 : memref<128x128xf32, #tpu.memory_space<vmem>>) target(%dma_start3A_563 : memref<10240x128xf32, #tpu.memory_space<vmem_shared>>) offsets(%dma_start3A_560 : memref<128xi32, #tpu.memory_space<vmem>>) semaphore(%run_scoped3A_557 : memref<!tpu.dma_semaphore, #tpu.memory_space<semaphore_mem>>) {add = true}
        %dma_wait3A_564 = arith.constant 0 : i32
        %dma_wait3A_565 = tpu.memref_slice %arg8[%run_scoped3A_389, %dma_wait3A_564] : memref<8x128xi32, #tpu.memory_space<vmem>> -> memref<1x128xi32, #tpu.memory_space<vmem>>
        %dma_wait3A_566 = tpu.memref_squeeze %dma_wait3A_565 : memref<1x128xi32, #tpu.memory_space<vmem>> -> memref<128xi32, #tpu.memory_space<vmem>>
        %dma_wait3A_567 = arith.constant 0 : i32
        %dma_wait3A_568 = arith.constant 0 : i32
        %dma_wait3A_569 = tpu.memref_slice %arg12[%dma_wait3A_567, %dma_wait3A_568] : memref<10240x128xf32, #tpu.memory_space<vmem_shared>> -> memref<10240x128xf32, #tpu.memory_space<vmem_shared>>
        tpu.wait_indirect_dma semaphore(%run_scoped3A_557 : memref<!tpu.dma_semaphore, #tpu.memory_space<semaphore_mem>>) src(%arg10 : memref<128x128xf32, #tpu.memory_space<vmem>>) dst(%dma_wait3A_569 : memref<10240x128xf32, #tpu.memory_space<vmem_shared>>)
        tpu.yield
      }) : () -> ()
      %add3A_390 = arith.constant 1 : i32
      %add3A_391 = arith.addi %add3A_375, %add3A_390 : i32
      %dma_start3A_392 = arith.constant 0 : i32
      %dma_start3A_393 = tpu.memref_slice %arg7[%add3A_391, %dma_start3A_392] : memref<80x128xi32, #tpu.memory_space<vmem>> -> memref<1x128xi32, #tpu.memory_space<vmem>>
      %dma_start3A_394 = tpu.memref_squeeze %dma_start3A_393 : memref<1x128xi32, #tpu.memory_space<vmem>> -> memref<128xi32, #tpu.memory_space<vmem>>
      %dma_start3A_395 = arith.constant 0 : i32
      %dma_start3A_396 = arith.constant 0 : i32
      %dma_start3A_397 = tpu.memref_slice %arg2[%dma_start3A_395, %dma_start3A_396] : memref<10240x128xf32, #tpu.memory_space<hbm>> -> memref<10240x128xf32, #tpu.memory_space<hbm>>
      tpu.enqueue_indirect_dma source(%dma_start3A_397 : memref<10240x128xf32, #tpu.memory_space<hbm>>) target(%arg10 : memref<128x128xf32, #tpu.memory_space<vmem>>) offsets(%dma_start3A_394 : memref<128xi32, #tpu.memory_space<vmem>>) semaphore(%arg13 : memref<!tpu.dma_semaphore, #tpu.memory_space<semaphore_mem>>)
      %dma_wait3A_398 = arith.constant 0 : i32
      %dma_wait3A_399 = arith.constant 0 : i32
      %dma_wait3A_400 = tpu.memref_slice %arg7[%dma_wait3A_398, %dma_wait3A_399] : memref<80x128xi32, #tpu.memory_space<vmem>> -> memref<1x128xi32, #tpu.memory_space<vmem>>
      %dma_wait3A_401 = tpu.memref_squeeze %dma_wait3A_400 : memref<1x128xi32, #tpu.memory_space<vmem>> -> memref<128xi32, #tpu.memory_space<vmem>>
      %dma_wait3A_402 = arith.constant 0 : i32
      %dma_wait3A_403 = arith.constant 0 : i32
      %dma_wait3A_404 = tpu.memref_slice %arg2[%dma_wait3A_402, %dma_wait3A_403] : memref<10240x128xf32, #tpu.memory_space<hbm>> -> memref<10240x128xf32, #tpu.memory_space<hbm>>
      tpu.wait_indirect_dma semaphore(%arg14 : memref<!tpu.dma_semaphore, #tpu.memory_space<semaphore_mem>>) src(%dma_wait3A_404 : memref<10240x128xf32, #tpu.memory_space<hbm>>) dst(%arg11 : memref<128x128xf32, #tpu.memory_space<vmem>>)
      %run_scoped3A_405 = arith.constant 7 : i32
      "tpu.region"() ({
        %run_scoped3A_557 = tpu.sem_alloc : memref<!tpu.dma_semaphore, #tpu.memory_space<semaphore_mem>>
        %dma_start3A_558 = arith.constant 0 : i32
        %dma_start3A_559 = tpu.memref_slice %arg8[%run_scoped3A_405, %dma_start3A_558] : memref<8x128xi32, #tpu.memory_space<vmem>> -> memref<1x128xi32, #tpu.memory_space<vmem>>
        %dma_start3A_560 = tpu.memref_squeeze %dma_start3A_559 : memref<1x128xi32, #tpu.memory_space<vmem>> -> memref<128xi32, #tpu.memory_space<vmem>>
        %dma_start3A_561 = arith.constant 0 : i32
        %dma_start3A_562 = arith.constant 0 : i32
        %dma_start3A_563 = tpu.memref_slice %arg12[%dma_start3A_561, %dma_start3A_562] : memref<10240x128xf32, #tpu.memory_space<vmem_shared>> -> memref<10240x128xf32, #tpu.memory_space<vmem_shared>>
        tpu.enqueue_indirect_dma source(%arg11 : memref<128x128xf32, #tpu.memory_space<vmem>>) target(%dma_start3A_563 : memref<10240x128xf32, #tpu.memory_space<vmem_shared>>) offsets(%dma_start3A_560 : memref<128xi32, #tpu.memory_space<vmem>>) semaphore(%run_scoped3A_557 : memref<!tpu.dma_semaphore, #tpu.memory_space<semaphore_mem>>) {add = true}
        %dma_wait3A_564 = arith.constant 0 : i32
        %dma_wait3A_565 = tpu.memref_slice %arg8[%run_scoped3A_405, %dma_wait3A_564] : memref<8x128xi32, #tpu.memory_space<vmem>> -> memref<1x128xi32, #tpu.memory_space<vmem>>
        %dma_wait3A_566 = tpu.memref_squeeze %dma_wait3A_565 : memref<1x128xi32, #tpu.memory_space<vmem>> -> memref<128xi32, #tpu.memory_space<vmem>>
        %dma_wait3A_567 = arith.constant 0 : i32
        %dma_wait3A_568 = arith.constant 0 : i32
        %dma_wait3A_569 = tpu.memref_slice %arg12[%dma_wait3A_567, %dma_wait3A_568] : memref<10240x128xf32, #tpu.memory_space<vmem_shared>> -> memref<10240x128xf32, #tpu.memory_space<vmem_shared>>
        tpu.wait_indirect_dma semaphore(%run_scoped3A_557 : memref<!tpu.dma_semaphore, #tpu.memory_space<semaphore_mem>>) src(%arg11 : memref<128x128xf32, #tpu.memory_space<vmem>>) dst(%dma_wait3A_569 : memref<10240x128xf32, #tpu.memory_space<vmem_shared>>)
        tpu.yield
      }) : () -> ()
      %mul3A_406 = arith.constant 2 : i32
      %mul3A_407 = arith.muli %mul3A_406, %scan3A_256 : i32
      %add3A_408 = arith.constant 1 : i32
      %add3A_409 = arith.addi %mul3A_407, %add3A_408 : i32
      %mul3A_410 = arith.constant 8 : i32
      %mul3A_411 = arith.muli %mul3A_410, %add3A_409 : i32
      %add3A_412 = arith.addi %mul3A_4, %mul3A_411 : i32
      "tpu.region"() ({
        %run_scoped3A_557 = tpu.sem_alloc : memref<!tpu.dma_semaphore, #tpu.memory_space<semaphore_mem>>
        %dma_start3A_558 = arith.constant 0 : i32
        %dma_start3A_559 = tpu.memref_slice %arg4[%add3A_412, %dma_start3A_558] : memref<2560x128xi32, #tpu.memory_space<hbm>> -> memref<8x128xi32, #tpu.memory_space<hbm>>
        %dma_start3A_560 = arith.constant 0 : i32
        %dma_start3A_561 = tpu.memref_slice %arg4[%add3A_412, %dma_start3A_560] : memref<2560x128xi32, #tpu.memory_space<hbm>> -> memref<8x128xi32, #tpu.memory_space<hbm>>
        tpu.enqueue_dma source(%dma_start3A_561 : memref<8x128xi32, #tpu.memory_space<hbm>>) target(%arg9 : memref<8x128xi32, #tpu.memory_space<vmem>>) target_semaphore(%run_scoped3A_557 : memref<!tpu.dma_semaphore, #tpu.memory_space<semaphore_mem>>)
        %dma_wait3A_562 = arith.constant 0 : i32
        %dma_wait3A_563 = tpu.memref_slice %arg4[%add3A_412, %dma_wait3A_562] : memref<2560x128xi32, #tpu.memory_space<hbm>> -> memref<8x128xi32, #tpu.memory_space<hbm>>
        %dma_wait3A_564 = arith.constant 0 : i32
        %dma_wait3A_565 = tpu.memref_slice %arg4[%add3A_412, %dma_wait3A_564] : memref<2560x128xi32, #tpu.memory_space<hbm>> -> memref<8x128xi32, #tpu.memory_space<hbm>>
        tpu.wait_dma2 semaphore(%run_scoped3A_557 : memref<!tpu.dma_semaphore, #tpu.memory_space<semaphore_mem>>) src(%dma_wait3A_565 : memref<8x128xi32, #tpu.memory_space<hbm>>) dst(%arg9 : memref<8x128xi32, #tpu.memory_space<vmem>>)
        tpu.yield
      }) : () -> ()
      %mul3A_413 = arith.constant 8 : i32
      %mul3A_414 = arith.muli %mul3A_413, %add3A_409 : i32
      %add3A_415 = arith.constant 0 : i32
      %add3A_416 = arith.addi %mul3A_414, %add3A_415 : i32
      %add3A_417 = arith.constant 1 : i32
      %add3A_418 = arith.addi %add3A_416, %add3A_417 : i32
      %dma_start3A_419 = arith.constant 0 : i32
      %dma_start3A_420 = tpu.memref_slice %arg7[%add3A_418, %dma_start3A_419] : memref<80x128xi32, #tpu.memory_space<vmem>> -> memref<1x128xi32, #tpu.memory_space<vmem>>
      %dma_start3A_421 = tpu.memref_squeeze %dma_start3A_420 : memref<1x128xi32, #tpu.memory_space<vmem>> -> memref<128xi32, #tpu.memory_space<vmem>>
      %dma_start3A_422 = arith.constant 0 : i32
      %dma_start3A_423 = arith.constant 0 : i32
      %dma_start3A_424 = tpu.memref_slice %arg2[%dma_start3A_422, %dma_start3A_423] : memref<10240x128xf32, #tpu.memory_space<hbm>> -> memref<10240x128xf32, #tpu.memory_space<hbm>>
      tpu.enqueue_indirect_dma source(%dma_start3A_424 : memref<10240x128xf32, #tpu.memory_space<hbm>>) target(%arg11 : memref<128x128xf32, #tpu.memory_space<vmem>>) offsets(%dma_start3A_421 : memref<128xi32, #tpu.memory_space<vmem>>) semaphore(%arg14 : memref<!tpu.dma_semaphore, #tpu.memory_space<semaphore_mem>>)
      %dma_wait3A_425 = arith.constant 0 : i32
      %dma_wait3A_426 = arith.constant 0 : i32
      %dma_wait3A_427 = tpu.memref_slice %arg7[%dma_wait3A_425, %dma_wait3A_426] : memref<80x128xi32, #tpu.memory_space<vmem>> -> memref<1x128xi32, #tpu.memory_space<vmem>>
      %dma_wait3A_428 = tpu.memref_squeeze %dma_wait3A_427 : memref<1x128xi32, #tpu.memory_space<vmem>> -> memref<128xi32, #tpu.memory_space<vmem>>
      %dma_wait3A_429 = arith.constant 0 : i32
      %dma_wait3A_430 = arith.constant 0 : i32
      %dma_wait3A_431 = tpu.memref_slice %arg2[%dma_wait3A_429, %dma_wait3A_430] : memref<10240x128xf32, #tpu.memory_space<hbm>> -> memref<10240x128xf32, #tpu.memory_space<hbm>>
      tpu.wait_indirect_dma semaphore(%arg13 : memref<!tpu.dma_semaphore, #tpu.memory_space<semaphore_mem>>) src(%dma_wait3A_431 : memref<10240x128xf32, #tpu.memory_space<hbm>>) dst(%arg10 : memref<128x128xf32, #tpu.memory_space<vmem>>)
      %run_scoped3A_432 = arith.constant 0 : i32
      "tpu.region"() ({
        %run_scoped3A_557 = tpu.sem_alloc : memref<!tpu.dma_semaphore, #tpu.memory_space<semaphore_mem>>
        %dma_start3A_558 = arith.constant 0 : i32
        %dma_start3A_559 = tpu.memref_slice %arg9[%run_scoped3A_432, %dma_start3A_558] : memref<8x128xi32, #tpu.memory_space<vmem>> -> memref<1x128xi32, #tpu.memory_space<vmem>>
        %dma_start3A_560 = tpu.memref_squeeze %dma_start3A_559 : memref<1x128xi32, #tpu.memory_space<vmem>> -> memref<128xi32, #tpu.memory_space<vmem>>
        %dma_start3A_561 = arith.constant 0 : i32
        %dma_start3A_562 = arith.constant 0 : i32
        %dma_start3A_563 = tpu.memref_slice %arg12[%dma_start3A_561, %dma_start3A_562] : memref<10240x128xf32, #tpu.memory_space<vmem_shared>> -> memref<10240x128xf32, #tpu.memory_space<vmem_shared>>
        tpu.enqueue_indirect_dma source(%arg10 : memref<128x128xf32, #tpu.memory_space<vmem>>) target(%dma_start3A_563 : memref<10240x128xf32, #tpu.memory_space<vmem_shared>>) offsets(%dma_start3A_560 : memref<128xi32, #tpu.memory_space<vmem>>) semaphore(%run_scoped3A_557 : memref<!tpu.dma_semaphore, #tpu.memory_space<semaphore_mem>>) {add = true}
        %dma_wait3A_564 = arith.constant 0 : i32
        %dma_wait3A_565 = tpu.memref_slice %arg9[%run_scoped3A_432, %dma_wait3A_564] : memref<8x128xi32, #tpu.memory_space<vmem>> -> memref<1x128xi32, #tpu.memory_space<vmem>>
        %dma_wait3A_566 = tpu.memref_squeeze %dma_wait3A_565 : memref<1x128xi32, #tpu.memory_space<vmem>> -> memref<128xi32, #tpu.memory_space<vmem>>
        %dma_wait3A_567 = arith.constant 0 : i32
        %dma_wait3A_568 = arith.constant 0 : i32
        %dma_wait3A_569 = tpu.memref_slice %arg12[%dma_wait3A_567, %dma_wait3A_568] : memref<10240x128xf32, #tpu.memory_space<vmem_shared>> -> memref<10240x128xf32, #tpu.memory_space<vmem_shared>>
        tpu.wait_indirect_dma semaphore(%run_scoped3A_557 : memref<!tpu.dma_semaphore, #tpu.memory_space<semaphore_mem>>) src(%arg10 : memref<128x128xf32, #tpu.memory_space<vmem>>) dst(%dma_wait3A_569 : memref<10240x128xf32, #tpu.memory_space<vmem_shared>>)
        tpu.yield
      }) : () -> ()
      %add3A_433 = arith.constant 1 : i32
      %add3A_434 = arith.addi %add3A_418, %add3A_433 : i32
      %dma_start3A_435 = arith.constant 0 : i32
      %dma_start3A_436 = tpu.memref_slice %arg7[%add3A_434, %dma_start3A_435] : memref<80x128xi32, #tpu.memory_space<vmem>> -> memref<1x128xi32, #tpu.memory_space<vmem>>
      %dma_start3A_437 = tpu.memref_squeeze %dma_start3A_436 : memref<1x128xi32, #tpu.memory_space<vmem>> -> memref<128xi32, #tpu.memory_space<vmem>>
      %dma_start3A_438 = arith.constant 0 : i32
      %dma_start3A_439 = arith.constant 0 : i32
      %dma_start3A_440 = tpu.memref_slice %arg2[%dma_start3A_438, %dma_start3A_439] : memref<10240x128xf32, #tpu.memory_space<hbm>> -> memref<10240x128xf32, #tpu.memory_space<hbm>>
      tpu.enqueue_indirect_dma source(%dma_start3A_440 : memref<10240x128xf32, #tpu.memory_space<hbm>>) target(%arg10 : memref<128x128xf32, #tpu.memory_space<vmem>>) offsets(%dma_start3A_437 : memref<128xi32, #tpu.memory_space<vmem>>) semaphore(%arg13 : memref<!tpu.dma_semaphore, #tpu.memory_space<semaphore_mem>>)
      %dma_wait3A_441 = arith.constant 0 : i32
      %dma_wait3A_442 = arith.constant 0 : i32
      %dma_wait3A_443 = tpu.memref_slice %arg7[%dma_wait3A_441, %dma_wait3A_442] : memref<80x128xi32, #tpu.memory_space<vmem>> -> memref<1x128xi32, #tpu.memory_space<vmem>>
      %dma_wait3A_444 = tpu.memref_squeeze %dma_wait3A_443 : memref<1x128xi32, #tpu.memory_space<vmem>> -> memref<128xi32, #tpu.memory_space<vmem>>
      %dma_wait3A_445 = arith.constant 0 : i32
      %dma_wait3A_446 = arith.constant 0 : i32
      %dma_wait3A_447 = tpu.memref_slice %arg2[%dma_wait3A_445, %dma_wait3A_446] : memref<10240x128xf32, #tpu.memory_space<hbm>> -> memref<10240x128xf32, #tpu.memory_space<hbm>>
      tpu.wait_indirect_dma semaphore(%arg14 : memref<!tpu.dma_semaphore, #tpu.memory_space<semaphore_mem>>) src(%dma_wait3A_447 : memref<10240x128xf32, #tpu.memory_space<hbm>>) dst(%arg11 : memref<128x128xf32, #tpu.memory_space<vmem>>)
      %run_scoped3A_448 = arith.constant 1 : i32
      "tpu.region"() ({
        %run_scoped3A_557 = tpu.sem_alloc : memref<!tpu.dma_semaphore, #tpu.memory_space<semaphore_mem>>
        %dma_start3A_558 = arith.constant 0 : i32
        %dma_start3A_559 = tpu.memref_slice %arg9[%run_scoped3A_448, %dma_start3A_558] : memref<8x128xi32, #tpu.memory_space<vmem>> -> memref<1x128xi32, #tpu.memory_space<vmem>>
        %dma_start3A_560 = tpu.memref_squeeze %dma_start3A_559 : memref<1x128xi32, #tpu.memory_space<vmem>> -> memref<128xi32, #tpu.memory_space<vmem>>
        %dma_start3A_561 = arith.constant 0 : i32
        %dma_start3A_562 = arith.constant 0 : i32
        %dma_start3A_563 = tpu.memref_slice %arg12[%dma_start3A_561, %dma_start3A_562] : memref<10240x128xf32, #tpu.memory_space<vmem_shared>> -> memref<10240x128xf32, #tpu.memory_space<vmem_shared>>
        tpu.enqueue_indirect_dma source(%arg11 : memref<128x128xf32, #tpu.memory_space<vmem>>) target(%dma_start3A_563 : memref<10240x128xf32, #tpu.memory_space<vmem_shared>>) offsets(%dma_start3A_560 : memref<128xi32, #tpu.memory_space<vmem>>) semaphore(%run_scoped3A_557 : memref<!tpu.dma_semaphore, #tpu.memory_space<semaphore_mem>>) {add = true}
        %dma_wait3A_564 = arith.constant 0 : i32
        %dma_wait3A_565 = tpu.memref_slice %arg9[%run_scoped3A_448, %dma_wait3A_564] : memref<8x128xi32, #tpu.memory_space<vmem>> -> memref<1x128xi32, #tpu.memory_space<vmem>>
        %dma_wait3A_566 = tpu.memref_squeeze %dma_wait3A_565 : memref<1x128xi32, #tpu.memory_space<vmem>> -> memref<128xi32, #tpu.memory_space<vmem>>
        %dma_wait3A_567 = arith.constant 0 : i32
        %dma_wait3A_568 = arith.constant 0 : i32
        %dma_wait3A_569 = tpu.memref_slice %arg12[%dma_wait3A_567, %dma_wait3A_568] : memref<10240x128xf32, #tpu.memory_space<vmem_shared>> -> memref<10240x128xf32, #tpu.memory_space<vmem_shared>>
        tpu.wait_indirect_dma semaphore(%run_scoped3A_557 : memref<!tpu.dma_semaphore, #tpu.memory_space<semaphore_mem>>) src(%arg11 : memref<128x128xf32, #tpu.memory_space<vmem>>) dst(%dma_wait3A_569 : memref<10240x128xf32, #tpu.memory_space<vmem_shared>>)
        tpu.yield
      }) : () -> ()
      %mul3A_449 = arith.constant 8 : i32
      %mul3A_450 = arith.muli %mul3A_449, %add3A_409 : i32
      %add3A_451 = arith.constant 2 : i32
      %add3A_452 = arith.addi %mul3A_450, %add3A_451 : i32
      %add3A_453 = arith.constant 1 : i32
      %add3A_454 = arith.addi %add3A_452, %add3A_453 : i32
      %dma_start3A_455 = arith.constant 0 : i32
      %dma_start3A_456 = tpu.memref_slice %arg7[%add3A_454, %dma_start3A_455] : memref<80x128xi32, #tpu.memory_space<vmem>> -> memref<1x128xi32, #tpu.memory_space<vmem>>
      %dma_start3A_457 = tpu.memref_squeeze %dma_start3A_456 : memref<1x128xi32, #tpu.memory_space<vmem>> -> memref<128xi32, #tpu.memory_space<vmem>>
      %dma_start3A_458 = arith.constant 0 : i32
      %dma_start3A_459 = arith.constant 0 : i32
      %dma_start3A_460 = tpu.memref_slice %arg2[%dma_start3A_458, %dma_start3A_459] : memref<10240x128xf32, #tpu.memory_space<hbm>> -> memref<10240x128xf32, #tpu.memory_space<hbm>>
      tpu.enqueue_indirect_dma source(%dma_start3A_460 : memref<10240x128xf32, #tpu.memory_space<hbm>>) target(%arg11 : memref<128x128xf32, #tpu.memory_space<vmem>>) offsets(%dma_start3A_457 : memref<128xi32, #tpu.memory_space<vmem>>) semaphore(%arg14 : memref<!tpu.dma_semaphore, #tpu.memory_space<semaphore_mem>>)
      %dma_wait3A_461 = arith.constant 0 : i32
      %dma_wait3A_462 = arith.constant 0 : i32
      %dma_wait3A_463 = tpu.memref_slice %arg7[%dma_wait3A_461, %dma_wait3A_462] : memref<80x128xi32, #tpu.memory_space<vmem>> -> memref<1x128xi32, #tpu.memory_space<vmem>>
      %dma_wait3A_464 = tpu.memref_squeeze %dma_wait3A_463 : memref<1x128xi32, #tpu.memory_space<vmem>> -> memref<128xi32, #tpu.memory_space<vmem>>
      %dma_wait3A_465 = arith.constant 0 : i32
      %dma_wait3A_466 = arith.constant 0 : i32
      %dma_wait3A_467 = tpu.memref_slice %arg2[%dma_wait3A_465, %dma_wait3A_466] : memref<10240x128xf32, #tpu.memory_space<hbm>> -> memref<10240x128xf32, #tpu.memory_space<hbm>>
      tpu.wait_indirect_dma semaphore(%arg13 : memref<!tpu.dma_semaphore, #tpu.memory_space<semaphore_mem>>) src(%dma_wait3A_467 : memref<10240x128xf32, #tpu.memory_space<hbm>>) dst(%arg10 : memref<128x128xf32, #tpu.memory_space<vmem>>)
      %run_scoped3A_468 = arith.constant 2 : i32
      "tpu.region"() ({
        %run_scoped3A_557 = tpu.sem_alloc : memref<!tpu.dma_semaphore, #tpu.memory_space<semaphore_mem>>
        %dma_start3A_558 = arith.constant 0 : i32
        %dma_start3A_559 = tpu.memref_slice %arg9[%run_scoped3A_468, %dma_start3A_558] : memref<8x128xi32, #tpu.memory_space<vmem>> -> memref<1x128xi32, #tpu.memory_space<vmem>>
        %dma_start3A_560 = tpu.memref_squeeze %dma_start3A_559 : memref<1x128xi32, #tpu.memory_space<vmem>> -> memref<128xi32, #tpu.memory_space<vmem>>
        %dma_start3A_561 = arith.constant 0 : i32
        %dma_start3A_562 = arith.constant 0 : i32
        %dma_start3A_563 = tpu.memref_slice %arg12[%dma_start3A_561, %dma_start3A_562] : memref<10240x128xf32, #tpu.memory_space<vmem_shared>> -> memref<10240x128xf32, #tpu.memory_space<vmem_shared>>
        tpu.enqueue_indirect_dma source(%arg10 : memref<128x128xf32, #tpu.memory_space<vmem>>) target(%dma_start3A_563 : memref<10240x128xf32, #tpu.memory_space<vmem_shared>>) offsets(%dma_start3A_560 : memref<128xi32, #tpu.memory_space<vmem>>) semaphore(%run_scoped3A_557 : memref<!tpu.dma_semaphore, #tpu.memory_space<semaphore_mem>>) {add = true}
        %dma_wait3A_564 = arith.constant 0 : i32
        %dma_wait3A_565 = tpu.memref_slice %arg9[%run_scoped3A_468, %dma_wait3A_564] : memref<8x128xi32, #tpu.memory_space<vmem>> -> memref<1x128xi32, #tpu.memory_space<vmem>>
        %dma_wait3A_566 = tpu.memref_squeeze %dma_wait3A_565 : memref<1x128xi32, #tpu.memory_space<vmem>> -> memref<128xi32, #tpu.memory_space<vmem>>
        %dma_wait3A_567 = arith.constant 0 : i32
        %dma_wait3A_568 = arith.constant 0 : i32
        %dma_wait3A_569 = tpu.memref_slice %arg12[%dma_wait3A_567, %dma_wait3A_568] : memref<10240x128xf32, #tpu.memory_space<vmem_shared>> -> memref<10240x128xf32, #tpu.memory_space<vmem_shared>>
        tpu.wait_indirect_dma semaphore(%run_scoped3A_557 : memref<!tpu.dma_semaphore, #tpu.memory_space<semaphore_mem>>) src(%arg10 : memref<128x128xf32, #tpu.memory_space<vmem>>) dst(%dma_wait3A_569 : memref<10240x128xf32, #tpu.memory_space<vmem_shared>>)
        tpu.yield
      }) : () -> ()
      %add3A_469 = arith.constant 1 : i32
      %add3A_470 = arith.addi %add3A_454, %add3A_469 : i32
      %dma_start3A_471 = arith.constant 0 : i32
      %dma_start3A_472 = tpu.memref_slice %arg7[%add3A_470, %dma_start3A_471] : memref<80x128xi32, #tpu.memory_space<vmem>> -> memref<1x128xi32, #tpu.memory_space<vmem>>
      %dma_start3A_473 = tpu.memref_squeeze %dma_start3A_472 : memref<1x128xi32, #tpu.memory_space<vmem>> -> memref<128xi32, #tpu.memory_space<vmem>>
      %dma_start3A_474 = arith.constant 0 : i32
      %dma_start3A_475 = arith.constant 0 : i32
      %dma_start3A_476 = tpu.memref_slice %arg2[%dma_start3A_474, %dma_start3A_475] : memref<10240x128xf32, #tpu.memory_space<hbm>> -> memref<10240x128xf32, #tpu.memory_space<hbm>>
      tpu.enqueue_indirect_dma source(%dma_start3A_476 : memref<10240x128xf32, #tpu.memory_space<hbm>>) target(%arg10 : memref<128x128xf32, #tpu.memory_space<vmem>>) offsets(%dma_start3A_473 : memref<128xi32, #tpu.memory_space<vmem>>) semaphore(%arg13 : memref<!tpu.dma_semaphore, #tpu.memory_space<semaphore_mem>>)
      %dma_wait3A_477 = arith.constant 0 : i32
      %dma_wait3A_478 = arith.constant 0 : i32
      %dma_wait3A_479 = tpu.memref_slice %arg7[%dma_wait3A_477, %dma_wait3A_478] : memref<80x128xi32, #tpu.memory_space<vmem>> -> memref<1x128xi32, #tpu.memory_space<vmem>>
      %dma_wait3A_480 = tpu.memref_squeeze %dma_wait3A_479 : memref<1x128xi32, #tpu.memory_space<vmem>> -> memref<128xi32, #tpu.memory_space<vmem>>
      %dma_wait3A_481 = arith.constant 0 : i32
      %dma_wait3A_482 = arith.constant 0 : i32
      %dma_wait3A_483 = tpu.memref_slice %arg2[%dma_wait3A_481, %dma_wait3A_482] : memref<10240x128xf32, #tpu.memory_space<hbm>> -> memref<10240x128xf32, #tpu.memory_space<hbm>>
      tpu.wait_indirect_dma semaphore(%arg14 : memref<!tpu.dma_semaphore, #tpu.memory_space<semaphore_mem>>) src(%dma_wait3A_483 : memref<10240x128xf32, #tpu.memory_space<hbm>>) dst(%arg11 : memref<128x128xf32, #tpu.memory_space<vmem>>)
      %run_scoped3A_484 = arith.constant 3 : i32
      "tpu.region"() ({
        %run_scoped3A_557 = tpu.sem_alloc : memref<!tpu.dma_semaphore, #tpu.memory_space<semaphore_mem>>
        %dma_start3A_558 = arith.constant 0 : i32
        %dma_start3A_559 = tpu.memref_slice %arg9[%run_scoped3A_484, %dma_start3A_558] : memref<8x128xi32, #tpu.memory_space<vmem>> -> memref<1x128xi32, #tpu.memory_space<vmem>>
        %dma_start3A_560 = tpu.memref_squeeze %dma_start3A_559 : memref<1x128xi32, #tpu.memory_space<vmem>> -> memref<128xi32, #tpu.memory_space<vmem>>
        %dma_start3A_561 = arith.constant 0 : i32
        %dma_start3A_562 = arith.constant 0 : i32
        %dma_start3A_563 = tpu.memref_slice %arg12[%dma_start3A_561, %dma_start3A_562] : memref<10240x128xf32, #tpu.memory_space<vmem_shared>> -> memref<10240x128xf32, #tpu.memory_space<vmem_shared>>
        tpu.enqueue_indirect_dma source(%arg11 : memref<128x128xf32, #tpu.memory_space<vmem>>) target(%dma_start3A_563 : memref<10240x128xf32, #tpu.memory_space<vmem_shared>>) offsets(%dma_start3A_560 : memref<128xi32, #tpu.memory_space<vmem>>) semaphore(%run_scoped3A_557 : memref<!tpu.dma_semaphore, #tpu.memory_space<semaphore_mem>>) {add = true}
        %dma_wait3A_564 = arith.constant 0 : i32
        %dma_wait3A_565 = tpu.memref_slice %arg9[%run_scoped3A_484, %dma_wait3A_564] : memref<8x128xi32, #tpu.memory_space<vmem>> -> memref<1x128xi32, #tpu.memory_space<vmem>>
        %dma_wait3A_566 = tpu.memref_squeeze %dma_wait3A_565 : memref<1x128xi32, #tpu.memory_space<vmem>> -> memref<128xi32, #tpu.memory_space<vmem>>
        %dma_wait3A_567 = arith.constant 0 : i32
        %dma_wait3A_568 = arith.constant 0 : i32
        %dma_wait3A_569 = tpu.memref_slice %arg12[%dma_wait3A_567, %dma_wait3A_568] : memref<10240x128xf32, #tpu.memory_space<vmem_shared>> -> memref<10240x128xf32, #tpu.memory_space<vmem_shared>>
        tpu.wait_indirect_dma semaphore(%run_scoped3A_557 : memref<!tpu.dma_semaphore, #tpu.memory_space<semaphore_mem>>) src(%arg11 : memref<128x128xf32, #tpu.memory_space<vmem>>) dst(%dma_wait3A_569 : memref<10240x128xf32, #tpu.memory_space<vmem_shared>>)
        tpu.yield
      }) : () -> ()
      %mul3A_485 = arith.constant 8 : i32
      %mul3A_486 = arith.muli %mul3A_485, %add3A_409 : i32
      %add3A_487 = arith.constant 4 : i32
      %add3A_488 = arith.addi %mul3A_486, %add3A_487 : i32
      %add3A_489 = arith.constant 1 : i32
      %add3A_490 = arith.addi %add3A_488, %add3A_489 : i32
      %dma_start3A_491 = arith.constant 0 : i32
      %dma_start3A_492 = tpu.memref_slice %arg7[%add3A_490, %dma_start3A_491] : memref<80x128xi32, #tpu.memory_space<vmem>> -> memref<1x128xi32, #tpu.memory_space<vmem>>
      %dma_start3A_493 = tpu.memref_squeeze %dma_start3A_492 : memref<1x128xi32, #tpu.memory_space<vmem>> -> memref<128xi32, #tpu.memory_space<vmem>>
      %dma_start3A_494 = arith.constant 0 : i32
      %dma_start3A_495 = arith.constant 0 : i32
      %dma_start3A_496 = tpu.memref_slice %arg2[%dma_start3A_494, %dma_start3A_495] : memref<10240x128xf32, #tpu.memory_space<hbm>> -> memref<10240x128xf32, #tpu.memory_space<hbm>>
      tpu.enqueue_indirect_dma source(%dma_start3A_496 : memref<10240x128xf32, #tpu.memory_space<hbm>>) target(%arg11 : memref<128x128xf32, #tpu.memory_space<vmem>>) offsets(%dma_start3A_493 : memref<128xi32, #tpu.memory_space<vmem>>) semaphore(%arg14 : memref<!tpu.dma_semaphore, #tpu.memory_space<semaphore_mem>>)
      %dma_wait3A_497 = arith.constant 0 : i32
      %dma_wait3A_498 = arith.constant 0 : i32
      %dma_wait3A_499 = tpu.memref_slice %arg7[%dma_wait3A_497, %dma_wait3A_498] : memref<80x128xi32, #tpu.memory_space<vmem>> -> memref<1x128xi32, #tpu.memory_space<vmem>>
      %dma_wait3A_500 = tpu.memref_squeeze %dma_wait3A_499 : memref<1x128xi32, #tpu.memory_space<vmem>> -> memref<128xi32, #tpu.memory_space<vmem>>
      %dma_wait3A_501 = arith.constant 0 : i32
      %dma_wait3A_502 = arith.constant 0 : i32
      %dma_wait3A_503 = tpu.memref_slice %arg2[%dma_wait3A_501, %dma_wait3A_502] : memref<10240x128xf32, #tpu.memory_space<hbm>> -> memref<10240x128xf32, #tpu.memory_space<hbm>>
      tpu.wait_indirect_dma semaphore(%arg13 : memref<!tpu.dma_semaphore, #tpu.memory_space<semaphore_mem>>) src(%dma_wait3A_503 : memref<10240x128xf32, #tpu.memory_space<hbm>>) dst(%arg10 : memref<128x128xf32, #tpu.memory_space<vmem>>)
      %run_scoped3A_504 = arith.constant 4 : i32
      "tpu.region"() ({
        %run_scoped3A_557 = tpu.sem_alloc : memref<!tpu.dma_semaphore, #tpu.memory_space<semaphore_mem>>
        %dma_start3A_558 = arith.constant 0 : i32
        %dma_start3A_559 = tpu.memref_slice %arg9[%run_scoped3A_504, %dma_start3A_558] : memref<8x128xi32, #tpu.memory_space<vmem>> -> memref<1x128xi32, #tpu.memory_space<vmem>>
        %dma_start3A_560 = tpu.memref_squeeze %dma_start3A_559 : memref<1x128xi32, #tpu.memory_space<vmem>> -> memref<128xi32, #tpu.memory_space<vmem>>
        %dma_start3A_561 = arith.constant 0 : i32
        %dma_start3A_562 = arith.constant 0 : i32
        %dma_start3A_563 = tpu.memref_slice %arg12[%dma_start3A_561, %dma_start3A_562] : memref<10240x128xf32, #tpu.memory_space<vmem_shared>> -> memref<10240x128xf32, #tpu.memory_space<vmem_shared>>
        tpu.enqueue_indirect_dma source(%arg10 : memref<128x128xf32, #tpu.memory_space<vmem>>) target(%dma_start3A_563 : memref<10240x128xf32, #tpu.memory_space<vmem_shared>>) offsets(%dma_start3A_560 : memref<128xi32, #tpu.memory_space<vmem>>) semaphore(%run_scoped3A_557 : memref<!tpu.dma_semaphore, #tpu.memory_space<semaphore_mem>>) {add = true}
        %dma_wait3A_564 = arith.constant 0 : i32
        %dma_wait3A_565 = tpu.memref_slice %arg9[%run_scoped3A_504, %dma_wait3A_564] : memref<8x128xi32, #tpu.memory_space<vmem>> -> memref<1x128xi32, #tpu.memory_space<vmem>>
        %dma_wait3A_566 = tpu.memref_squeeze %dma_wait3A_565 : memref<1x128xi32, #tpu.memory_space<vmem>> -> memref<128xi32, #tpu.memory_space<vmem>>
        %dma_wait3A_567 = arith.constant 0 : i32
        %dma_wait3A_568 = arith.constant 0 : i32
        %dma_wait3A_569 = tpu.memref_slice %arg12[%dma_wait3A_567, %dma_wait3A_568] : memref<10240x128xf32, #tpu.memory_space<vmem_shared>> -> memref<10240x128xf32, #tpu.memory_space<vmem_shared>>
        tpu.wait_indirect_dma semaphore(%run_scoped3A_557 : memref<!tpu.dma_semaphore, #tpu.memory_space<semaphore_mem>>) src(%arg10 : memref<128x128xf32, #tpu.memory_space<vmem>>) dst(%dma_wait3A_569 : memref<10240x128xf32, #tpu.memory_space<vmem_shared>>)
        tpu.yield
      }) : () -> ()
      %add3A_505 = arith.constant 1 : i32
      %add3A_506 = arith.addi %add3A_490, %add3A_505 : i32
      %dma_start3A_507 = arith.constant 0 : i32
      %dma_start3A_508 = tpu.memref_slice %arg7[%add3A_506, %dma_start3A_507] : memref<80x128xi32, #tpu.memory_space<vmem>> -> memref<1x128xi32, #tpu.memory_space<vmem>>
      %dma_start3A_509 = tpu.memref_squeeze %dma_start3A_508 : memref<1x128xi32, #tpu.memory_space<vmem>> -> memref<128xi32, #tpu.memory_space<vmem>>
      %dma_start3A_510 = arith.constant 0 : i32
      %dma_start3A_511 = arith.constant 0 : i32
      %dma_start3A_512 = tpu.memref_slice %arg2[%dma_start3A_510, %dma_start3A_511] : memref<10240x128xf32, #tpu.memory_space<hbm>> -> memref<10240x128xf32, #tpu.memory_space<hbm>>
      tpu.enqueue_indirect_dma source(%dma_start3A_512 : memref<10240x128xf32, #tpu.memory_space<hbm>>) target(%arg10 : memref<128x128xf32, #tpu.memory_space<vmem>>) offsets(%dma_start3A_509 : memref<128xi32, #tpu.memory_space<vmem>>) semaphore(%arg13 : memref<!tpu.dma_semaphore, #tpu.memory_space<semaphore_mem>>)
      %dma_wait3A_513 = arith.constant 0 : i32
      %dma_wait3A_514 = arith.constant 0 : i32
      %dma_wait3A_515 = tpu.memref_slice %arg7[%dma_wait3A_513, %dma_wait3A_514] : memref<80x128xi32, #tpu.memory_space<vmem>> -> memref<1x128xi32, #tpu.memory_space<vmem>>
      %dma_wait3A_516 = tpu.memref_squeeze %dma_wait3A_515 : memref<1x128xi32, #tpu.memory_space<vmem>> -> memref<128xi32, #tpu.memory_space<vmem>>
      %dma_wait3A_517 = arith.constant 0 : i32
      %dma_wait3A_518 = arith.constant 0 : i32
      %dma_wait3A_519 = tpu.memref_slice %arg2[%dma_wait3A_517, %dma_wait3A_518] : memref<10240x128xf32, #tpu.memory_space<hbm>> -> memref<10240x128xf32, #tpu.memory_space<hbm>>
      tpu.wait_indirect_dma semaphore(%arg14 : memref<!tpu.dma_semaphore, #tpu.memory_space<semaphore_mem>>) src(%dma_wait3A_519 : memref<10240x128xf32, #tpu.memory_space<hbm>>) dst(%arg11 : memref<128x128xf32, #tpu.memory_space<vmem>>)
      %run_scoped3A_520 = arith.constant 5 : i32
      "tpu.region"() ({
        %run_scoped3A_557 = tpu.sem_alloc : memref<!tpu.dma_semaphore, #tpu.memory_space<semaphore_mem>>
        %dma_start3A_558 = arith.constant 0 : i32
        %dma_start3A_559 = tpu.memref_slice %arg9[%run_scoped3A_520, %dma_start3A_558] : memref<8x128xi32, #tpu.memory_space<vmem>> -> memref<1x128xi32, #tpu.memory_space<vmem>>
        %dma_start3A_560 = tpu.memref_squeeze %dma_start3A_559 : memref<1x128xi32, #tpu.memory_space<vmem>> -> memref<128xi32, #tpu.memory_space<vmem>>
        %dma_start3A_561 = arith.constant 0 : i32
        %dma_start3A_562 = arith.constant 0 : i32
        %dma_start3A_563 = tpu.memref_slice %arg12[%dma_start3A_561, %dma_start3A_562] : memref<10240x128xf32, #tpu.memory_space<vmem_shared>> -> memref<10240x128xf32, #tpu.memory_space<vmem_shared>>
        tpu.enqueue_indirect_dma source(%arg11 : memref<128x128xf32, #tpu.memory_space<vmem>>) target(%dma_start3A_563 : memref<10240x128xf32, #tpu.memory_space<vmem_shared>>) offsets(%dma_start3A_560 : memref<128xi32, #tpu.memory_space<vmem>>) semaphore(%run_scoped3A_557 : memref<!tpu.dma_semaphore, #tpu.memory_space<semaphore_mem>>) {add = true}
        %dma_wait3A_564 = arith.constant 0 : i32
        %dma_wait3A_565 = tpu.memref_slice %arg9[%run_scoped3A_520, %dma_wait3A_564] : memref<8x128xi32, #tpu.memory_space<vmem>> -> memref<1x128xi32, #tpu.memory_space<vmem>>
        %dma_wait3A_566 = tpu.memref_squeeze %dma_wait3A_565 : memref<1x128xi32, #tpu.memory_space<vmem>> -> memref<128xi32, #tpu.memory_space<vmem>>
        %dma_wait3A_567 = arith.constant 0 : i32
        %dma_wait3A_568 = arith.constant 0 : i32
        %dma_wait3A_569 = tpu.memref_slice %arg12[%dma_wait3A_567, %dma_wait3A_568] : memref<10240x128xf32, #tpu.memory_space<vmem_shared>> -> memref<10240x128xf32, #tpu.memory_space<vmem_shared>>
        tpu.wait_indirect_dma semaphore(%run_scoped3A_557 : memref<!tpu.dma_semaphore, #tpu.memory_space<semaphore_mem>>) src(%arg11 : memref<128x128xf32, #tpu.memory_space<vmem>>) dst(%dma_wait3A_569 : memref<10240x128xf32, #tpu.memory_space<vmem_shared>>)
        tpu.yield
      }) : () -> ()
      %mul3A_521 = arith.constant 8 : i32
      %mul3A_522 = arith.muli %mul3A_521, %add3A_409 : i32
      %add3A_523 = arith.constant 6 : i32
      %add3A_524 = arith.addi %mul3A_522, %add3A_523 : i32
      %add3A_525 = arith.constant 1 : i32
      %add3A_526 = arith.addi %add3A_524, %add3A_525 : i32
      %dma_start3A_527 = arith.constant 0 : i32
      %dma_start3A_528 = tpu.memref_slice %arg7[%add3A_526, %dma_start3A_527] : memref<80x128xi32, #tpu.memory_space<vmem>> -> memref<1x128xi32, #tpu.memory_space<vmem>>
      %dma_start3A_529 = tpu.memref_squeeze %dma_start3A_528 : memref<1x128xi32, #tpu.memory_space<vmem>> -> memref<128xi32, #tpu.memory_space<vmem>>
      %dma_start3A_530 = arith.constant 0 : i32
      %dma_start3A_531 = arith.constant 0 : i32
      %dma_start3A_532 = tpu.memref_slice %arg2[%dma_start3A_530, %dma_start3A_531] : memref<10240x128xf32, #tpu.memory_space<hbm>> -> memref<10240x128xf32, #tpu.memory_space<hbm>>
      tpu.enqueue_indirect_dma source(%dma_start3A_532 : memref<10240x128xf32, #tpu.memory_space<hbm>>) target(%arg11 : memref<128x128xf32, #tpu.memory_space<vmem>>) offsets(%dma_start3A_529 : memref<128xi32, #tpu.memory_space<vmem>>) semaphore(%arg14 : memref<!tpu.dma_semaphore, #tpu.memory_space<semaphore_mem>>)
      %dma_wait3A_533 = arith.constant 0 : i32
      %dma_wait3A_534 = arith.constant 0 : i32
      %dma_wait3A_535 = tpu.memref_slice %arg7[%dma_wait3A_533, %dma_wait3A_534] : memref<80x128xi32, #tpu.memory_space<vmem>> -> memref<1x128xi32, #tpu.memory_space<vmem>>
      %dma_wait3A_536 = tpu.memref_squeeze %dma_wait3A_535 : memref<1x128xi32, #tpu.memory_space<vmem>> -> memref<128xi32, #tpu.memory_space<vmem>>
      %dma_wait3A_537 = arith.constant 0 : i32
      %dma_wait3A_538 = arith.constant 0 : i32
      %dma_wait3A_539 = tpu.memref_slice %arg2[%dma_wait3A_537, %dma_wait3A_538] : memref<10240x128xf32, #tpu.memory_space<hbm>> -> memref<10240x128xf32, #tpu.memory_space<hbm>>
      tpu.wait_indirect_dma semaphore(%arg13 : memref<!tpu.dma_semaphore, #tpu.memory_space<semaphore_mem>>) src(%dma_wait3A_539 : memref<10240x128xf32, #tpu.memory_space<hbm>>) dst(%arg10 : memref<128x128xf32, #tpu.memory_space<vmem>>)
      %run_scoped3A_540 = arith.constant 6 : i32
      "tpu.region"() ({
        %run_scoped3A_557 = tpu.sem_alloc : memref<!tpu.dma_semaphore, #tpu.memory_space<semaphore_mem>>
        %dma_start3A_558 = arith.constant 0 : i32
        %dma_start3A_559 = tpu.memref_slice %arg9[%run_scoped3A_540, %dma_start3A_558] : memref<8x128xi32, #tpu.memory_space<vmem>> -> memref<1x128xi32, #tpu.memory_space<vmem>>
        %dma_start3A_560 = tpu.memref_squeeze %dma_start3A_559 : memref<1x128xi32, #tpu.memory_space<vmem>> -> memref<128xi32, #tpu.memory_space<vmem>>
        %dma_start3A_561 = arith.constant 0 : i32
        %dma_start3A_562 = arith.constant 0 : i32
        %dma_start3A_563 = tpu.memref_slice %arg12[%dma_start3A_561, %dma_start3A_562] : memref<10240x128xf32, #tpu.memory_space<vmem_shared>> -> memref<10240x128xf32, #tpu.memory_space<vmem_shared>>
        tpu.enqueue_indirect_dma source(%arg10 : memref<128x128xf32, #tpu.memory_space<vmem>>) target(%dma_start3A_563 : memref<10240x128xf32, #tpu.memory_space<vmem_shared>>) offsets(%dma_start3A_560 : memref<128xi32, #tpu.memory_space<vmem>>) semaphore(%run_scoped3A_557 : memref<!tpu.dma_semaphore, #tpu.memory_space<semaphore_mem>>) {add = true}
        %dma_wait3A_564 = arith.constant 0 : i32
        %dma_wait3A_565 = tpu.memref_slice %arg9[%run_scoped3A_540, %dma_wait3A_564] : memref<8x128xi32, #tpu.memory_space<vmem>> -> memref<1x128xi32, #tpu.memory_space<vmem>>
        %dma_wait3A_566 = tpu.memref_squeeze %dma_wait3A_565 : memref<1x128xi32, #tpu.memory_space<vmem>> -> memref<128xi32, #tpu.memory_space<vmem>>
        %dma_wait3A_567 = arith.constant 0 : i32
        %dma_wait3A_568 = arith.constant 0 : i32
        %dma_wait3A_569 = tpu.memref_slice %arg12[%dma_wait3A_567, %dma_wait3A_568] : memref<10240x128xf32, #tpu.memory_space<vmem_shared>> -> memref<10240x128xf32, #tpu.memory_space<vmem_shared>>
        tpu.wait_indirect_dma semaphore(%run_scoped3A_557 : memref<!tpu.dma_semaphore, #tpu.memory_space<semaphore_mem>>) src(%arg10 : memref<128x128xf32, #tpu.memory_space<vmem>>) dst(%dma_wait3A_569 : memref<10240x128xf32, #tpu.memory_space<vmem_shared>>)
        tpu.yield
      }) : () -> ()
      %add3A_541 = arith.constant 1 : i32
      %add3A_542 = arith.addi %add3A_526, %add3A_541 : i32
      %dma_start3A_543 = arith.constant 0 : i32
      %dma_start3A_544 = tpu.memref_slice %arg7[%add3A_542, %dma_start3A_543] : memref<80x128xi32, #tpu.memory_space<vmem>> -> memref<1x128xi32, #tpu.memory_space<vmem>>
      %dma_start3A_545 = tpu.memref_squeeze %dma_start3A_544 : memref<1x128xi32, #tpu.memory_space<vmem>> -> memref<128xi32, #tpu.memory_space<vmem>>
      %dma_start3A_546 = arith.constant 0 : i32
      %dma_start3A_547 = arith.constant 0 : i32
      %dma_start3A_548 = tpu.memref_slice %arg2[%dma_start3A_546, %dma_start3A_547] : memref<10240x128xf32, #tpu.memory_space<hbm>> -> memref<10240x128xf32, #tpu.memory_space<hbm>>
      tpu.enqueue_indirect_dma source(%dma_start3A_548 : memref<10240x128xf32, #tpu.memory_space<hbm>>) target(%arg10 : memref<128x128xf32, #tpu.memory_space<vmem>>) offsets(%dma_start3A_545 : memref<128xi32, #tpu.memory_space<vmem>>) semaphore(%arg13 : memref<!tpu.dma_semaphore, #tpu.memory_space<semaphore_mem>>)
      %dma_wait3A_549 = arith.constant 0 : i32
      %dma_wait3A_550 = arith.constant 0 : i32
      %dma_wait3A_551 = tpu.memref_slice %arg7[%dma_wait3A_549, %dma_wait3A_550] : memref<80x128xi32, #tpu.memory_space<vmem>> -> memref<1x128xi32, #tpu.memory_space<vmem>>
      %dma_wait3A_552 = tpu.memref_squeeze %dma_wait3A_551 : memref<1x128xi32, #tpu.memory_space<vmem>> -> memref<128xi32, #tpu.memory_space<vmem>>
      %dma_wait3A_553 = arith.constant 0 : i32
      %dma_wait3A_554 = arith.constant 0 : i32
      %dma_wait3A_555 = tpu.memref_slice %arg2[%dma_wait3A_553, %dma_wait3A_554] : memref<10240x128xf32, #tpu.memory_space<hbm>> -> memref<10240x128xf32, #tpu.memory_space<hbm>>
      tpu.wait_indirect_dma semaphore(%arg14 : memref<!tpu.dma_semaphore, #tpu.memory_space<semaphore_mem>>) src(%dma_wait3A_555 : memref<10240x128xf32, #tpu.memory_space<hbm>>) dst(%arg11 : memref<128x128xf32, #tpu.memory_space<vmem>>)
      %run_scoped3A_556 = arith.constant 7 : i32
      "tpu.region"() ({
        %run_scoped3A_557 = tpu.sem_alloc : memref<!tpu.dma_semaphore, #tpu.memory_space<semaphore_mem>>
        %dma_start3A_558 = arith.constant 0 : i32
        %dma_start3A_559 = tpu.memref_slice %arg9[%run_scoped3A_556, %dma_start3A_558] : memref<8x128xi32, #tpu.memory_space<vmem>> -> memref<1x128xi32, #tpu.memory_space<vmem>>
        %dma_start3A_560 = tpu.memref_squeeze %dma_start3A_559 : memref<1x128xi32, #tpu.memory_space<vmem>> -> memref<128xi32, #tpu.memory_space<vmem>>
        %dma_start3A_561 = arith.constant 0 : i32
        %dma_start3A_562 = arith.constant 0 : i32
        %dma_start3A_563 = tpu.memref_slice %arg12[%dma_start3A_561, %dma_start3A_562] : memref<10240x128xf32, #tpu.memory_space<vmem_shared>> -> memref<10240x128xf32, #tpu.memory_space<vmem_shared>>
        tpu.enqueue_indirect_dma source(%arg11 : memref<128x128xf32, #tpu.memory_space<vmem>>) target(%dma_start3A_563 : memref<10240x128xf32, #tpu.memory_space<vmem_shared>>) offsets(%dma_start3A_560 : memref<128xi32, #tpu.memory_space<vmem>>) semaphore(%run_scoped3A_557 : memref<!tpu.dma_semaphore, #tpu.memory_space<semaphore_mem>>) {add = true}
        %dma_wait3A_564 = arith.constant 0 : i32
        %dma_wait3A_565 = tpu.memref_slice %arg9[%run_scoped3A_556, %dma_wait3A_564] : memref<8x128xi32, #tpu.memory_space<vmem>> -> memref<1x128xi32, #tpu.memory_space<vmem>>
        %dma_wait3A_566 = tpu.memref_squeeze %dma_wait3A_565 : memref<1x128xi32, #tpu.memory_space<vmem>> -> memref<128xi32, #tpu.memory_space<vmem>>
        %dma_wait3A_567 = arith.constant 0 : i32
        %dma_wait3A_568 = arith.constant 0 : i32
        %dma_wait3A_569 = tpu.memref_slice %arg12[%dma_wait3A_567, %dma_wait3A_568] : memref<10240x128xf32, #tpu.memory_space<vmem_shared>> -> memref<10240x128xf32, #tpu.memory_space<vmem_shared>>
        tpu.wait_indirect_dma semaphore(%run_scoped3A_557 : memref<!tpu.dma_semaphore, #tpu.memory_space<semaphore_mem>>) src(%arg11 : memref<128x128xf32, #tpu.memory_space<vmem>>) dst(%dma_wait3A_569 : memref<10240x128xf32, #tpu.memory_space<vmem_shared>>)
        tpu.yield
      }) : () -> ()
    }
    %scan3A_15 = arith.constant 4 : i32
    %add3A_16 = arith.constant 64 : i32
    %add3A_17 = arith.addi %mul3A_4, %add3A_16 : i32
    "tpu.region"() ({
      %run_scoped3A_256 = tpu.sem_alloc : memref<!tpu.dma_semaphore, #tpu.memory_space<semaphore_mem>>
      %dma_start3A_257 = arith.constant 0 : i32
      %dma_start3A_258 = tpu.memref_slice %arg4[%add3A_17, %dma_start3A_257] : memref<2560x128xi32, #tpu.memory_space<hbm>> -> memref<8x128xi32, #tpu.memory_space<hbm>>
      %dma_start3A_259 = arith.constant 0 : i32
      %dma_start3A_260 = tpu.memref_slice %arg4[%add3A_17, %dma_start3A_259] : memref<2560x128xi32, #tpu.memory_space<hbm>> -> memref<8x128xi32, #tpu.memory_space<hbm>>
      tpu.enqueue_dma source(%dma_start3A_260 : memref<8x128xi32, #tpu.memory_space<hbm>>) target(%arg8 : memref<8x128xi32, #tpu.memory_space<vmem>>) target_semaphore(%run_scoped3A_256 : memref<!tpu.dma_semaphore, #tpu.memory_space<semaphore_mem>>)
      %dma_wait3A_261 = arith.constant 0 : i32
      %dma_wait3A_262 = tpu.memref_slice %arg4[%add3A_17, %dma_wait3A_261] : memref<2560x128xi32, #tpu.memory_space<hbm>> -> memref<8x128xi32, #tpu.memory_space<hbm>>
      %dma_wait3A_263 = arith.constant 0 : i32
      %dma_wait3A_264 = tpu.memref_slice %arg4[%add3A_17, %dma_wait3A_263] : memref<2560x128xi32, #tpu.memory_space<hbm>> -> memref<8x128xi32, #tpu.memory_space<hbm>>
      tpu.wait_dma2 semaphore(%run_scoped3A_256 : memref<!tpu.dma_semaphore, #tpu.memory_space<semaphore_mem>>) src(%dma_wait3A_264 : memref<8x128xi32, #tpu.memory_space<hbm>>) dst(%arg8 : memref<8x128xi32, #tpu.memory_space<vmem>>)
      tpu.yield
    }) : () -> ()
    %dma_start3A_18 = arith.constant 65 : i32
    %dma_start3A_19 = arith.constant 0 : i32
    %dma_start3A_20 = tpu.memref_slice %arg7[%dma_start3A_18, %dma_start3A_19] : memref<80x128xi32, #tpu.memory_space<vmem>> -> memref<1x128xi32, #tpu.memory_space<vmem>>
    %dma_start3A_21 = tpu.memref_squeeze %dma_start3A_20 : memref<1x128xi32, #tpu.memory_space<vmem>> -> memref<128xi32, #tpu.memory_space<vmem>>
    %dma_start3A_22 = arith.constant 0 : i32
    %dma_start3A_23 = arith.constant 0 : i32
    %dma_start3A_24 = tpu.memref_slice %arg2[%dma_start3A_22, %dma_start3A_23] : memref<10240x128xf32, #tpu.memory_space<hbm>> -> memref<10240x128xf32, #tpu.memory_space<hbm>>
    tpu.enqueue_indirect_dma source(%dma_start3A_24 : memref<10240x128xf32, #tpu.memory_space<hbm>>) target(%arg11 : memref<128x128xf32, #tpu.memory_space<vmem>>) offsets(%dma_start3A_21 : memref<128xi32, #tpu.memory_space<vmem>>) semaphore(%arg14 : memref<!tpu.dma_semaphore, #tpu.memory_space<semaphore_mem>>)
    %dma_wait3A = arith.constant 0 : i32
    %dma_wait3A_25 = arith.constant 0 : i32
    %dma_wait3A_26 = tpu.memref_slice %arg7[%dma_wait3A, %dma_wait3A_25] : memref<80x128xi32, #tpu.memory_space<vmem>> -> memref<1x128xi32, #tpu.memory_space<vmem>>
    %dma_wait3A_27 = tpu.memref_squeeze %dma_wait3A_26 : memref<1x128xi32, #tpu.memory_space<vmem>> -> memref<128xi32, #tpu.memory_space<vmem>>
    %dma_wait3A_28 = arith.constant 0 : i32
    %dma_wait3A_29 = arith.constant 0 : i32
    %dma_wait3A_30 = tpu.memref_slice %arg2[%dma_wait3A_28, %dma_wait3A_29] : memref<10240x128xf32, #tpu.memory_space<hbm>> -> memref<10240x128xf32, #tpu.memory_space<hbm>>
    tpu.wait_indirect_dma semaphore(%arg13 : memref<!tpu.dma_semaphore, #tpu.memory_space<semaphore_mem>>) src(%dma_wait3A_30 : memref<10240x128xf32, #tpu.memory_space<hbm>>) dst(%arg10 : memref<128x128xf32, #tpu.memory_space<vmem>>)
    %run_scoped3A = arith.constant 0 : i32
    "tpu.region"() ({
      %run_scoped3A_256 = tpu.sem_alloc : memref<!tpu.dma_semaphore, #tpu.memory_space<semaphore_mem>>
      %dma_start3A_257 = arith.constant 0 : i32
      %dma_start3A_258 = tpu.memref_slice %arg8[%run_scoped3A, %dma_start3A_257] : memref<8x128xi32, #tpu.memory_space<vmem>> -> memref<1x128xi32, #tpu.memory_space<vmem>>
      %dma_start3A_259 = tpu.memref_squeeze %dma_start3A_258 : memref<1x128xi32, #tpu.memory_space<vmem>> -> memref<128xi32, #tpu.memory_space<vmem>>
      %dma_start3A_260 = arith.constant 0 : i32
      %dma_start3A_261 = arith.constant 0 : i32
      %dma_start3A_262 = tpu.memref_slice %arg12[%dma_start3A_260, %dma_start3A_261] : memref<10240x128xf32, #tpu.memory_space<vmem_shared>> -> memref<10240x128xf32, #tpu.memory_space<vmem_shared>>
      tpu.enqueue_indirect_dma source(%arg10 : memref<128x128xf32, #tpu.memory_space<vmem>>) target(%dma_start3A_262 : memref<10240x128xf32, #tpu.memory_space<vmem_shared>>) offsets(%dma_start3A_259 : memref<128xi32, #tpu.memory_space<vmem>>) semaphore(%run_scoped3A_256 : memref<!tpu.dma_semaphore, #tpu.memory_space<semaphore_mem>>) {add = true}
      %dma_wait3A_263 = arith.constant 0 : i32
      %dma_wait3A_264 = tpu.memref_slice %arg8[%run_scoped3A, %dma_wait3A_263] : memref<8x128xi32, #tpu.memory_space<vmem>> -> memref<1x128xi32, #tpu.memory_space<vmem>>
      %dma_wait3A_265 = tpu.memref_squeeze %dma_wait3A_264 : memref<1x128xi32, #tpu.memory_space<vmem>> -> memref<128xi32, #tpu.memory_space<vmem>>
      %dma_wait3A_266 = arith.constant 0 : i32
      %dma_wait3A_267 = arith.constant 0 : i32
      %dma_wait3A_268 = tpu.memref_slice %arg12[%dma_wait3A_266, %dma_wait3A_267] : memref<10240x128xf32, #tpu.memory_space<vmem_shared>> -> memref<10240x128xf32, #tpu.memory_space<vmem_shared>>
      tpu.wait_indirect_dma semaphore(%run_scoped3A_256 : memref<!tpu.dma_semaphore, #tpu.memory_space<semaphore_mem>>) src(%arg10 : memref<128x128xf32, #tpu.memory_space<vmem>>) dst(%dma_wait3A_268 : memref<10240x128xf32, #tpu.memory_space<vmem_shared>>)
      tpu.yield
    }) : () -> ()
    %dma_start3A_31 = arith.constant 66 : i32
    %dma_start3A_32 = arith.constant 0 : i32
    %dma_start3A_33 = tpu.memref_slice %arg7[%dma_start3A_31, %dma_start3A_32] : memref<80x128xi32, #tpu.memory_space<vmem>> -> memref<1x128xi32, #tpu.memory_space<vmem>>
    %dma_start3A_34 = tpu.memref_squeeze %dma_start3A_33 : memref<1x128xi32, #tpu.memory_space<vmem>> -> memref<128xi32, #tpu.memory_space<vmem>>
    %dma_start3A_35 = arith.constant 0 : i32
    %dma_start3A_36 = arith.constant 0 : i32
    %dma_start3A_37 = tpu.memref_slice %arg2[%dma_start3A_35, %dma_start3A_36] : memref<10240x128xf32, #tpu.memory_space<hbm>> -> memref<10240x128xf32, #tpu.memory_space<hbm>>
    tpu.enqueue_indirect_dma source(%dma_start3A_37 : memref<10240x128xf32, #tpu.memory_space<hbm>>) target(%arg10 : memref<128x128xf32, #tpu.memory_space<vmem>>) offsets(%dma_start3A_34 : memref<128xi32, #tpu.memory_space<vmem>>) semaphore(%arg13 : memref<!tpu.dma_semaphore, #tpu.memory_space<semaphore_mem>>)
    %dma_wait3A_38 = arith.constant 0 : i32
    %dma_wait3A_39 = arith.constant 0 : i32
    %dma_wait3A_40 = tpu.memref_slice %arg7[%dma_wait3A_38, %dma_wait3A_39] : memref<80x128xi32, #tpu.memory_space<vmem>> -> memref<1x128xi32, #tpu.memory_space<vmem>>
    %dma_wait3A_41 = tpu.memref_squeeze %dma_wait3A_40 : memref<1x128xi32, #tpu.memory_space<vmem>> -> memref<128xi32, #tpu.memory_space<vmem>>
    %dma_wait3A_42 = arith.constant 0 : i32
    %dma_wait3A_43 = arith.constant 0 : i32
    %dma_wait3A_44 = tpu.memref_slice %arg2[%dma_wait3A_42, %dma_wait3A_43] : memref<10240x128xf32, #tpu.memory_space<hbm>> -> memref<10240x128xf32, #tpu.memory_space<hbm>>
    tpu.wait_indirect_dma semaphore(%arg14 : memref<!tpu.dma_semaphore, #tpu.memory_space<semaphore_mem>>) src(%dma_wait3A_44 : memref<10240x128xf32, #tpu.memory_space<hbm>>) dst(%arg11 : memref<128x128xf32, #tpu.memory_space<vmem>>)
    %run_scoped3A_45 = arith.constant 1 : i32
    "tpu.region"() ({
      %run_scoped3A_256 = tpu.sem_alloc : memref<!tpu.dma_semaphore, #tpu.memory_space<semaphore_mem>>
      %dma_start3A_257 = arith.constant 0 : i32
      %dma_start3A_258 = tpu.memref_slice %arg8[%run_scoped3A_45, %dma_start3A_257] : memref<8x128xi32, #tpu.memory_space<vmem>> -> memref<1x128xi32, #tpu.memory_space<vmem>>
      %dma_start3A_259 = tpu.memref_squeeze %dma_start3A_258 : memref<1x128xi32, #tpu.memory_space<vmem>> -> memref<128xi32, #tpu.memory_space<vmem>>
      %dma_start3A_260 = arith.constant 0 : i32
      %dma_start3A_261 = arith.constant 0 : i32
      %dma_start3A_262 = tpu.memref_slice %arg12[%dma_start3A_260, %dma_start3A_261] : memref<10240x128xf32, #tpu.memory_space<vmem_shared>> -> memref<10240x128xf32, #tpu.memory_space<vmem_shared>>
      tpu.enqueue_indirect_dma source(%arg11 : memref<128x128xf32, #tpu.memory_space<vmem>>) target(%dma_start3A_262 : memref<10240x128xf32, #tpu.memory_space<vmem_shared>>) offsets(%dma_start3A_259 : memref<128xi32, #tpu.memory_space<vmem>>) semaphore(%run_scoped3A_256 : memref<!tpu.dma_semaphore, #tpu.memory_space<semaphore_mem>>) {add = true}
      %dma_wait3A_263 = arith.constant 0 : i32
      %dma_wait3A_264 = tpu.memref_slice %arg8[%run_scoped3A_45, %dma_wait3A_263] : memref<8x128xi32, #tpu.memory_space<vmem>> -> memref<1x128xi32, #tpu.memory_space<vmem>>
      %dma_wait3A_265 = tpu.memref_squeeze %dma_wait3A_264 : memref<1x128xi32, #tpu.memory_space<vmem>> -> memref<128xi32, #tpu.memory_space<vmem>>
      %dma_wait3A_266 = arith.constant 0 : i32
      %dma_wait3A_267 = arith.constant 0 : i32
      %dma_wait3A_268 = tpu.memref_slice %arg12[%dma_wait3A_266, %dma_wait3A_267] : memref<10240x128xf32, #tpu.memory_space<vmem_shared>> -> memref<10240x128xf32, #tpu.memory_space<vmem_shared>>
      tpu.wait_indirect_dma semaphore(%run_scoped3A_256 : memref<!tpu.dma_semaphore, #tpu.memory_space<semaphore_mem>>) src(%arg11 : memref<128x128xf32, #tpu.memory_space<vmem>>) dst(%dma_wait3A_268 : memref<10240x128xf32, #tpu.memory_space<vmem_shared>>)
      tpu.yield
    }) : () -> ()
    %dma_start3A_46 = arith.constant 67 : i32
    %dma_start3A_47 = arith.constant 0 : i32
    %dma_start3A_48 = tpu.memref_slice %arg7[%dma_start3A_46, %dma_start3A_47] : memref<80x128xi32, #tpu.memory_space<vmem>> -> memref<1x128xi32, #tpu.memory_space<vmem>>
    %dma_start3A_49 = tpu.memref_squeeze %dma_start3A_48 : memref<1x128xi32, #tpu.memory_space<vmem>> -> memref<128xi32, #tpu.memory_space<vmem>>
    %dma_start3A_50 = arith.constant 0 : i32
    %dma_start3A_51 = arith.constant 0 : i32
    %dma_start3A_52 = tpu.memref_slice %arg2[%dma_start3A_50, %dma_start3A_51] : memref<10240x128xf32, #tpu.memory_space<hbm>> -> memref<10240x128xf32, #tpu.memory_space<hbm>>
    tpu.enqueue_indirect_dma source(%dma_start3A_52 : memref<10240x128xf32, #tpu.memory_space<hbm>>) target(%arg11 : memref<128x128xf32, #tpu.memory_space<vmem>>) offsets(%dma_start3A_49 : memref<128xi32, #tpu.memory_space<vmem>>) semaphore(%arg14 : memref<!tpu.dma_semaphore, #tpu.memory_space<semaphore_mem>>)
    %dma_wait3A_53 = arith.constant 0 : i32
    %dma_wait3A_54 = arith.constant 0 : i32
    %dma_wait3A_55 = tpu.memref_slice %arg7[%dma_wait3A_53, %dma_wait3A_54] : memref<80x128xi32, #tpu.memory_space<vmem>> -> memref<1x128xi32, #tpu.memory_space<vmem>>
    %dma_wait3A_56 = tpu.memref_squeeze %dma_wait3A_55 : memref<1x128xi32, #tpu.memory_space<vmem>> -> memref<128xi32, #tpu.memory_space<vmem>>
    %dma_wait3A_57 = arith.constant 0 : i32
    %dma_wait3A_58 = arith.constant 0 : i32
    %dma_wait3A_59 = tpu.memref_slice %arg2[%dma_wait3A_57, %dma_wait3A_58] : memref<10240x128xf32, #tpu.memory_space<hbm>> -> memref<10240x128xf32, #tpu.memory_space<hbm>>
    tpu.wait_indirect_dma semaphore(%arg13 : memref<!tpu.dma_semaphore, #tpu.memory_space<semaphore_mem>>) src(%dma_wait3A_59 : memref<10240x128xf32, #tpu.memory_space<hbm>>) dst(%arg10 : memref<128x128xf32, #tpu.memory_space<vmem>>)
    %run_scoped3A_60 = arith.constant 2 : i32
    "tpu.region"() ({
      %run_scoped3A_256 = tpu.sem_alloc : memref<!tpu.dma_semaphore, #tpu.memory_space<semaphore_mem>>
      %dma_start3A_257 = arith.constant 0 : i32
      %dma_start3A_258 = tpu.memref_slice %arg8[%run_scoped3A_60, %dma_start3A_257] : memref<8x128xi32, #tpu.memory_space<vmem>> -> memref<1x128xi32, #tpu.memory_space<vmem>>
      %dma_start3A_259 = tpu.memref_squeeze %dma_start3A_258 : memref<1x128xi32, #tpu.memory_space<vmem>> -> memref<128xi32, #tpu.memory_space<vmem>>
      %dma_start3A_260 = arith.constant 0 : i32
      %dma_start3A_261 = arith.constant 0 : i32
      %dma_start3A_262 = tpu.memref_slice %arg12[%dma_start3A_260, %dma_start3A_261] : memref<10240x128xf32, #tpu.memory_space<vmem_shared>> -> memref<10240x128xf32, #tpu.memory_space<vmem_shared>>
      tpu.enqueue_indirect_dma source(%arg10 : memref<128x128xf32, #tpu.memory_space<vmem>>) target(%dma_start3A_262 : memref<10240x128xf32, #tpu.memory_space<vmem_shared>>) offsets(%dma_start3A_259 : memref<128xi32, #tpu.memory_space<vmem>>) semaphore(%run_scoped3A_256 : memref<!tpu.dma_semaphore, #tpu.memory_space<semaphore_mem>>) {add = true}
      %dma_wait3A_263 = arith.constant 0 : i32
      %dma_wait3A_264 = tpu.memref_slice %arg8[%run_scoped3A_60, %dma_wait3A_263] : memref<8x128xi32, #tpu.memory_space<vmem>> -> memref<1x128xi32, #tpu.memory_space<vmem>>
      %dma_wait3A_265 = tpu.memref_squeeze %dma_wait3A_264 : memref<1x128xi32, #tpu.memory_space<vmem>> -> memref<128xi32, #tpu.memory_space<vmem>>
      %dma_wait3A_266 = arith.constant 0 : i32
      %dma_wait3A_267 = arith.constant 0 : i32
      %dma_wait3A_268 = tpu.memref_slice %arg12[%dma_wait3A_266, %dma_wait3A_267] : memref<10240x128xf32, #tpu.memory_space<vmem_shared>> -> memref<10240x128xf32, #tpu.memory_space<vmem_shared>>
      tpu.wait_indirect_dma semaphore(%run_scoped3A_256 : memref<!tpu.dma_semaphore, #tpu.memory_space<semaphore_mem>>) src(%arg10 : memref<128x128xf32, #tpu.memory_space<vmem>>) dst(%dma_wait3A_268 : memref<10240x128xf32, #tpu.memory_space<vmem_shared>>)
      tpu.yield
    }) : () -> ()
    %dma_start3A_61 = arith.constant 68 : i32
    %dma_start3A_62 = arith.constant 0 : i32
    %dma_start3A_63 = tpu.memref_slice %arg7[%dma_start3A_61, %dma_start3A_62] : memref<80x128xi32, #tpu.memory_space<vmem>> -> memref<1x128xi32, #tpu.memory_space<vmem>>
    %dma_start3A_64 = tpu.memref_squeeze %dma_start3A_63 : memref<1x128xi32, #tpu.memory_space<vmem>> -> memref<128xi32, #tpu.memory_space<vmem>>
    %dma_start3A_65 = arith.constant 0 : i32
    %dma_start3A_66 = arith.constant 0 : i32
    %dma_start3A_67 = tpu.memref_slice %arg2[%dma_start3A_65, %dma_start3A_66] : memref<10240x128xf32, #tpu.memory_space<hbm>> -> memref<10240x128xf32, #tpu.memory_space<hbm>>
    tpu.enqueue_indirect_dma source(%dma_start3A_67 : memref<10240x128xf32, #tpu.memory_space<hbm>>) target(%arg10 : memref<128x128xf32, #tpu.memory_space<vmem>>) offsets(%dma_start3A_64 : memref<128xi32, #tpu.memory_space<vmem>>) semaphore(%arg13 : memref<!tpu.dma_semaphore, #tpu.memory_space<semaphore_mem>>)
    %dma_wait3A_68 = arith.constant 0 : i32
    %dma_wait3A_69 = arith.constant 0 : i32
    %dma_wait3A_70 = tpu.memref_slice %arg7[%dma_wait3A_68, %dma_wait3A_69] : memref<80x128xi32, #tpu.memory_space<vmem>> -> memref<1x128xi32, #tpu.memory_space<vmem>>
    %dma_wait3A_71 = tpu.memref_squeeze %dma_wait3A_70 : memref<1x128xi32, #tpu.memory_space<vmem>> -> memref<128xi32, #tpu.memory_space<vmem>>
    %dma_wait3A_72 = arith.constant 0 : i32
    %dma_wait3A_73 = arith.constant 0 : i32
    %dma_wait3A_74 = tpu.memref_slice %arg2[%dma_wait3A_72, %dma_wait3A_73] : memref<10240x128xf32, #tpu.memory_space<hbm>> -> memref<10240x128xf32, #tpu.memory_space<hbm>>
    tpu.wait_indirect_dma semaphore(%arg14 : memref<!tpu.dma_semaphore, #tpu.memory_space<semaphore_mem>>) src(%dma_wait3A_74 : memref<10240x128xf32, #tpu.memory_space<hbm>>) dst(%arg11 : memref<128x128xf32, #tpu.memory_space<vmem>>)
    %run_scoped3A_75 = arith.constant 3 : i32
    "tpu.region"() ({
      %run_scoped3A_256 = tpu.sem_alloc : memref<!tpu.dma_semaphore, #tpu.memory_space<semaphore_mem>>
      %dma_start3A_257 = arith.constant 0 : i32
      %dma_start3A_258 = tpu.memref_slice %arg8[%run_scoped3A_75, %dma_start3A_257] : memref<8x128xi32, #tpu.memory_space<vmem>> -> memref<1x128xi32, #tpu.memory_space<vmem>>
      %dma_start3A_259 = tpu.memref_squeeze %dma_start3A_258 : memref<1x128xi32, #tpu.memory_space<vmem>> -> memref<128xi32, #tpu.memory_space<vmem>>
      %dma_start3A_260 = arith.constant 0 : i32
      %dma_start3A_261 = arith.constant 0 : i32
      %dma_start3A_262 = tpu.memref_slice %arg12[%dma_start3A_260, %dma_start3A_261] : memref<10240x128xf32, #tpu.memory_space<vmem_shared>> -> memref<10240x128xf32, #tpu.memory_space<vmem_shared>>
      tpu.enqueue_indirect_dma source(%arg11 : memref<128x128xf32, #tpu.memory_space<vmem>>) target(%dma_start3A_262 : memref<10240x128xf32, #tpu.memory_space<vmem_shared>>) offsets(%dma_start3A_259 : memref<128xi32, #tpu.memory_space<vmem>>) semaphore(%run_scoped3A_256 : memref<!tpu.dma_semaphore, #tpu.memory_space<semaphore_mem>>) {add = true}
      %dma_wait3A_263 = arith.constant 0 : i32
      %dma_wait3A_264 = tpu.memref_slice %arg8[%run_scoped3A_75, %dma_wait3A_263] : memref<8x128xi32, #tpu.memory_space<vmem>> -> memref<1x128xi32, #tpu.memory_space<vmem>>
      %dma_wait3A_265 = tpu.memref_squeeze %dma_wait3A_264 : memref<1x128xi32, #tpu.memory_space<vmem>> -> memref<128xi32, #tpu.memory_space<vmem>>
      %dma_wait3A_266 = arith.constant 0 : i32
      %dma_wait3A_267 = arith.constant 0 : i32
      %dma_wait3A_268 = tpu.memref_slice %arg12[%dma_wait3A_266, %dma_wait3A_267] : memref<10240x128xf32, #tpu.memory_space<vmem_shared>> -> memref<10240x128xf32, #tpu.memory_space<vmem_shared>>
      tpu.wait_indirect_dma semaphore(%run_scoped3A_256 : memref<!tpu.dma_semaphore, #tpu.memory_space<semaphore_mem>>) src(%arg11 : memref<128x128xf32, #tpu.memory_space<vmem>>) dst(%dma_wait3A_268 : memref<10240x128xf32, #tpu.memory_space<vmem_shared>>)
      tpu.yield
    }) : () -> ()
    %dma_start3A_76 = arith.constant 69 : i32
    %dma_start3A_77 = arith.constant 0 : i32
    %dma_start3A_78 = tpu.memref_slice %arg7[%dma_start3A_76, %dma_start3A_77] : memref<80x128xi32, #tpu.memory_space<vmem>> -> memref<1x128xi32, #tpu.memory_space<vmem>>
    %dma_start3A_79 = tpu.memref_squeeze %dma_start3A_78 : memref<1x128xi32, #tpu.memory_space<vmem>> -> memref<128xi32, #tpu.memory_space<vmem>>
    %dma_start3A_80 = arith.constant 0 : i32
    %dma_start3A_81 = arith.constant 0 : i32
    %dma_start3A_82 = tpu.memref_slice %arg2[%dma_start3A_80, %dma_start3A_81] : memref<10240x128xf32, #tpu.memory_space<hbm>> -> memref<10240x128xf32, #tpu.memory_space<hbm>>
    tpu.enqueue_indirect_dma source(%dma_start3A_82 : memref<10240x128xf32, #tpu.memory_space<hbm>>) target(%arg11 : memref<128x128xf32, #tpu.memory_space<vmem>>) offsets(%dma_start3A_79 : memref<128xi32, #tpu.memory_space<vmem>>) semaphore(%arg14 : memref<!tpu.dma_semaphore, #tpu.memory_space<semaphore_mem>>)
    %dma_wait3A_83 = arith.constant 0 : i32
    %dma_wait3A_84 = arith.constant 0 : i32
    %dma_wait3A_85 = tpu.memref_slice %arg7[%dma_wait3A_83, %dma_wait3A_84] : memref<80x128xi32, #tpu.memory_space<vmem>> -> memref<1x128xi32, #tpu.memory_space<vmem>>
    %dma_wait3A_86 = tpu.memref_squeeze %dma_wait3A_85 : memref<1x128xi32, #tpu.memory_space<vmem>> -> memref<128xi32, #tpu.memory_space<vmem>>
    %dma_wait3A_87 = arith.constant 0 : i32
    %dma_wait3A_88 = arith.constant 0 : i32
    %dma_wait3A_89 = tpu.memref_slice %arg2[%dma_wait3A_87, %dma_wait3A_88] : memref<10240x128xf32, #tpu.memory_space<hbm>> -> memref<10240x128xf32, #tpu.memory_space<hbm>>
    tpu.wait_indirect_dma semaphore(%arg13 : memref<!tpu.dma_semaphore, #tpu.memory_space<semaphore_mem>>) src(%dma_wait3A_89 : memref<10240x128xf32, #tpu.memory_space<hbm>>) dst(%arg10 : memref<128x128xf32, #tpu.memory_space<vmem>>)
    %run_scoped3A_90 = arith.constant 4 : i32
    "tpu.region"() ({
      %run_scoped3A_256 = tpu.sem_alloc : memref<!tpu.dma_semaphore, #tpu.memory_space<semaphore_mem>>
      %dma_start3A_257 = arith.constant 0 : i32
      %dma_start3A_258 = tpu.memref_slice %arg8[%run_scoped3A_90, %dma_start3A_257] : memref<8x128xi32, #tpu.memory_space<vmem>> -> memref<1x128xi32, #tpu.memory_space<vmem>>
      %dma_start3A_259 = tpu.memref_squeeze %dma_start3A_258 : memref<1x128xi32, #tpu.memory_space<vmem>> -> memref<128xi32, #tpu.memory_space<vmem>>
      %dma_start3A_260 = arith.constant 0 : i32
      %dma_start3A_261 = arith.constant 0 : i32
      %dma_start3A_262 = tpu.memref_slice %arg12[%dma_start3A_260, %dma_start3A_261] : memref<10240x128xf32, #tpu.memory_space<vmem_shared>> -> memref<10240x128xf32, #tpu.memory_space<vmem_shared>>
      tpu.enqueue_indirect_dma source(%arg10 : memref<128x128xf32, #tpu.memory_space<vmem>>) target(%dma_start3A_262 : memref<10240x128xf32, #tpu.memory_space<vmem_shared>>) offsets(%dma_start3A_259 : memref<128xi32, #tpu.memory_space<vmem>>) semaphore(%run_scoped3A_256 : memref<!tpu.dma_semaphore, #tpu.memory_space<semaphore_mem>>) {add = true}
      %dma_wait3A_263 = arith.constant 0 : i32
      %dma_wait3A_264 = tpu.memref_slice %arg8[%run_scoped3A_90, %dma_wait3A_263] : memref<8x128xi32, #tpu.memory_space<vmem>> -> memref<1x128xi32, #tpu.memory_space<vmem>>
      %dma_wait3A_265 = tpu.memref_squeeze %dma_wait3A_264 : memref<1x128xi32, #tpu.memory_space<vmem>> -> memref<128xi32, #tpu.memory_space<vmem>>
      %dma_wait3A_266 = arith.constant 0 : i32
      %dma_wait3A_267 = arith.constant 0 : i32
      %dma_wait3A_268 = tpu.memref_slice %arg12[%dma_wait3A_266, %dma_wait3A_267] : memref<10240x128xf32, #tpu.memory_space<vmem_shared>> -> memref<10240x128xf32, #tpu.memory_space<vmem_shared>>
      tpu.wait_indirect_dma semaphore(%run_scoped3A_256 : memref<!tpu.dma_semaphore, #tpu.memory_space<semaphore_mem>>) src(%arg10 : memref<128x128xf32, #tpu.memory_space<vmem>>) dst(%dma_wait3A_268 : memref<10240x128xf32, #tpu.memory_space<vmem_shared>>)
      tpu.yield
    }) : () -> ()
    %dma_start3A_91 = arith.constant 70 : i32
    %dma_start3A_92 = arith.constant 0 : i32
    %dma_start3A_93 = tpu.memref_slice %arg7[%dma_start3A_91, %dma_start3A_92] : memref<80x128xi32, #tpu.memory_space<vmem>> -> memref<1x128xi32, #tpu.memory_space<vmem>>
    %dma_start3A_94 = tpu.memref_squeeze %dma_start3A_93 : memref<1x128xi32, #tpu.memory_space<vmem>> -> memref<128xi32, #tpu.memory_space<vmem>>
    %dma_start3A_95 = arith.constant 0 : i32
    %dma_start3A_96 = arith.constant 0 : i32
    %dma_start3A_97 = tpu.memref_slice %arg2[%dma_start3A_95, %dma_start3A_96] : memref<10240x128xf32, #tpu.memory_space<hbm>> -> memref<10240x128xf32, #tpu.memory_space<hbm>>
    tpu.enqueue_indirect_dma source(%dma_start3A_97 : memref<10240x128xf32, #tpu.memory_space<hbm>>) target(%arg10 : memref<128x128xf32, #tpu.memory_space<vmem>>) offsets(%dma_start3A_94 : memref<128xi32, #tpu.memory_space<vmem>>) semaphore(%arg13 : memref<!tpu.dma_semaphore, #tpu.memory_space<semaphore_mem>>)
    %dma_wait3A_98 = arith.constant 0 : i32
    %dma_wait3A_99 = arith.constant 0 : i32
    %dma_wait3A_100 = tpu.memref_slice %arg7[%dma_wait3A_98, %dma_wait3A_99] : memref<80x128xi32, #tpu.memory_space<vmem>> -> memref<1x128xi32, #tpu.memory_space<vmem>>
    %dma_wait3A_101 = tpu.memref_squeeze %dma_wait3A_100 : memref<1x128xi32, #tpu.memory_space<vmem>> -> memref<128xi32, #tpu.memory_space<vmem>>
    %dma_wait3A_102 = arith.constant 0 : i32
    %dma_wait3A_103 = arith.constant 0 : i32
    %dma_wait3A_104 = tpu.memref_slice %arg2[%dma_wait3A_102, %dma_wait3A_103] : memref<10240x128xf32, #tpu.memory_space<hbm>> -> memref<10240x128xf32, #tpu.memory_space<hbm>>
    tpu.wait_indirect_dma semaphore(%arg14 : memref<!tpu.dma_semaphore, #tpu.memory_space<semaphore_mem>>) src(%dma_wait3A_104 : memref<10240x128xf32, #tpu.memory_space<hbm>>) dst(%arg11 : memref<128x128xf32, #tpu.memory_space<vmem>>)
    %run_scoped3A_105 = arith.constant 5 : i32
    "tpu.region"() ({
      %run_scoped3A_256 = tpu.sem_alloc : memref<!tpu.dma_semaphore, #tpu.memory_space<semaphore_mem>>
      %dma_start3A_257 = arith.constant 0 : i32
      %dma_start3A_258 = tpu.memref_slice %arg8[%run_scoped3A_105, %dma_start3A_257] : memref<8x128xi32, #tpu.memory_space<vmem>> -> memref<1x128xi32, #tpu.memory_space<vmem>>
      %dma_start3A_259 = tpu.memref_squeeze %dma_start3A_258 : memref<1x128xi32, #tpu.memory_space<vmem>> -> memref<128xi32, #tpu.memory_space<vmem>>
      %dma_start3A_260 = arith.constant 0 : i32
      %dma_start3A_261 = arith.constant 0 : i32
      %dma_start3A_262 = tpu.memref_slice %arg12[%dma_start3A_260, %dma_start3A_261] : memref<10240x128xf32, #tpu.memory_space<vmem_shared>> -> memref<10240x128xf32, #tpu.memory_space<vmem_shared>>
      tpu.enqueue_indirect_dma source(%arg11 : memref<128x128xf32, #tpu.memory_space<vmem>>) target(%dma_start3A_262 : memref<10240x128xf32, #tpu.memory_space<vmem_shared>>) offsets(%dma_start3A_259 : memref<128xi32, #tpu.memory_space<vmem>>) semaphore(%run_scoped3A_256 : memref<!tpu.dma_semaphore, #tpu.memory_space<semaphore_mem>>) {add = true}
      %dma_wait3A_263 = arith.constant 0 : i32
      %dma_wait3A_264 = tpu.memref_slice %arg8[%run_scoped3A_105, %dma_wait3A_263] : memref<8x128xi32, #tpu.memory_space<vmem>> -> memref<1x128xi32, #tpu.memory_space<vmem>>
      %dma_wait3A_265 = tpu.memref_squeeze %dma_wait3A_264 : memref<1x128xi32, #tpu.memory_space<vmem>> -> memref<128xi32, #tpu.memory_space<vmem>>
      %dma_wait3A_266 = arith.constant 0 : i32
      %dma_wait3A_267 = arith.constant 0 : i32
      %dma_wait3A_268 = tpu.memref_slice %arg12[%dma_wait3A_266, %dma_wait3A_267] : memref<10240x128xf32, #tpu.memory_space<vmem_shared>> -> memref<10240x128xf32, #tpu.memory_space<vmem_shared>>
      tpu.wait_indirect_dma semaphore(%run_scoped3A_256 : memref<!tpu.dma_semaphore, #tpu.memory_space<semaphore_mem>>) src(%arg11 : memref<128x128xf32, #tpu.memory_space<vmem>>) dst(%dma_wait3A_268 : memref<10240x128xf32, #tpu.memory_space<vmem_shared>>)
      tpu.yield
    }) : () -> ()
    %dma_start3A_106 = arith.constant 71 : i32
    %dma_start3A_107 = arith.constant 0 : i32
    %dma_start3A_108 = tpu.memref_slice %arg7[%dma_start3A_106, %dma_start3A_107] : memref<80x128xi32, #tpu.memory_space<vmem>> -> memref<1x128xi32, #tpu.memory_space<vmem>>
    %dma_start3A_109 = tpu.memref_squeeze %dma_start3A_108 : memref<1x128xi32, #tpu.memory_space<vmem>> -> memref<128xi32, #tpu.memory_space<vmem>>
    %dma_start3A_110 = arith.constant 0 : i32
    %dma_start3A_111 = arith.constant 0 : i32
    %dma_start3A_112 = tpu.memref_slice %arg2[%dma_start3A_110, %dma_start3A_111] : memref<10240x128xf32, #tpu.memory_space<hbm>> -> memref<10240x128xf32, #tpu.memory_space<hbm>>
    tpu.enqueue_indirect_dma source(%dma_start3A_112 : memref<10240x128xf32, #tpu.memory_space<hbm>>) target(%arg11 : memref<128x128xf32, #tpu.memory_space<vmem>>) offsets(%dma_start3A_109 : memref<128xi32, #tpu.memory_space<vmem>>) semaphore(%arg14 : memref<!tpu.dma_semaphore, #tpu.memory_space<semaphore_mem>>)
    %dma_wait3A_113 = arith.constant 0 : i32
    %dma_wait3A_114 = arith.constant 0 : i32
    %dma_wait3A_115 = tpu.memref_slice %arg7[%dma_wait3A_113, %dma_wait3A_114] : memref<80x128xi32, #tpu.memory_space<vmem>> -> memref<1x128xi32, #tpu.memory_space<vmem>>
    %dma_wait3A_116 = tpu.memref_squeeze %dma_wait3A_115 : memref<1x128xi32, #tpu.memory_space<vmem>> -> memref<128xi32, #tpu.memory_space<vmem>>
    %dma_wait3A_117 = arith.constant 0 : i32
    %dma_wait3A_118 = arith.constant 0 : i32
    %dma_wait3A_119 = tpu.memref_slice %arg2[%dma_wait3A_117, %dma_wait3A_118] : memref<10240x128xf32, #tpu.memory_space<hbm>> -> memref<10240x128xf32, #tpu.memory_space<hbm>>
    tpu.wait_indirect_dma semaphore(%arg13 : memref<!tpu.dma_semaphore, #tpu.memory_space<semaphore_mem>>) src(%dma_wait3A_119 : memref<10240x128xf32, #tpu.memory_space<hbm>>) dst(%arg10 : memref<128x128xf32, #tpu.memory_space<vmem>>)
    %run_scoped3A_120 = arith.constant 6 : i32
    "tpu.region"() ({
      %run_scoped3A_256 = tpu.sem_alloc : memref<!tpu.dma_semaphore, #tpu.memory_space<semaphore_mem>>
      %dma_start3A_257 = arith.constant 0 : i32
      %dma_start3A_258 = tpu.memref_slice %arg8[%run_scoped3A_120, %dma_start3A_257] : memref<8x128xi32, #tpu.memory_space<vmem>> -> memref<1x128xi32, #tpu.memory_space<vmem>>
      %dma_start3A_259 = tpu.memref_squeeze %dma_start3A_258 : memref<1x128xi32, #tpu.memory_space<vmem>> -> memref<128xi32, #tpu.memory_space<vmem>>
      %dma_start3A_260 = arith.constant 0 : i32
      %dma_start3A_261 = arith.constant 0 : i32
      %dma_start3A_262 = tpu.memref_slice %arg12[%dma_start3A_260, %dma_start3A_261] : memref<10240x128xf32, #tpu.memory_space<vmem_shared>> -> memref<10240x128xf32, #tpu.memory_space<vmem_shared>>
      tpu.enqueue_indirect_dma source(%arg10 : memref<128x128xf32, #tpu.memory_space<vmem>>) target(%dma_start3A_262 : memref<10240x128xf32, #tpu.memory_space<vmem_shared>>) offsets(%dma_start3A_259 : memref<128xi32, #tpu.memory_space<vmem>>) semaphore(%run_scoped3A_256 : memref<!tpu.dma_semaphore, #tpu.memory_space<semaphore_mem>>) {add = true}
      %dma_wait3A_263 = arith.constant 0 : i32
      %dma_wait3A_264 = tpu.memref_slice %arg8[%run_scoped3A_120, %dma_wait3A_263] : memref<8x128xi32, #tpu.memory_space<vmem>> -> memref<1x128xi32, #tpu.memory_space<vmem>>
      %dma_wait3A_265 = tpu.memref_squeeze %dma_wait3A_264 : memref<1x128xi32, #tpu.memory_space<vmem>> -> memref<128xi32, #tpu.memory_space<vmem>>
      %dma_wait3A_266 = arith.constant 0 : i32
      %dma_wait3A_267 = arith.constant 0 : i32
      %dma_wait3A_268 = tpu.memref_slice %arg12[%dma_wait3A_266, %dma_wait3A_267] : memref<10240x128xf32, #tpu.memory_space<vmem_shared>> -> memref<10240x128xf32, #tpu.memory_space<vmem_shared>>
      tpu.wait_indirect_dma semaphore(%run_scoped3A_256 : memref<!tpu.dma_semaphore, #tpu.memory_space<semaphore_mem>>) src(%arg10 : memref<128x128xf32, #tpu.memory_space<vmem>>) dst(%dma_wait3A_268 : memref<10240x128xf32, #tpu.memory_space<vmem_shared>>)
      tpu.yield
    }) : () -> ()
    %dma_start3A_121 = arith.constant 72 : i32
    %dma_start3A_122 = arith.constant 0 : i32
    %dma_start3A_123 = tpu.memref_slice %arg7[%dma_start3A_121, %dma_start3A_122] : memref<80x128xi32, #tpu.memory_space<vmem>> -> memref<1x128xi32, #tpu.memory_space<vmem>>
    %dma_start3A_124 = tpu.memref_squeeze %dma_start3A_123 : memref<1x128xi32, #tpu.memory_space<vmem>> -> memref<128xi32, #tpu.memory_space<vmem>>
    %dma_start3A_125 = arith.constant 0 : i32
    %dma_start3A_126 = arith.constant 0 : i32
    %dma_start3A_127 = tpu.memref_slice %arg2[%dma_start3A_125, %dma_start3A_126] : memref<10240x128xf32, #tpu.memory_space<hbm>> -> memref<10240x128xf32, #tpu.memory_space<hbm>>
    tpu.enqueue_indirect_dma source(%dma_start3A_127 : memref<10240x128xf32, #tpu.memory_space<hbm>>) target(%arg10 : memref<128x128xf32, #tpu.memory_space<vmem>>) offsets(%dma_start3A_124 : memref<128xi32, #tpu.memory_space<vmem>>) semaphore(%arg13 : memref<!tpu.dma_semaphore, #tpu.memory_space<semaphore_mem>>)
    %dma_wait3A_128 = arith.constant 0 : i32
    %dma_wait3A_129 = arith.constant 0 : i32
    %dma_wait3A_130 = tpu.memref_slice %arg7[%dma_wait3A_128, %dma_wait3A_129] : memref<80x128xi32, #tpu.memory_space<vmem>> -> memref<1x128xi32, #tpu.memory_space<vmem>>
    %dma_wait3A_131 = tpu.memref_squeeze %dma_wait3A_130 : memref<1x128xi32, #tpu.memory_space<vmem>> -> memref<128xi32, #tpu.memory_space<vmem>>
    %dma_wait3A_132 = arith.constant 0 : i32
    %dma_wait3A_133 = arith.constant 0 : i32
    %dma_wait3A_134 = tpu.memref_slice %arg2[%dma_wait3A_132, %dma_wait3A_133] : memref<10240x128xf32, #tpu.memory_space<hbm>> -> memref<10240x128xf32, #tpu.memory_space<hbm>>
    tpu.wait_indirect_dma semaphore(%arg14 : memref<!tpu.dma_semaphore, #tpu.memory_space<semaphore_mem>>) src(%dma_wait3A_134 : memref<10240x128xf32, #tpu.memory_space<hbm>>) dst(%arg11 : memref<128x128xf32, #tpu.memory_space<vmem>>)
    %run_scoped3A_135 = arith.constant 7 : i32
    "tpu.region"() ({
      %run_scoped3A_256 = tpu.sem_alloc : memref<!tpu.dma_semaphore, #tpu.memory_space<semaphore_mem>>
      %dma_start3A_257 = arith.constant 0 : i32
      %dma_start3A_258 = tpu.memref_slice %arg8[%run_scoped3A_135, %dma_start3A_257] : memref<8x128xi32, #tpu.memory_space<vmem>> -> memref<1x128xi32, #tpu.memory_space<vmem>>
      %dma_start3A_259 = tpu.memref_squeeze %dma_start3A_258 : memref<1x128xi32, #tpu.memory_space<vmem>> -> memref<128xi32, #tpu.memory_space<vmem>>
      %dma_start3A_260 = arith.constant 0 : i32
      %dma_start3A_261 = arith.constant 0 : i32
      %dma_start3A_262 = tpu.memref_slice %arg12[%dma_start3A_260, %dma_start3A_261] : memref<10240x128xf32, #tpu.memory_space<vmem_shared>> -> memref<10240x128xf32, #tpu.memory_space<vmem_shared>>
      tpu.enqueue_indirect_dma source(%arg11 : memref<128x128xf32, #tpu.memory_space<vmem>>) target(%dma_start3A_262 : memref<10240x128xf32, #tpu.memory_space<vmem_shared>>) offsets(%dma_start3A_259 : memref<128xi32, #tpu.memory_space<vmem>>) semaphore(%run_scoped3A_256 : memref<!tpu.dma_semaphore, #tpu.memory_space<semaphore_mem>>) {add = true}
      %dma_wait3A_263 = arith.constant 0 : i32
      %dma_wait3A_264 = tpu.memref_slice %arg8[%run_scoped3A_135, %dma_wait3A_263] : memref<8x128xi32, #tpu.memory_space<vmem>> -> memref<1x128xi32, #tpu.memory_space<vmem>>
      %dma_wait3A_265 = tpu.memref_squeeze %dma_wait3A_264 : memref<1x128xi32, #tpu.memory_space<vmem>> -> memref<128xi32, #tpu.memory_space<vmem>>
      %dma_wait3A_266 = arith.constant 0 : i32
      %dma_wait3A_267 = arith.constant 0 : i32
      %dma_wait3A_268 = tpu.memref_slice %arg12[%dma_wait3A_266, %dma_wait3A_267] : memref<10240x128xf32, #tpu.memory_space<vmem_shared>> -> memref<10240x128xf32, #tpu.memory_space<vmem_shared>>
      tpu.wait_indirect_dma semaphore(%run_scoped3A_256 : memref<!tpu.dma_semaphore, #tpu.memory_space<semaphore_mem>>) src(%arg11 : memref<128x128xf32, #tpu.memory_space<vmem>>) dst(%dma_wait3A_268 : memref<10240x128xf32, #tpu.memory_space<vmem_shared>>)
      tpu.yield
    }) : () -> ()
    %add3A_136 = arith.constant 72 : i32
    %add3A_137 = arith.addi %mul3A_4, %add3A_136 : i32
    "tpu.region"() ({
      %run_scoped3A_256 = tpu.sem_alloc : memref<!tpu.dma_semaphore, #tpu.memory_space<semaphore_mem>>
      %dma_start3A_257 = arith.constant 0 : i32
      %dma_start3A_258 = tpu.memref_slice %arg4[%add3A_137, %dma_start3A_257] : memref<2560x128xi32, #tpu.memory_space<hbm>> -> memref<8x128xi32, #tpu.memory_space<hbm>>
      %dma_start3A_259 = arith.constant 0 : i32
      %dma_start3A_260 = tpu.memref_slice %arg4[%add3A_137, %dma_start3A_259] : memref<2560x128xi32, #tpu.memory_space<hbm>> -> memref<8x128xi32, #tpu.memory_space<hbm>>
      tpu.enqueue_dma source(%dma_start3A_260 : memref<8x128xi32, #tpu.memory_space<hbm>>) target(%arg9 : memref<8x128xi32, #tpu.memory_space<vmem>>) target_semaphore(%run_scoped3A_256 : memref<!tpu.dma_semaphore, #tpu.memory_space<semaphore_mem>>)
      %dma_wait3A_261 = arith.constant 0 : i32
      %dma_wait3A_262 = tpu.memref_slice %arg4[%add3A_137, %dma_wait3A_261] : memref<2560x128xi32, #tpu.memory_space<hbm>> -> memref<8x128xi32, #tpu.memory_space<hbm>>
      %dma_wait3A_263 = arith.constant 0 : i32
      %dma_wait3A_264 = tpu.memref_slice %arg4[%add3A_137, %dma_wait3A_263] : memref<2560x128xi32, #tpu.memory_space<hbm>> -> memref<8x128xi32, #tpu.memory_space<hbm>>
      tpu.wait_dma2 semaphore(%run_scoped3A_256 : memref<!tpu.dma_semaphore, #tpu.memory_space<semaphore_mem>>) src(%dma_wait3A_264 : memref<8x128xi32, #tpu.memory_space<hbm>>) dst(%arg9 : memref<8x128xi32, #tpu.memory_space<vmem>>)
      tpu.yield
    }) : () -> ()
    %dma_start3A_138 = arith.constant 73 : i32
    %dma_start3A_139 = arith.constant 0 : i32
    %dma_start3A_140 = tpu.memref_slice %arg7[%dma_start3A_138, %dma_start3A_139] : memref<80x128xi32, #tpu.memory_space<vmem>> -> memref<1x128xi32, #tpu.memory_space<vmem>>
    %dma_start3A_141 = tpu.memref_squeeze %dma_start3A_140 : memref<1x128xi32, #tpu.memory_space<vmem>> -> memref<128xi32, #tpu.memory_space<vmem>>
    %dma_start3A_142 = arith.constant 0 : i32
    %dma_start3A_143 = arith.constant 0 : i32
    %dma_start3A_144 = tpu.memref_slice %arg2[%dma_start3A_142, %dma_start3A_143] : memref<10240x128xf32, #tpu.memory_space<hbm>> -> memref<10240x128xf32, #tpu.memory_space<hbm>>
    tpu.enqueue_indirect_dma source(%dma_start3A_144 : memref<10240x128xf32, #tpu.memory_space<hbm>>) target(%arg11 : memref<128x128xf32, #tpu.memory_space<vmem>>) offsets(%dma_start3A_141 : memref<128xi32, #tpu.memory_space<vmem>>) semaphore(%arg14 : memref<!tpu.dma_semaphore, #tpu.memory_space<semaphore_mem>>)
    %dma_wait3A_145 = arith.constant 0 : i32
    %dma_wait3A_146 = arith.constant 0 : i32
    %dma_wait3A_147 = tpu.memref_slice %arg7[%dma_wait3A_145, %dma_wait3A_146] : memref<80x128xi32, #tpu.memory_space<vmem>> -> memref<1x128xi32, #tpu.memory_space<vmem>>
    %dma_wait3A_148 = tpu.memref_squeeze %dma_wait3A_147 : memref<1x128xi32, #tpu.memory_space<vmem>> -> memref<128xi32, #tpu.memory_space<vmem>>
    %dma_wait3A_149 = arith.constant 0 : i32
    %dma_wait3A_150 = arith.constant 0 : i32
    %dma_wait3A_151 = tpu.memref_slice %arg2[%dma_wait3A_149, %dma_wait3A_150] : memref<10240x128xf32, #tpu.memory_space<hbm>> -> memref<10240x128xf32, #tpu.memory_space<hbm>>
    tpu.wait_indirect_dma semaphore(%arg13 : memref<!tpu.dma_semaphore, #tpu.memory_space<semaphore_mem>>) src(%dma_wait3A_151 : memref<10240x128xf32, #tpu.memory_space<hbm>>) dst(%arg10 : memref<128x128xf32, #tpu.memory_space<vmem>>)
    %run_scoped3A_152 = arith.constant 0 : i32
    "tpu.region"() ({
      %run_scoped3A_256 = tpu.sem_alloc : memref<!tpu.dma_semaphore, #tpu.memory_space<semaphore_mem>>
      %dma_start3A_257 = arith.constant 0 : i32
      %dma_start3A_258 = tpu.memref_slice %arg9[%run_scoped3A_152, %dma_start3A_257] : memref<8x128xi32, #tpu.memory_space<vmem>> -> memref<1x128xi32, #tpu.memory_space<vmem>>
      %dma_start3A_259 = tpu.memref_squeeze %dma_start3A_258 : memref<1x128xi32, #tpu.memory_space<vmem>> -> memref<128xi32, #tpu.memory_space<vmem>>
      %dma_start3A_260 = arith.constant 0 : i32
      %dma_start3A_261 = arith.constant 0 : i32
      %dma_start3A_262 = tpu.memref_slice %arg12[%dma_start3A_260, %dma_start3A_261] : memref<10240x128xf32, #tpu.memory_space<vmem_shared>> -> memref<10240x128xf32, #tpu.memory_space<vmem_shared>>
      tpu.enqueue_indirect_dma source(%arg10 : memref<128x128xf32, #tpu.memory_space<vmem>>) target(%dma_start3A_262 : memref<10240x128xf32, #tpu.memory_space<vmem_shared>>) offsets(%dma_start3A_259 : memref<128xi32, #tpu.memory_space<vmem>>) semaphore(%run_scoped3A_256 : memref<!tpu.dma_semaphore, #tpu.memory_space<semaphore_mem>>) {add = true}
      %dma_wait3A_263 = arith.constant 0 : i32
      %dma_wait3A_264 = tpu.memref_slice %arg9[%run_scoped3A_152, %dma_wait3A_263] : memref<8x128xi32, #tpu.memory_space<vmem>> -> memref<1x128xi32, #tpu.memory_space<vmem>>
      %dma_wait3A_265 = tpu.memref_squeeze %dma_wait3A_264 : memref<1x128xi32, #tpu.memory_space<vmem>> -> memref<128xi32, #tpu.memory_space<vmem>>
      %dma_wait3A_266 = arith.constant 0 : i32
      %dma_wait3A_267 = arith.constant 0 : i32
      %dma_wait3A_268 = tpu.memref_slice %arg12[%dma_wait3A_266, %dma_wait3A_267] : memref<10240x128xf32, #tpu.memory_space<vmem_shared>> -> memref<10240x128xf32, #tpu.memory_space<vmem_shared>>
      tpu.wait_indirect_dma semaphore(%run_scoped3A_256 : memref<!tpu.dma_semaphore, #tpu.memory_space<semaphore_mem>>) src(%arg10 : memref<128x128xf32, #tpu.memory_space<vmem>>) dst(%dma_wait3A_268 : memref<10240x128xf32, #tpu.memory_space<vmem_shared>>)
      tpu.yield
    }) : () -> ()
    %dma_start3A_153 = arith.constant 74 : i32
    %dma_start3A_154 = arith.constant 0 : i32
    %dma_start3A_155 = tpu.memref_slice %arg7[%dma_start3A_153, %dma_start3A_154] : memref<80x128xi32, #tpu.memory_space<vmem>> -> memref<1x128xi32, #tpu.memory_space<vmem>>
    %dma_start3A_156 = tpu.memref_squeeze %dma_start3A_155 : memref<1x128xi32, #tpu.memory_space<vmem>> -> memref<128xi32, #tpu.memory_space<vmem>>
    %dma_start3A_157 = arith.constant 0 : i32
    %dma_start3A_158 = arith.constant 0 : i32
    %dma_start3A_159 = tpu.memref_slice %arg2[%dma_start3A_157, %dma_start3A_158] : memref<10240x128xf32, #tpu.memory_space<hbm>> -> memref<10240x128xf32, #tpu.memory_space<hbm>>
    tpu.enqueue_indirect_dma source(%dma_start3A_159 : memref<10240x128xf32, #tpu.memory_space<hbm>>) target(%arg10 : memref<128x128xf32, #tpu.memory_space<vmem>>) offsets(%dma_start3A_156 : memref<128xi32, #tpu.memory_space<vmem>>) semaphore(%arg13 : memref<!tpu.dma_semaphore, #tpu.memory_space<semaphore_mem>>)
    %dma_wait3A_160 = arith.constant 0 : i32
    %dma_wait3A_161 = arith.constant 0 : i32
    %dma_wait3A_162 = tpu.memref_slice %arg7[%dma_wait3A_160, %dma_wait3A_161] : memref<80x128xi32, #tpu.memory_space<vmem>> -> memref<1x128xi32, #tpu.memory_space<vmem>>
    %dma_wait3A_163 = tpu.memref_squeeze %dma_wait3A_162 : memref<1x128xi32, #tpu.memory_space<vmem>> -> memref<128xi32, #tpu.memory_space<vmem>>
    %dma_wait3A_164 = arith.constant 0 : i32
    %dma_wait3A_165 = arith.constant 0 : i32
    %dma_wait3A_166 = tpu.memref_slice %arg2[%dma_wait3A_164, %dma_wait3A_165] : memref<10240x128xf32, #tpu.memory_space<hbm>> -> memref<10240x128xf32, #tpu.memory_space<hbm>>
    tpu.wait_indirect_dma semaphore(%arg14 : memref<!tpu.dma_semaphore, #tpu.memory_space<semaphore_mem>>) src(%dma_wait3A_166 : memref<10240x128xf32, #tpu.memory_space<hbm>>) dst(%arg11 : memref<128x128xf32, #tpu.memory_space<vmem>>)
    %run_scoped3A_167 = arith.constant 1 : i32
    "tpu.region"() ({
      %run_scoped3A_256 = tpu.sem_alloc : memref<!tpu.dma_semaphore, #tpu.memory_space<semaphore_mem>>
      %dma_start3A_257 = arith.constant 0 : i32
      %dma_start3A_258 = tpu.memref_slice %arg9[%run_scoped3A_167, %dma_start3A_257] : memref<8x128xi32, #tpu.memory_space<vmem>> -> memref<1x128xi32, #tpu.memory_space<vmem>>
      %dma_start3A_259 = tpu.memref_squeeze %dma_start3A_258 : memref<1x128xi32, #tpu.memory_space<vmem>> -> memref<128xi32, #tpu.memory_space<vmem>>
      %dma_start3A_260 = arith.constant 0 : i32
      %dma_start3A_261 = arith.constant 0 : i32
      %dma_start3A_262 = tpu.memref_slice %arg12[%dma_start3A_260, %dma_start3A_261] : memref<10240x128xf32, #tpu.memory_space<vmem_shared>> -> memref<10240x128xf32, #tpu.memory_space<vmem_shared>>
      tpu.enqueue_indirect_dma source(%arg11 : memref<128x128xf32, #tpu.memory_space<vmem>>) target(%dma_start3A_262 : memref<10240x128xf32, #tpu.memory_space<vmem_shared>>) offsets(%dma_start3A_259 : memref<128xi32, #tpu.memory_space<vmem>>) semaphore(%run_scoped3A_256 : memref<!tpu.dma_semaphore, #tpu.memory_space<semaphore_mem>>) {add = true}
      %dma_wait3A_263 = arith.constant 0 : i32
      %dma_wait3A_264 = tpu.memref_slice %arg9[%run_scoped3A_167, %dma_wait3A_263] : memref<8x128xi32, #tpu.memory_space<vmem>> -> memref<1x128xi32, #tpu.memory_space<vmem>>
      %dma_wait3A_265 = tpu.memref_squeeze %dma_wait3A_264 : memref<1x128xi32, #tpu.memory_space<vmem>> -> memref<128xi32, #tpu.memory_space<vmem>>
      %dma_wait3A_266 = arith.constant 0 : i32
      %dma_wait3A_267 = arith.constant 0 : i32
      %dma_wait3A_268 = tpu.memref_slice %arg12[%dma_wait3A_266, %dma_wait3A_267] : memref<10240x128xf32, #tpu.memory_space<vmem_shared>> -> memref<10240x128xf32, #tpu.memory_space<vmem_shared>>
      tpu.wait_indirect_dma semaphore(%run_scoped3A_256 : memref<!tpu.dma_semaphore, #tpu.memory_space<semaphore_mem>>) src(%arg11 : memref<128x128xf32, #tpu.memory_space<vmem>>) dst(%dma_wait3A_268 : memref<10240x128xf32, #tpu.memory_space<vmem_shared>>)
      tpu.yield
    }) : () -> ()
    %dma_start3A_168 = arith.constant 75 : i32
    %dma_start3A_169 = arith.constant 0 : i32
    %dma_start3A_170 = tpu.memref_slice %arg7[%dma_start3A_168, %dma_start3A_169] : memref<80x128xi32, #tpu.memory_space<vmem>> -> memref<1x128xi32, #tpu.memory_space<vmem>>
    %dma_start3A_171 = tpu.memref_squeeze %dma_start3A_170 : memref<1x128xi32, #tpu.memory_space<vmem>> -> memref<128xi32, #tpu.memory_space<vmem>>
    %dma_start3A_172 = arith.constant 0 : i32
    %dma_start3A_173 = arith.constant 0 : i32
    %dma_start3A_174 = tpu.memref_slice %arg2[%dma_start3A_172, %dma_start3A_173] : memref<10240x128xf32, #tpu.memory_space<hbm>> -> memref<10240x128xf32, #tpu.memory_space<hbm>>
    tpu.enqueue_indirect_dma source(%dma_start3A_174 : memref<10240x128xf32, #tpu.memory_space<hbm>>) target(%arg11 : memref<128x128xf32, #tpu.memory_space<vmem>>) offsets(%dma_start3A_171 : memref<128xi32, #tpu.memory_space<vmem>>) semaphore(%arg14 : memref<!tpu.dma_semaphore, #tpu.memory_space<semaphore_mem>>)
    %dma_wait3A_175 = arith.constant 0 : i32
    %dma_wait3A_176 = arith.constant 0 : i32
    %dma_wait3A_177 = tpu.memref_slice %arg7[%dma_wait3A_175, %dma_wait3A_176] : memref<80x128xi32, #tpu.memory_space<vmem>> -> memref<1x128xi32, #tpu.memory_space<vmem>>
    %dma_wait3A_178 = tpu.memref_squeeze %dma_wait3A_177 : memref<1x128xi32, #tpu.memory_space<vmem>> -> memref<128xi32, #tpu.memory_space<vmem>>
    %dma_wait3A_179 = arith.constant 0 : i32
    %dma_wait3A_180 = arith.constant 0 : i32
    %dma_wait3A_181 = tpu.memref_slice %arg2[%dma_wait3A_179, %dma_wait3A_180] : memref<10240x128xf32, #tpu.memory_space<hbm>> -> memref<10240x128xf32, #tpu.memory_space<hbm>>
    tpu.wait_indirect_dma semaphore(%arg13 : memref<!tpu.dma_semaphore, #tpu.memory_space<semaphore_mem>>) src(%dma_wait3A_181 : memref<10240x128xf32, #tpu.memory_space<hbm>>) dst(%arg10 : memref<128x128xf32, #tpu.memory_space<vmem>>)
    %run_scoped3A_182 = arith.constant 2 : i32
    "tpu.region"() ({
      %run_scoped3A_256 = tpu.sem_alloc : memref<!tpu.dma_semaphore, #tpu.memory_space<semaphore_mem>>
      %dma_start3A_257 = arith.constant 0 : i32
      %dma_start3A_258 = tpu.memref_slice %arg9[%run_scoped3A_182, %dma_start3A_257] : memref<8x128xi32, #tpu.memory_space<vmem>> -> memref<1x128xi32, #tpu.memory_space<vmem>>
      %dma_start3A_259 = tpu.memref_squeeze %dma_start3A_258 : memref<1x128xi32, #tpu.memory_space<vmem>> -> memref<128xi32, #tpu.memory_space<vmem>>
      %dma_start3A_260 = arith.constant 0 : i32
      %dma_start3A_261 = arith.constant 0 : i32
      %dma_start3A_262 = tpu.memref_slice %arg12[%dma_start3A_260, %dma_start3A_261] : memref<10240x128xf32, #tpu.memory_space<vmem_shared>> -> memref<10240x128xf32, #tpu.memory_space<vmem_shared>>
      tpu.enqueue_indirect_dma source(%arg10 : memref<128x128xf32, #tpu.memory_space<vmem>>) target(%dma_start3A_262 : memref<10240x128xf32, #tpu.memory_space<vmem_shared>>) offsets(%dma_start3A_259 : memref<128xi32, #tpu.memory_space<vmem>>) semaphore(%run_scoped3A_256 : memref<!tpu.dma_semaphore, #tpu.memory_space<semaphore_mem>>) {add = true}
      %dma_wait3A_263 = arith.constant 0 : i32
      %dma_wait3A_264 = tpu.memref_slice %arg9[%run_scoped3A_182, %dma_wait3A_263] : memref<8x128xi32, #tpu.memory_space<vmem>> -> memref<1x128xi32, #tpu.memory_space<vmem>>
      %dma_wait3A_265 = tpu.memref_squeeze %dma_wait3A_264 : memref<1x128xi32, #tpu.memory_space<vmem>> -> memref<128xi32, #tpu.memory_space<vmem>>
      %dma_wait3A_266 = arith.constant 0 : i32
      %dma_wait3A_267 = arith.constant 0 : i32
      %dma_wait3A_268 = tpu.memref_slice %arg12[%dma_wait3A_266, %dma_wait3A_267] : memref<10240x128xf32, #tpu.memory_space<vmem_shared>> -> memref<10240x128xf32, #tpu.memory_space<vmem_shared>>
      tpu.wait_indirect_dma semaphore(%run_scoped3A_256 : memref<!tpu.dma_semaphore, #tpu.memory_space<semaphore_mem>>) src(%arg10 : memref<128x128xf32, #tpu.memory_space<vmem>>) dst(%dma_wait3A_268 : memref<10240x128xf32, #tpu.memory_space<vmem_shared>>)
      tpu.yield
    }) : () -> ()
    %dma_start3A_183 = arith.constant 76 : i32
    %dma_start3A_184 = arith.constant 0 : i32
    %dma_start3A_185 = tpu.memref_slice %arg7[%dma_start3A_183, %dma_start3A_184] : memref<80x128xi32, #tpu.memory_space<vmem>> -> memref<1x128xi32, #tpu.memory_space<vmem>>
    %dma_start3A_186 = tpu.memref_squeeze %dma_start3A_185 : memref<1x128xi32, #tpu.memory_space<vmem>> -> memref<128xi32, #tpu.memory_space<vmem>>
    %dma_start3A_187 = arith.constant 0 : i32
    %dma_start3A_188 = arith.constant 0 : i32
    %dma_start3A_189 = tpu.memref_slice %arg2[%dma_start3A_187, %dma_start3A_188] : memref<10240x128xf32, #tpu.memory_space<hbm>> -> memref<10240x128xf32, #tpu.memory_space<hbm>>
    tpu.enqueue_indirect_dma source(%dma_start3A_189 : memref<10240x128xf32, #tpu.memory_space<hbm>>) target(%arg10 : memref<128x128xf32, #tpu.memory_space<vmem>>) offsets(%dma_start3A_186 : memref<128xi32, #tpu.memory_space<vmem>>) semaphore(%arg13 : memref<!tpu.dma_semaphore, #tpu.memory_space<semaphore_mem>>)
    %dma_wait3A_190 = arith.constant 0 : i32
    %dma_wait3A_191 = arith.constant 0 : i32
    %dma_wait3A_192 = tpu.memref_slice %arg7[%dma_wait3A_190, %dma_wait3A_191] : memref<80x128xi32, #tpu.memory_space<vmem>> -> memref<1x128xi32, #tpu.memory_space<vmem>>
    %dma_wait3A_193 = tpu.memref_squeeze %dma_wait3A_192 : memref<1x128xi32, #tpu.memory_space<vmem>> -> memref<128xi32, #tpu.memory_space<vmem>>
    %dma_wait3A_194 = arith.constant 0 : i32
    %dma_wait3A_195 = arith.constant 0 : i32
    %dma_wait3A_196 = tpu.memref_slice %arg2[%dma_wait3A_194, %dma_wait3A_195] : memref<10240x128xf32, #tpu.memory_space<hbm>> -> memref<10240x128xf32, #tpu.memory_space<hbm>>
    tpu.wait_indirect_dma semaphore(%arg14 : memref<!tpu.dma_semaphore, #tpu.memory_space<semaphore_mem>>) src(%dma_wait3A_196 : memref<10240x128xf32, #tpu.memory_space<hbm>>) dst(%arg11 : memref<128x128xf32, #tpu.memory_space<vmem>>)
    %run_scoped3A_197 = arith.constant 3 : i32
    "tpu.region"() ({
      %run_scoped3A_256 = tpu.sem_alloc : memref<!tpu.dma_semaphore, #tpu.memory_space<semaphore_mem>>
      %dma_start3A_257 = arith.constant 0 : i32
      %dma_start3A_258 = tpu.memref_slice %arg9[%run_scoped3A_197, %dma_start3A_257] : memref<8x128xi32, #tpu.memory_space<vmem>> -> memref<1x128xi32, #tpu.memory_space<vmem>>
      %dma_start3A_259 = tpu.memref_squeeze %dma_start3A_258 : memref<1x128xi32, #tpu.memory_space<vmem>> -> memref<128xi32, #tpu.memory_space<vmem>>
      %dma_start3A_260 = arith.constant 0 : i32
      %dma_start3A_261 = arith.constant 0 : i32
      %dma_start3A_262 = tpu.memref_slice %arg12[%dma_start3A_260, %dma_start3A_261] : memref<10240x128xf32, #tpu.memory_space<vmem_shared>> -> memref<10240x128xf32, #tpu.memory_space<vmem_shared>>
      tpu.enqueue_indirect_dma source(%arg11 : memref<128x128xf32, #tpu.memory_space<vmem>>) target(%dma_start3A_262 : memref<10240x128xf32, #tpu.memory_space<vmem_shared>>) offsets(%dma_start3A_259 : memref<128xi32, #tpu.memory_space<vmem>>) semaphore(%run_scoped3A_256 : memref<!tpu.dma_semaphore, #tpu.memory_space<semaphore_mem>>) {add = true}
      %dma_wait3A_263 = arith.constant 0 : i32
      %dma_wait3A_264 = tpu.memref_slice %arg9[%run_scoped3A_197, %dma_wait3A_263] : memref<8x128xi32, #tpu.memory_space<vmem>> -> memref<1x128xi32, #tpu.memory_space<vmem>>
      %dma_wait3A_265 = tpu.memref_squeeze %dma_wait3A_264 : memref<1x128xi32, #tpu.memory_space<vmem>> -> memref<128xi32, #tpu.memory_space<vmem>>
      %dma_wait3A_266 = arith.constant 0 : i32
      %dma_wait3A_267 = arith.constant 0 : i32
      %dma_wait3A_268 = tpu.memref_slice %arg12[%dma_wait3A_266, %dma_wait3A_267] : memref<10240x128xf32, #tpu.memory_space<vmem_shared>> -> memref<10240x128xf32, #tpu.memory_space<vmem_shared>>
      tpu.wait_indirect_dma semaphore(%run_scoped3A_256 : memref<!tpu.dma_semaphore, #tpu.memory_space<semaphore_mem>>) src(%arg11 : memref<128x128xf32, #tpu.memory_space<vmem>>) dst(%dma_wait3A_268 : memref<10240x128xf32, #tpu.memory_space<vmem_shared>>)
      tpu.yield
    }) : () -> ()
    %dma_start3A_198 = arith.constant 77 : i32
    %dma_start3A_199 = arith.constant 0 : i32
    %dma_start3A_200 = tpu.memref_slice %arg7[%dma_start3A_198, %dma_start3A_199] : memref<80x128xi32, #tpu.memory_space<vmem>> -> memref<1x128xi32, #tpu.memory_space<vmem>>
    %dma_start3A_201 = tpu.memref_squeeze %dma_start3A_200 : memref<1x128xi32, #tpu.memory_space<vmem>> -> memref<128xi32, #tpu.memory_space<vmem>>
    %dma_start3A_202 = arith.constant 0 : i32
    %dma_start3A_203 = arith.constant 0 : i32
    %dma_start3A_204 = tpu.memref_slice %arg2[%dma_start3A_202, %dma_start3A_203] : memref<10240x128xf32, #tpu.memory_space<hbm>> -> memref<10240x128xf32, #tpu.memory_space<hbm>>
    tpu.enqueue_indirect_dma source(%dma_start3A_204 : memref<10240x128xf32, #tpu.memory_space<hbm>>) target(%arg11 : memref<128x128xf32, #tpu.memory_space<vmem>>) offsets(%dma_start3A_201 : memref<128xi32, #tpu.memory_space<vmem>>) semaphore(%arg14 : memref<!tpu.dma_semaphore, #tpu.memory_space<semaphore_mem>>)
    %dma_wait3A_205 = arith.constant 0 : i32
    %dma_wait3A_206 = arith.constant 0 : i32
    %dma_wait3A_207 = tpu.memref_slice %arg7[%dma_wait3A_205, %dma_wait3A_206] : memref<80x128xi32, #tpu.memory_space<vmem>> -> memref<1x128xi32, #tpu.memory_space<vmem>>
    %dma_wait3A_208 = tpu.memref_squeeze %dma_wait3A_207 : memref<1x128xi32, #tpu.memory_space<vmem>> -> memref<128xi32, #tpu.memory_space<vmem>>
    %dma_wait3A_209 = arith.constant 0 : i32
    %dma_wait3A_210 = arith.constant 0 : i32
    %dma_wait3A_211 = tpu.memref_slice %arg2[%dma_wait3A_209, %dma_wait3A_210] : memref<10240x128xf32, #tpu.memory_space<hbm>> -> memref<10240x128xf32, #tpu.memory_space<hbm>>
    tpu.wait_indirect_dma semaphore(%arg13 : memref<!tpu.dma_semaphore, #tpu.memory_space<semaphore_mem>>) src(%dma_wait3A_211 : memref<10240x128xf32, #tpu.memory_space<hbm>>) dst(%arg10 : memref<128x128xf32, #tpu.memory_space<vmem>>)
    %run_scoped3A_212 = arith.constant 4 : i32
    "tpu.region"() ({
      %run_scoped3A_256 = tpu.sem_alloc : memref<!tpu.dma_semaphore, #tpu.memory_space<semaphore_mem>>
      %dma_start3A_257 = arith.constant 0 : i32
      %dma_start3A_258 = tpu.memref_slice %arg9[%run_scoped3A_212, %dma_start3A_257] : memref<8x128xi32, #tpu.memory_space<vmem>> -> memref<1x128xi32, #tpu.memory_space<vmem>>
      %dma_start3A_259 = tpu.memref_squeeze %dma_start3A_258 : memref<1x128xi32, #tpu.memory_space<vmem>> -> memref<128xi32, #tpu.memory_space<vmem>>
      %dma_start3A_260 = arith.constant 0 : i32
      %dma_start3A_261 = arith.constant 0 : i32
      %dma_start3A_262 = tpu.memref_slice %arg12[%dma_start3A_260, %dma_start3A_261] : memref<10240x128xf32, #tpu.memory_space<vmem_shared>> -> memref<10240x128xf32, #tpu.memory_space<vmem_shared>>
      tpu.enqueue_indirect_dma source(%arg10 : memref<128x128xf32, #tpu.memory_space<vmem>>) target(%dma_start3A_262 : memref<10240x128xf32, #tpu.memory_space<vmem_shared>>) offsets(%dma_start3A_259 : memref<128xi32, #tpu.memory_space<vmem>>) semaphore(%run_scoped3A_256 : memref<!tpu.dma_semaphore, #tpu.memory_space<semaphore_mem>>) {add = true}
      %dma_wait3A_263 = arith.constant 0 : i32
      %dma_wait3A_264 = tpu.memref_slice %arg9[%run_scoped3A_212, %dma_wait3A_263] : memref<8x128xi32, #tpu.memory_space<vmem>> -> memref<1x128xi32, #tpu.memory_space<vmem>>
      %dma_wait3A_265 = tpu.memref_squeeze %dma_wait3A_264 : memref<1x128xi32, #tpu.memory_space<vmem>> -> memref<128xi32, #tpu.memory_space<vmem>>
      %dma_wait3A_266 = arith.constant 0 : i32
      %dma_wait3A_267 = arith.constant 0 : i32
      %dma_wait3A_268 = tpu.memref_slice %arg12[%dma_wait3A_266, %dma_wait3A_267] : memref<10240x128xf32, #tpu.memory_space<vmem_shared>> -> memref<10240x128xf32, #tpu.memory_space<vmem_shared>>
      tpu.wait_indirect_dma semaphore(%run_scoped3A_256 : memref<!tpu.dma_semaphore, #tpu.memory_space<semaphore_mem>>) src(%arg10 : memref<128x128xf32, #tpu.memory_space<vmem>>) dst(%dma_wait3A_268 : memref<10240x128xf32, #tpu.memory_space<vmem_shared>>)
      tpu.yield
    }) : () -> ()
    %dma_start3A_213 = arith.constant 78 : i32
    %dma_start3A_214 = arith.constant 0 : i32
    %dma_start3A_215 = tpu.memref_slice %arg7[%dma_start3A_213, %dma_start3A_214] : memref<80x128xi32, #tpu.memory_space<vmem>> -> memref<1x128xi32, #tpu.memory_space<vmem>>
    %dma_start3A_216 = tpu.memref_squeeze %dma_start3A_215 : memref<1x128xi32, #tpu.memory_space<vmem>> -> memref<128xi32, #tpu.memory_space<vmem>>
    %dma_start3A_217 = arith.constant 0 : i32
    %dma_start3A_218 = arith.constant 0 : i32
    %dma_start3A_219 = tpu.memref_slice %arg2[%dma_start3A_217, %dma_start3A_218] : memref<10240x128xf32, #tpu.memory_space<hbm>> -> memref<10240x128xf32, #tpu.memory_space<hbm>>
    tpu.enqueue_indirect_dma source(%dma_start3A_219 : memref<10240x128xf32, #tpu.memory_space<hbm>>) target(%arg10 : memref<128x128xf32, #tpu.memory_space<vmem>>) offsets(%dma_start3A_216 : memref<128xi32, #tpu.memory_space<vmem>>) semaphore(%arg13 : memref<!tpu.dma_semaphore, #tpu.memory_space<semaphore_mem>>)
    %dma_wait3A_220 = arith.constant 0 : i32
    %dma_wait3A_221 = arith.constant 0 : i32
    %dma_wait3A_222 = tpu.memref_slice %arg7[%dma_wait3A_220, %dma_wait3A_221] : memref<80x128xi32, #tpu.memory_space<vmem>> -> memref<1x128xi32, #tpu.memory_space<vmem>>
    %dma_wait3A_223 = tpu.memref_squeeze %dma_wait3A_222 : memref<1x128xi32, #tpu.memory_space<vmem>> -> memref<128xi32, #tpu.memory_space<vmem>>
    %dma_wait3A_224 = arith.constant 0 : i32
    %dma_wait3A_225 = arith.constant 0 : i32
    %dma_wait3A_226 = tpu.memref_slice %arg2[%dma_wait3A_224, %dma_wait3A_225] : memref<10240x128xf32, #tpu.memory_space<hbm>> -> memref<10240x128xf32, #tpu.memory_space<hbm>>
    tpu.wait_indirect_dma semaphore(%arg14 : memref<!tpu.dma_semaphore, #tpu.memory_space<semaphore_mem>>) src(%dma_wait3A_226 : memref<10240x128xf32, #tpu.memory_space<hbm>>) dst(%arg11 : memref<128x128xf32, #tpu.memory_space<vmem>>)
    %run_scoped3A_227 = arith.constant 5 : i32
    "tpu.region"() ({
      %run_scoped3A_256 = tpu.sem_alloc : memref<!tpu.dma_semaphore, #tpu.memory_space<semaphore_mem>>
      %dma_start3A_257 = arith.constant 0 : i32
      %dma_start3A_258 = tpu.memref_slice %arg9[%run_scoped3A_227, %dma_start3A_257] : memref<8x128xi32, #tpu.memory_space<vmem>> -> memref<1x128xi32, #tpu.memory_space<vmem>>
      %dma_start3A_259 = tpu.memref_squeeze %dma_start3A_258 : memref<1x128xi32, #tpu.memory_space<vmem>> -> memref<128xi32, #tpu.memory_space<vmem>>
      %dma_start3A_260 = arith.constant 0 : i32
      %dma_start3A_261 = arith.constant 0 : i32
      %dma_start3A_262 = tpu.memref_slice %arg12[%dma_start3A_260, %dma_start3A_261] : memref<10240x128xf32, #tpu.memory_space<vmem_shared>> -> memref<10240x128xf32, #tpu.memory_space<vmem_shared>>
      tpu.enqueue_indirect_dma source(%arg11 : memref<128x128xf32, #tpu.memory_space<vmem>>) target(%dma_start3A_262 : memref<10240x128xf32, #tpu.memory_space<vmem_shared>>) offsets(%dma_start3A_259 : memref<128xi32, #tpu.memory_space<vmem>>) semaphore(%run_scoped3A_256 : memref<!tpu.dma_semaphore, #tpu.memory_space<semaphore_mem>>) {add = true}
      %dma_wait3A_263 = arith.constant 0 : i32
      %dma_wait3A_264 = tpu.memref_slice %arg9[%run_scoped3A_227, %dma_wait3A_263] : memref<8x128xi32, #tpu.memory_space<vmem>> -> memref<1x128xi32, #tpu.memory_space<vmem>>
      %dma_wait3A_265 = tpu.memref_squeeze %dma_wait3A_264 : memref<1x128xi32, #tpu.memory_space<vmem>> -> memref<128xi32, #tpu.memory_space<vmem>>
      %dma_wait3A_266 = arith.constant 0 : i32
      %dma_wait3A_267 = arith.constant 0 : i32
      %dma_wait3A_268 = tpu.memref_slice %arg12[%dma_wait3A_266, %dma_wait3A_267] : memref<10240x128xf32, #tpu.memory_space<vmem_shared>> -> memref<10240x128xf32, #tpu.memory_space<vmem_shared>>
      tpu.wait_indirect_dma semaphore(%run_scoped3A_256 : memref<!tpu.dma_semaphore, #tpu.memory_space<semaphore_mem>>) src(%arg11 : memref<128x128xf32, #tpu.memory_space<vmem>>) dst(%dma_wait3A_268 : memref<10240x128xf32, #tpu.memory_space<vmem_shared>>)
      tpu.yield
    }) : () -> ()
    %dma_start3A_228 = arith.constant 79 : i32
    %dma_start3A_229 = arith.constant 0 : i32
    %dma_start3A_230 = tpu.memref_slice %arg7[%dma_start3A_228, %dma_start3A_229] : memref<80x128xi32, #tpu.memory_space<vmem>> -> memref<1x128xi32, #tpu.memory_space<vmem>>
    %dma_start3A_231 = tpu.memref_squeeze %dma_start3A_230 : memref<1x128xi32, #tpu.memory_space<vmem>> -> memref<128xi32, #tpu.memory_space<vmem>>
    %dma_start3A_232 = arith.constant 0 : i32
    %dma_start3A_233 = arith.constant 0 : i32
    %dma_start3A_234 = tpu.memref_slice %arg2[%dma_start3A_232, %dma_start3A_233] : memref<10240x128xf32, #tpu.memory_space<hbm>> -> memref<10240x128xf32, #tpu.memory_space<hbm>>
    tpu.enqueue_indirect_dma source(%dma_start3A_234 : memref<10240x128xf32, #tpu.memory_space<hbm>>) target(%arg11 : memref<128x128xf32, #tpu.memory_space<vmem>>) offsets(%dma_start3A_231 : memref<128xi32, #tpu.memory_space<vmem>>) semaphore(%arg14 : memref<!tpu.dma_semaphore, #tpu.memory_space<semaphore_mem>>)
    %dma_wait3A_235 = arith.constant 0 : i32
    %dma_wait3A_236 = arith.constant 0 : i32
    %dma_wait3A_237 = tpu.memref_slice %arg7[%dma_wait3A_235, %dma_wait3A_236] : memref<80x128xi32, #tpu.memory_space<vmem>> -> memref<1x128xi32, #tpu.memory_space<vmem>>
    %dma_wait3A_238 = tpu.memref_squeeze %dma_wait3A_237 : memref<1x128xi32, #tpu.memory_space<vmem>> -> memref<128xi32, #tpu.memory_space<vmem>>
    %dma_wait3A_239 = arith.constant 0 : i32
    %dma_wait3A_240 = arith.constant 0 : i32
    %dma_wait3A_241 = tpu.memref_slice %arg2[%dma_wait3A_239, %dma_wait3A_240] : memref<10240x128xf32, #tpu.memory_space<hbm>> -> memref<10240x128xf32, #tpu.memory_space<hbm>>
    tpu.wait_indirect_dma semaphore(%arg13 : memref<!tpu.dma_semaphore, #tpu.memory_space<semaphore_mem>>) src(%dma_wait3A_241 : memref<10240x128xf32, #tpu.memory_space<hbm>>) dst(%arg10 : memref<128x128xf32, #tpu.memory_space<vmem>>)
    %run_scoped3A_242 = arith.constant 6 : i32
    "tpu.region"() ({
      %run_scoped3A_256 = tpu.sem_alloc : memref<!tpu.dma_semaphore, #tpu.memory_space<semaphore_mem>>
      %dma_start3A_257 = arith.constant 0 : i32
      %dma_start3A_258 = tpu.memref_slice %arg9[%run_scoped3A_242, %dma_start3A_257] : memref<8x128xi32, #tpu.memory_space<vmem>> -> memref<1x128xi32, #tpu.memory_space<vmem>>
      %dma_start3A_259 = tpu.memref_squeeze %dma_start3A_258 : memref<1x128xi32, #tpu.memory_space<vmem>> -> memref<128xi32, #tpu.memory_space<vmem>>
      %dma_start3A_260 = arith.constant 0 : i32
      %dma_start3A_261 = arith.constant 0 : i32
      %dma_start3A_262 = tpu.memref_slice %arg12[%dma_start3A_260, %dma_start3A_261] : memref<10240x128xf32, #tpu.memory_space<vmem_shared>> -> memref<10240x128xf32, #tpu.memory_space<vmem_shared>>
      tpu.enqueue_indirect_dma source(%arg10 : memref<128x128xf32, #tpu.memory_space<vmem>>) target(%dma_start3A_262 : memref<10240x128xf32, #tpu.memory_space<vmem_shared>>) offsets(%dma_start3A_259 : memref<128xi32, #tpu.memory_space<vmem>>) semaphore(%run_scoped3A_256 : memref<!tpu.dma_semaphore, #tpu.memory_space<semaphore_mem>>) {add = true}
      %dma_wait3A_263 = arith.constant 0 : i32
      %dma_wait3A_264 = tpu.memref_slice %arg9[%run_scoped3A_242, %dma_wait3A_263] : memref<8x128xi32, #tpu.memory_space<vmem>> -> memref<1x128xi32, #tpu.memory_space<vmem>>
      %dma_wait3A_265 = tpu.memref_squeeze %dma_wait3A_264 : memref<1x128xi32, #tpu.memory_space<vmem>> -> memref<128xi32, #tpu.memory_space<vmem>>
      %dma_wait3A_266 = arith.constant 0 : i32
      %dma_wait3A_267 = arith.constant 0 : i32
      %dma_wait3A_268 = tpu.memref_slice %arg12[%dma_wait3A_266, %dma_wait3A_267] : memref<10240x128xf32, #tpu.memory_space<vmem_shared>> -> memref<10240x128xf32, #tpu.memory_space<vmem_shared>>
      tpu.wait_indirect_dma semaphore(%run_scoped3A_256 : memref<!tpu.dma_semaphore, #tpu.memory_space<semaphore_mem>>) src(%arg10 : memref<128x128xf32, #tpu.memory_space<vmem>>) dst(%dma_wait3A_268 : memref<10240x128xf32, #tpu.memory_space<vmem_shared>>)
      tpu.yield
    }) : () -> ()
    %dma_wait3A_243 = arith.constant 0 : i32
    %dma_wait3A_244 = arith.constant 0 : i32
    %dma_wait3A_245 = tpu.memref_slice %arg7[%dma_wait3A_243, %dma_wait3A_244] : memref<80x128xi32, #tpu.memory_space<vmem>> -> memref<1x128xi32, #tpu.memory_space<vmem>>
    %dma_wait3A_246 = tpu.memref_squeeze %dma_wait3A_245 : memref<1x128xi32, #tpu.memory_space<vmem>> -> memref<128xi32, #tpu.memory_space<vmem>>
    %dma_wait3A_247 = arith.constant 0 : i32
    %dma_wait3A_248 = arith.constant 0 : i32
    %dma_wait3A_249 = tpu.memref_slice %arg2[%dma_wait3A_247, %dma_wait3A_248] : memref<10240x128xf32, #tpu.memory_space<hbm>> -> memref<10240x128xf32, #tpu.memory_space<hbm>>
    tpu.wait_indirect_dma semaphore(%arg14 : memref<!tpu.dma_semaphore, #tpu.memory_space<semaphore_mem>>) src(%dma_wait3A_249 : memref<10240x128xf32, #tpu.memory_space<hbm>>) dst(%arg11 : memref<128x128xf32, #tpu.memory_space<vmem>>)
    %run_scoped3A_250 = arith.constant 7 : i32
    "tpu.region"() ({
      %run_scoped3A_256 = tpu.sem_alloc : memref<!tpu.dma_semaphore, #tpu.memory_space<semaphore_mem>>
      %dma_start3A_257 = arith.constant 0 : i32
      %dma_start3A_258 = tpu.memref_slice %arg9[%run_scoped3A_250, %dma_start3A_257] : memref<8x128xi32, #tpu.memory_space<vmem>> -> memref<1x128xi32, #tpu.memory_space<vmem>>
      %dma_start3A_259 = tpu.memref_squeeze %dma_start3A_258 : memref<1x128xi32, #tpu.memory_space<vmem>> -> memref<128xi32, #tpu.memory_space<vmem>>
      %dma_start3A_260 = arith.constant 0 : i32
      %dma_start3A_261 = arith.constant 0 : i32
      %dma_start3A_262 = tpu.memref_slice %arg12[%dma_start3A_260, %dma_start3A_261] : memref<10240x128xf32, #tpu.memory_space<vmem_shared>> -> memref<10240x128xf32, #tpu.memory_space<vmem_shared>>
      tpu.enqueue_indirect_dma source(%arg11 : memref<128x128xf32, #tpu.memory_space<vmem>>) target(%dma_start3A_262 : memref<10240x128xf32, #tpu.memory_space<vmem_shared>>) offsets(%dma_start3A_259 : memref<128xi32, #tpu.memory_space<vmem>>) semaphore(%run_scoped3A_256 : memref<!tpu.dma_semaphore, #tpu.memory_space<semaphore_mem>>) {add = true}
      %dma_wait3A_263 = arith.constant 0 : i32
      %dma_wait3A_264 = tpu.memref_slice %arg9[%run_scoped3A_250, %dma_wait3A_263] : memref<8x128xi32, #tpu.memory_space<vmem>> -> memref<1x128xi32, #tpu.memory_space<vmem>>
      %dma_wait3A_265 = tpu.memref_squeeze %dma_wait3A_264 : memref<1x128xi32, #tpu.memory_space<vmem>> -> memref<128xi32, #tpu.memory_space<vmem>>
      %dma_wait3A_266 = arith.constant 0 : i32
      %dma_wait3A_267 = arith.constant 0 : i32
      %dma_wait3A_268 = tpu.memref_slice %arg12[%dma_wait3A_266, %dma_wait3A_267] : memref<10240x128xf32, #tpu.memory_space<vmem_shared>> -> memref<10240x128xf32, #tpu.memory_space<vmem_shared>>
      tpu.wait_indirect_dma semaphore(%run_scoped3A_256 : memref<!tpu.dma_semaphore, #tpu.memory_space<semaphore_mem>>) src(%arg11 : memref<128x128xf32, #tpu.memory_space<vmem>>) dst(%dma_wait3A_268 : memref<10240x128xf32, #tpu.memory_space<vmem_shared>>)
      tpu.yield
    }) : () -> ()
    %barrier3A_251 = arith.constant 0 : index
    tpu.barrier barrier_id(%barrier3A_251)
    %mul3A_252 = arith.constant 640 : i32
    %mul3A_253 = arith.muli %arg1, %mul3A_252 : i32
    %mul3A_254 = arith.constant 640 : i32
    %mul3A_255 = arith.muli %arg1, %mul3A_254 : i32
    "tpu.region"() ({
      %run_scoped3A_256 = tpu.sem_alloc : memref<!tpu.dma_semaphore, #tpu.memory_space<semaphore_mem>>
      %dma_start3A_257 = arith.constant 0 : i32
      %dma_start3A_258 = tpu.memref_slice %arg6[%arg0, %mul3A_255, %dma_start3A_257] : memref<2x10240x128xf32, #tpu.memory_space<hbm>> -> memref<1x640x128xf32, #tpu.memory_space<hbm>>
      %dma_start3A_259 = tpu.memref_squeeze %dma_start3A_258 : memref<1x640x128xf32, #tpu.memory_space<hbm>> -> memref<640x128xf32, #tpu.memory_space<hbm>>
      %dma_start3A_260 = arith.constant 0 : i32
      %dma_start3A_261 = tpu.memref_slice %arg12[%mul3A_253, %dma_start3A_260] : memref<10240x128xf32, #tpu.memory_space<vmem_shared>> -> memref<640x128xf32, #tpu.memory_space<vmem_shared>>
      tpu.enqueue_dma source(%dma_start3A_261 : memref<640x128xf32, #tpu.memory_space<vmem_shared>>) target(%dma_start3A_259 : memref<640x128xf32, #tpu.memory_space<hbm>>) target_semaphore(%run_scoped3A_256 : memref<!tpu.dma_semaphore, #tpu.memory_space<semaphore_mem>>)
      %dma_wait3A_262 = arith.constant 0 : i32
      %dma_wait3A_263 = tpu.memref_slice %arg6[%arg0, %mul3A_255, %dma_wait3A_262] : memref<2x10240x128xf32, #tpu.memory_space<hbm>> -> memref<1x640x128xf32, #tpu.memory_space<hbm>>
      %dma_wait3A_264 = tpu.memref_squeeze %dma_wait3A_263 : memref<1x640x128xf32, #tpu.memory_space<hbm>> -> memref<640x128xf32, #tpu.memory_space<hbm>>
      %dma_wait3A_265 = arith.constant 0 : i32
      %dma_wait3A_266 = tpu.memref_slice %arg12[%mul3A_253, %dma_wait3A_265] : memref<10240x128xf32, #tpu.memory_space<vmem_shared>> -> memref<640x128xf32, #tpu.memory_space<vmem_shared>>
      tpu.wait_dma2 semaphore(%run_scoped3A_256 : memref<!tpu.dma_semaphore, #tpu.memory_space<semaphore_mem>>) src(%dma_wait3A_266 : memref<640x128xf32, #tpu.memory_space<vmem_shared>>) dst(%dma_wait3A_264 : memref<640x128xf32, #tpu.memory_space<hbm>>)
      tpu.yield
    }) : () -> ()
    return
  }
}

#map = affine_map<(d0, d1) -> (0, 0)>
#map1 = affine_map<(d0, d1) -> (0, 0, 0)>
module attributes {stable_mosaic.version = 14 : i64} {
  func.func @_mp_body(%arg0: i32, %arg1: i32, %arg2: memref<10240x128xf32, #tpu.memory_space<hbm>>, %arg3: memref<2560x128xi32, #tpu.memory_space<hbm>>, %arg4: memref<2560x128xi32, #tpu.memory_space<hbm>>, %arg5: memref<640x128xf32, #tpu.memory_space<hbm>>, %arg6: memref<2x10240x128xf32, #tpu.memory_space<hbm>>, %arg7: memref<80x128xi32, #tpu.memory_space<vmem>>, %arg8: memref<8x128xi32, #tpu.memory_space<vmem>>, %arg9: memref<8x128xi32, #tpu.memory_space<vmem>>, %arg10: memref<128x128xf32, #tpu.memory_space<vmem>>, %arg11: memref<128x128xf32, #tpu.memory_space<vmem>>, %arg12: memref<10240x128xf32, #tpu.memory_space<vmem_shared>>, %arg13: memref<!tpu.dma_semaphore, #tpu.memory_space<semaphore_mem>>, %arg14: memref<!tpu.dma_semaphore, #tpu.memory_space<semaphore_mem>>) attributes {dimension_semantics = [#tpu.dimension_semantics<core_parallel>, #tpu.dimension_semantics<subcore_parallel>], iteration_bounds = array<i64: 2, 16>, scalar_prefetch = 0 : i64, scratch_operands = 8 : i64, tpu.core_type = #tpu.core_type<sc_vector_subcore>, window_params = [{transform_indices = #map}, {transform_indices = #map}, {transform_indices = #map}, {transform_indices = #map}, {transform_indices = #map1}]} {
    %mul3A = arith.constant 640 : i32
    %mul3A_0 = arith.muli %arg1, %mul3A : i32
    "tpu.region"() ({
      %run_scoped3A_256 = tpu.sem_alloc : memref<!tpu.dma_semaphore, #tpu.memory_space<semaphore_mem>>
      %dma_start3A_257 = arith.constant 0 : i32
      %dma_start3A_258 = tpu.memref_slice %arg12[%mul3A_0, %dma_start3A_257] : memref<10240x128xf32, #tpu.memory_space<vmem_shared>> -> memref<640x128xf32, #tpu.memory_space<vmem_shared>>
      tpu.enqueue_dma source(%arg5 : memref<640x128xf32, #tpu.memory_space<hbm>>) target(%dma_start3A_258 : memref<640x128xf32, #tpu.memory_space<vmem_shared>>) target_semaphore(%run_scoped3A_256 : memref<!tpu.dma_semaphore, #tpu.memory_space<semaphore_mem>>)
      %dma_wait3A_259 = arith.constant 0 : i32
      %dma_wait3A_260 = tpu.memref_slice %arg12[%mul3A_0, %dma_wait3A_259] : memref<10240x128xf32, #tpu.memory_space<vmem_shared>> -> memref<640x128xf32, #tpu.memory_space<vmem_shared>>
      tpu.wait_dma2 semaphore(%run_scoped3A_256 : memref<!tpu.dma_semaphore, #tpu.memory_space<semaphore_mem>>) src(%arg5 : memref<640x128xf32, #tpu.memory_space<hbm>>) dst(%dma_wait3A_260 : memref<640x128xf32, #tpu.memory_space<vmem_shared>>)
      tpu.yield
    }) : () -> ()
    %mul3A_1 = arith.constant 16 : i32
    %mul3A_2 = arith.muli %arg0, %mul3A_1 : i32
    %add3A = arith.addi %mul3A_2, %arg1 : i32
    %mul3A_3 = arith.constant 80 : i32
    %mul3A_4 = arith.muli %add3A, %mul3A_3 : i32
    "tpu.region"() ({
      %run_scoped3A_256 = tpu.sem_alloc : memref<!tpu.dma_semaphore, #tpu.memory_space<semaphore_mem>>
      %dma_start3A_257 = arith.constant 0 : i32
      %dma_start3A_258 = tpu.memref_slice %arg3[%mul3A_4, %dma_start3A_257] : memref<2560x128xi32, #tpu.memory_space<hbm>> -> memref<80x128xi32, #tpu.memory_space<hbm>>
      %dma_start3A_259 = arith.constant 0 : i32
      %dma_start3A_260 = tpu.memref_slice %arg3[%mul3A_4, %dma_start3A_259] : memref<2560x128xi32, #tpu.memory_space<hbm>> -> memref<80x128xi32, #tpu.memory_space<hbm>>
      tpu.enqueue_dma source(%dma_start3A_260 : memref<80x128xi32, #tpu.memory_space<hbm>>) target(%arg7 : memref<80x128xi32, #tpu.memory_space<vmem>>) target_semaphore(%run_scoped3A_256 : memref<!tpu.dma_semaphore, #tpu.memory_space<semaphore_mem>>)
      %dma_wait3A_261 = arith.constant 0 : i32
      %dma_wait3A_262 = tpu.memref_slice %arg3[%mul3A_4, %dma_wait3A_261] : memref<2560x128xi32, #tpu.memory_space<hbm>> -> memref<80x128xi32, #tpu.memory_space<hbm>>
      %dma_wait3A_263 = arith.constant 0 : i32
      %dma_wait3A_264 = tpu.memref_slice %arg3[%mul3A_4, %dma_wait3A_263] : memref<2560x128xi32, #tpu.memory_space<hbm>> -> memref<80x128xi32, #tpu.memory_space<hbm>>
      tpu.wait_dma2 semaphore(%run_scoped3A_256 : memref<!tpu.dma_semaphore, #tpu.memory_space<semaphore_mem>>) src(%dma_wait3A_264 : memref<80x128xi32, #tpu.memory_space<hbm>>) dst(%arg7 : memref<80x128xi32, #tpu.memory_space<vmem>>)
      tpu.yield
    }) : () -> ()
    %barrier3A = arith.constant 0 : index
    tpu.barrier barrier_id(%barrier3A)
    %dma_start3A = arith.constant 0 : i32
    %dma_start3A_5 = arith.constant 0 : i32
    %dma_start3A_6 = tpu.memref_slice %arg7[%dma_start3A, %dma_start3A_5] : memref<80x128xi32, #tpu.memory_space<vmem>> -> memref<1x128xi32, #tpu.memory_space<vmem>>
    %dma_start3A_7 = tpu.memref_squeeze %dma_start3A_6 : memref<1x128xi32, #tpu.memory_space<vmem>> -> memref<128xi32, #tpu.memory_space<vmem>>
    %dma_start3A_8 = arith.constant 0 : i32
    %dma_start3A_9 = arith.constant 0 : i32
    %dma_start3A_10 = tpu.memref_slice %arg2[%dma_start3A_8, %dma_start3A_9] : memref<10240x128xf32, #tpu.memory_space<hbm>> -> memref<10240x128xf32, #tpu.memory_space<hbm>>
    tpu.enqueue_indirect_dma source(%dma_start3A_10 : memref<10240x128xf32, #tpu.memory_space<hbm>>) target(%arg10 : memref<128x128xf32, #tpu.memory_space<vmem>>) offsets(%dma_start3A_7 : memref<128xi32, #tpu.memory_space<vmem>>) semaphore(%arg13 : memref<!tpu.dma_semaphore, #tpu.memory_space<semaphore_mem>>)
    %scan3A = arith.constant 0 : i32
    %scan3A_11 = arith.constant 0 : i32
    %scan3A_12 = arith.constant 4 : i32
    %scan3A_13 = arith.addi %scan3A_11, %scan3A_12 : i32
    %scan3A_14 = arith.constant 1 : i32
    scf.for %scan3A_256 = %scan3A_11 to %scan3A_13 step %scan3A_14  : i32 {
      %mul3A_257 = arith.constant 2 : i32
      %mul3A_258 = arith.muli %mul3A_257, %scan3A_256 : i32
      %mul3A_259 = arith.constant 8 : i32
      %mul3A_260 = arith.muli %mul3A_259, %mul3A_258 : i32
      %add3A_261 = arith.addi %mul3A_4, %mul3A_260 : i32
      "tpu.region"() ({
        %run_scoped3A_557 = tpu.sem_alloc : memref<!tpu.dma_semaphore, #tpu.memory_space<semaphore_mem>>
        %dma_start3A_558 = arith.constant 0 : i32
        %dma_start3A_559 = tpu.memref_slice %arg4[%add3A_261, %dma_start3A_558] : memref<2560x128xi32, #tpu.memory_space<hbm>> -> memref<8x128xi32, #tpu.memory_space<hbm>>
        %dma_start3A_560 = arith.constant 0 : i32
        %dma_start3A_561 = tpu.memref_slice %arg4[%add3A_261, %dma_start3A_560] : memref<2560x128xi32, #tpu.memory_space<hbm>> -> memref<8x128xi32, #tpu.memory_space<hbm>>
        tpu.enqueue_dma source(%dma_start3A_561 : memref<8x128xi32, #tpu.memory_space<hbm>>) target(%arg8 : memref<8x128xi32, #tpu.memory_space<vmem>>) target_semaphore(%run_scoped3A_557 : memref<!tpu.dma_semaphore, #tpu.memory_space<semaphore_mem>>)
        %dma_wait3A_562 = arith.constant 0 : i32
        %dma_wait3A_563 = tpu.memref_slice %arg4[%add3A_261, %dma_wait3A_562] : memref<2560x128xi32, #tpu.memory_space<hbm>> -> memref<8x128xi32, #tpu.memory_space<hbm>>
        %dma_wait3A_564 = arith.constant 0 : i32
        %dma_wait3A_565 = tpu.memref_slice %arg4[%add3A_261, %dma_wait3A_564] : memref<2560x128xi32, #tpu.memory_space<hbm>> -> memref<8x128xi32, #tpu.memory_space<hbm>>
        tpu.wait_dma2 semaphore(%run_scoped3A_557 : memref<!tpu.dma_semaphore, #tpu.memory_space<semaphore_mem>>) src(%dma_wait3A_565 : memref<8x128xi32, #tpu.memory_space<hbm>>) dst(%arg8 : memref<8x128xi32, #tpu.memory_space<vmem>>)
        tpu.yield
      }) : () -> ()
      %mul3A_262 = arith.constant 8 : i32
      %mul3A_263 = arith.muli %mul3A_262, %mul3A_258 : i32
      %add3A_264 = arith.constant 0 : i32
      %add3A_265 = arith.addi %mul3A_263, %add3A_264 : i32
      %add3A_266 = arith.constant 1 : i32
      %add3A_267 = arith.addi %add3A_265, %add3A_266 : i32
      %dma_start3A_268 = arith.constant 0 : i32
      %dma_start3A_269 = tpu.memref_slice %arg7[%add3A_267, %dma_start3A_268] : memref<80x128xi32, #tpu.memory_space<vmem>> -> memref<1x128xi32, #tpu.memory_space<vmem>>
      %dma_start3A_270 = tpu.memref_squeeze %dma_start3A_269 : memref<1x128xi32, #tpu.memory_space<vmem>> -> memref<128xi32, #tpu.memory_space<vmem>>
      %dma_start3A_271 = arith.constant 0 : i32
      %dma_start3A_272 = arith.constant 0 : i32
      %dma_start3A_273 = tpu.memref_slice %arg2[%dma_start3A_271, %dma_start3A_272] : memref<10240x128xf32, #tpu.memory_space<hbm>> -> memref<10240x128xf32, #tpu.memory_space<hbm>>
      tpu.enqueue_indirect_dma source(%dma_start3A_273 : memref<10240x128xf32, #tpu.memory_space<hbm>>) target(%arg11 : memref<128x128xf32, #tpu.memory_space<vmem>>) offsets(%dma_start3A_270 : memref<128xi32, #tpu.memory_space<vmem>>) semaphore(%arg14 : memref<!tpu.dma_semaphore, #tpu.memory_space<semaphore_mem>>)
      %dma_wait3A_274 = arith.constant 0 : i32
      %dma_wait3A_275 = arith.constant 0 : i32
      %dma_wait3A_276 = tpu.memref_slice %arg7[%dma_wait3A_274, %dma_wait3A_275] : memref<80x128xi32, #tpu.memory_space<vmem>> -> memref<1x128xi32, #tpu.memory_space<vmem>>
      %dma_wait3A_277 = tpu.memref_squeeze %dma_wait3A_276 : memref<1x128xi32, #tpu.memory_space<vmem>> -> memref<128xi32, #tpu.memory_space<vmem>>
      %dma_wait3A_278 = arith.constant 0 : i32
      %dma_wait3A_279 = arith.constant 0 : i32
      %dma_wait3A_280 = tpu.memref_slice %arg2[%dma_wait3A_278, %dma_wait3A_279] : memref<10240x128xf32, #tpu.memory_space<hbm>> -> memref<10240x128xf32, #tpu.memory_space<hbm>>
      tpu.wait_indirect_dma semaphore(%arg13 : memref<!tpu.dma_semaphore, #tpu.memory_space<semaphore_mem>>) src(%dma_wait3A_280 : memref<10240x128xf32, #tpu.memory_space<hbm>>) dst(%arg10 : memref<128x128xf32, #tpu.memory_space<vmem>>)
      %run_scoped3A_281 = arith.constant 0 : i32
      "tpu.region"() ({
        %run_scoped3A_557 = tpu.sem_alloc : memref<!tpu.dma_semaphore, #tpu.memory_space<semaphore_mem>>
        %dma_start3A_558 = arith.constant 0 : i32
        %dma_start3A_559 = tpu.memref_slice %arg8[%run_scoped3A_281, %dma_start3A_558] : memref<8x128xi32, #tpu.memory_space<vmem>> -> memref<1x128xi32, #tpu.memory_space<vmem>>
        %dma_start3A_560 = tpu.memref_squeeze %dma_start3A_559 : memref<1x128xi32, #tpu.memory_space<vmem>> -> memref<128xi32, #tpu.memory_space<vmem>>
        %dma_start3A_561 = arith.constant 0 : i32
        %dma_start3A_562 = arith.constant 0 : i32
        %dma_start3A_563 = tpu.memref_slice %arg12[%dma_start3A_561, %dma_start3A_562] : memref<10240x128xf32, #tpu.memory_space<vmem_shared>> -> memref<10240x128xf32, #tpu.memory_space<vmem_shared>>
        tpu.enqueue_indirect_dma source(%arg10 : memref<128x128xf32, #tpu.memory_space<vmem>>) target(%dma_start3A_563 : memref<10240x128xf32, #tpu.memory_space<vmem_shared>>) offsets(%dma_start3A_560 : memref<128xi32, #tpu.memory_space<vmem>>) semaphore(%run_scoped3A_557 : memref<!tpu.dma_semaphore, #tpu.memory_space<semaphore_mem>>) {add = true}
        %dma_wait3A_564 = arith.constant 0 : i32
        %dma_wait3A_565 = tpu.memref_slice %arg8[%run_scoped3A_281, %dma_wait3A_564] : memref<8x128xi32, #tpu.memory_space<vmem>> -> memref<1x128xi32, #tpu.memory_space<vmem>>
        %dma_wait3A_566 = tpu.memref_squeeze %dma_wait3A_565 : memref<1x128xi32, #tpu.memory_space<vmem>> -> memref<128xi32, #tpu.memory_space<vmem>>
        %dma_wait3A_567 = arith.constant 0 : i32
        %dma_wait3A_568 = arith.constant 0 : i32
        %dma_wait3A_569 = tpu.memref_slice %arg12[%dma_wait3A_567, %dma_wait3A_568] : memref<10240x128xf32, #tpu.memory_space<vmem_shared>> -> memref<10240x128xf32, #tpu.memory_space<vmem_shared>>
        tpu.wait_indirect_dma semaphore(%run_scoped3A_557 : memref<!tpu.dma_semaphore, #tpu.memory_space<semaphore_mem>>) src(%arg10 : memref<128x128xf32, #tpu.memory_space<vmem>>) dst(%dma_wait3A_569 : memref<10240x128xf32, #tpu.memory_space<vmem_shared>>)
        tpu.yield
      }) : () -> ()
      %add3A_282 = arith.constant 1 : i32
      %add3A_283 = arith.addi %add3A_267, %add3A_282 : i32
      %dma_start3A_284 = arith.constant 0 : i32
      %dma_start3A_285 = tpu.memref_slice %arg7[%add3A_283, %dma_start3A_284] : memref<80x128xi32, #tpu.memory_space<vmem>> -> memref<1x128xi32, #tpu.memory_space<vmem>>
      %dma_start3A_286 = tpu.memref_squeeze %dma_start3A_285 : memref<1x128xi32, #tpu.memory_space<vmem>> -> memref<128xi32, #tpu.memory_space<vmem>>
      %dma_start3A_287 = arith.constant 0 : i32
      %dma_start3A_288 = arith.constant 0 : i32
      %dma_start3A_289 = tpu.memref_slice %arg2[%dma_start3A_287, %dma_start3A_288] : memref<10240x128xf32, #tpu.memory_space<hbm>> -> memref<10240x128xf32, #tpu.memory_space<hbm>>
      tpu.enqueue_indirect_dma source(%dma_start3A_289 : memref<10240x128xf32, #tpu.memory_space<hbm>>) target(%arg10 : memref<128x128xf32, #tpu.memory_space<vmem>>) offsets(%dma_start3A_286 : memref<128xi32, #tpu.memory_space<vmem>>) semaphore(%arg13 : memref<!tpu.dma_semaphore, #tpu.memory_space<semaphore_mem>>)
      %dma_wait3A_290 = arith.constant 0 : i32
      %dma_wait3A_291 = arith.constant 0 : i32
      %dma_wait3A_292 = tpu.memref_slice %arg7[%dma_wait3A_290, %dma_wait3A_291] : memref<80x128xi32, #tpu.memory_space<vmem>> -> memref<1x128xi32, #tpu.memory_space<vmem>>
      %dma_wait3A_293 = tpu.memref_squeeze %dma_wait3A_292 : memref<1x128xi32, #tpu.memory_space<vmem>> -> memref<128xi32, #tpu.memory_space<vmem>>
      %dma_wait3A_294 = arith.constant 0 : i32
      %dma_wait3A_295 = arith.constant 0 : i32
      %dma_wait3A_296 = tpu.memref_slice %arg2[%dma_wait3A_294, %dma_wait3A_295] : memref<10240x128xf32, #tpu.memory_space<hbm>> -> memref<10240x128xf32, #tpu.memory_space<hbm>>
      tpu.wait_indirect_dma semaphore(%arg14 : memref<!tpu.dma_semaphore, #tpu.memory_space<semaphore_mem>>) src(%dma_wait3A_296 : memref<10240x128xf32, #tpu.memory_space<hbm>>) dst(%arg11 : memref<128x128xf32, #tpu.memory_space<vmem>>)
      %run_scoped3A_297 = arith.constant 1 : i32
      "tpu.region"() ({
        %run_scoped3A_557 = tpu.sem_alloc : memref<!tpu.dma_semaphore, #tpu.memory_space<semaphore_mem>>
        %dma_start3A_558 = arith.constant 0 : i32
        %dma_start3A_559 = tpu.memref_slice %arg8[%run_scoped3A_297, %dma_start3A_558] : memref<8x128xi32, #tpu.memory_space<vmem>> -> memref<1x128xi32, #tpu.memory_space<vmem>>
        %dma_start3A_560 = tpu.memref_squeeze %dma_start3A_559 : memref<1x128xi32, #tpu.memory_space<vmem>> -> memref<128xi32, #tpu.memory_space<vmem>>
        %dma_start3A_561 = arith.constant 0 : i32
        %dma_start3A_562 = arith.constant 0 : i32
        %dma_start3A_563 = tpu.memref_slice %arg12[%dma_start3A_561, %dma_start3A_562] : memref<10240x128xf32, #tpu.memory_space<vmem_shared>> -> memref<10240x128xf32, #tpu.memory_space<vmem_shared>>
        tpu.enqueue_indirect_dma source(%arg11 : memref<128x128xf32, #tpu.memory_space<vmem>>) target(%dma_start3A_563 : memref<10240x128xf32, #tpu.memory_space<vmem_shared>>) offsets(%dma_start3A_560 : memref<128xi32, #tpu.memory_space<vmem>>) semaphore(%run_scoped3A_557 : memref<!tpu.dma_semaphore, #tpu.memory_space<semaphore_mem>>) {add = true}
        %dma_wait3A_564 = arith.constant 0 : i32
        %dma_wait3A_565 = tpu.memref_slice %arg8[%run_scoped3A_297, %dma_wait3A_564] : memref<8x128xi32, #tpu.memory_space<vmem>> -> memref<1x128xi32, #tpu.memory_space<vmem>>
        %dma_wait3A_566 = tpu.memref_squeeze %dma_wait3A_565 : memref<1x128xi32, #tpu.memory_space<vmem>> -> memref<128xi32, #tpu.memory_space<vmem>>
        %dma_wait3A_567 = arith.constant 0 : i32
        %dma_wait3A_568 = arith.constant 0 : i32
        %dma_wait3A_569 = tpu.memref_slice %arg12[%dma_wait3A_567, %dma_wait3A_568] : memref<10240x128xf32, #tpu.memory_space<vmem_shared>> -> memref<10240x128xf32, #tpu.memory_space<vmem_shared>>
        tpu.wait_indirect_dma semaphore(%run_scoped3A_557 : memref<!tpu.dma_semaphore, #tpu.memory_space<semaphore_mem>>) src(%arg11 : memref<128x128xf32, #tpu.memory_space<vmem>>) dst(%dma_wait3A_569 : memref<10240x128xf32, #tpu.memory_space<vmem_shared>>)
        tpu.yield
      }) : () -> ()
      %mul3A_298 = arith.constant 8 : i32
      %mul3A_299 = arith.muli %mul3A_298, %mul3A_258 : i32
      %add3A_300 = arith.constant 2 : i32
      %add3A_301 = arith.addi %mul3A_299, %add3A_300 : i32
      %add3A_302 = arith.constant 1 : i32
      %add3A_303 = arith.addi %add3A_301, %add3A_302 : i32
      %dma_start3A_304 = arith.constant 0 : i32
      %dma_start3A_305 = tpu.memref_slice %arg7[%add3A_303, %dma_start3A_304] : memref<80x128xi32, #tpu.memory_space<vmem>> -> memref<1x128xi32, #tpu.memory_space<vmem>>
      %dma_start3A_306 = tpu.memref_squeeze %dma_start3A_305 : memref<1x128xi32, #tpu.memory_space<vmem>> -> memref<128xi32, #tpu.memory_space<vmem>>
      %dma_start3A_307 = arith.constant 0 : i32
      %dma_start3A_308 = arith.constant 0 : i32
      %dma_start3A_309 = tpu.memref_slice %arg2[%dma_start3A_307, %dma_start3A_308] : memref<10240x128xf32, #tpu.memory_space<hbm>> -> memref<10240x128xf32, #tpu.memory_space<hbm>>
      tpu.enqueue_indirect_dma source(%dma_start3A_309 : memref<10240x128xf32, #tpu.memory_space<hbm>>) target(%arg11 : memref<128x128xf32, #tpu.memory_space<vmem>>) offsets(%dma_start3A_306 : memref<128xi32, #tpu.memory_space<vmem>>) semaphore(%arg14 : memref<!tpu.dma_semaphore, #tpu.memory_space<semaphore_mem>>)
      %dma_wait3A_310 = arith.constant 0 : i32
      %dma_wait3A_311 = arith.constant 0 : i32
      %dma_wait3A_312 = tpu.memref_slice %arg7[%dma_wait3A_310, %dma_wait3A_311] : memref<80x128xi32, #tpu.memory_space<vmem>> -> memref<1x128xi32, #tpu.memory_space<vmem>>
      %dma_wait3A_313 = tpu.memref_squeeze %dma_wait3A_312 : memref<1x128xi32, #tpu.memory_space<vmem>> -> memref<128xi32, #tpu.memory_space<vmem>>
      %dma_wait3A_314 = arith.constant 0 : i32
      %dma_wait3A_315 = arith.constant 0 : i32
      %dma_wait3A_316 = tpu.memref_slice %arg2[%dma_wait3A_314, %dma_wait3A_315] : memref<10240x128xf32, #tpu.memory_space<hbm>> -> memref<10240x128xf32, #tpu.memory_space<hbm>>
      tpu.wait_indirect_dma semaphore(%arg13 : memref<!tpu.dma_semaphore, #tpu.memory_space<semaphore_mem>>) src(%dma_wait3A_316 : memref<10240x128xf32, #tpu.memory_space<hbm>>) dst(%arg10 : memref<128x128xf32, #tpu.memory_space<vmem>>)
      %run_scoped3A_317 = arith.constant 2 : i32
      "tpu.region"() ({
        %run_scoped3A_557 = tpu.sem_alloc : memref<!tpu.dma_semaphore, #tpu.memory_space<semaphore_mem>>
        %dma_start3A_558 = arith.constant 0 : i32
        %dma_start3A_559 = tpu.memref_slice %arg8[%run_scoped3A_317, %dma_start3A_558] : memref<8x128xi32, #tpu.memory_space<vmem>> -> memref<1x128xi32, #tpu.memory_space<vmem>>
        %dma_start3A_560 = tpu.memref_squeeze %dma_start3A_559 : memref<1x128xi32, #tpu.memory_space<vmem>> -> memref<128xi32, #tpu.memory_space<vmem>>
        %dma_start3A_561 = arith.constant 0 : i32
        %dma_start3A_562 = arith.constant 0 : i32
        %dma_start3A_563 = tpu.memref_slice %arg12[%dma_start3A_561, %dma_start3A_562] : memref<10240x128xf32, #tpu.memory_space<vmem_shared>> -> memref<10240x128xf32, #tpu.memory_space<vmem_shared>>
        tpu.enqueue_indirect_dma source(%arg10 : memref<128x128xf32, #tpu.memory_space<vmem>>) target(%dma_start3A_563 : memref<10240x128xf32, #tpu.memory_space<vmem_shared>>) offsets(%dma_start3A_560 : memref<128xi32, #tpu.memory_space<vmem>>) semaphore(%run_scoped3A_557 : memref<!tpu.dma_semaphore, #tpu.memory_space<semaphore_mem>>) {add = true}
        %dma_wait3A_564 = arith.constant 0 : i32
        %dma_wait3A_565 = tpu.memref_slice %arg8[%run_scoped3A_317, %dma_wait3A_564] : memref<8x128xi32, #tpu.memory_space<vmem>> -> memref<1x128xi32, #tpu.memory_space<vmem>>
        %dma_wait3A_566 = tpu.memref_squeeze %dma_wait3A_565 : memref<1x128xi32, #tpu.memory_space<vmem>> -> memref<128xi32, #tpu.memory_space<vmem>>
        %dma_wait3A_567 = arith.constant 0 : i32
        %dma_wait3A_568 = arith.constant 0 : i32
        %dma_wait3A_569 = tpu.memref_slice %arg12[%dma_wait3A_567, %dma_wait3A_568] : memref<10240x128xf32, #tpu.memory_space<vmem_shared>> -> memref<10240x128xf32, #tpu.memory_space<vmem_shared>>
        tpu.wait_indirect_dma semaphore(%run_scoped3A_557 : memref<!tpu.dma_semaphore, #tpu.memory_space<semaphore_mem>>) src(%arg10 : memref<128x128xf32, #tpu.memory_space<vmem>>) dst(%dma_wait3A_569 : memref<10240x128xf32, #tpu.memory_space<vmem_shared>>)
        tpu.yield
      }) : () -> ()
      %add3A_318 = arith.constant 1 : i32
      %add3A_319 = arith.addi %add3A_303, %add3A_318 : i32
      %dma_start3A_320 = arith.constant 0 : i32
      %dma_start3A_321 = tpu.memref_slice %arg7[%add3A_319, %dma_start3A_320] : memref<80x128xi32, #tpu.memory_space<vmem>> -> memref<1x128xi32, #tpu.memory_space<vmem>>
      %dma_start3A_322 = tpu.memref_squeeze %dma_start3A_321 : memref<1x128xi32, #tpu.memory_space<vmem>> -> memref<128xi32, #tpu.memory_space<vmem>>
      %dma_start3A_323 = arith.constant 0 : i32
      %dma_start3A_324 = arith.constant 0 : i32
      %dma_start3A_325 = tpu.memref_slice %arg2[%dma_start3A_323, %dma_start3A_324] : memref<10240x128xf32, #tpu.memory_space<hbm>> -> memref<10240x128xf32, #tpu.memory_space<hbm>>
      tpu.enqueue_indirect_dma source(%dma_start3A_325 : memref<10240x128xf32, #tpu.memory_space<hbm>>) target(%arg10 : memref<128x128xf32, #tpu.memory_space<vmem>>) offsets(%dma_start3A_322 : memref<128xi32, #tpu.memory_space<vmem>>) semaphore(%arg13 : memref<!tpu.dma_semaphore, #tpu.memory_space<semaphore_mem>>)
      %dma_wait3A_326 = arith.constant 0 : i32
      %dma_wait3A_327 = arith.constant 0 : i32
      %dma_wait3A_328 = tpu.memref_slice %arg7[%dma_wait3A_326, %dma_wait3A_327] : memref<80x128xi32, #tpu.memory_space<vmem>> -> memref<1x128xi32, #tpu.memory_space<vmem>>
      %dma_wait3A_329 = tpu.memref_squeeze %dma_wait3A_328 : memref<1x128xi32, #tpu.memory_space<vmem>> -> memref<128xi32, #tpu.memory_space<vmem>>
      %dma_wait3A_330 = arith.constant 0 : i32
      %dma_wait3A_331 = arith.constant 0 : i32
      %dma_wait3A_332 = tpu.memref_slice %arg2[%dma_wait3A_330, %dma_wait3A_331] : memref<10240x128xf32, #tpu.memory_space<hbm>> -> memref<10240x128xf32, #tpu.memory_space<hbm>>
      tpu.wait_indirect_dma semaphore(%arg14 : memref<!tpu.dma_semaphore, #tpu.memory_space<semaphore_mem>>) src(%dma_wait3A_332 : memref<10240x128xf32, #tpu.memory_space<hbm>>) dst(%arg11 : memref<128x128xf32, #tpu.memory_space<vmem>>)
      %run_scoped3A_333 = arith.constant 3 : i32
      "tpu.region"() ({
        %run_scoped3A_557 = tpu.sem_alloc : memref<!tpu.dma_semaphore, #tpu.memory_space<semaphore_mem>>
        %dma_start3A_558 = arith.constant 0 : i32
        %dma_start3A_559 = tpu.memref_slice %arg8[%run_scoped3A_333, %dma_start3A_558] : memref<8x128xi32, #tpu.memory_space<vmem>> -> memref<1x128xi32, #tpu.memory_space<vmem>>
        %dma_start3A_560 = tpu.memref_squeeze %dma_start3A_559 : memref<1x128xi32, #tpu.memory_space<vmem>> -> memref<128xi32, #tpu.memory_space<vmem>>
        %dma_start3A_561 = arith.constant 0 : i32
        %dma_start3A_562 = arith.constant 0 : i32
        %dma_start3A_563 = tpu.memref_slice %arg12[%dma_start3A_561, %dma_start3A_562] : memref<10240x128xf32, #tpu.memory_space<vmem_shared>> -> memref<10240x128xf32, #tpu.memory_space<vmem_shared>>
        tpu.enqueue_indirect_dma source(%arg11 : memref<128x128xf32, #tpu.memory_space<vmem>>) target(%dma_start3A_563 : memref<10240x128xf32, #tpu.memory_space<vmem_shared>>) offsets(%dma_start3A_560 : memref<128xi32, #tpu.memory_space<vmem>>) semaphore(%run_scoped3A_557 : memref<!tpu.dma_semaphore, #tpu.memory_space<semaphore_mem>>) {add = true}
        %dma_wait3A_564 = arith.constant 0 : i32
        %dma_wait3A_565 = tpu.memref_slice %arg8[%run_scoped3A_333, %dma_wait3A_564] : memref<8x128xi32, #tpu.memory_space<vmem>> -> memref<1x128xi32, #tpu.memory_space<vmem>>
        %dma_wait3A_566 = tpu.memref_squeeze %dma_wait3A_565 : memref<1x128xi32, #tpu.memory_space<vmem>> -> memref<128xi32, #tpu.memory_space<vmem>>
        %dma_wait3A_567 = arith.constant 0 : i32
        %dma_wait3A_568 = arith.constant 0 : i32
        %dma_wait3A_569 = tpu.memref_slice %arg12[%dma_wait3A_567, %dma_wait3A_568] : memref<10240x128xf32, #tpu.memory_space<vmem_shared>> -> memref<10240x128xf32, #tpu.memory_space<vmem_shared>>
        tpu.wait_indirect_dma semaphore(%run_scoped3A_557 : memref<!tpu.dma_semaphore, #tpu.memory_space<semaphore_mem>>) src(%arg11 : memref<128x128xf32, #tpu.memory_space<vmem>>) dst(%dma_wait3A_569 : memref<10240x128xf32, #tpu.memory_space<vmem_shared>>)
        tpu.yield
      }) : () -> ()
      %mul3A_334 = arith.constant 8 : i32
      %mul3A_335 = arith.muli %mul3A_334, %mul3A_258 : i32
      %add3A_336 = arith.constant 4 : i32
      %add3A_337 = arith.addi %mul3A_335, %add3A_336 : i32
      %add3A_338 = arith.constant 1 : i32
      %add3A_339 = arith.addi %add3A_337, %add3A_338 : i32
      %dma_start3A_340 = arith.constant 0 : i32
      %dma_start3A_341 = tpu.memref_slice %arg7[%add3A_339, %dma_start3A_340] : memref<80x128xi32, #tpu.memory_space<vmem>> -> memref<1x128xi32, #tpu.memory_space<vmem>>
      %dma_start3A_342 = tpu.memref_squeeze %dma_start3A_341 : memref<1x128xi32, #tpu.memory_space<vmem>> -> memref<128xi32, #tpu.memory_space<vmem>>
      %dma_start3A_343 = arith.constant 0 : i32
      %dma_start3A_344 = arith.constant 0 : i32
      %dma_start3A_345 = tpu.memref_slice %arg2[%dma_start3A_343, %dma_start3A_344] : memref<10240x128xf32, #tpu.memory_space<hbm>> -> memref<10240x128xf32, #tpu.memory_space<hbm>>
      tpu.enqueue_indirect_dma source(%dma_start3A_345 : memref<10240x128xf32, #tpu.memory_space<hbm>>) target(%arg11 : memref<128x128xf32, #tpu.memory_space<vmem>>) offsets(%dma_start3A_342 : memref<128xi32, #tpu.memory_space<vmem>>) semaphore(%arg14 : memref<!tpu.dma_semaphore, #tpu.memory_space<semaphore_mem>>)
      %dma_wait3A_346 = arith.constant 0 : i32
      %dma_wait3A_347 = arith.constant 0 : i32
      %dma_wait3A_348 = tpu.memref_slice %arg7[%dma_wait3A_346, %dma_wait3A_347] : memref<80x128xi32, #tpu.memory_space<vmem>> -> memref<1x128xi32, #tpu.memory_space<vmem>>
      %dma_wait3A_349 = tpu.memref_squeeze %dma_wait3A_348 : memref<1x128xi32, #tpu.memory_space<vmem>> -> memref<128xi32, #tpu.memory_space<vmem>>
      %dma_wait3A_350 = arith.constant 0 : i32
      %dma_wait3A_351 = arith.constant 0 : i32
      %dma_wait3A_352 = tpu.memref_slice %arg2[%dma_wait3A_350, %dma_wait3A_351] : memref<10240x128xf32, #tpu.memory_space<hbm>> -> memref<10240x128xf32, #tpu.memory_space<hbm>>
      tpu.wait_indirect_dma semaphore(%arg13 : memref<!tpu.dma_semaphore, #tpu.memory_space<semaphore_mem>>) src(%dma_wait3A_352 : memref<10240x128xf32, #tpu.memory_space<hbm>>) dst(%arg10 : memref<128x128xf32, #tpu.memory_space<vmem>>)
      %run_scoped3A_353 = arith.constant 4 : i32
      "tpu.region"() ({
        %run_scoped3A_557 = tpu.sem_alloc : memref<!tpu.dma_semaphore, #tpu.memory_space<semaphore_mem>>
        %dma_start3A_558 = arith.constant 0 : i32
        %dma_start3A_559 = tpu.memref_slice %arg8[%run_scoped3A_353, %dma_start3A_558] : memref<8x128xi32, #tpu.memory_space<vmem>> -> memref<1x128xi32, #tpu.memory_space<vmem>>
        %dma_start3A_560 = tpu.memref_squeeze %dma_start3A_559 : memref<1x128xi32, #tpu.memory_space<vmem>> -> memref<128xi32, #tpu.memory_space<vmem>>
        %dma_start3A_561 = arith.constant 0 : i32
        %dma_start3A_562 = arith.constant 0 : i32
        %dma_start3A_563 = tpu.memref_slice %arg12[%dma_start3A_561, %dma_start3A_562] : memref<10240x128xf32, #tpu.memory_space<vmem_shared>> -> memref<10240x128xf32, #tpu.memory_space<vmem_shared>>
        tpu.enqueue_indirect_dma source(%arg10 : memref<128x128xf32, #tpu.memory_space<vmem>>) target(%dma_start3A_563 : memref<10240x128xf32, #tpu.memory_space<vmem_shared>>) offsets(%dma_start3A_560 : memref<128xi32, #tpu.memory_space<vmem>>) semaphore(%run_scoped3A_557 : memref<!tpu.dma_semaphore, #tpu.memory_space<semaphore_mem>>) {add = true}
        %dma_wait3A_564 = arith.constant 0 : i32
        %dma_wait3A_565 = tpu.memref_slice %arg8[%run_scoped3A_353, %dma_wait3A_564] : memref<8x128xi32, #tpu.memory_space<vmem>> -> memref<1x128xi32, #tpu.memory_space<vmem>>
        %dma_wait3A_566 = tpu.memref_squeeze %dma_wait3A_565 : memref<1x128xi32, #tpu.memory_space<vmem>> -> memref<128xi32, #tpu.memory_space<vmem>>
        %dma_wait3A_567 = arith.constant 0 : i32
        %dma_wait3A_568 = arith.constant 0 : i32
        %dma_wait3A_569 = tpu.memref_slice %arg12[%dma_wait3A_567, %dma_wait3A_568] : memref<10240x128xf32, #tpu.memory_space<vmem_shared>> -> memref<10240x128xf32, #tpu.memory_space<vmem_shared>>
        tpu.wait_indirect_dma semaphore(%run_scoped3A_557 : memref<!tpu.dma_semaphore, #tpu.memory_space<semaphore_mem>>) src(%arg10 : memref<128x128xf32, #tpu.memory_space<vmem>>) dst(%dma_wait3A_569 : memref<10240x128xf32, #tpu.memory_space<vmem_shared>>)
        tpu.yield
      }) : () -> ()
      %add3A_354 = arith.constant 1 : i32
      %add3A_355 = arith.addi %add3A_339, %add3A_354 : i32
      %dma_start3A_356 = arith.constant 0 : i32
      %dma_start3A_357 = tpu.memref_slice %arg7[%add3A_355, %dma_start3A_356] : memref<80x128xi32, #tpu.memory_space<vmem>> -> memref<1x128xi32, #tpu.memory_space<vmem>>
      %dma_start3A_358 = tpu.memref_squeeze %dma_start3A_357 : memref<1x128xi32, #tpu.memory_space<vmem>> -> memref<128xi32, #tpu.memory_space<vmem>>
      %dma_start3A_359 = arith.constant 0 : i32
      %dma_start3A_360 = arith.constant 0 : i32
      %dma_start3A_361 = tpu.memref_slice %arg2[%dma_start3A_359, %dma_start3A_360] : memref<10240x128xf32, #tpu.memory_space<hbm>> -> memref<10240x128xf32, #tpu.memory_space<hbm>>
      tpu.enqueue_indirect_dma source(%dma_start3A_361 : memref<10240x128xf32, #tpu.memory_space<hbm>>) target(%arg10 : memref<128x128xf32, #tpu.memory_space<vmem>>) offsets(%dma_start3A_358 : memref<128xi32, #tpu.memory_space<vmem>>) semaphore(%arg13 : memref<!tpu.dma_semaphore, #tpu.memory_space<semaphore_mem>>)
      %dma_wait3A_362 = arith.constant 0 : i32
      %dma_wait3A_363 = arith.constant 0 : i32
      %dma_wait3A_364 = tpu.memref_slice %arg7[%dma_wait3A_362, %dma_wait3A_363] : memref<80x128xi32, #tpu.memory_space<vmem>> -> memref<1x128xi32, #tpu.memory_space<vmem>>
      %dma_wait3A_365 = tpu.memref_squeeze %dma_wait3A_364 : memref<1x128xi32, #tpu.memory_space<vmem>> -> memref<128xi32, #tpu.memory_space<vmem>>
      %dma_wait3A_366 = arith.constant 0 : i32
      %dma_wait3A_367 = arith.constant 0 : i32
      %dma_wait3A_368 = tpu.memref_slice %arg2[%dma_wait3A_366, %dma_wait3A_367] : memref<10240x128xf32, #tpu.memory_space<hbm>> -> memref<10240x128xf32, #tpu.memory_space<hbm>>
      tpu.wait_indirect_dma semaphore(%arg14 : memref<!tpu.dma_semaphore, #tpu.memory_space<semaphore_mem>>) src(%dma_wait3A_368 : memref<10240x128xf32, #tpu.memory_space<hbm>>) dst(%arg11 : memref<128x128xf32, #tpu.memory_space<vmem>>)
      %run_scoped3A_369 = arith.constant 5 : i32
      "tpu.region"() ({
        %run_scoped3A_557 = tpu.sem_alloc : memref<!tpu.dma_semaphore, #tpu.memory_space<semaphore_mem>>
        %dma_start3A_558 = arith.constant 0 : i32
        %dma_start3A_559 = tpu.memref_slice %arg8[%run_scoped3A_369, %dma_start3A_558] : memref<8x128xi32, #tpu.memory_space<vmem>> -> memref<1x128xi32, #tpu.memory_space<vmem>>
        %dma_start3A_560 = tpu.memref_squeeze %dma_start3A_559 : memref<1x128xi32, #tpu.memory_space<vmem>> -> memref<128xi32, #tpu.memory_space<vmem>>
        %dma_start3A_561 = arith.constant 0 : i32
        %dma_start3A_562 = arith.constant 0 : i32
        %dma_start3A_563 = tpu.memref_slice %arg12[%dma_start3A_561, %dma_start3A_562] : memref<10240x128xf32, #tpu.memory_space<vmem_shared>> -> memref<10240x128xf32, #tpu.memory_space<vmem_shared>>
        tpu.enqueue_indirect_dma source(%arg11 : memref<128x128xf32, #tpu.memory_space<vmem>>) target(%dma_start3A_563 : memref<10240x128xf32, #tpu.memory_space<vmem_shared>>) offsets(%dma_start3A_560 : memref<128xi32, #tpu.memory_space<vmem>>) semaphore(%run_scoped3A_557 : memref<!tpu.dma_semaphore, #tpu.memory_space<semaphore_mem>>) {add = true}
        %dma_wait3A_564 = arith.constant 0 : i32
        %dma_wait3A_565 = tpu.memref_slice %arg8[%run_scoped3A_369, %dma_wait3A_564] : memref<8x128xi32, #tpu.memory_space<vmem>> -> memref<1x128xi32, #tpu.memory_space<vmem>>
        %dma_wait3A_566 = tpu.memref_squeeze %dma_wait3A_565 : memref<1x128xi32, #tpu.memory_space<vmem>> -> memref<128xi32, #tpu.memory_space<vmem>>
        %dma_wait3A_567 = arith.constant 0 : i32
        %dma_wait3A_568 = arith.constant 0 : i32
        %dma_wait3A_569 = tpu.memref_slice %arg12[%dma_wait3A_567, %dma_wait3A_568] : memref<10240x128xf32, #tpu.memory_space<vmem_shared>> -> memref<10240x128xf32, #tpu.memory_space<vmem_shared>>
        tpu.wait_indirect_dma semaphore(%run_scoped3A_557 : memref<!tpu.dma_semaphore, #tpu.memory_space<semaphore_mem>>) src(%arg11 : memref<128x128xf32, #tpu.memory_space<vmem>>) dst(%dma_wait3A_569 : memref<10240x128xf32, #tpu.memory_space<vmem_shared>>)
        tpu.yield
      }) : () -> ()
      %mul3A_370 = arith.constant 8 : i32
      %mul3A_371 = arith.muli %mul3A_370, %mul3A_258 : i32
      %add3A_372 = arith.constant 6 : i32
      %add3A_373 = arith.addi %mul3A_371, %add3A_372 : i32
      %add3A_374 = arith.constant 1 : i32
      %add3A_375 = arith.addi %add3A_373, %add3A_374 : i32
      %dma_start3A_376 = arith.constant 0 : i32
      %dma_start3A_377 = tpu.memref_slice %arg7[%add3A_375, %dma_start3A_376] : memref<80x128xi32, #tpu.memory_space<vmem>> -> memref<1x128xi32, #tpu.memory_space<vmem>>
      %dma_start3A_378 = tpu.memref_squeeze %dma_start3A_377 : memref<1x128xi32, #tpu.memory_space<vmem>> -> memref<128xi32, #tpu.memory_space<vmem>>
      %dma_start3A_379 = arith.constant 0 : i32
      %dma_start3A_380 = arith.constant 0 : i32
      %dma_start3A_381 = tpu.memref_slice %arg2[%dma_start3A_379, %dma_start3A_380] : memref<10240x128xf32, #tpu.memory_space<hbm>> -> memref<10240x128xf32, #tpu.memory_space<hbm>>
      tpu.enqueue_indirect_dma source(%dma_start3A_381 : memref<10240x128xf32, #tpu.memory_space<hbm>>) target(%arg11 : memref<128x128xf32, #tpu.memory_space<vmem>>) offsets(%dma_start3A_378 : memref<128xi32, #tpu.memory_space<vmem>>) semaphore(%arg14 : memref<!tpu.dma_semaphore, #tpu.memory_space<semaphore_mem>>)
      %dma_wait3A_382 = arith.constant 0 : i32
      %dma_wait3A_383 = arith.constant 0 : i32
      %dma_wait3A_384 = tpu.memref_slice %arg7[%dma_wait3A_382, %dma_wait3A_383] : memref<80x128xi32, #tpu.memory_space<vmem>> -> memref<1x128xi32, #tpu.memory_space<vmem>>
      %dma_wait3A_385 = tpu.memref_squeeze %dma_wait3A_384 : memref<1x128xi32, #tpu.memory_space<vmem>> -> memref<128xi32, #tpu.memory_space<vmem>>
      %dma_wait3A_386 = arith.constant 0 : i32
      %dma_wait3A_387 = arith.constant 0 : i32
      %dma_wait3A_388 = tpu.memref_slice %arg2[%dma_wait3A_386, %dma_wait3A_387] : memref<10240x128xf32, #tpu.memory_space<hbm>> -> memref<10240x128xf32, #tpu.memory_space<hbm>>
      tpu.wait_indirect_dma semaphore(%arg13 : memref<!tpu.dma_semaphore, #tpu.memory_space<semaphore_mem>>) src(%dma_wait3A_388 : memref<10240x128xf32, #tpu.memory_space<hbm>>) dst(%arg10 : memref<128x128xf32, #tpu.memory_space<vmem>>)
      %run_scoped3A_389 = arith.constant 6 : i32
      "tpu.region"() ({
        %run_scoped3A_557 = tpu.sem_alloc : memref<!tpu.dma_semaphore, #tpu.memory_space<semaphore_mem>>
        %dma_start3A_558 = arith.constant 0 : i32
        %dma_start3A_559 = tpu.memref_slice %arg8[%run_scoped3A_389, %dma_start3A_558] : memref<8x128xi32, #tpu.memory_space<vmem>> -> memref<1x128xi32, #tpu.memory_space<vmem>>
        %dma_start3A_560 = tpu.memref_squeeze %dma_start3A_559 : memref<1x128xi32, #tpu.memory_space<vmem>> -> memref<128xi32, #tpu.memory_space<vmem>>
        %dma_start3A_561 = arith.constant 0 : i32
        %dma_start3A_562 = arith.constant 0 : i32
        %dma_start3A_563 = tpu.memref_slice %arg12[%dma_start3A_561, %dma_start3A_562] : memref<10240x128xf32, #tpu.memory_space<vmem_shared>> -> memref<10240x128xf32, #tpu.memory_space<vmem_shared>>
        tpu.enqueue_indirect_dma source(%arg10 : memref<128x128xf32, #tpu.memory_space<vmem>>) target(%dma_start3A_563 : memref<10240x128xf32, #tpu.memory_space<vmem_shared>>) offsets(%dma_start3A_560 : memref<128xi32, #tpu.memory_space<vmem>>) semaphore(%run_scoped3A_557 : memref<!tpu.dma_semaphore, #tpu.memory_space<semaphore_mem>>) {add = true}
        %dma_wait3A_564 = arith.constant 0 : i32
        %dma_wait3A_565 = tpu.memref_slice %arg8[%run_scoped3A_389, %dma_wait3A_564] : memref<8x128xi32, #tpu.memory_space<vmem>> -> memref<1x128xi32, #tpu.memory_space<vmem>>
        %dma_wait3A_566 = tpu.memref_squeeze %dma_wait3A_565 : memref<1x128xi32, #tpu.memory_space<vmem>> -> memref<128xi32, #tpu.memory_space<vmem>>
        %dma_wait3A_567 = arith.constant 0 : i32
        %dma_wait3A_568 = arith.constant 0 : i32
        %dma_wait3A_569 = tpu.memref_slice %arg12[%dma_wait3A_567, %dma_wait3A_568] : memref<10240x128xf32, #tpu.memory_space<vmem_shared>> -> memref<10240x128xf32, #tpu.memory_space<vmem_shared>>
        tpu.wait_indirect_dma semaphore(%run_scoped3A_557 : memref<!tpu.dma_semaphore, #tpu.memory_space<semaphore_mem>>) src(%arg10 : memref<128x128xf32, #tpu.memory_space<vmem>>) dst(%dma_wait3A_569 : memref<10240x128xf32, #tpu.memory_space<vmem_shared>>)
        tpu.yield
      }) : () -> ()
      %add3A_390 = arith.constant 1 : i32
      %add3A_391 = arith.addi %add3A_375, %add3A_390 : i32
      %dma_start3A_392 = arith.constant 0 : i32
      %dma_start3A_393 = tpu.memref_slice %arg7[%add3A_391, %dma_start3A_392] : memref<80x128xi32, #tpu.memory_space<vmem>> -> memref<1x128xi32, #tpu.memory_space<vmem>>
      %dma_start3A_394 = tpu.memref_squeeze %dma_start3A_393 : memref<1x128xi32, #tpu.memory_space<vmem>> -> memref<128xi32, #tpu.memory_space<vmem>>
      %dma_start3A_395 = arith.constant 0 : i32
      %dma_start3A_396 = arith.constant 0 : i32
      %dma_start3A_397 = tpu.memref_slice %arg2[%dma_start3A_395, %dma_start3A_396] : memref<10240x128xf32, #tpu.memory_space<hbm>> -> memref<10240x128xf32, #tpu.memory_space<hbm>>
      tpu.enqueue_indirect_dma source(%dma_start3A_397 : memref<10240x128xf32, #tpu.memory_space<hbm>>) target(%arg10 : memref<128x128xf32, #tpu.memory_space<vmem>>) offsets(%dma_start3A_394 : memref<128xi32, #tpu.memory_space<vmem>>) semaphore(%arg13 : memref<!tpu.dma_semaphore, #tpu.memory_space<semaphore_mem>>)
      %dma_wait3A_398 = arith.constant 0 : i32
      %dma_wait3A_399 = arith.constant 0 : i32
      %dma_wait3A_400 = tpu.memref_slice %arg7[%dma_wait3A_398, %dma_wait3A_399] : memref<80x128xi32, #tpu.memory_space<vmem>> -> memref<1x128xi32, #tpu.memory_space<vmem>>
      %dma_wait3A_401 = tpu.memref_squeeze %dma_wait3A_400 : memref<1x128xi32, #tpu.memory_space<vmem>> -> memref<128xi32, #tpu.memory_space<vmem>>
      %dma_wait3A_402 = arith.constant 0 : i32
      %dma_wait3A_403 = arith.constant 0 : i32
      %dma_wait3A_404 = tpu.memref_slice %arg2[%dma_wait3A_402, %dma_wait3A_403] : memref<10240x128xf32, #tpu.memory_space<hbm>> -> memref<10240x128xf32, #tpu.memory_space<hbm>>
      tpu.wait_indirect_dma semaphore(%arg14 : memref<!tpu.dma_semaphore, #tpu.memory_space<semaphore_mem>>) src(%dma_wait3A_404 : memref<10240x128xf32, #tpu.memory_space<hbm>>) dst(%arg11 : memref<128x128xf32, #tpu.memory_space<vmem>>)
      %run_scoped3A_405 = arith.constant 7 : i32
      "tpu.region"() ({
        %run_scoped3A_557 = tpu.sem_alloc : memref<!tpu.dma_semaphore, #tpu.memory_space<semaphore_mem>>
        %dma_start3A_558 = arith.constant 0 : i32
        %dma_start3A_559 = tpu.memref_slice %arg8[%run_scoped3A_405, %dma_start3A_558] : memref<8x128xi32, #tpu.memory_space<vmem>> -> memref<1x128xi32, #tpu.memory_space<vmem>>
        %dma_start3A_560 = tpu.memref_squeeze %dma_start3A_559 : memref<1x128xi32, #tpu.memory_space<vmem>> -> memref<128xi32, #tpu.memory_space<vmem>>
        %dma_start3A_561 = arith.constant 0 : i32
        %dma_start3A_562 = arith.constant 0 : i32
        %dma_start3A_563 = tpu.memref_slice %arg12[%dma_start3A_561, %dma_start3A_562] : memref<10240x128xf32, #tpu.memory_space<vmem_shared>> -> memref<10240x128xf32, #tpu.memory_space<vmem_shared>>
        tpu.enqueue_indirect_dma source(%arg11 : memref<128x128xf32, #tpu.memory_space<vmem>>) target(%dma_start3A_563 : memref<10240x128xf32, #tpu.memory_space<vmem_shared>>) offsets(%dma_start3A_560 : memref<128xi32, #tpu.memory_space<vmem>>) semaphore(%run_scoped3A_557 : memref<!tpu.dma_semaphore, #tpu.memory_space<semaphore_mem>>) {add = true}
        %dma_wait3A_564 = arith.constant 0 : i32
        %dma_wait3A_565 = tpu.memref_slice %arg8[%run_scoped3A_405, %dma_wait3A_564] : memref<8x128xi32, #tpu.memory_space<vmem>> -> memref<1x128xi32, #tpu.memory_space<vmem>>
        %dma_wait3A_566 = tpu.memref_squeeze %dma_wait3A_565 : memref<1x128xi32, #tpu.memory_space<vmem>> -> memref<128xi32, #tpu.memory_space<vmem>>
        %dma_wait3A_567 = arith.constant 0 : i32
        %dma_wait3A_568 = arith.constant 0 : i32
        %dma_wait3A_569 = tpu.memref_slice %arg12[%dma_wait3A_567, %dma_wait3A_568] : memref<10240x128xf32, #tpu.memory_space<vmem_shared>> -> memref<10240x128xf32, #tpu.memory_space<vmem_shared>>
        tpu.wait_indirect_dma semaphore(%run_scoped3A_557 : memref<!tpu.dma_semaphore, #tpu.memory_space<semaphore_mem>>) src(%arg11 : memref<128x128xf32, #tpu.memory_space<vmem>>) dst(%dma_wait3A_569 : memref<10240x128xf32, #tpu.memory_space<vmem_shared>>)
        tpu.yield
      }) : () -> ()
      %mul3A_406 = arith.constant 2 : i32
      %mul3A_407 = arith.muli %mul3A_406, %scan3A_256 : i32
      %add3A_408 = arith.constant 1 : i32
      %add3A_409 = arith.addi %mul3A_407, %add3A_408 : i32
      %mul3A_410 = arith.constant 8 : i32
      %mul3A_411 = arith.muli %mul3A_410, %add3A_409 : i32
      %add3A_412 = arith.addi %mul3A_4, %mul3A_411 : i32
      "tpu.region"() ({
        %run_scoped3A_557 = tpu.sem_alloc : memref<!tpu.dma_semaphore, #tpu.memory_space<semaphore_mem>>
        %dma_start3A_558 = arith.constant 0 : i32
        %dma_start3A_559 = tpu.memref_slice %arg4[%add3A_412, %dma_start3A_558] : memref<2560x128xi32, #tpu.memory_space<hbm>> -> memref<8x128xi32, #tpu.memory_space<hbm>>
        %dma_start3A_560 = arith.constant 0 : i32
        %dma_start3A_561 = tpu.memref_slice %arg4[%add3A_412, %dma_start3A_560] : memref<2560x128xi32, #tpu.memory_space<hbm>> -> memref<8x128xi32, #tpu.memory_space<hbm>>
        tpu.enqueue_dma source(%dma_start3A_561 : memref<8x128xi32, #tpu.memory_space<hbm>>) target(%arg9 : memref<8x128xi32, #tpu.memory_space<vmem>>) target_semaphore(%run_scoped3A_557 : memref<!tpu.dma_semaphore, #tpu.memory_space<semaphore_mem>>)
        %dma_wait3A_562 = arith.constant 0 : i32
        %dma_wait3A_563 = tpu.memref_slice %arg4[%add3A_412, %dma_wait3A_562] : memref<2560x128xi32, #tpu.memory_space<hbm>> -> memref<8x128xi32, #tpu.memory_space<hbm>>
        %dma_wait3A_564 = arith.constant 0 : i32
        %dma_wait3A_565 = tpu.memref_slice %arg4[%add3A_412, %dma_wait3A_564] : memref<2560x128xi32, #tpu.memory_space<hbm>> -> memref<8x128xi32, #tpu.memory_space<hbm>>
        tpu.wait_dma2 semaphore(%run_scoped3A_557 : memref<!tpu.dma_semaphore, #tpu.memory_space<semaphore_mem>>) src(%dma_wait3A_565 : memref<8x128xi32, #tpu.memory_space<hbm>>) dst(%arg9 : memref<8x128xi32, #tpu.memory_space<vmem>>)
        tpu.yield
      }) : () -> ()
      %mul3A_413 = arith.constant 8 : i32
      %mul3A_414 = arith.muli %mul3A_413, %add3A_409 : i32
      %add3A_415 = arith.constant 0 : i32
      %add3A_416 = arith.addi %mul3A_414, %add3A_415 : i32
      %add3A_417 = arith.constant 1 : i32
      %add3A_418 = arith.addi %add3A_416, %add3A_417 : i32
      %dma_start3A_419 = arith.constant 0 : i32
      %dma_start3A_420 = tpu.memref_slice %arg7[%add3A_418, %dma_start3A_419] : memref<80x128xi32, #tpu.memory_space<vmem>> -> memref<1x128xi32, #tpu.memory_space<vmem>>
      %dma_start3A_421 = tpu.memref_squeeze %dma_start3A_420 : memref<1x128xi32, #tpu.memory_space<vmem>> -> memref<128xi32, #tpu.memory_space<vmem>>
      %dma_start3A_422 = arith.constant 0 : i32
      %dma_start3A_423 = arith.constant 0 : i32
      %dma_start3A_424 = tpu.memref_slice %arg2[%dma_start3A_422, %dma_start3A_423] : memref<10240x128xf32, #tpu.memory_space<hbm>> -> memref<10240x128xf32, #tpu.memory_space<hbm>>
      tpu.enqueue_indirect_dma source(%dma_start3A_424 : memref<10240x128xf32, #tpu.memory_space<hbm>>) target(%arg11 : memref<128x128xf32, #tpu.memory_space<vmem>>) offsets(%dma_start3A_421 : memref<128xi32, #tpu.memory_space<vmem>>) semaphore(%arg14 : memref<!tpu.dma_semaphore, #tpu.memory_space<semaphore_mem>>)
      %dma_wait3A_425 = arith.constant 0 : i32
      %dma_wait3A_426 = arith.constant 0 : i32
      %dma_wait3A_427 = tpu.memref_slice %arg7[%dma_wait3A_425, %dma_wait3A_426] : memref<80x128xi32, #tpu.memory_space<vmem>> -> memref<1x128xi32, #tpu.memory_space<vmem>>
      %dma_wait3A_428 = tpu.memref_squeeze %dma_wait3A_427 : memref<1x128xi32, #tpu.memory_space<vmem>> -> memref<128xi32, #tpu.memory_space<vmem>>
      %dma_wait3A_429 = arith.constant 0 : i32
      %dma_wait3A_430 = arith.constant 0 : i32
      %dma_wait3A_431 = tpu.memref_slice %arg2[%dma_wait3A_429, %dma_wait3A_430] : memref<10240x128xf32, #tpu.memory_space<hbm>> -> memref<10240x128xf32, #tpu.memory_space<hbm>>
      tpu.wait_indirect_dma semaphore(%arg13 : memref<!tpu.dma_semaphore, #tpu.memory_space<semaphore_mem>>) src(%dma_wait3A_431 : memref<10240x128xf32, #tpu.memory_space<hbm>>) dst(%arg10 : memref<128x128xf32, #tpu.memory_space<vmem>>)
      %run_scoped3A_432 = arith.constant 0 : i32
      "tpu.region"() ({
        %run_scoped3A_557 = tpu.sem_alloc : memref<!tpu.dma_semaphore, #tpu.memory_space<semaphore_mem>>
        %dma_start3A_558 = arith.constant 0 : i32
        %dma_start3A_559 = tpu.memref_slice %arg9[%run_scoped3A_432, %dma_start3A_558] : memref<8x128xi32, #tpu.memory_space<vmem>> -> memref<1x128xi32, #tpu.memory_space<vmem>>
        %dma_start3A_560 = tpu.memref_squeeze %dma_start3A_559 : memref<1x128xi32, #tpu.memory_space<vmem>> -> memref<128xi32, #tpu.memory_space<vmem>>
        %dma_start3A_561 = arith.constant 0 : i32
        %dma_start3A_562 = arith.constant 0 : i32
        %dma_start3A_563 = tpu.memref_slice %arg12[%dma_start3A_561, %dma_start3A_562] : memref<10240x128xf32, #tpu.memory_space<vmem_shared>> -> memref<10240x128xf32, #tpu.memory_space<vmem_shared>>
        tpu.enqueue_indirect_dma source(%arg10 : memref<128x128xf32, #tpu.memory_space<vmem>>) target(%dma_start3A_563 : memref<10240x128xf32, #tpu.memory_space<vmem_shared>>) offsets(%dma_start3A_560 : memref<128xi32, #tpu.memory_space<vmem>>) semaphore(%run_scoped3A_557 : memref<!tpu.dma_semaphore, #tpu.memory_space<semaphore_mem>>) {add = true}
        %dma_wait3A_564 = arith.constant 0 : i32
        %dma_wait3A_565 = tpu.memref_slice %arg9[%run_scoped3A_432, %dma_wait3A_564] : memref<8x128xi32, #tpu.memory_space<vmem>> -> memref<1x128xi32, #tpu.memory_space<vmem>>
        %dma_wait3A_566 = tpu.memref_squeeze %dma_wait3A_565 : memref<1x128xi32, #tpu.memory_space<vmem>> -> memref<128xi32, #tpu.memory_space<vmem>>
        %dma_wait3A_567 = arith.constant 0 : i32
        %dma_wait3A_568 = arith.constant 0 : i32
        %dma_wait3A_569 = tpu.memref_slice %arg12[%dma_wait3A_567, %dma_wait3A_568] : memref<10240x128xf32, #tpu.memory_space<vmem_shared>> -> memref<10240x128xf32, #tpu.memory_space<vmem_shared>>
        tpu.wait_indirect_dma semaphore(%run_scoped3A_557 : memref<!tpu.dma_semaphore, #tpu.memory_space<semaphore_mem>>) src(%arg10 : memref<128x128xf32, #tpu.memory_space<vmem>>) dst(%dma_wait3A_569 : memref<10240x128xf32, #tpu.memory_space<vmem_shared>>)
        tpu.yield
      }) : () -> ()
      %add3A_433 = arith.constant 1 : i32
      %add3A_434 = arith.addi %add3A_418, %add3A_433 : i32
      %dma_start3A_435 = arith.constant 0 : i32
      %dma_start3A_436 = tpu.memref_slice %arg7[%add3A_434, %dma_start3A_435] : memref<80x128xi32, #tpu.memory_space<vmem>> -> memref<1x128xi32, #tpu.memory_space<vmem>>
      %dma_start3A_437 = tpu.memref_squeeze %dma_start3A_436 : memref<1x128xi32, #tpu.memory_space<vmem>> -> memref<128xi32, #tpu.memory_space<vmem>>
      %dma_start3A_438 = arith.constant 0 : i32
      %dma_start3A_439 = arith.constant 0 : i32
      %dma_start3A_440 = tpu.memref_slice %arg2[%dma_start3A_438, %dma_start3A_439] : memref<10240x128xf32, #tpu.memory_space<hbm>> -> memref<10240x128xf32, #tpu.memory_space<hbm>>
      tpu.enqueue_indirect_dma source(%dma_start3A_440 : memref<10240x128xf32, #tpu.memory_space<hbm>>) target(%arg10 : memref<128x128xf32, #tpu.memory_space<vmem>>) offsets(%dma_start3A_437 : memref<128xi32, #tpu.memory_space<vmem>>) semaphore(%arg13 : memref<!tpu.dma_semaphore, #tpu.memory_space<semaphore_mem>>)
      %dma_wait3A_441 = arith.constant 0 : i32
      %dma_wait3A_442 = arith.constant 0 : i32
      %dma_wait3A_443 = tpu.memref_slice %arg7[%dma_wait3A_441, %dma_wait3A_442] : memref<80x128xi32, #tpu.memory_space<vmem>> -> memref<1x128xi32, #tpu.memory_space<vmem>>
      %dma_wait3A_444 = tpu.memref_squeeze %dma_wait3A_443 : memref<1x128xi32, #tpu.memory_space<vmem>> -> memref<128xi32, #tpu.memory_space<vmem>>
      %dma_wait3A_445 = arith.constant 0 : i32
      %dma_wait3A_446 = arith.constant 0 : i32
      %dma_wait3A_447 = tpu.memref_slice %arg2[%dma_wait3A_445, %dma_wait3A_446] : memref<10240x128xf32, #tpu.memory_space<hbm>> -> memref<10240x128xf32, #tpu.memory_space<hbm>>
      tpu.wait_indirect_dma semaphore(%arg14 : memref<!tpu.dma_semaphore, #tpu.memory_space<semaphore_mem>>) src(%dma_wait3A_447 : memref<10240x128xf32, #tpu.memory_space<hbm>>) dst(%arg11 : memref<128x128xf32, #tpu.memory_space<vmem>>)
      %run_scoped3A_448 = arith.constant 1 : i32
      "tpu.region"() ({
        %run_scoped3A_557 = tpu.sem_alloc : memref<!tpu.dma_semaphore, #tpu.memory_space<semaphore_mem>>
        %dma_start3A_558 = arith.constant 0 : i32
        %dma_start3A_559 = tpu.memref_slice %arg9[%run_scoped3A_448, %dma_start3A_558] : memref<8x128xi32, #tpu.memory_space<vmem>> -> memref<1x128xi32, #tpu.memory_space<vmem>>
        %dma_start3A_560 = tpu.memref_squeeze %dma_start3A_559 : memref<1x128xi32, #tpu.memory_space<vmem>> -> memref<128xi32, #tpu.memory_space<vmem>>
        %dma_start3A_561 = arith.constant 0 : i32
        %dma_start3A_562 = arith.constant 0 : i32
        %dma_start3A_563 = tpu.memref_slice %arg12[%dma_start3A_561, %dma_start3A_562] : memref<10240x128xf32, #tpu.memory_space<vmem_shared>> -> memref<10240x128xf32, #tpu.memory_space<vmem_shared>>
        tpu.enqueue_indirect_dma source(%arg11 : memref<128x128xf32, #tpu.memory_space<vmem>>) target(%dma_start3A_563 : memref<10240x128xf32, #tpu.memory_space<vmem_shared>>) offsets(%dma_start3A_560 : memref<128xi32, #tpu.memory_space<vmem>>) semaphore(%run_scoped3A_557 : memref<!tpu.dma_semaphore, #tpu.memory_space<semaphore_mem>>) {add = true}
        %dma_wait3A_564 = arith.constant 0 : i32
        %dma_wait3A_565 = tpu.memref_slice %arg9[%run_scoped3A_448, %dma_wait3A_564] : memref<8x128xi32, #tpu.memory_space<vmem>> -> memref<1x128xi32, #tpu.memory_space<vmem>>
        %dma_wait3A_566 = tpu.memref_squeeze %dma_wait3A_565 : memref<1x128xi32, #tpu.memory_space<vmem>> -> memref<128xi32, #tpu.memory_space<vmem>>
        %dma_wait3A_567 = arith.constant 0 : i32
        %dma_wait3A_568 = arith.constant 0 : i32
        %dma_wait3A_569 = tpu.memref_slice %arg12[%dma_wait3A_567, %dma_wait3A_568] : memref<10240x128xf32, #tpu.memory_space<vmem_shared>> -> memref<10240x128xf32, #tpu.memory_space<vmem_shared>>
        tpu.wait_indirect_dma semaphore(%run_scoped3A_557 : memref<!tpu.dma_semaphore, #tpu.memory_space<semaphore_mem>>) src(%arg11 : memref<128x128xf32, #tpu.memory_space<vmem>>) dst(%dma_wait3A_569 : memref<10240x128xf32, #tpu.memory_space<vmem_shared>>)
        tpu.yield
      }) : () -> ()
      %mul3A_449 = arith.constant 8 : i32
      %mul3A_450 = arith.muli %mul3A_449, %add3A_409 : i32
      %add3A_451 = arith.constant 2 : i32
      %add3A_452 = arith.addi %mul3A_450, %add3A_451 : i32
      %add3A_453 = arith.constant 1 : i32
      %add3A_454 = arith.addi %add3A_452, %add3A_453 : i32
      %dma_start3A_455 = arith.constant 0 : i32
      %dma_start3A_456 = tpu.memref_slice %arg7[%add3A_454, %dma_start3A_455] : memref<80x128xi32, #tpu.memory_space<vmem>> -> memref<1x128xi32, #tpu.memory_space<vmem>>
      %dma_start3A_457 = tpu.memref_squeeze %dma_start3A_456 : memref<1x128xi32, #tpu.memory_space<vmem>> -> memref<128xi32, #tpu.memory_space<vmem>>
      %dma_start3A_458 = arith.constant 0 : i32
      %dma_start3A_459 = arith.constant 0 : i32
      %dma_start3A_460 = tpu.memref_slice %arg2[%dma_start3A_458, %dma_start3A_459] : memref<10240x128xf32, #tpu.memory_space<hbm>> -> memref<10240x128xf32, #tpu.memory_space<hbm>>
      tpu.enqueue_indirect_dma source(%dma_start3A_460 : memref<10240x128xf32, #tpu.memory_space<hbm>>) target(%arg11 : memref<128x128xf32, #tpu.memory_space<vmem>>) offsets(%dma_start3A_457 : memref<128xi32, #tpu.memory_space<vmem>>) semaphore(%arg14 : memref<!tpu.dma_semaphore, #tpu.memory_space<semaphore_mem>>)
      %dma_wait3A_461 = arith.constant 0 : i32
      %dma_wait3A_462 = arith.constant 0 : i32
      %dma_wait3A_463 = tpu.memref_slice %arg7[%dma_wait3A_461, %dma_wait3A_462] : memref<80x128xi32, #tpu.memory_space<vmem>> -> memref<1x128xi32, #tpu.memory_space<vmem>>
      %dma_wait3A_464 = tpu.memref_squeeze %dma_wait3A_463 : memref<1x128xi32, #tpu.memory_space<vmem>> -> memref<128xi32, #tpu.memory_space<vmem>>
      %dma_wait3A_465 = arith.constant 0 : i32
      %dma_wait3A_466 = arith.constant 0 : i32
      %dma_wait3A_467 = tpu.memref_slice %arg2[%dma_wait3A_465, %dma_wait3A_466] : memref<10240x128xf32, #tpu.memory_space<hbm>> -> memref<10240x128xf32, #tpu.memory_space<hbm>>
      tpu.wait_indirect_dma semaphore(%arg13 : memref<!tpu.dma_semaphore, #tpu.memory_space<semaphore_mem>>) src(%dma_wait3A_467 : memref<10240x128xf32, #tpu.memory_space<hbm>>) dst(%arg10 : memref<128x128xf32, #tpu.memory_space<vmem>>)
      %run_scoped3A_468 = arith.constant 2 : i32
      "tpu.region"() ({
        %run_scoped3A_557 = tpu.sem_alloc : memref<!tpu.dma_semaphore, #tpu.memory_space<semaphore_mem>>
        %dma_start3A_558 = arith.constant 0 : i32
        %dma_start3A_559 = tpu.memref_slice %arg9[%run_scoped3A_468, %dma_start3A_558] : memref<8x128xi32, #tpu.memory_space<vmem>> -> memref<1x128xi32, #tpu.memory_space<vmem>>
        %dma_start3A_560 = tpu.memref_squeeze %dma_start3A_559 : memref<1x128xi32, #tpu.memory_space<vmem>> -> memref<128xi32, #tpu.memory_space<vmem>>
        %dma_start3A_561 = arith.constant 0 : i32
        %dma_start3A_562 = arith.constant 0 : i32
        %dma_start3A_563 = tpu.memref_slice %arg12[%dma_start3A_561, %dma_start3A_562] : memref<10240x128xf32, #tpu.memory_space<vmem_shared>> -> memref<10240x128xf32, #tpu.memory_space<vmem_shared>>
        tpu.enqueue_indirect_dma source(%arg10 : memref<128x128xf32, #tpu.memory_space<vmem>>) target(%dma_start3A_563 : memref<10240x128xf32, #tpu.memory_space<vmem_shared>>) offsets(%dma_start3A_560 : memref<128xi32, #tpu.memory_space<vmem>>) semaphore(%run_scoped3A_557 : memref<!tpu.dma_semaphore, #tpu.memory_space<semaphore_mem>>) {add = true}
        %dma_wait3A_564 = arith.constant 0 : i32
        %dma_wait3A_565 = tpu.memref_slice %arg9[%run_scoped3A_468, %dma_wait3A_564] : memref<8x128xi32, #tpu.memory_space<vmem>> -> memref<1x128xi32, #tpu.memory_space<vmem>>
        %dma_wait3A_566 = tpu.memref_squeeze %dma_wait3A_565 : memref<1x128xi32, #tpu.memory_space<vmem>> -> memref<128xi32, #tpu.memory_space<vmem>>
        %dma_wait3A_567 = arith.constant 0 : i32
        %dma_wait3A_568 = arith.constant 0 : i32
        %dma_wait3A_569 = tpu.memref_slice %arg12[%dma_wait3A_567, %dma_wait3A_568] : memref<10240x128xf32, #tpu.memory_space<vmem_shared>> -> memref<10240x128xf32, #tpu.memory_space<vmem_shared>>
        tpu.wait_indirect_dma semaphore(%run_scoped3A_557 : memref<!tpu.dma_semaphore, #tpu.memory_space<semaphore_mem>>) src(%arg10 : memref<128x128xf32, #tpu.memory_space<vmem>>) dst(%dma_wait3A_569 : memref<10240x128xf32, #tpu.memory_space<vmem_shared>>)
        tpu.yield
      }) : () -> ()
      %add3A_469 = arith.constant 1 : i32
      %add3A_470 = arith.addi %add3A_454, %add3A_469 : i32
      %dma_start3A_471 = arith.constant 0 : i32
      %dma_start3A_472 = tpu.memref_slice %arg7[%add3A_470, %dma_start3A_471] : memref<80x128xi32, #tpu.memory_space<vmem>> -> memref<1x128xi32, #tpu.memory_space<vmem>>
      %dma_start3A_473 = tpu.memref_squeeze %dma_start3A_472 : memref<1x128xi32, #tpu.memory_space<vmem>> -> memref<128xi32, #tpu.memory_space<vmem>>
      %dma_start3A_474 = arith.constant 0 : i32
      %dma_start3A_475 = arith.constant 0 : i32
      %dma_start3A_476 = tpu.memref_slice %arg2[%dma_start3A_474, %dma_start3A_475] : memref<10240x128xf32, #tpu.memory_space<hbm>> -> memref<10240x128xf32, #tpu.memory_space<hbm>>
      tpu.enqueue_indirect_dma source(%dma_start3A_476 : memref<10240x128xf32, #tpu.memory_space<hbm>>) target(%arg10 : memref<128x128xf32, #tpu.memory_space<vmem>>) offsets(%dma_start3A_473 : memref<128xi32, #tpu.memory_space<vmem>>) semaphore(%arg13 : memref<!tpu.dma_semaphore, #tpu.memory_space<semaphore_mem>>)
      %dma_wait3A_477 = arith.constant 0 : i32
      %dma_wait3A_478 = arith.constant 0 : i32
      %dma_wait3A_479 = tpu.memref_slice %arg7[%dma_wait3A_477, %dma_wait3A_478] : memref<80x128xi32, #tpu.memory_space<vmem>> -> memref<1x128xi32, #tpu.memory_space<vmem>>
      %dma_wait3A_480 = tpu.memref_squeeze %dma_wait3A_479 : memref<1x128xi32, #tpu.memory_space<vmem>> -> memref<128xi32, #tpu.memory_space<vmem>>
      %dma_wait3A_481 = arith.constant 0 : i32
      %dma_wait3A_482 = arith.constant 0 : i32
      %dma_wait3A_483 = tpu.memref_slice %arg2[%dma_wait3A_481, %dma_wait3A_482] : memref<10240x128xf32, #tpu.memory_space<hbm>> -> memref<10240x128xf32, #tpu.memory_space<hbm>>
      tpu.wait_indirect_dma semaphore(%arg14 : memref<!tpu.dma_semaphore, #tpu.memory_space<semaphore_mem>>) src(%dma_wait3A_483 : memref<10240x128xf32, #tpu.memory_space<hbm>>) dst(%arg11 : memref<128x128xf32, #tpu.memory_space<vmem>>)
      %run_scoped3A_484 = arith.constant 3 : i32
      "tpu.region"() ({
        %run_scoped3A_557 = tpu.sem_alloc : memref<!tpu.dma_semaphore, #tpu.memory_space<semaphore_mem>>
        %dma_start3A_558 = arith.constant 0 : i32
        %dma_start3A_559 = tpu.memref_slice %arg9[%run_scoped3A_484, %dma_start3A_558] : memref<8x128xi32, #tpu.memory_space<vmem>> -> memref<1x128xi32, #tpu.memory_space<vmem>>
        %dma_start3A_560 = tpu.memref_squeeze %dma_start3A_559 : memref<1x128xi32, #tpu.memory_space<vmem>> -> memref<128xi32, #tpu.memory_space<vmem>>
        %dma_start3A_561 = arith.constant 0 : i32
        %dma_start3A_562 = arith.constant 0 : i32
        %dma_start3A_563 = tpu.memref_slice %arg12[%dma_start3A_561, %dma_start3A_562] : memref<10240x128xf32, #tpu.memory_space<vmem_shared>> -> memref<10240x128xf32, #tpu.memory_space<vmem_shared>>
        tpu.enqueue_indirect_dma source(%arg11 : memref<128x128xf32, #tpu.memory_space<vmem>>) target(%dma_start3A_563 : memref<10240x128xf32, #tpu.memory_space<vmem_shared>>) offsets(%dma_start3A_560 : memref<128xi32, #tpu.memory_space<vmem>>) semaphore(%run_scoped3A_557 : memref<!tpu.dma_semaphore, #tpu.memory_space<semaphore_mem>>) {add = true}
        %dma_wait3A_564 = arith.constant 0 : i32
        %dma_wait3A_565 = tpu.memref_slice %arg9[%run_scoped3A_484, %dma_wait3A_564] : memref<8x128xi32, #tpu.memory_space<vmem>> -> memref<1x128xi32, #tpu.memory_space<vmem>>
        %dma_wait3A_566 = tpu.memref_squeeze %dma_wait3A_565 : memref<1x128xi32, #tpu.memory_space<vmem>> -> memref<128xi32, #tpu.memory_space<vmem>>
        %dma_wait3A_567 = arith.constant 0 : i32
        %dma_wait3A_568 = arith.constant 0 : i32
        %dma_wait3A_569 = tpu.memref_slice %arg12[%dma_wait3A_567, %dma_wait3A_568] : memref<10240x128xf32, #tpu.memory_space<vmem_shared>> -> memref<10240x128xf32, #tpu.memory_space<vmem_shared>>
        tpu.wait_indirect_dma semaphore(%run_scoped3A_557 : memref<!tpu.dma_semaphore, #tpu.memory_space<semaphore_mem>>) src(%arg11 : memref<128x128xf32, #tpu.memory_space<vmem>>) dst(%dma_wait3A_569 : memref<10240x128xf32, #tpu.memory_space<vmem_shared>>)
        tpu.yield
      }) : () -> ()
      %mul3A_485 = arith.constant 8 : i32
      %mul3A_486 = arith.muli %mul3A_485, %add3A_409 : i32
      %add3A_487 = arith.constant 4 : i32
      %add3A_488 = arith.addi %mul3A_486, %add3A_487 : i32
      %add3A_489 = arith.constant 1 : i32
      %add3A_490 = arith.addi %add3A_488, %add3A_489 : i32
      %dma_start3A_491 = arith.constant 0 : i32
      %dma_start3A_492 = tpu.memref_slice %arg7[%add3A_490, %dma_start3A_491] : memref<80x128xi32, #tpu.memory_space<vmem>> -> memref<1x128xi32, #tpu.memory_space<vmem>>
      %dma_start3A_493 = tpu.memref_squeeze %dma_start3A_492 : memref<1x128xi32, #tpu.memory_space<vmem>> -> memref<128xi32, #tpu.memory_space<vmem>>
      %dma_start3A_494 = arith.constant 0 : i32
      %dma_start3A_495 = arith.constant 0 : i32
      %dma_start3A_496 = tpu.memref_slice %arg2[%dma_start3A_494, %dma_start3A_495] : memref<10240x128xf32, #tpu.memory_space<hbm>> -> memref<10240x128xf32, #tpu.memory_space<hbm>>
      tpu.enqueue_indirect_dma source(%dma_start3A_496 : memref<10240x128xf32, #tpu.memory_space<hbm>>) target(%arg11 : memref<128x128xf32, #tpu.memory_space<vmem>>) offsets(%dma_start3A_493 : memref<128xi32, #tpu.memory_space<vmem>>) semaphore(%arg14 : memref<!tpu.dma_semaphore, #tpu.memory_space<semaphore_mem>>)
      %dma_wait3A_497 = arith.constant 0 : i32
      %dma_wait3A_498 = arith.constant 0 : i32
      %dma_wait3A_499 = tpu.memref_slice %arg7[%dma_wait3A_497, %dma_wait3A_498] : memref<80x128xi32, #tpu.memory_space<vmem>> -> memref<1x128xi32, #tpu.memory_space<vmem>>
      %dma_wait3A_500 = tpu.memref_squeeze %dma_wait3A_499 : memref<1x128xi32, #tpu.memory_space<vmem>> -> memref<128xi32, #tpu.memory_space<vmem>>
      %dma_wait3A_501 = arith.constant 0 : i32
      %dma_wait3A_502 = arith.constant 0 : i32
      %dma_wait3A_503 = tpu.memref_slice %arg2[%dma_wait3A_501, %dma_wait3A_502] : memref<10240x128xf32, #tpu.memory_space<hbm>> -> memref<10240x128xf32, #tpu.memory_space<hbm>>
      tpu.wait_indirect_dma semaphore(%arg13 : memref<!tpu.dma_semaphore, #tpu.memory_space<semaphore_mem>>) src(%dma_wait3A_503 : memref<10240x128xf32, #tpu.memory_space<hbm>>) dst(%arg10 : memref<128x128xf32, #tpu.memory_space<vmem>>)
      %run_scoped3A_504 = arith.constant 4 : i32
      "tpu.region"() ({
        %run_scoped3A_557 = tpu.sem_alloc : memref<!tpu.dma_semaphore, #tpu.memory_space<semaphore_mem>>
        %dma_start3A_558 = arith.constant 0 : i32
        %dma_start3A_559 = tpu.memref_slice %arg9[%run_scoped3A_504, %dma_start3A_558] : memref<8x128xi32, #tpu.memory_space<vmem>> -> memref<1x128xi32, #tpu.memory_space<vmem>>
        %dma_start3A_560 = tpu.memref_squeeze %dma_start3A_559 : memref<1x128xi32, #tpu.memory_space<vmem>> -> memref<128xi32, #tpu.memory_space<vmem>>
        %dma_start3A_561 = arith.constant 0 : i32
        %dma_start3A_562 = arith.constant 0 : i32
        %dma_start3A_563 = tpu.memref_slice %arg12[%dma_start3A_561, %dma_start3A_562] : memref<10240x128xf32, #tpu.memory_space<vmem_shared>> -> memref<10240x128xf32, #tpu.memory_space<vmem_shared>>
        tpu.enqueue_indirect_dma source(%arg10 : memref<128x128xf32, #tpu.memory_space<vmem>>) target(%dma_start3A_563 : memref<10240x128xf32, #tpu.memory_space<vmem_shared>>) offsets(%dma_start3A_560 : memref<128xi32, #tpu.memory_space<vmem>>) semaphore(%run_scoped3A_557 : memref<!tpu.dma_semaphore, #tpu.memory_space<semaphore_mem>>) {add = true}
        %dma_wait3A_564 = arith.constant 0 : i32
        %dma_wait3A_565 = tpu.memref_slice %arg9[%run_scoped3A_504, %dma_wait3A_564] : memref<8x128xi32, #tpu.memory_space<vmem>> -> memref<1x128xi32, #tpu.memory_space<vmem>>
        %dma_wait3A_566 = tpu.memref_squeeze %dma_wait3A_565 : memref<1x128xi32, #tpu.memory_space<vmem>> -> memref<128xi32, #tpu.memory_space<vmem>>
        %dma_wait3A_567 = arith.constant 0 : i32
        %dma_wait3A_568 = arith.constant 0 : i32
        %dma_wait3A_569 = tpu.memref_slice %arg12[%dma_wait3A_567, %dma_wait3A_568] : memref<10240x128xf32, #tpu.memory_space<vmem_shared>> -> memref<10240x128xf32, #tpu.memory_space<vmem_shared>>
        tpu.wait_indirect_dma semaphore(%run_scoped3A_557 : memref<!tpu.dma_semaphore, #tpu.memory_space<semaphore_mem>>) src(%arg10 : memref<128x128xf32, #tpu.memory_space<vmem>>) dst(%dma_wait3A_569 : memref<10240x128xf32, #tpu.memory_space<vmem_shared>>)
        tpu.yield
      }) : () -> ()
      %add3A_505 = arith.constant 1 : i32
      %add3A_506 = arith.addi %add3A_490, %add3A_505 : i32
      %dma_start3A_507 = arith.constant 0 : i32
      %dma_start3A_508 = tpu.memref_slice %arg7[%add3A_506, %dma_start3A_507] : memref<80x128xi32, #tpu.memory_space<vmem>> -> memref<1x128xi32, #tpu.memory_space<vmem>>
      %dma_start3A_509 = tpu.memref_squeeze %dma_start3A_508 : memref<1x128xi32, #tpu.memory_space<vmem>> -> memref<128xi32, #tpu.memory_space<vmem>>
      %dma_start3A_510 = arith.constant 0 : i32
      %dma_start3A_511 = arith.constant 0 : i32
      %dma_start3A_512 = tpu.memref_slice %arg2[%dma_start3A_510, %dma_start3A_511] : memref<10240x128xf32, #tpu.memory_space<hbm>> -> memref<10240x128xf32, #tpu.memory_space<hbm>>
      tpu.enqueue_indirect_dma source(%dma_start3A_512 : memref<10240x128xf32, #tpu.memory_space<hbm>>) target(%arg10 : memref<128x128xf32, #tpu.memory_space<vmem>>) offsets(%dma_start3A_509 : memref<128xi32, #tpu.memory_space<vmem>>) semaphore(%arg13 : memref<!tpu.dma_semaphore, #tpu.memory_space<semaphore_mem>>)
      %dma_wait3A_513 = arith.constant 0 : i32
      %dma_wait3A_514 = arith.constant 0 : i32
      %dma_wait3A_515 = tpu.memref_slice %arg7[%dma_wait3A_513, %dma_wait3A_514] : memref<80x128xi32, #tpu.memory_space<vmem>> -> memref<1x128xi32, #tpu.memory_space<vmem>>
      %dma_wait3A_516 = tpu.memref_squeeze %dma_wait3A_515 : memref<1x128xi32, #tpu.memory_space<vmem>> -> memref<128xi32, #tpu.memory_space<vmem>>
      %dma_wait3A_517 = arith.constant 0 : i32
      %dma_wait3A_518 = arith.constant 0 : i32
      %dma_wait3A_519 = tpu.memref_slice %arg2[%dma_wait3A_517, %dma_wait3A_518] : memref<10240x128xf32, #tpu.memory_space<hbm>> -> memref<10240x128xf32, #tpu.memory_space<hbm>>
      tpu.wait_indirect_dma semaphore(%arg14 : memref<!tpu.dma_semaphore, #tpu.memory_space<semaphore_mem>>) src(%dma_wait3A_519 : memref<10240x128xf32, #tpu.memory_space<hbm>>) dst(%arg11 : memref<128x128xf32, #tpu.memory_space<vmem>>)
      %run_scoped3A_520 = arith.constant 5 : i32
      "tpu.region"() ({
        %run_scoped3A_557 = tpu.sem_alloc : memref<!tpu.dma_semaphore, #tpu.memory_space<semaphore_mem>>
        %dma_start3A_558 = arith.constant 0 : i32
        %dma_start3A_559 = tpu.memref_slice %arg9[%run_scoped3A_520, %dma_start3A_558] : memref<8x128xi32, #tpu.memory_space<vmem>> -> memref<1x128xi32, #tpu.memory_space<vmem>>
        %dma_start3A_560 = tpu.memref_squeeze %dma_start3A_559 : memref<1x128xi32, #tpu.memory_space<vmem>> -> memref<128xi32, #tpu.memory_space<vmem>>
        %dma_start3A_561 = arith.constant 0 : i32
        %dma_start3A_562 = arith.constant 0 : i32
        %dma_start3A_563 = tpu.memref_slice %arg12[%dma_start3A_561, %dma_start3A_562] : memref<10240x128xf32, #tpu.memory_space<vmem_shared>> -> memref<10240x128xf32, #tpu.memory_space<vmem_shared>>
        tpu.enqueue_indirect_dma source(%arg11 : memref<128x128xf32, #tpu.memory_space<vmem>>) target(%dma_start3A_563 : memref<10240x128xf32, #tpu.memory_space<vmem_shared>>) offsets(%dma_start3A_560 : memref<128xi32, #tpu.memory_space<vmem>>) semaphore(%run_scoped3A_557 : memref<!tpu.dma_semaphore, #tpu.memory_space<semaphore_mem>>) {add = true}
        %dma_wait3A_564 = arith.constant 0 : i32
        %dma_wait3A_565 = tpu.memref_slice %arg9[%run_scoped3A_520, %dma_wait3A_564] : memref<8x128xi32, #tpu.memory_space<vmem>> -> memref<1x128xi32, #tpu.memory_space<vmem>>
        %dma_wait3A_566 = tpu.memref_squeeze %dma_wait3A_565 : memref<1x128xi32, #tpu.memory_space<vmem>> -> memref<128xi32, #tpu.memory_space<vmem>>
        %dma_wait3A_567 = arith.constant 0 : i32
        %dma_wait3A_568 = arith.constant 0 : i32
        %dma_wait3A_569 = tpu.memref_slice %arg12[%dma_wait3A_567, %dma_wait3A_568] : memref<10240x128xf32, #tpu.memory_space<vmem_shared>> -> memref<10240x128xf32, #tpu.memory_space<vmem_shared>>
        tpu.wait_indirect_dma semaphore(%run_scoped3A_557 : memref<!tpu.dma_semaphore, #tpu.memory_space<semaphore_mem>>) src(%arg11 : memref<128x128xf32, #tpu.memory_space<vmem>>) dst(%dma_wait3A_569 : memref<10240x128xf32, #tpu.memory_space<vmem_shared>>)
        tpu.yield
      }) : () -> ()
      %mul3A_521 = arith.constant 8 : i32
      %mul3A_522 = arith.muli %mul3A_521, %add3A_409 : i32
      %add3A_523 = arith.constant 6 : i32
      %add3A_524 = arith.addi %mul3A_522, %add3A_523 : i32
      %add3A_525 = arith.constant 1 : i32
      %add3A_526 = arith.addi %add3A_524, %add3A_525 : i32
      %dma_start3A_527 = arith.constant 0 : i32
      %dma_start3A_528 = tpu.memref_slice %arg7[%add3A_526, %dma_start3A_527] : memref<80x128xi32, #tpu.memory_space<vmem>> -> memref<1x128xi32, #tpu.memory_space<vmem>>
      %dma_start3A_529 = tpu.memref_squeeze %dma_start3A_528 : memref<1x128xi32, #tpu.memory_space<vmem>> -> memref<128xi32, #tpu.memory_space<vmem>>
      %dma_start3A_530 = arith.constant 0 : i32
      %dma_start3A_531 = arith.constant 0 : i32
      %dma_start3A_532 = tpu.memref_slice %arg2[%dma_start3A_530, %dma_start3A_531] : memref<10240x128xf32, #tpu.memory_space<hbm>> -> memref<10240x128xf32, #tpu.memory_space<hbm>>
      tpu.enqueue_indirect_dma source(%dma_start3A_532 : memref<10240x128xf32, #tpu.memory_space<hbm>>) target(%arg11 : memref<128x128xf32, #tpu.memory_space<vmem>>) offsets(%dma_start3A_529 : memref<128xi32, #tpu.memory_space<vmem>>) semaphore(%arg14 : memref<!tpu.dma_semaphore, #tpu.memory_space<semaphore_mem>>)
      %dma_wait3A_533 = arith.constant 0 : i32
      %dma_wait3A_534 = arith.constant 0 : i32
      %dma_wait3A_535 = tpu.memref_slice %arg7[%dma_wait3A_533, %dma_wait3A_534] : memref<80x128xi32, #tpu.memory_space<vmem>> -> memref<1x128xi32, #tpu.memory_space<vmem>>
      %dma_wait3A_536 = tpu.memref_squeeze %dma_wait3A_535 : memref<1x128xi32, #tpu.memory_space<vmem>> -> memref<128xi32, #tpu.memory_space<vmem>>
      %dma_wait3A_537 = arith.constant 0 : i32
      %dma_wait3A_538 = arith.constant 0 : i32
      %dma_wait3A_539 = tpu.memref_slice %arg2[%dma_wait3A_537, %dma_wait3A_538] : memref<10240x128xf32, #tpu.memory_space<hbm>> -> memref<10240x128xf32, #tpu.memory_space<hbm>>
      tpu.wait_indirect_dma semaphore(%arg13 : memref<!tpu.dma_semaphore, #tpu.memory_space<semaphore_mem>>) src(%dma_wait3A_539 : memref<10240x128xf32, #tpu.memory_space<hbm>>) dst(%arg10 : memref<128x128xf32, #tpu.memory_space<vmem>>)
      %run_scoped3A_540 = arith.constant 6 : i32
      "tpu.region"() ({
        %run_scoped3A_557 = tpu.sem_alloc : memref<!tpu.dma_semaphore, #tpu.memory_space<semaphore_mem>>
        %dma_start3A_558 = arith.constant 0 : i32
        %dma_start3A_559 = tpu.memref_slice %arg9[%run_scoped3A_540, %dma_start3A_558] : memref<8x128xi32, #tpu.memory_space<vmem>> -> memref<1x128xi32, #tpu.memory_space<vmem>>
        %dma_start3A_560 = tpu.memref_squeeze %dma_start3A_559 : memref<1x128xi32, #tpu.memory_space<vmem>> -> memref<128xi32, #tpu.memory_space<vmem>>
        %dma_start3A_561 = arith.constant 0 : i32
        %dma_start3A_562 = arith.constant 0 : i32
        %dma_start3A_563 = tpu.memref_slice %arg12[%dma_start3A_561, %dma_start3A_562] : memref<10240x128xf32, #tpu.memory_space<vmem_shared>> -> memref<10240x128xf32, #tpu.memory_space<vmem_shared>>
        tpu.enqueue_indirect_dma source(%arg10 : memref<128x128xf32, #tpu.memory_space<vmem>>) target(%dma_start3A_563 : memref<10240x128xf32, #tpu.memory_space<vmem_shared>>) offsets(%dma_start3A_560 : memref<128xi32, #tpu.memory_space<vmem>>) semaphore(%run_scoped3A_557 : memref<!tpu.dma_semaphore, #tpu.memory_space<semaphore_mem>>) {add = true}
        %dma_wait3A_564 = arith.constant 0 : i32
        %dma_wait3A_565 = tpu.memref_slice %arg9[%run_scoped3A_540, %dma_wait3A_564] : memref<8x128xi32, #tpu.memory_space<vmem>> -> memref<1x128xi32, #tpu.memory_space<vmem>>
        %dma_wait3A_566 = tpu.memref_squeeze %dma_wait3A_565 : memref<1x128xi32, #tpu.memory_space<vmem>> -> memref<128xi32, #tpu.memory_space<vmem>>
        %dma_wait3A_567 = arith.constant 0 : i32
        %dma_wait3A_568 = arith.constant 0 : i32
        %dma_wait3A_569 = tpu.memref_slice %arg12[%dma_wait3A_567, %dma_wait3A_568] : memref<10240x128xf32, #tpu.memory_space<vmem_shared>> -> memref<10240x128xf32, #tpu.memory_space<vmem_shared>>
        tpu.wait_indirect_dma semaphore(%run_scoped3A_557 : memref<!tpu.dma_semaphore, #tpu.memory_space<semaphore_mem>>) src(%arg10 : memref<128x128xf32, #tpu.memory_space<vmem>>) dst(%dma_wait3A_569 : memref<10240x128xf32, #tpu.memory_space<vmem_shared>>)
        tpu.yield
      }) : () -> ()
      %add3A_541 = arith.constant 1 : i32
      %add3A_542 = arith.addi %add3A_526, %add3A_541 : i32
      %dma_start3A_543 = arith.constant 0 : i32
      %dma_start3A_544 = tpu.memref_slice %arg7[%add3A_542, %dma_start3A_543] : memref<80x128xi32, #tpu.memory_space<vmem>> -> memref<1x128xi32, #tpu.memory_space<vmem>>
      %dma_start3A_545 = tpu.memref_squeeze %dma_start3A_544 : memref<1x128xi32, #tpu.memory_space<vmem>> -> memref<128xi32, #tpu.memory_space<vmem>>
      %dma_start3A_546 = arith.constant 0 : i32
      %dma_start3A_547 = arith.constant 0 : i32
      %dma_start3A_548 = tpu.memref_slice %arg2[%dma_start3A_546, %dma_start3A_547] : memref<10240x128xf32, #tpu.memory_space<hbm>> -> memref<10240x128xf32, #tpu.memory_space<hbm>>
      tpu.enqueue_indirect_dma source(%dma_start3A_548 : memref<10240x128xf32, #tpu.memory_space<hbm>>) target(%arg10 : memref<128x128xf32, #tpu.memory_space<vmem>>) offsets(%dma_start3A_545 : memref<128xi32, #tpu.memory_space<vmem>>) semaphore(%arg13 : memref<!tpu.dma_semaphore, #tpu.memory_space<semaphore_mem>>)
      %dma_wait3A_549 = arith.constant 0 : i32
      %dma_wait3A_550 = arith.constant 0 : i32
      %dma_wait3A_551 = tpu.memref_slice %arg7[%dma_wait3A_549, %dma_wait3A_550] : memref<80x128xi32, #tpu.memory_space<vmem>> -> memref<1x128xi32, #tpu.memory_space<vmem>>
      %dma_wait3A_552 = tpu.memref_squeeze %dma_wait3A_551 : memref<1x128xi32, #tpu.memory_space<vmem>> -> memref<128xi32, #tpu.memory_space<vmem>>
      %dma_wait3A_553 = arith.constant 0 : i32
      %dma_wait3A_554 = arith.constant 0 : i32
      %dma_wait3A_555 = tpu.memref_slice %arg2[%dma_wait3A_553, %dma_wait3A_554] : memref<10240x128xf32, #tpu.memory_space<hbm>> -> memref<10240x128xf32, #tpu.memory_space<hbm>>
      tpu.wait_indirect_dma semaphore(%arg14 : memref<!tpu.dma_semaphore, #tpu.memory_space<semaphore_mem>>) src(%dma_wait3A_555 : memref<10240x128xf32, #tpu.memory_space<hbm>>) dst(%arg11 : memref<128x128xf32, #tpu.memory_space<vmem>>)
      %run_scoped3A_556 = arith.constant 7 : i32
      "tpu.region"() ({
        %run_scoped3A_557 = tpu.sem_alloc : memref<!tpu.dma_semaphore, #tpu.memory_space<semaphore_mem>>
        %dma_start3A_558 = arith.constant 0 : i32
        %dma_start3A_559 = tpu.memref_slice %arg9[%run_scoped3A_556, %dma_start3A_558] : memref<8x128xi32, #tpu.memory_space<vmem>> -> memref<1x128xi32, #tpu.memory_space<vmem>>
        %dma_start3A_560 = tpu.memref_squeeze %dma_start3A_559 : memref<1x128xi32, #tpu.memory_space<vmem>> -> memref<128xi32, #tpu.memory_space<vmem>>
        %dma_start3A_561 = arith.constant 0 : i32
        %dma_start3A_562 = arith.constant 0 : i32
        %dma_start3A_563 = tpu.memref_slice %arg12[%dma_start3A_561, %dma_start3A_562] : memref<10240x128xf32, #tpu.memory_space<vmem_shared>> -> memref<10240x128xf32, #tpu.memory_space<vmem_shared>>
        tpu.enqueue_indirect_dma source(%arg11 : memref<128x128xf32, #tpu.memory_space<vmem>>) target(%dma_start3A_563 : memref<10240x128xf32, #tpu.memory_space<vmem_shared>>) offsets(%dma_start3A_560 : memref<128xi32, #tpu.memory_space<vmem>>) semaphore(%run_scoped3A_557 : memref<!tpu.dma_semaphore, #tpu.memory_space<semaphore_mem>>) {add = true}
        %dma_wait3A_564 = arith.constant 0 : i32
        %dma_wait3A_565 = tpu.memref_slice %arg9[%run_scoped3A_556, %dma_wait3A_564] : memref<8x128xi32, #tpu.memory_space<vmem>> -> memref<1x128xi32, #tpu.memory_space<vmem>>
        %dma_wait3A_566 = tpu.memref_squeeze %dma_wait3A_565 : memref<1x128xi32, #tpu.memory_space<vmem>> -> memref<128xi32, #tpu.memory_space<vmem>>
        %dma_wait3A_567 = arith.constant 0 : i32
        %dma_wait3A_568 = arith.constant 0 : i32
        %dma_wait3A_569 = tpu.memref_slice %arg12[%dma_wait3A_567, %dma_wait3A_568] : memref<10240x128xf32, #tpu.memory_space<vmem_shared>> -> memref<10240x128xf32, #tpu.memory_space<vmem_shared>>
        tpu.wait_indirect_dma semaphore(%run_scoped3A_557 : memref<!tpu.dma_semaphore, #tpu.memory_space<semaphore_mem>>) src(%arg11 : memref<128x128xf32, #tpu.memory_space<vmem>>) dst(%dma_wait3A_569 : memref<10240x128xf32, #tpu.memory_space<vmem_shared>>)
        tpu.yield
      }) : () -> ()
    }
    %scan3A_15 = arith.constant 4 : i32
    %add3A_16 = arith.constant 64 : i32
    %add3A_17 = arith.addi %mul3A_4, %add3A_16 : i32
    "tpu.region"() ({
      %run_scoped3A_256 = tpu.sem_alloc : memref<!tpu.dma_semaphore, #tpu.memory_space<semaphore_mem>>
      %dma_start3A_257 = arith.constant 0 : i32
      %dma_start3A_258 = tpu.memref_slice %arg4[%add3A_17, %dma_start3A_257] : memref<2560x128xi32, #tpu.memory_space<hbm>> -> memref<8x128xi32, #tpu.memory_space<hbm>>
      %dma_start3A_259 = arith.constant 0 : i32
      %dma_start3A_260 = tpu.memref_slice %arg4[%add3A_17, %dma_start3A_259] : memref<2560x128xi32, #tpu.memory_space<hbm>> -> memref<8x128xi32, #tpu.memory_space<hbm>>
      tpu.enqueue_dma source(%dma_start3A_260 : memref<8x128xi32, #tpu.memory_space<hbm>>) target(%arg8 : memref<8x128xi32, #tpu.memory_space<vmem>>) target_semaphore(%run_scoped3A_256 : memref<!tpu.dma_semaphore, #tpu.memory_space<semaphore_mem>>)
      %dma_wait3A_261 = arith.constant 0 : i32
      %dma_wait3A_262 = tpu.memref_slice %arg4[%add3A_17, %dma_wait3A_261] : memref<2560x128xi32, #tpu.memory_space<hbm>> -> memref<8x128xi32, #tpu.memory_space<hbm>>
      %dma_wait3A_263 = arith.constant 0 : i32
      %dma_wait3A_264 = tpu.memref_slice %arg4[%add3A_17, %dma_wait3A_263] : memref<2560x128xi32, #tpu.memory_space<hbm>> -> memref<8x128xi32, #tpu.memory_space<hbm>>
      tpu.wait_dma2 semaphore(%run_scoped3A_256 : memref<!tpu.dma_semaphore, #tpu.memory_space<semaphore_mem>>) src(%dma_wait3A_264 : memref<8x128xi32, #tpu.memory_space<hbm>>) dst(%arg8 : memref<8x128xi32, #tpu.memory_space<vmem>>)
      tpu.yield
    }) : () -> ()
    %dma_start3A_18 = arith.constant 65 : i32
    %dma_start3A_19 = arith.constant 0 : i32
    %dma_start3A_20 = tpu.memref_slice %arg7[%dma_start3A_18, %dma_start3A_19] : memref<80x128xi32, #tpu.memory_space<vmem>> -> memref<1x128xi32, #tpu.memory_space<vmem>>
    %dma_start3A_21 = tpu.memref_squeeze %dma_start3A_20 : memref<1x128xi32, #tpu.memory_space<vmem>> -> memref<128xi32, #tpu.memory_space<vmem>>
    %dma_start3A_22 = arith.constant 0 : i32
    %dma_start3A_23 = arith.constant 0 : i32
    %dma_start3A_24 = tpu.memref_slice %arg2[%dma_start3A_22, %dma_start3A_23] : memref<10240x128xf32, #tpu.memory_space<hbm>> -> memref<10240x128xf32, #tpu.memory_space<hbm>>
    tpu.enqueue_indirect_dma source(%dma_start3A_24 : memref<10240x128xf32, #tpu.memory_space<hbm>>) target(%arg11 : memref<128x128xf32, #tpu.memory_space<vmem>>) offsets(%dma_start3A_21 : memref<128xi32, #tpu.memory_space<vmem>>) semaphore(%arg14 : memref<!tpu.dma_semaphore, #tpu.memory_space<semaphore_mem>>)
    %dma_wait3A = arith.constant 0 : i32
    %dma_wait3A_25 = arith.constant 0 : i32
    %dma_wait3A_26 = tpu.memref_slice %arg7[%dma_wait3A, %dma_wait3A_25] : memref<80x128xi32, #tpu.memory_space<vmem>> -> memref<1x128xi32, #tpu.memory_space<vmem>>
    %dma_wait3A_27 = tpu.memref_squeeze %dma_wait3A_26 : memref<1x128xi32, #tpu.memory_space<vmem>> -> memref<128xi32, #tpu.memory_space<vmem>>
    %dma_wait3A_28 = arith.constant 0 : i32
    %dma_wait3A_29 = arith.constant 0 : i32
    %dma_wait3A_30 = tpu.memref_slice %arg2[%dma_wait3A_28, %dma_wait3A_29] : memref<10240x128xf32, #tpu.memory_space<hbm>> -> memref<10240x128xf32, #tpu.memory_space<hbm>>
    tpu.wait_indirect_dma semaphore(%arg13 : memref<!tpu.dma_semaphore, #tpu.memory_space<semaphore_mem>>) src(%dma_wait3A_30 : memref<10240x128xf32, #tpu.memory_space<hbm>>) dst(%arg10 : memref<128x128xf32, #tpu.memory_space<vmem>>)
    %run_scoped3A = arith.constant 0 : i32
    "tpu.region"() ({
      %run_scoped3A_256 = tpu.sem_alloc : memref<!tpu.dma_semaphore, #tpu.memory_space<semaphore_mem>>
      %dma_start3A_257 = arith.constant 0 : i32
      %dma_start3A_258 = tpu.memref_slice %arg8[%run_scoped3A, %dma_start3A_257] : memref<8x128xi32, #tpu.memory_space<vmem>> -> memref<1x128xi32, #tpu.memory_space<vmem>>
      %dma_start3A_259 = tpu.memref_squeeze %dma_start3A_258 : memref<1x128xi32, #tpu.memory_space<vmem>> -> memref<128xi32, #tpu.memory_space<vmem>>
      %dma_start3A_260 = arith.constant 0 : i32
      %dma_start3A_261 = arith.constant 0 : i32
      %dma_start3A_262 = tpu.memref_slice %arg12[%dma_start3A_260, %dma_start3A_261] : memref<10240x128xf32, #tpu.memory_space<vmem_shared>> -> memref<10240x128xf32, #tpu.memory_space<vmem_shared>>
      tpu.enqueue_indirect_dma source(%arg10 : memref<128x128xf32, #tpu.memory_space<vmem>>) target(%dma_start3A_262 : memref<10240x128xf32, #tpu.memory_space<vmem_shared>>) offsets(%dma_start3A_259 : memref<128xi32, #tpu.memory_space<vmem>>) semaphore(%run_scoped3A_256 : memref<!tpu.dma_semaphore, #tpu.memory_space<semaphore_mem>>) {add = true}
      %dma_wait3A_263 = arith.constant 0 : i32
      %dma_wait3A_264 = tpu.memref_slice %arg8[%run_scoped3A, %dma_wait3A_263] : memref<8x128xi32, #tpu.memory_space<vmem>> -> memref<1x128xi32, #tpu.memory_space<vmem>>
      %dma_wait3A_265 = tpu.memref_squeeze %dma_wait3A_264 : memref<1x128xi32, #tpu.memory_space<vmem>> -> memref<128xi32, #tpu.memory_space<vmem>>
      %dma_wait3A_266 = arith.constant 0 : i32
      %dma_wait3A_267 = arith.constant 0 : i32
      %dma_wait3A_268 = tpu.memref_slice %arg12[%dma_wait3A_266, %dma_wait3A_267] : memref<10240x128xf32, #tpu.memory_space<vmem_shared>> -> memref<10240x128xf32, #tpu.memory_space<vmem_shared>>
      tpu.wait_indirect_dma semaphore(%run_scoped3A_256 : memref<!tpu.dma_semaphore, #tpu.memory_space<semaphore_mem>>) src(%arg10 : memref<128x128xf32, #tpu.memory_space<vmem>>) dst(%dma_wait3A_268 : memref<10240x128xf32, #tpu.memory_space<vmem_shared>>)
      tpu.yield
    }) : () -> ()
    %dma_start3A_31 = arith.constant 66 : i32
    %dma_start3A_32 = arith.constant 0 : i32
    %dma_start3A_33 = tpu.memref_slice %arg7[%dma_start3A_31, %dma_start3A_32] : memref<80x128xi32, #tpu.memory_space<vmem>> -> memref<1x128xi32, #tpu.memory_space<vmem>>
    %dma_start3A_34 = tpu.memref_squeeze %dma_start3A_33 : memref<1x128xi32, #tpu.memory_space<vmem>> -> memref<128xi32, #tpu.memory_space<vmem>>
    %dma_start3A_35 = arith.constant 0 : i32
    %dma_start3A_36 = arith.constant 0 : i32
    %dma_start3A_37 = tpu.memref_slice %arg2[%dma_start3A_35, %dma_start3A_36] : memref<10240x128xf32, #tpu.memory_space<hbm>> -> memref<10240x128xf32, #tpu.memory_space<hbm>>
    tpu.enqueue_indirect_dma source(%dma_start3A_37 : memref<10240x128xf32, #tpu.memory_space<hbm>>) target(%arg10 : memref<128x128xf32, #tpu.memory_space<vmem>>) offsets(%dma_start3A_34 : memref<128xi32, #tpu.memory_space<vmem>>) semaphore(%arg13 : memref<!tpu.dma_semaphore, #tpu.memory_space<semaphore_mem>>)
    %dma_wait3A_38 = arith.constant 0 : i32
    %dma_wait3A_39 = arith.constant 0 : i32
    %dma_wait3A_40 = tpu.memref_slice %arg7[%dma_wait3A_38, %dma_wait3A_39] : memref<80x128xi32, #tpu.memory_space<vmem>> -> memref<1x128xi32, #tpu.memory_space<vmem>>
    %dma_wait3A_41 = tpu.memref_squeeze %dma_wait3A_40 : memref<1x128xi32, #tpu.memory_space<vmem>> -> memref<128xi32, #tpu.memory_space<vmem>>
    %dma_wait3A_42 = arith.constant 0 : i32
    %dma_wait3A_43 = arith.constant 0 : i32
    %dma_wait3A_44 = tpu.memref_slice %arg2[%dma_wait3A_42, %dma_wait3A_43] : memref<10240x128xf32, #tpu.memory_space<hbm>> -> memref<10240x128xf32, #tpu.memory_space<hbm>>
    tpu.wait_indirect_dma semaphore(%arg14 : memref<!tpu.dma_semaphore, #tpu.memory_space<semaphore_mem>>) src(%dma_wait3A_44 : memref<10240x128xf32, #tpu.memory_space<hbm>>) dst(%arg11 : memref<128x128xf32, #tpu.memory_space<vmem>>)
    %run_scoped3A_45 = arith.constant 1 : i32
    "tpu.region"() ({
      %run_scoped3A_256 = tpu.sem_alloc : memref<!tpu.dma_semaphore, #tpu.memory_space<semaphore_mem>>
      %dma_start3A_257 = arith.constant 0 : i32
      %dma_start3A_258 = tpu.memref_slice %arg8[%run_scoped3A_45, %dma_start3A_257] : memref<8x128xi32, #tpu.memory_space<vmem>> -> memref<1x128xi32, #tpu.memory_space<vmem>>
      %dma_start3A_259 = tpu.memref_squeeze %dma_start3A_258 : memref<1x128xi32, #tpu.memory_space<vmem>> -> memref<128xi32, #tpu.memory_space<vmem>>
      %dma_start3A_260 = arith.constant 0 : i32
      %dma_start3A_261 = arith.constant 0 : i32
      %dma_start3A_262 = tpu.memref_slice %arg12[%dma_start3A_260, %dma_start3A_261] : memref<10240x128xf32, #tpu.memory_space<vmem_shared>> -> memref<10240x128xf32, #tpu.memory_space<vmem_shared>>
      tpu.enqueue_indirect_dma source(%arg11 : memref<128x128xf32, #tpu.memory_space<vmem>>) target(%dma_start3A_262 : memref<10240x128xf32, #tpu.memory_space<vmem_shared>>) offsets(%dma_start3A_259 : memref<128xi32, #tpu.memory_space<vmem>>) semaphore(%run_scoped3A_256 : memref<!tpu.dma_semaphore, #tpu.memory_space<semaphore_mem>>) {add = true}
      %dma_wait3A_263 = arith.constant 0 : i32
      %dma_wait3A_264 = tpu.memref_slice %arg8[%run_scoped3A_45, %dma_wait3A_263] : memref<8x128xi32, #tpu.memory_space<vmem>> -> memref<1x128xi32, #tpu.memory_space<vmem>>
      %dma_wait3A_265 = tpu.memref_squeeze %dma_wait3A_264 : memref<1x128xi32, #tpu.memory_space<vmem>> -> memref<128xi32, #tpu.memory_space<vmem>>
      %dma_wait3A_266 = arith.constant 0 : i32
      %dma_wait3A_267 = arith.constant 0 : i32
      %dma_wait3A_268 = tpu.memref_slice %arg12[%dma_wait3A_266, %dma_wait3A_267] : memref<10240x128xf32, #tpu.memory_space<vmem_shared>> -> memref<10240x128xf32, #tpu.memory_space<vmem_shared>>
      tpu.wait_indirect_dma semaphore(%run_scoped3A_256 : memref<!tpu.dma_semaphore, #tpu.memory_space<semaphore_mem>>) src(%arg11 : memref<128x128xf32, #tpu.memory_space<vmem>>) dst(%dma_wait3A_268 : memref<10240x128xf32, #tpu.memory_space<vmem_shared>>)
      tpu.yield
    }) : () -> ()
    %dma_start3A_46 = arith.constant 67 : i32
    %dma_start3A_47 = arith.constant 0 : i32
    %dma_start3A_48 = tpu.memref_slice %arg7[%dma_start3A_46, %dma_start3A_47] : memref<80x128xi32, #tpu.memory_space<vmem>> -> memref<1x128xi32, #tpu.memory_space<vmem>>
    %dma_start3A_49 = tpu.memref_squeeze %dma_start3A_48 : memref<1x128xi32, #tpu.memory_space<vmem>> -> memref<128xi32, #tpu.memory_space<vmem>>
    %dma_start3A_50 = arith.constant 0 : i32
    %dma_start3A_51 = arith.constant 0 : i32
    %dma_start3A_52 = tpu.memref_slice %arg2[%dma_start3A_50, %dma_start3A_51] : memref<10240x128xf32, #tpu.memory_space<hbm>> -> memref<10240x128xf32, #tpu.memory_space<hbm>>
    tpu.enqueue_indirect_dma source(%dma_start3A_52 : memref<10240x128xf32, #tpu.memory_space<hbm>>) target(%arg11 : memref<128x128xf32, #tpu.memory_space<vmem>>) offsets(%dma_start3A_49 : memref<128xi32, #tpu.memory_space<vmem>>) semaphore(%arg14 : memref<!tpu.dma_semaphore, #tpu.memory_space<semaphore_mem>>)
    %dma_wait3A_53 = arith.constant 0 : i32
    %dma_wait3A_54 = arith.constant 0 : i32
    %dma_wait3A_55 = tpu.memref_slice %arg7[%dma_wait3A_53, %dma_wait3A_54] : memref<80x128xi32, #tpu.memory_space<vmem>> -> memref<1x128xi32, #tpu.memory_space<vmem>>
    %dma_wait3A_56 = tpu.memref_squeeze %dma_wait3A_55 : memref<1x128xi32, #tpu.memory_space<vmem>> -> memref<128xi32, #tpu.memory_space<vmem>>
    %dma_wait3A_57 = arith.constant 0 : i32
    %dma_wait3A_58 = arith.constant 0 : i32
    %dma_wait3A_59 = tpu.memref_slice %arg2[%dma_wait3A_57, %dma_wait3A_58] : memref<10240x128xf32, #tpu.memory_space<hbm>> -> memref<10240x128xf32, #tpu.memory_space<hbm>>
    tpu.wait_indirect_dma semaphore(%arg13 : memref<!tpu.dma_semaphore, #tpu.memory_space<semaphore_mem>>) src(%dma_wait3A_59 : memref<10240x128xf32, #tpu.memory_space<hbm>>) dst(%arg10 : memref<128x128xf32, #tpu.memory_space<vmem>>)
    %run_scoped3A_60 = arith.constant 2 : i32
    "tpu.region"() ({
      %run_scoped3A_256 = tpu.sem_alloc : memref<!tpu.dma_semaphore, #tpu.memory_space<semaphore_mem>>
      %dma_start3A_257 = arith.constant 0 : i32
      %dma_start3A_258 = tpu.memref_slice %arg8[%run_scoped3A_60, %dma_start3A_257] : memref<8x128xi32, #tpu.memory_space<vmem>> -> memref<1x128xi32, #tpu.memory_space<vmem>>
      %dma_start3A_259 = tpu.memref_squeeze %dma_start3A_258 : memref<1x128xi32, #tpu.memory_space<vmem>> -> memref<128xi32, #tpu.memory_space<vmem>>
      %dma_start3A_260 = arith.constant 0 : i32
      %dma_start3A_261 = arith.constant 0 : i32
      %dma_start3A_262 = tpu.memref_slice %arg12[%dma_start3A_260, %dma_start3A_261] : memref<10240x128xf32, #tpu.memory_space<vmem_shared>> -> memref<10240x128xf32, #tpu.memory_space<vmem_shared>>
      tpu.enqueue_indirect_dma source(%arg10 : memref<128x128xf32, #tpu.memory_space<vmem>>) target(%dma_start3A_262 : memref<10240x128xf32, #tpu.memory_space<vmem_shared>>) offsets(%dma_start3A_259 : memref<128xi32, #tpu.memory_space<vmem>>) semaphore(%run_scoped3A_256 : memref<!tpu.dma_semaphore, #tpu.memory_space<semaphore_mem>>) {add = true}
      %dma_wait3A_263 = arith.constant 0 : i32
      %dma_wait3A_264 = tpu.memref_slice %arg8[%run_scoped3A_60, %dma_wait3A_263] : memref<8x128xi32, #tpu.memory_space<vmem>> -> memref<1x128xi32, #tpu.memory_space<vmem>>
      %dma_wait3A_265 = tpu.memref_squeeze %dma_wait3A_264 : memref<1x128xi32, #tpu.memory_space<vmem>> -> memref<128xi32, #tpu.memory_space<vmem>>
      %dma_wait3A_266 = arith.constant 0 : i32
      %dma_wait3A_267 = arith.constant 0 : i32
      %dma_wait3A_268 = tpu.memref_slice %arg12[%dma_wait3A_266, %dma_wait3A_267] : memref<10240x128xf32, #tpu.memory_space<vmem_shared>> -> memref<10240x128xf32, #tpu.memory_space<vmem_shared>>
      tpu.wait_indirect_dma semaphore(%run_scoped3A_256 : memref<!tpu.dma_semaphore, #tpu.memory_space<semaphore_mem>>) src(%arg10 : memref<128x128xf32, #tpu.memory_space<vmem>>) dst(%dma_wait3A_268 : memref<10240x128xf32, #tpu.memory_space<vmem_shared>>)
      tpu.yield
    }) : () -> ()
    %dma_start3A_61 = arith.constant 68 : i32
    %dma_start3A_62 = arith.constant 0 : i32
    %dma_start3A_63 = tpu.memref_slice %arg7[%dma_start3A_61, %dma_start3A_62] : memref<80x128xi32, #tpu.memory_space<vmem>> -> memref<1x128xi32, #tpu.memory_space<vmem>>
    %dma_start3A_64 = tpu.memref_squeeze %dma_start3A_63 : memref<1x128xi32, #tpu.memory_space<vmem>> -> memref<128xi32, #tpu.memory_space<vmem>>
    %dma_start3A_65 = arith.constant 0 : i32
    %dma_start3A_66 = arith.constant 0 : i32
    %dma_start3A_67 = tpu.memref_slice %arg2[%dma_start3A_65, %dma_start3A_66] : memref<10240x128xf32, #tpu.memory_space<hbm>> -> memref<10240x128xf32, #tpu.memory_space<hbm>>
    tpu.enqueue_indirect_dma source(%dma_start3A_67 : memref<10240x128xf32, #tpu.memory_space<hbm>>) target(%arg10 : memref<128x128xf32, #tpu.memory_space<vmem>>) offsets(%dma_start3A_64 : memref<128xi32, #tpu.memory_space<vmem>>) semaphore(%arg13 : memref<!tpu.dma_semaphore, #tpu.memory_space<semaphore_mem>>)
    %dma_wait3A_68 = arith.constant 0 : i32
    %dma_wait3A_69 = arith.constant 0 : i32
    %dma_wait3A_70 = tpu.memref_slice %arg7[%dma_wait3A_68, %dma_wait3A_69] : memref<80x128xi32, #tpu.memory_space<vmem>> -> memref<1x128xi32, #tpu.memory_space<vmem>>
    %dma_wait3A_71 = tpu.memref_squeeze %dma_wait3A_70 : memref<1x128xi32, #tpu.memory_space<vmem>> -> memref<128xi32, #tpu.memory_space<vmem>>
    %dma_wait3A_72 = arith.constant 0 : i32
    %dma_wait3A_73 = arith.constant 0 : i32
    %dma_wait3A_74 = tpu.memref_slice %arg2[%dma_wait3A_72, %dma_wait3A_73] : memref<10240x128xf32, #tpu.memory_space<hbm>> -> memref<10240x128xf32, #tpu.memory_space<hbm>>
    tpu.wait_indirect_dma semaphore(%arg14 : memref<!tpu.dma_semaphore, #tpu.memory_space<semaphore_mem>>) src(%dma_wait3A_74 : memref<10240x128xf32, #tpu.memory_space<hbm>>) dst(%arg11 : memref<128x128xf32, #tpu.memory_space<vmem>>)
    %run_scoped3A_75 = arith.constant 3 : i32
    "tpu.region"() ({
      %run_scoped3A_256 = tpu.sem_alloc : memref<!tpu.dma_semaphore, #tpu.memory_space<semaphore_mem>>
      %dma_start3A_257 = arith.constant 0 : i32
      %dma_start3A_258 = tpu.memref_slice %arg8[%run_scoped3A_75, %dma_start3A_257] : memref<8x128xi32, #tpu.memory_space<vmem>> -> memref<1x128xi32, #tpu.memory_space<vmem>>
      %dma_start3A_259 = tpu.memref_squeeze %dma_start3A_258 : memref<1x128xi32, #tpu.memory_space<vmem>> -> memref<128xi32, #tpu.memory_space<vmem>>
      %dma_start3A_260 = arith.constant 0 : i32
      %dma_start3A_261 = arith.constant 0 : i32
      %dma_start3A_262 = tpu.memref_slice %arg12[%dma_start3A_260, %dma_start3A_261] : memref<10240x128xf32, #tpu.memory_space<vmem_shared>> -> memref<10240x128xf32, #tpu.memory_space<vmem_shared>>
      tpu.enqueue_indirect_dma source(%arg11 : memref<128x128xf32, #tpu.memory_space<vmem>>) target(%dma_start3A_262 : memref<10240x128xf32, #tpu.memory_space<vmem_shared>>) offsets(%dma_start3A_259 : memref<128xi32, #tpu.memory_space<vmem>>) semaphore(%run_scoped3A_256 : memref<!tpu.dma_semaphore, #tpu.memory_space<semaphore_mem>>) {add = true}
      %dma_wait3A_263 = arith.constant 0 : i32
      %dma_wait3A_264 = tpu.memref_slice %arg8[%run_scoped3A_75, %dma_wait3A_263] : memref<8x128xi32, #tpu.memory_space<vmem>> -> memref<1x128xi32, #tpu.memory_space<vmem>>
      %dma_wait3A_265 = tpu.memref_squeeze %dma_wait3A_264 : memref<1x128xi32, #tpu.memory_space<vmem>> -> memref<128xi32, #tpu.memory_space<vmem>>
      %dma_wait3A_266 = arith.constant 0 : i32
      %dma_wait3A_267 = arith.constant 0 : i32
      %dma_wait3A_268 = tpu.memref_slice %arg12[%dma_wait3A_266, %dma_wait3A_267] : memref<10240x128xf32, #tpu.memory_space<vmem_shared>> -> memref<10240x128xf32, #tpu.memory_space<vmem_shared>>
      tpu.wait_indirect_dma semaphore(%run_scoped3A_256 : memref<!tpu.dma_semaphore, #tpu.memory_space<semaphore_mem>>) src(%arg11 : memref<128x128xf32, #tpu.memory_space<vmem>>) dst(%dma_wait3A_268 : memref<10240x128xf32, #tpu.memory_space<vmem_shared>>)
      tpu.yield
    }) : () -> ()
    %dma_start3A_76 = arith.constant 69 : i32
    %dma_start3A_77 = arith.constant 0 : i32
    %dma_start3A_78 = tpu.memref_slice %arg7[%dma_start3A_76, %dma_start3A_77] : memref<80x128xi32, #tpu.memory_space<vmem>> -> memref<1x128xi32, #tpu.memory_space<vmem>>
    %dma_start3A_79 = tpu.memref_squeeze %dma_start3A_78 : memref<1x128xi32, #tpu.memory_space<vmem>> -> memref<128xi32, #tpu.memory_space<vmem>>
    %dma_start3A_80 = arith.constant 0 : i32
    %dma_start3A_81 = arith.constant 0 : i32
    %dma_start3A_82 = tpu.memref_slice %arg2[%dma_start3A_80, %dma_start3A_81] : memref<10240x128xf32, #tpu.memory_space<hbm>> -> memref<10240x128xf32, #tpu.memory_space<hbm>>
    tpu.enqueue_indirect_dma source(%dma_start3A_82 : memref<10240x128xf32, #tpu.memory_space<hbm>>) target(%arg11 : memref<128x128xf32, #tpu.memory_space<vmem>>) offsets(%dma_start3A_79 : memref<128xi32, #tpu.memory_space<vmem>>) semaphore(%arg14 : memref<!tpu.dma_semaphore, #tpu.memory_space<semaphore_mem>>)
    %dma_wait3A_83 = arith.constant 0 : i32
    %dma_wait3A_84 = arith.constant 0 : i32
    %dma_wait3A_85 = tpu.memref_slice %arg7[%dma_wait3A_83, %dma_wait3A_84] : memref<80x128xi32, #tpu.memory_space<vmem>> -> memref<1x128xi32, #tpu.memory_space<vmem>>
    %dma_wait3A_86 = tpu.memref_squeeze %dma_wait3A_85 : memref<1x128xi32, #tpu.memory_space<vmem>> -> memref<128xi32, #tpu.memory_space<vmem>>
    %dma_wait3A_87 = arith.constant 0 : i32
    %dma_wait3A_88 = arith.constant 0 : i32
    %dma_wait3A_89 = tpu.memref_slice %arg2[%dma_wait3A_87, %dma_wait3A_88] : memref<10240x128xf32, #tpu.memory_space<hbm>> -> memref<10240x128xf32, #tpu.memory_space<hbm>>
    tpu.wait_indirect_dma semaphore(%arg13 : memref<!tpu.dma_semaphore, #tpu.memory_space<semaphore_mem>>) src(%dma_wait3A_89 : memref<10240x128xf32, #tpu.memory_space<hbm>>) dst(%arg10 : memref<128x128xf32, #tpu.memory_space<vmem>>)
    %run_scoped3A_90 = arith.constant 4 : i32
    "tpu.region"() ({
      %run_scoped3A_256 = tpu.sem_alloc : memref<!tpu.dma_semaphore, #tpu.memory_space<semaphore_mem>>
      %dma_start3A_257 = arith.constant 0 : i32
      %dma_start3A_258 = tpu.memref_slice %arg8[%run_scoped3A_90, %dma_start3A_257] : memref<8x128xi32, #tpu.memory_space<vmem>> -> memref<1x128xi32, #tpu.memory_space<vmem>>
      %dma_start3A_259 = tpu.memref_squeeze %dma_start3A_258 : memref<1x128xi32, #tpu.memory_space<vmem>> -> memref<128xi32, #tpu.memory_space<vmem>>
      %dma_start3A_260 = arith.constant 0 : i32
      %dma_start3A_261 = arith.constant 0 : i32
      %dma_start3A_262 = tpu.memref_slice %arg12[%dma_start3A_260, %dma_start3A_261] : memref<10240x128xf32, #tpu.memory_space<vmem_shared>> -> memref<10240x128xf32, #tpu.memory_space<vmem_shared>>
      tpu.enqueue_indirect_dma source(%arg10 : memref<128x128xf32, #tpu.memory_space<vmem>>) target(%dma_start3A_262 : memref<10240x128xf32, #tpu.memory_space<vmem_shared>>) offsets(%dma_start3A_259 : memref<128xi32, #tpu.memory_space<vmem>>) semaphore(%run_scoped3A_256 : memref<!tpu.dma_semaphore, #tpu.memory_space<semaphore_mem>>) {add = true}
      %dma_wait3A_263 = arith.constant 0 : i32
      %dma_wait3A_264 = tpu.memref_slice %arg8[%run_scoped3A_90, %dma_wait3A_263] : memref<8x128xi32, #tpu.memory_space<vmem>> -> memref<1x128xi32, #tpu.memory_space<vmem>>
      %dma_wait3A_265 = tpu.memref_squeeze %dma_wait3A_264 : memref<1x128xi32, #tpu.memory_space<vmem>> -> memref<128xi32, #tpu.memory_space<vmem>>
      %dma_wait3A_266 = arith.constant 0 : i32
      %dma_wait3A_267 = arith.constant 0 : i32
      %dma_wait3A_268 = tpu.memref_slice %arg12[%dma_wait3A_266, %dma_wait3A_267] : memref<10240x128xf32, #tpu.memory_space<vmem_shared>> -> memref<10240x128xf32, #tpu.memory_space<vmem_shared>>
      tpu.wait_indirect_dma semaphore(%run_scoped3A_256 : memref<!tpu.dma_semaphore, #tpu.memory_space<semaphore_mem>>) src(%arg10 : memref<128x128xf32, #tpu.memory_space<vmem>>) dst(%dma_wait3A_268 : memref<10240x128xf32, #tpu.memory_space<vmem_shared>>)
      tpu.yield
    }) : () -> ()
    %dma_start3A_91 = arith.constant 70 : i32
    %dma_start3A_92 = arith.constant 0 : i32
    %dma_start3A_93 = tpu.memref_slice %arg7[%dma_start3A_91, %dma_start3A_92] : memref<80x128xi32, #tpu.memory_space<vmem>> -> memref<1x128xi32, #tpu.memory_space<vmem>>
    %dma_start3A_94 = tpu.memref_squeeze %dma_start3A_93 : memref<1x128xi32, #tpu.memory_space<vmem>> -> memref<128xi32, #tpu.memory_space<vmem>>
    %dma_start3A_95 = arith.constant 0 : i32
    %dma_start3A_96 = arith.constant 0 : i32
    %dma_start3A_97 = tpu.memref_slice %arg2[%dma_start3A_95, %dma_start3A_96] : memref<10240x128xf32, #tpu.memory_space<hbm>> -> memref<10240x128xf32, #tpu.memory_space<hbm>>
    tpu.enqueue_indirect_dma source(%dma_start3A_97 : memref<10240x128xf32, #tpu.memory_space<hbm>>) target(%arg10 : memref<128x128xf32, #tpu.memory_space<vmem>>) offsets(%dma_start3A_94 : memref<128xi32, #tpu.memory_space<vmem>>) semaphore(%arg13 : memref<!tpu.dma_semaphore, #tpu.memory_space<semaphore_mem>>)
    %dma_wait3A_98 = arith.constant 0 : i32
    %dma_wait3A_99 = arith.constant 0 : i32
    %dma_wait3A_100 = tpu.memref_slice %arg7[%dma_wait3A_98, %dma_wait3A_99] : memref<80x128xi32, #tpu.memory_space<vmem>> -> memref<1x128xi32, #tpu.memory_space<vmem>>
    %dma_wait3A_101 = tpu.memref_squeeze %dma_wait3A_100 : memref<1x128xi32, #tpu.memory_space<vmem>> -> memref<128xi32, #tpu.memory_space<vmem>>
    %dma_wait3A_102 = arith.constant 0 : i32
    %dma_wait3A_103 = arith.constant 0 : i32
    %dma_wait3A_104 = tpu.memref_slice %arg2[%dma_wait3A_102, %dma_wait3A_103] : memref<10240x128xf32, #tpu.memory_space<hbm>> -> memref<10240x128xf32, #tpu.memory_space<hbm>>
    tpu.wait_indirect_dma semaphore(%arg14 : memref<!tpu.dma_semaphore, #tpu.memory_space<semaphore_mem>>) src(%dma_wait3A_104 : memref<10240x128xf32, #tpu.memory_space<hbm>>) dst(%arg11 : memref<128x128xf32, #tpu.memory_space<vmem>>)
    %run_scoped3A_105 = arith.constant 5 : i32
    "tpu.region"() ({
      %run_scoped3A_256 = tpu.sem_alloc : memref<!tpu.dma_semaphore, #tpu.memory_space<semaphore_mem>>
      %dma_start3A_257 = arith.constant 0 : i32
      %dma_start3A_258 = tpu.memref_slice %arg8[%run_scoped3A_105, %dma_start3A_257] : memref<8x128xi32, #tpu.memory_space<vmem>> -> memref<1x128xi32, #tpu.memory_space<vmem>>
      %dma_start3A_259 = tpu.memref_squeeze %dma_start3A_258 : memref<1x128xi32, #tpu.memory_space<vmem>> -> memref<128xi32, #tpu.memory_space<vmem>>
      %dma_start3A_260 = arith.constant 0 : i32
      %dma_start3A_261 = arith.constant 0 : i32
      %dma_start3A_262 = tpu.memref_slice %arg12[%dma_start3A_260, %dma_start3A_261] : memref<10240x128xf32, #tpu.memory_space<vmem_shared>> -> memref<10240x128xf32, #tpu.memory_space<vmem_shared>>
      tpu.enqueue_indirect_dma source(%arg11 : memref<128x128xf32, #tpu.memory_space<vmem>>) target(%dma_start3A_262 : memref<10240x128xf32, #tpu.memory_space<vmem_shared>>) offsets(%dma_start3A_259 : memref<128xi32, #tpu.memory_space<vmem>>) semaphore(%run_scoped3A_256 : memref<!tpu.dma_semaphore, #tpu.memory_space<semaphore_mem>>) {add = true}
      %dma_wait3A_263 = arith.constant 0 : i32
      %dma_wait3A_264 = tpu.memref_slice %arg8[%run_scoped3A_105, %dma_wait3A_263] : memref<8x128xi32, #tpu.memory_space<vmem>> -> memref<1x128xi32, #tpu.memory_space<vmem>>
      %dma_wait3A_265 = tpu.memref_squeeze %dma_wait3A_264 : memref<1x128xi32, #tpu.memory_space<vmem>> -> memref<128xi32, #tpu.memory_space<vmem>>
      %dma_wait3A_266 = arith.constant 0 : i32
      %dma_wait3A_267 = arith.constant 0 : i32
      %dma_wait3A_268 = tpu.memref_slice %arg12[%dma_wait3A_266, %dma_wait3A_267] : memref<10240x128xf32, #tpu.memory_space<vmem_shared>> -> memref<10240x128xf32, #tpu.memory_space<vmem_shared>>
      tpu.wait_indirect_dma semaphore(%run_scoped3A_256 : memref<!tpu.dma_semaphore, #tpu.memory_space<semaphore_mem>>) src(%arg11 : memref<128x128xf32, #tpu.memory_space<vmem>>) dst(%dma_wait3A_268 : memref<10240x128xf32, #tpu.memory_space<vmem_shared>>)
      tpu.yield
    }) : () -> ()
    %dma_start3A_106 = arith.constant 71 : i32
    %dma_start3A_107 = arith.constant 0 : i32
    %dma_start3A_108 = tpu.memref_slice %arg7[%dma_start3A_106, %dma_start3A_107] : memref<80x128xi32, #tpu.memory_space<vmem>> -> memref<1x128xi32, #tpu.memory_space<vmem>>
    %dma_start3A_109 = tpu.memref_squeeze %dma_start3A_108 : memref<1x128xi32, #tpu.memory_space<vmem>> -> memref<128xi32, #tpu.memory_space<vmem>>
    %dma_start3A_110 = arith.constant 0 : i32
    %dma_start3A_111 = arith.constant 0 : i32
    %dma_start3A_112 = tpu.memref_slice %arg2[%dma_start3A_110, %dma_start3A_111] : memref<10240x128xf32, #tpu.memory_space<hbm>> -> memref<10240x128xf32, #tpu.memory_space<hbm>>
    tpu.enqueue_indirect_dma source(%dma_start3A_112 : memref<10240x128xf32, #tpu.memory_space<hbm>>) target(%arg11 : memref<128x128xf32, #tpu.memory_space<vmem>>) offsets(%dma_start3A_109 : memref<128xi32, #tpu.memory_space<vmem>>) semaphore(%arg14 : memref<!tpu.dma_semaphore, #tpu.memory_space<semaphore_mem>>)
    %dma_wait3A_113 = arith.constant 0 : i32
    %dma_wait3A_114 = arith.constant 0 : i32
    %dma_wait3A_115 = tpu.memref_slice %arg7[%dma_wait3A_113, %dma_wait3A_114] : memref<80x128xi32, #tpu.memory_space<vmem>> -> memref<1x128xi32, #tpu.memory_space<vmem>>
    %dma_wait3A_116 = tpu.memref_squeeze %dma_wait3A_115 : memref<1x128xi32, #tpu.memory_space<vmem>> -> memref<128xi32, #tpu.memory_space<vmem>>
    %dma_wait3A_117 = arith.constant 0 : i32
    %dma_wait3A_118 = arith.constant 0 : i32
    %dma_wait3A_119 = tpu.memref_slice %arg2[%dma_wait3A_117, %dma_wait3A_118] : memref<10240x128xf32, #tpu.memory_space<hbm>> -> memref<10240x128xf32, #tpu.memory_space<hbm>>
    tpu.wait_indirect_dma semaphore(%arg13 : memref<!tpu.dma_semaphore, #tpu.memory_space<semaphore_mem>>) src(%dma_wait3A_119 : memref<10240x128xf32, #tpu.memory_space<hbm>>) dst(%arg10 : memref<128x128xf32, #tpu.memory_space<vmem>>)
    %run_scoped3A_120 = arith.constant 6 : i32
    "tpu.region"() ({
      %run_scoped3A_256 = tpu.sem_alloc : memref<!tpu.dma_semaphore, #tpu.memory_space<semaphore_mem>>
      %dma_start3A_257 = arith.constant 0 : i32
      %dma_start3A_258 = tpu.memref_slice %arg8[%run_scoped3A_120, %dma_start3A_257] : memref<8x128xi32, #tpu.memory_space<vmem>> -> memref<1x128xi32, #tpu.memory_space<vmem>>
      %dma_start3A_259 = tpu.memref_squeeze %dma_start3A_258 : memref<1x128xi32, #tpu.memory_space<vmem>> -> memref<128xi32, #tpu.memory_space<vmem>>
      %dma_start3A_260 = arith.constant 0 : i32
      %dma_start3A_261 = arith.constant 0 : i32
      %dma_start3A_262 = tpu.memref_slice %arg12[%dma_start3A_260, %dma_start3A_261] : memref<10240x128xf32, #tpu.memory_space<vmem_shared>> -> memref<10240x128xf32, #tpu.memory_space<vmem_shared>>
      tpu.enqueue_indirect_dma source(%arg10 : memref<128x128xf32, #tpu.memory_space<vmem>>) target(%dma_start3A_262 : memref<10240x128xf32, #tpu.memory_space<vmem_shared>>) offsets(%dma_start3A_259 : memref<128xi32, #tpu.memory_space<vmem>>) semaphore(%run_scoped3A_256 : memref<!tpu.dma_semaphore, #tpu.memory_space<semaphore_mem>>) {add = true}
      %dma_wait3A_263 = arith.constant 0 : i32
      %dma_wait3A_264 = tpu.memref_slice %arg8[%run_scoped3A_120, %dma_wait3A_263] : memref<8x128xi32, #tpu.memory_space<vmem>> -> memref<1x128xi32, #tpu.memory_space<vmem>>
      %dma_wait3A_265 = tpu.memref_squeeze %dma_wait3A_264 : memref<1x128xi32, #tpu.memory_space<vmem>> -> memref<128xi32, #tpu.memory_space<vmem>>
      %dma_wait3A_266 = arith.constant 0 : i32
      %dma_wait3A_267 = arith.constant 0 : i32
      %dma_wait3A_268 = tpu.memref_slice %arg12[%dma_wait3A_266, %dma_wait3A_267] : memref<10240x128xf32, #tpu.memory_space<vmem_shared>> -> memref<10240x128xf32, #tpu.memory_space<vmem_shared>>
      tpu.wait_indirect_dma semaphore(%run_scoped3A_256 : memref<!tpu.dma_semaphore, #tpu.memory_space<semaphore_mem>>) src(%arg10 : memref<128x128xf32, #tpu.memory_space<vmem>>) dst(%dma_wait3A_268 : memref<10240x128xf32, #tpu.memory_space<vmem_shared>>)
      tpu.yield
    }) : () -> ()
    %dma_start3A_121 = arith.constant 72 : i32
    %dma_start3A_122 = arith.constant 0 : i32
    %dma_start3A_123 = tpu.memref_slice %arg7[%dma_start3A_121, %dma_start3A_122] : memref<80x128xi32, #tpu.memory_space<vmem>> -> memref<1x128xi32, #tpu.memory_space<vmem>>
    %dma_start3A_124 = tpu.memref_squeeze %dma_start3A_123 : memref<1x128xi32, #tpu.memory_space<vmem>> -> memref<128xi32, #tpu.memory_space<vmem>>
    %dma_start3A_125 = arith.constant 0 : i32
    %dma_start3A_126 = arith.constant 0 : i32
    %dma_start3A_127 = tpu.memref_slice %arg2[%dma_start3A_125, %dma_start3A_126] : memref<10240x128xf32, #tpu.memory_space<hbm>> -> memref<10240x128xf32, #tpu.memory_space<hbm>>
    tpu.enqueue_indirect_dma source(%dma_start3A_127 : memref<10240x128xf32, #tpu.memory_space<hbm>>) target(%arg10 : memref<128x128xf32, #tpu.memory_space<vmem>>) offsets(%dma_start3A_124 : memref<128xi32, #tpu.memory_space<vmem>>) semaphore(%arg13 : memref<!tpu.dma_semaphore, #tpu.memory_space<semaphore_mem>>)
    %dma_wait3A_128 = arith.constant 0 : i32
    %dma_wait3A_129 = arith.constant 0 : i32
    %dma_wait3A_130 = tpu.memref_slice %arg7[%dma_wait3A_128, %dma_wait3A_129] : memref<80x128xi32, #tpu.memory_space<vmem>> -> memref<1x128xi32, #tpu.memory_space<vmem>>
    %dma_wait3A_131 = tpu.memref_squeeze %dma_wait3A_130 : memref<1x128xi32, #tpu.memory_space<vmem>> -> memref<128xi32, #tpu.memory_space<vmem>>
    %dma_wait3A_132 = arith.constant 0 : i32
    %dma_wait3A_133 = arith.constant 0 : i32
    %dma_wait3A_134 = tpu.memref_slice %arg2[%dma_wait3A_132, %dma_wait3A_133] : memref<10240x128xf32, #tpu.memory_space<hbm>> -> memref<10240x128xf32, #tpu.memory_space<hbm>>
    tpu.wait_indirect_dma semaphore(%arg14 : memref<!tpu.dma_semaphore, #tpu.memory_space<semaphore_mem>>) src(%dma_wait3A_134 : memref<10240x128xf32, #tpu.memory_space<hbm>>) dst(%arg11 : memref<128x128xf32, #tpu.memory_space<vmem>>)
    %run_scoped3A_135 = arith.constant 7 : i32
    "tpu.region"() ({
      %run_scoped3A_256 = tpu.sem_alloc : memref<!tpu.dma_semaphore, #tpu.memory_space<semaphore_mem>>
      %dma_start3A_257 = arith.constant 0 : i32
      %dma_start3A_258 = tpu.memref_slice %arg8[%run_scoped3A_135, %dma_start3A_257] : memref<8x128xi32, #tpu.memory_space<vmem>> -> memref<1x128xi32, #tpu.memory_space<vmem>>
      %dma_start3A_259 = tpu.memref_squeeze %dma_start3A_258 : memref<1x128xi32, #tpu.memory_space<vmem>> -> memref<128xi32, #tpu.memory_space<vmem>>
      %dma_start3A_260 = arith.constant 0 : i32
      %dma_start3A_261 = arith.constant 0 : i32
      %dma_start3A_262 = tpu.memref_slice %arg12[%dma_start3A_260, %dma_start3A_261] : memref<10240x128xf32, #tpu.memory_space<vmem_shared>> -> memref<10240x128xf32, #tpu.memory_space<vmem_shared>>
      tpu.enqueue_indirect_dma source(%arg11 : memref<128x128xf32, #tpu.memory_space<vmem>>) target(%dma_start3A_262 : memref<10240x128xf32, #tpu.memory_space<vmem_shared>>) offsets(%dma_start3A_259 : memref<128xi32, #tpu.memory_space<vmem>>) semaphore(%run_scoped3A_256 : memref<!tpu.dma_semaphore, #tpu.memory_space<semaphore_mem>>) {add = true}
      %dma_wait3A_263 = arith.constant 0 : i32
      %dma_wait3A_264 = tpu.memref_slice %arg8[%run_scoped3A_135, %dma_wait3A_263] : memref<8x128xi32, #tpu.memory_space<vmem>> -> memref<1x128xi32, #tpu.memory_space<vmem>>
      %dma_wait3A_265 = tpu.memref_squeeze %dma_wait3A_264 : memref<1x128xi32, #tpu.memory_space<vmem>> -> memref<128xi32, #tpu.memory_space<vmem>>
      %dma_wait3A_266 = arith.constant 0 : i32
      %dma_wait3A_267 = arith.constant 0 : i32
      %dma_wait3A_268 = tpu.memref_slice %arg12[%dma_wait3A_266, %dma_wait3A_267] : memref<10240x128xf32, #tpu.memory_space<vmem_shared>> -> memref<10240x128xf32, #tpu.memory_space<vmem_shared>>
      tpu.wait_indirect_dma semaphore(%run_scoped3A_256 : memref<!tpu.dma_semaphore, #tpu.memory_space<semaphore_mem>>) src(%arg11 : memref<128x128xf32, #tpu.memory_space<vmem>>) dst(%dma_wait3A_268 : memref<10240x128xf32, #tpu.memory_space<vmem_shared>>)
      tpu.yield
    }) : () -> ()
    %add3A_136 = arith.constant 72 : i32
    %add3A_137 = arith.addi %mul3A_4, %add3A_136 : i32
    "tpu.region"() ({
      %run_scoped3A_256 = tpu.sem_alloc : memref<!tpu.dma_semaphore, #tpu.memory_space<semaphore_mem>>
      %dma_start3A_257 = arith.constant 0 : i32
      %dma_start3A_258 = tpu.memref_slice %arg4[%add3A_137, %dma_start3A_257] : memref<2560x128xi32, #tpu.memory_space<hbm>> -> memref<8x128xi32, #tpu.memory_space<hbm>>
      %dma_start3A_259 = arith.constant 0 : i32
      %dma_start3A_260 = tpu.memref_slice %arg4[%add3A_137, %dma_start3A_259] : memref<2560x128xi32, #tpu.memory_space<hbm>> -> memref<8x128xi32, #tpu.memory_space<hbm>>
      tpu.enqueue_dma source(%dma_start3A_260 : memref<8x128xi32, #tpu.memory_space<hbm>>) target(%arg9 : memref<8x128xi32, #tpu.memory_space<vmem>>) target_semaphore(%run_scoped3A_256 : memref<!tpu.dma_semaphore, #tpu.memory_space<semaphore_mem>>)
      %dma_wait3A_261 = arith.constant 0 : i32
      %dma_wait3A_262 = tpu.memref_slice %arg4[%add3A_137, %dma_wait3A_261] : memref<2560x128xi32, #tpu.memory_space<hbm>> -> memref<8x128xi32, #tpu.memory_space<hbm>>
      %dma_wait3A_263 = arith.constant 0 : i32
      %dma_wait3A_264 = tpu.memref_slice %arg4[%add3A_137, %dma_wait3A_263] : memref<2560x128xi32, #tpu.memory_space<hbm>> -> memref<8x128xi32, #tpu.memory_space<hbm>>
      tpu.wait_dma2 semaphore(%run_scoped3A_256 : memref<!tpu.dma_semaphore, #tpu.memory_space<semaphore_mem>>) src(%dma_wait3A_264 : memref<8x128xi32, #tpu.memory_space<hbm>>) dst(%arg9 : memref<8x128xi32, #tpu.memory_space<vmem>>)
      tpu.yield
    }) : () -> ()
    %dma_start3A_138 = arith.constant 73 : i32
    %dma_start3A_139 = arith.constant 0 : i32
    %dma_start3A_140 = tpu.memref_slice %arg7[%dma_start3A_138, %dma_start3A_139] : memref<80x128xi32, #tpu.memory_space<vmem>> -> memref<1x128xi32, #tpu.memory_space<vmem>>
    %dma_start3A_141 = tpu.memref_squeeze %dma_start3A_140 : memref<1x128xi32, #tpu.memory_space<vmem>> -> memref<128xi32, #tpu.memory_space<vmem>>
    %dma_start3A_142 = arith.constant 0 : i32
    %dma_start3A_143 = arith.constant 0 : i32
    %dma_start3A_144 = tpu.memref_slice %arg2[%dma_start3A_142, %dma_start3A_143] : memref<10240x128xf32, #tpu.memory_space<hbm>> -> memref<10240x128xf32, #tpu.memory_space<hbm>>
    tpu.enqueue_indirect_dma source(%dma_start3A_144 : memref<10240x128xf32, #tpu.memory_space<hbm>>) target(%arg11 : memref<128x128xf32, #tpu.memory_space<vmem>>) offsets(%dma_start3A_141 : memref<128xi32, #tpu.memory_space<vmem>>) semaphore(%arg14 : memref<!tpu.dma_semaphore, #tpu.memory_space<semaphore_mem>>)
    %dma_wait3A_145 = arith.constant 0 : i32
    %dma_wait3A_146 = arith.constant 0 : i32
    %dma_wait3A_147 = tpu.memref_slice %arg7[%dma_wait3A_145, %dma_wait3A_146] : memref<80x128xi32, #tpu.memory_space<vmem>> -> memref<1x128xi32, #tpu.memory_space<vmem>>
    %dma_wait3A_148 = tpu.memref_squeeze %dma_wait3A_147 : memref<1x128xi32, #tpu.memory_space<vmem>> -> memref<128xi32, #tpu.memory_space<vmem>>
    %dma_wait3A_149 = arith.constant 0 : i32
    %dma_wait3A_150 = arith.constant 0 : i32
    %dma_wait3A_151 = tpu.memref_slice %arg2[%dma_wait3A_149, %dma_wait3A_150] : memref<10240x128xf32, #tpu.memory_space<hbm>> -> memref<10240x128xf32, #tpu.memory_space<hbm>>
    tpu.wait_indirect_dma semaphore(%arg13 : memref<!tpu.dma_semaphore, #tpu.memory_space<semaphore_mem>>) src(%dma_wait3A_151 : memref<10240x128xf32, #tpu.memory_space<hbm>>) dst(%arg10 : memref<128x128xf32, #tpu.memory_space<vmem>>)
    %run_scoped3A_152 = arith.constant 0 : i32
    "tpu.region"() ({
      %run_scoped3A_256 = tpu.sem_alloc : memref<!tpu.dma_semaphore, #tpu.memory_space<semaphore_mem>>
      %dma_start3A_257 = arith.constant 0 : i32
      %dma_start3A_258 = tpu.memref_slice %arg9[%run_scoped3A_152, %dma_start3A_257] : memref<8x128xi32, #tpu.memory_space<vmem>> -> memref<1x128xi32, #tpu.memory_space<vmem>>
      %dma_start3A_259 = tpu.memref_squeeze %dma_start3A_258 : memref<1x128xi32, #tpu.memory_space<vmem>> -> memref<128xi32, #tpu.memory_space<vmem>>
      %dma_start3A_260 = arith.constant 0 : i32
      %dma_start3A_261 = arith.constant 0 : i32
      %dma_start3A_262 = tpu.memref_slice %arg12[%dma_start3A_260, %dma_start3A_261] : memref<10240x128xf32, #tpu.memory_space<vmem_shared>> -> memref<10240x128xf32, #tpu.memory_space<vmem_shared>>
      tpu.enqueue_indirect_dma source(%arg10 : memref<128x128xf32, #tpu.memory_space<vmem>>) target(%dma_start3A_262 : memref<10240x128xf32, #tpu.memory_space<vmem_shared>>) offsets(%dma_start3A_259 : memref<128xi32, #tpu.memory_space<vmem>>) semaphore(%run_scoped3A_256 : memref<!tpu.dma_semaphore, #tpu.memory_space<semaphore_mem>>) {add = true}
      %dma_wait3A_263 = arith.constant 0 : i32
      %dma_wait3A_264 = tpu.memref_slice %arg9[%run_scoped3A_152, %dma_wait3A_263] : memref<8x128xi32, #tpu.memory_space<vmem>> -> memref<1x128xi32, #tpu.memory_space<vmem>>
      %dma_wait3A_265 = tpu.memref_squeeze %dma_wait3A_264 : memref<1x128xi32, #tpu.memory_space<vmem>> -> memref<128xi32, #tpu.memory_space<vmem>>
      %dma_wait3A_266 = arith.constant 0 : i32
      %dma_wait3A_267 = arith.constant 0 : i32
      %dma_wait3A_268 = tpu.memref_slice %arg12[%dma_wait3A_266, %dma_wait3A_267] : memref<10240x128xf32, #tpu.memory_space<vmem_shared>> -> memref<10240x128xf32, #tpu.memory_space<vmem_shared>>
      tpu.wait_indirect_dma semaphore(%run_scoped3A_256 : memref<!tpu.dma_semaphore, #tpu.memory_space<semaphore_mem>>) src(%arg10 : memref<128x128xf32, #tpu.memory_space<vmem>>) dst(%dma_wait3A_268 : memref<10240x128xf32, #tpu.memory_space<vmem_shared>>)
      tpu.yield
    }) : () -> ()
    %dma_start3A_153 = arith.constant 74 : i32
    %dma_start3A_154 = arith.constant 0 : i32
    %dma_start3A_155 = tpu.memref_slice %arg7[%dma_start3A_153, %dma_start3A_154] : memref<80x128xi32, #tpu.memory_space<vmem>> -> memref<1x128xi32, #tpu.memory_space<vmem>>
    %dma_start3A_156 = tpu.memref_squeeze %dma_start3A_155 : memref<1x128xi32, #tpu.memory_space<vmem>> -> memref<128xi32, #tpu.memory_space<vmem>>
    %dma_start3A_157 = arith.constant 0 : i32
    %dma_start3A_158 = arith.constant 0 : i32
    %dma_start3A_159 = tpu.memref_slice %arg2[%dma_start3A_157, %dma_start3A_158] : memref<10240x128xf32, #tpu.memory_space<hbm>> -> memref<10240x128xf32, #tpu.memory_space<hbm>>
    tpu.enqueue_indirect_dma source(%dma_start3A_159 : memref<10240x128xf32, #tpu.memory_space<hbm>>) target(%arg10 : memref<128x128xf32, #tpu.memory_space<vmem>>) offsets(%dma_start3A_156 : memref<128xi32, #tpu.memory_space<vmem>>) semaphore(%arg13 : memref<!tpu.dma_semaphore, #tpu.memory_space<semaphore_mem>>)
    %dma_wait3A_160 = arith.constant 0 : i32
    %dma_wait3A_161 = arith.constant 0 : i32
    %dma_wait3A_162 = tpu.memref_slice %arg7[%dma_wait3A_160, %dma_wait3A_161] : memref<80x128xi32, #tpu.memory_space<vmem>> -> memref<1x128xi32, #tpu.memory_space<vmem>>
    %dma_wait3A_163 = tpu.memref_squeeze %dma_wait3A_162 : memref<1x128xi32, #tpu.memory_space<vmem>> -> memref<128xi32, #tpu.memory_space<vmem>>
    %dma_wait3A_164 = arith.constant 0 : i32
    %dma_wait3A_165 = arith.constant 0 : i32
    %dma_wait3A_166 = tpu.memref_slice %arg2[%dma_wait3A_164, %dma_wait3A_165] : memref<10240x128xf32, #tpu.memory_space<hbm>> -> memref<10240x128xf32, #tpu.memory_space<hbm>>
    tpu.wait_indirect_dma semaphore(%arg14 : memref<!tpu.dma_semaphore, #tpu.memory_space<semaphore_mem>>) src(%dma_wait3A_166 : memref<10240x128xf32, #tpu.memory_space<hbm>>) dst(%arg11 : memref<128x128xf32, #tpu.memory_space<vmem>>)
    %run_scoped3A_167 = arith.constant 1 : i32
    "tpu.region"() ({
      %run_scoped3A_256 = tpu.sem_alloc : memref<!tpu.dma_semaphore, #tpu.memory_space<semaphore_mem>>
      %dma_start3A_257 = arith.constant 0 : i32
      %dma_start3A_258 = tpu.memref_slice %arg9[%run_scoped3A_167, %dma_start3A_257] : memref<8x128xi32, #tpu.memory_space<vmem>> -> memref<1x128xi32, #tpu.memory_space<vmem>>
      %dma_start3A_259 = tpu.memref_squeeze %dma_start3A_258 : memref<1x128xi32, #tpu.memory_space<vmem>> -> memref<128xi32, #tpu.memory_space<vmem>>
      %dma_start3A_260 = arith.constant 0 : i32
      %dma_start3A_261 = arith.constant 0 : i32
      %dma_start3A_262 = tpu.memref_slice %arg12[%dma_start3A_260, %dma_start3A_261] : memref<10240x128xf32, #tpu.memory_space<vmem_shared>> -> memref<10240x128xf32, #tpu.memory_space<vmem_shared>>
      tpu.enqueue_indirect_dma source(%arg11 : memref<128x128xf32, #tpu.memory_space<vmem>>) target(%dma_start3A_262 : memref<10240x128xf32, #tpu.memory_space<vmem_shared>>) offsets(%dma_start3A_259 : memref<128xi32, #tpu.memory_space<vmem>>) semaphore(%run_scoped3A_256 : memref<!tpu.dma_semaphore, #tpu.memory_space<semaphore_mem>>) {add = true}
      %dma_wait3A_263 = arith.constant 0 : i32
      %dma_wait3A_264 = tpu.memref_slice %arg9[%run_scoped3A_167, %dma_wait3A_263] : memref<8x128xi32, #tpu.memory_space<vmem>> -> memref<1x128xi32, #tpu.memory_space<vmem>>
      %dma_wait3A_265 = tpu.memref_squeeze %dma_wait3A_264 : memref<1x128xi32, #tpu.memory_space<vmem>> -> memref<128xi32, #tpu.memory_space<vmem>>
      %dma_wait3A_266 = arith.constant 0 : i32
      %dma_wait3A_267 = arith.constant 0 : i32
      %dma_wait3A_268 = tpu.memref_slice %arg12[%dma_wait3A_266, %dma_wait3A_267] : memref<10240x128xf32, #tpu.memory_space<vmem_shared>> -> memref<10240x128xf32, #tpu.memory_space<vmem_shared>>
      tpu.wait_indirect_dma semaphore(%run_scoped3A_256 : memref<!tpu.dma_semaphore, #tpu.memory_space<semaphore_mem>>) src(%arg11 : memref<128x128xf32, #tpu.memory_space<vmem>>) dst(%dma_wait3A_268 : memref<10240x128xf32, #tpu.memory_space<vmem_shared>>)
      tpu.yield
    }) : () -> ()
    %dma_start3A_168 = arith.constant 75 : i32
    %dma_start3A_169 = arith.constant 0 : i32
    %dma_start3A_170 = tpu.memref_slice %arg7[%dma_start3A_168, %dma_start3A_169] : memref<80x128xi32, #tpu.memory_space<vmem>> -> memref<1x128xi32, #tpu.memory_space<vmem>>
    %dma_start3A_171 = tpu.memref_squeeze %dma_start3A_170 : memref<1x128xi32, #tpu.memory_space<vmem>> -> memref<128xi32, #tpu.memory_space<vmem>>
    %dma_start3A_172 = arith.constant 0 : i32
    %dma_start3A_173 = arith.constant 0 : i32
    %dma_start3A_174 = tpu.memref_slice %arg2[%dma_start3A_172, %dma_start3A_173] : memref<10240x128xf32, #tpu.memory_space<hbm>> -> memref<10240x128xf32, #tpu.memory_space<hbm>>
    tpu.enqueue_indirect_dma source(%dma_start3A_174 : memref<10240x128xf32, #tpu.memory_space<hbm>>) target(%arg11 : memref<128x128xf32, #tpu.memory_space<vmem>>) offsets(%dma_start3A_171 : memref<128xi32, #tpu.memory_space<vmem>>) semaphore(%arg14 : memref<!tpu.dma_semaphore, #tpu.memory_space<semaphore_mem>>)
    %dma_wait3A_175 = arith.constant 0 : i32
    %dma_wait3A_176 = arith.constant 0 : i32
    %dma_wait3A_177 = tpu.memref_slice %arg7[%dma_wait3A_175, %dma_wait3A_176] : memref<80x128xi32, #tpu.memory_space<vmem>> -> memref<1x128xi32, #tpu.memory_space<vmem>>
    %dma_wait3A_178 = tpu.memref_squeeze %dma_wait3A_177 : memref<1x128xi32, #tpu.memory_space<vmem>> -> memref<128xi32, #tpu.memory_space<vmem>>
    %dma_wait3A_179 = arith.constant 0 : i32
    %dma_wait3A_180 = arith.constant 0 : i32
    %dma_wait3A_181 = tpu.memref_slice %arg2[%dma_wait3A_179, %dma_wait3A_180] : memref<10240x128xf32, #tpu.memory_space<hbm>> -> memref<10240x128xf32, #tpu.memory_space<hbm>>
    tpu.wait_indirect_dma semaphore(%arg13 : memref<!tpu.dma_semaphore, #tpu.memory_space<semaphore_mem>>) src(%dma_wait3A_181 : memref<10240x128xf32, #tpu.memory_space<hbm>>) dst(%arg10 : memref<128x128xf32, #tpu.memory_space<vmem>>)
    %run_scoped3A_182 = arith.constant 2 : i32
    "tpu.region"() ({
      %run_scoped3A_256 = tpu.sem_alloc : memref<!tpu.dma_semaphore, #tpu.memory_space<semaphore_mem>>
      %dma_start3A_257 = arith.constant 0 : i32
      %dma_start3A_258 = tpu.memref_slice %arg9[%run_scoped3A_182, %dma_start3A_257] : memref<8x128xi32, #tpu.memory_space<vmem>> -> memref<1x128xi32, #tpu.memory_space<vmem>>
      %dma_start3A_259 = tpu.memref_squeeze %dma_start3A_258 : memref<1x128xi32, #tpu.memory_space<vmem>> -> memref<128xi32, #tpu.memory_space<vmem>>
      %dma_start3A_260 = arith.constant 0 : i32
      %dma_start3A_261 = arith.constant 0 : i32
      %dma_start3A_262 = tpu.memref_slice %arg12[%dma_start3A_260, %dma_start3A_261] : memref<10240x128xf32, #tpu.memory_space<vmem_shared>> -> memref<10240x128xf32, #tpu.memory_space<vmem_shared>>
      tpu.enqueue_indirect_dma source(%arg10 : memref<128x128xf32, #tpu.memory_space<vmem>>) target(%dma_start3A_262 : memref<10240x128xf32, #tpu.memory_space<vmem_shared>>) offsets(%dma_start3A_259 : memref<128xi32, #tpu.memory_space<vmem>>) semaphore(%run_scoped3A_256 : memref<!tpu.dma_semaphore, #tpu.memory_space<semaphore_mem>>) {add = true}
      %dma_wait3A_263 = arith.constant 0 : i32
      %dma_wait3A_264 = tpu.memref_slice %arg9[%run_scoped3A_182, %dma_wait3A_263] : memref<8x128xi32, #tpu.memory_space<vmem>> -> memref<1x128xi32, #tpu.memory_space<vmem>>
      %dma_wait3A_265 = tpu.memref_squeeze %dma_wait3A_264 : memref<1x128xi32, #tpu.memory_space<vmem>> -> memref<128xi32, #tpu.memory_space<vmem>>
      %dma_wait3A_266 = arith.constant 0 : i32
      %dma_wait3A_267 = arith.constant 0 : i32
      %dma_wait3A_268 = tpu.memref_slice %arg12[%dma_wait3A_266, %dma_wait3A_267] : memref<10240x128xf32, #tpu.memory_space<vmem_shared>> -> memref<10240x128xf32, #tpu.memory_space<vmem_shared>>
      tpu.wait_indirect_dma semaphore(%run_scoped3A_256 : memref<!tpu.dma_semaphore, #tpu.memory_space<semaphore_mem>>) src(%arg10 : memref<128x128xf32, #tpu.memory_space<vmem>>) dst(%dma_wait3A_268 : memref<10240x128xf32, #tpu.memory_space<vmem_shared>>)
      tpu.yield
    }) : () -> ()
    %dma_start3A_183 = arith.constant 76 : i32
    %dma_start3A_184 = arith.constant 0 : i32
    %dma_start3A_185 = tpu.memref_slice %arg7[%dma_start3A_183, %dma_start3A_184] : memref<80x128xi32, #tpu.memory_space<vmem>> -> memref<1x128xi32, #tpu.memory_space<vmem>>
    %dma_start3A_186 = tpu.memref_squeeze %dma_start3A_185 : memref<1x128xi32, #tpu.memory_space<vmem>> -> memref<128xi32, #tpu.memory_space<vmem>>
    %dma_start3A_187 = arith.constant 0 : i32
    %dma_start3A_188 = arith.constant 0 : i32
    %dma_start3A_189 = tpu.memref_slice %arg2[%dma_start3A_187, %dma_start3A_188] : memref<10240x128xf32, #tpu.memory_space<hbm>> -> memref<10240x128xf32, #tpu.memory_space<hbm>>
    tpu.enqueue_indirect_dma source(%dma_start3A_189 : memref<10240x128xf32, #tpu.memory_space<hbm>>) target(%arg10 : memref<128x128xf32, #tpu.memory_space<vmem>>) offsets(%dma_start3A_186 : memref<128xi32, #tpu.memory_space<vmem>>) semaphore(%arg13 : memref<!tpu.dma_semaphore, #tpu.memory_space<semaphore_mem>>)
    %dma_wait3A_190 = arith.constant 0 : i32
    %dma_wait3A_191 = arith.constant 0 : i32
    %dma_wait3A_192 = tpu.memref_slice %arg7[%dma_wait3A_190, %dma_wait3A_191] : memref<80x128xi32, #tpu.memory_space<vmem>> -> memref<1x128xi32, #tpu.memory_space<vmem>>
    %dma_wait3A_193 = tpu.memref_squeeze %dma_wait3A_192 : memref<1x128xi32, #tpu.memory_space<vmem>> -> memref<128xi32, #tpu.memory_space<vmem>>
    %dma_wait3A_194 = arith.constant 0 : i32
    %dma_wait3A_195 = arith.constant 0 : i32
    %dma_wait3A_196 = tpu.memref_slice %arg2[%dma_wait3A_194, %dma_wait3A_195] : memref<10240x128xf32, #tpu.memory_space<hbm>> -> memref<10240x128xf32, #tpu.memory_space<hbm>>
    tpu.wait_indirect_dma semaphore(%arg14 : memref<!tpu.dma_semaphore, #tpu.memory_space<semaphore_mem>>) src(%dma_wait3A_196 : memref<10240x128xf32, #tpu.memory_space<hbm>>) dst(%arg11 : memref<128x128xf32, #tpu.memory_space<vmem>>)
    %run_scoped3A_197 = arith.constant 3 : i32
    "tpu.region"() ({
      %run_scoped3A_256 = tpu.sem_alloc : memref<!tpu.dma_semaphore, #tpu.memory_space<semaphore_mem>>
      %dma_start3A_257 = arith.constant 0 : i32
      %dma_start3A_258 = tpu.memref_slice %arg9[%run_scoped3A_197, %dma_start3A_257] : memref<8x128xi32, #tpu.memory_space<vmem>> -> memref<1x128xi32, #tpu.memory_space<vmem>>
      %dma_start3A_259 = tpu.memref_squeeze %dma_start3A_258 : memref<1x128xi32, #tpu.memory_space<vmem>> -> memref<128xi32, #tpu.memory_space<vmem>>
      %dma_start3A_260 = arith.constant 0 : i32
      %dma_start3A_261 = arith.constant 0 : i32
      %dma_start3A_262 = tpu.memref_slice %arg12[%dma_start3A_260, %dma_start3A_261] : memref<10240x128xf32, #tpu.memory_space<vmem_shared>> -> memref<10240x128xf32, #tpu.memory_space<vmem_shared>>
      tpu.enqueue_indirect_dma source(%arg11 : memref<128x128xf32, #tpu.memory_space<vmem>>) target(%dma_start3A_262 : memref<10240x128xf32, #tpu.memory_space<vmem_shared>>) offsets(%dma_start3A_259 : memref<128xi32, #tpu.memory_space<vmem>>) semaphore(%run_scoped3A_256 : memref<!tpu.dma_semaphore, #tpu.memory_space<semaphore_mem>>) {add = true}
      %dma_wait3A_263 = arith.constant 0 : i32
      %dma_wait3A_264 = tpu.memref_slice %arg9[%run_scoped3A_197, %dma_wait3A_263] : memref<8x128xi32, #tpu.memory_space<vmem>> -> memref<1x128xi32, #tpu.memory_space<vmem>>
      %dma_wait3A_265 = tpu.memref_squeeze %dma_wait3A_264 : memref<1x128xi32, #tpu.memory_space<vmem>> -> memref<128xi32, #tpu.memory_space<vmem>>
      %dma_wait3A_266 = arith.constant 0 : i32
      %dma_wait3A_267 = arith.constant 0 : i32
      %dma_wait3A_268 = tpu.memref_slice %arg12[%dma_wait3A_266, %dma_wait3A_267] : memref<10240x128xf32, #tpu.memory_space<vmem_shared>> -> memref<10240x128xf32, #tpu.memory_space<vmem_shared>>
      tpu.wait_indirect_dma semaphore(%run_scoped3A_256 : memref<!tpu.dma_semaphore, #tpu.memory_space<semaphore_mem>>) src(%arg11 : memref<128x128xf32, #tpu.memory_space<vmem>>) dst(%dma_wait3A_268 : memref<10240x128xf32, #tpu.memory_space<vmem_shared>>)
      tpu.yield
    }) : () -> ()
    %dma_start3A_198 = arith.constant 77 : i32
    %dma_start3A_199 = arith.constant 0 : i32
    %dma_start3A_200 = tpu.memref_slice %arg7[%dma_start3A_198, %dma_start3A_199] : memref<80x128xi32, #tpu.memory_space<vmem>> -> memref<1x128xi32, #tpu.memory_space<vmem>>
    %dma_start3A_201 = tpu.memref_squeeze %dma_start3A_200 : memref<1x128xi32, #tpu.memory_space<vmem>> -> memref<128xi32, #tpu.memory_space<vmem>>
    %dma_start3A_202 = arith.constant 0 : i32
    %dma_start3A_203 = arith.constant 0 : i32
    %dma_start3A_204 = tpu.memref_slice %arg2[%dma_start3A_202, %dma_start3A_203] : memref<10240x128xf32, #tpu.memory_space<hbm>> -> memref<10240x128xf32, #tpu.memory_space<hbm>>
    tpu.enqueue_indirect_dma source(%dma_start3A_204 : memref<10240x128xf32, #tpu.memory_space<hbm>>) target(%arg11 : memref<128x128xf32, #tpu.memory_space<vmem>>) offsets(%dma_start3A_201 : memref<128xi32, #tpu.memory_space<vmem>>) semaphore(%arg14 : memref<!tpu.dma_semaphore, #tpu.memory_space<semaphore_mem>>)
    %dma_wait3A_205 = arith.constant 0 : i32
    %dma_wait3A_206 = arith.constant 0 : i32
    %dma_wait3A_207 = tpu.memref_slice %arg7[%dma_wait3A_205, %dma_wait3A_206] : memref<80x128xi32, #tpu.memory_space<vmem>> -> memref<1x128xi32, #tpu.memory_space<vmem>>
    %dma_wait3A_208 = tpu.memref_squeeze %dma_wait3A_207 : memref<1x128xi32, #tpu.memory_space<vmem>> -> memref<128xi32, #tpu.memory_space<vmem>>
    %dma_wait3A_209 = arith.constant 0 : i32
    %dma_wait3A_210 = arith.constant 0 : i32
    %dma_wait3A_211 = tpu.memref_slice %arg2[%dma_wait3A_209, %dma_wait3A_210] : memref<10240x128xf32, #tpu.memory_space<hbm>> -> memref<10240x128xf32, #tpu.memory_space<hbm>>
    tpu.wait_indirect_dma semaphore(%arg13 : memref<!tpu.dma_semaphore, #tpu.memory_space<semaphore_mem>>) src(%dma_wait3A_211 : memref<10240x128xf32, #tpu.memory_space<hbm>>) dst(%arg10 : memref<128x128xf32, #tpu.memory_space<vmem>>)
    %run_scoped3A_212 = arith.constant 4 : i32
    "tpu.region"() ({
      %run_scoped3A_256 = tpu.sem_alloc : memref<!tpu.dma_semaphore, #tpu.memory_space<semaphore_mem>>
      %dma_start3A_257 = arith.constant 0 : i32
      %dma_start3A_258 = tpu.memref_slice %arg9[%run_scoped3A_212, %dma_start3A_257] : memref<8x128xi32, #tpu.memory_space<vmem>> -> memref<1x128xi32, #tpu.memory_space<vmem>>
      %dma_start3A_259 = tpu.memref_squeeze %dma_start3A_258 : memref<1x128xi32, #tpu.memory_space<vmem>> -> memref<128xi32, #tpu.memory_space<vmem>>
      %dma_start3A_260 = arith.constant 0 : i32
      %dma_start3A_261 = arith.constant 0 : i32
      %dma_start3A_262 = tpu.memref_slice %arg12[%dma_start3A_260, %dma_start3A_261] : memref<10240x128xf32, #tpu.memory_space<vmem_shared>> -> memref<10240x128xf32, #tpu.memory_space<vmem_shared>>
      tpu.enqueue_indirect_dma source(%arg10 : memref<128x128xf32, #tpu.memory_space<vmem>>) target(%dma_start3A_262 : memref<10240x128xf32, #tpu.memory_space<vmem_shared>>) offsets(%dma_start3A_259 : memref<128xi32, #tpu.memory_space<vmem>>) semaphore(%run_scoped3A_256 : memref<!tpu.dma_semaphore, #tpu.memory_space<semaphore_mem>>) {add = true}
      %dma_wait3A_263 = arith.constant 0 : i32
      %dma_wait3A_264 = tpu.memref_slice %arg9[%run_scoped3A_212, %dma_wait3A_263] : memref<8x128xi32, #tpu.memory_space<vmem>> -> memref<1x128xi32, #tpu.memory_space<vmem>>
      %dma_wait3A_265 = tpu.memref_squeeze %dma_wait3A_264 : memref<1x128xi32, #tpu.memory_space<vmem>> -> memref<128xi32, #tpu.memory_space<vmem>>
      %dma_wait3A_266 = arith.constant 0 : i32
      %dma_wait3A_267 = arith.constant 0 : i32
      %dma_wait3A_268 = tpu.memref_slice %arg12[%dma_wait3A_266, %dma_wait3A_267] : memref<10240x128xf32, #tpu.memory_space<vmem_shared>> -> memref<10240x128xf32, #tpu.memory_space<vmem_shared>>
      tpu.wait_indirect_dma semaphore(%run_scoped3A_256 : memref<!tpu.dma_semaphore, #tpu.memory_space<semaphore_mem>>) src(%arg10 : memref<128x128xf32, #tpu.memory_space<vmem>>) dst(%dma_wait3A_268 : memref<10240x128xf32, #tpu.memory_space<vmem_shared>>)
      tpu.yield
    }) : () -> ()
    %dma_start3A_213 = arith.constant 78 : i32
    %dma_start3A_214 = arith.constant 0 : i32
    %dma_start3A_215 = tpu.memref_slice %arg7[%dma_start3A_213, %dma_start3A_214] : memref<80x128xi32, #tpu.memory_space<vmem>> -> memref<1x128xi32, #tpu.memory_space<vmem>>
    %dma_start3A_216 = tpu.memref_squeeze %dma_start3A_215 : memref<1x128xi32, #tpu.memory_space<vmem>> -> memref<128xi32, #tpu.memory_space<vmem>>
    %dma_start3A_217 = arith.constant 0 : i32
    %dma_start3A_218 = arith.constant 0 : i32
    %dma_start3A_219 = tpu.memref_slice %arg2[%dma_start3A_217, %dma_start3A_218] : memref<10240x128xf32, #tpu.memory_space<hbm>> -> memref<10240x128xf32, #tpu.memory_space<hbm>>
    tpu.enqueue_indirect_dma source(%dma_start3A_219 : memref<10240x128xf32, #tpu.memory_space<hbm>>) target(%arg10 : memref<128x128xf32, #tpu.memory_space<vmem>>) offsets(%dma_start3A_216 : memref<128xi32, #tpu.memory_space<vmem>>) semaphore(%arg13 : memref<!tpu.dma_semaphore, #tpu.memory_space<semaphore_mem>>)
    %dma_wait3A_220 = arith.constant 0 : i32
    %dma_wait3A_221 = arith.constant 0 : i32
    %dma_wait3A_222 = tpu.memref_slice %arg7[%dma_wait3A_220, %dma_wait3A_221] : memref<80x128xi32, #tpu.memory_space<vmem>> -> memref<1x128xi32, #tpu.memory_space<vmem>>
    %dma_wait3A_223 = tpu.memref_squeeze %dma_wait3A_222 : memref<1x128xi32, #tpu.memory_space<vmem>> -> memref<128xi32, #tpu.memory_space<vmem>>
    %dma_wait3A_224 = arith.constant 0 : i32
    %dma_wait3A_225 = arith.constant 0 : i32
    %dma_wait3A_226 = tpu.memref_slice %arg2[%dma_wait3A_224, %dma_wait3A_225] : memref<10240x128xf32, #tpu.memory_space<hbm>> -> memref<10240x128xf32, #tpu.memory_space<hbm>>
    tpu.wait_indirect_dma semaphore(%arg14 : memref<!tpu.dma_semaphore, #tpu.memory_space<semaphore_mem>>) src(%dma_wait3A_226 : memref<10240x128xf32, #tpu.memory_space<hbm>>) dst(%arg11 : memref<128x128xf32, #tpu.memory_space<vmem>>)
    %run_scoped3A_227 = arith.constant 5 : i32
    "tpu.region"() ({
      %run_scoped3A_256 = tpu.sem_alloc : memref<!tpu.dma_semaphore, #tpu.memory_space<semaphore_mem>>
      %dma_start3A_257 = arith.constant 0 : i32
      %dma_start3A_258 = tpu.memref_slice %arg9[%run_scoped3A_227, %dma_start3A_257] : memref<8x128xi32, #tpu.memory_space<vmem>> -> memref<1x128xi32, #tpu.memory_space<vmem>>
      %dma_start3A_259 = tpu.memref_squeeze %dma_start3A_258 : memref<1x128xi32, #tpu.memory_space<vmem>> -> memref<128xi32, #tpu.memory_space<vmem>>
      %dma_start3A_260 = arith.constant 0 : i32
      %dma_start3A_261 = arith.constant 0 : i32
      %dma_start3A_262 = tpu.memref_slice %arg12[%dma_start3A_260, %dma_start3A_261] : memref<10240x128xf32, #tpu.memory_space<vmem_shared>> -> memref<10240x128xf32, #tpu.memory_space<vmem_shared>>
      tpu.enqueue_indirect_dma source(%arg11 : memref<128x128xf32, #tpu.memory_space<vmem>>) target(%dma_start3A_262 : memref<10240x128xf32, #tpu.memory_space<vmem_shared>>) offsets(%dma_start3A_259 : memref<128xi32, #tpu.memory_space<vmem>>) semaphore(%run_scoped3A_256 : memref<!tpu.dma_semaphore, #tpu.memory_space<semaphore_mem>>) {add = true}
      %dma_wait3A_263 = arith.constant 0 : i32
      %dma_wait3A_264 = tpu.memref_slice %arg9[%run_scoped3A_227, %dma_wait3A_263] : memref<8x128xi32, #tpu.memory_space<vmem>> -> memref<1x128xi32, #tpu.memory_space<vmem>>
      %dma_wait3A_265 = tpu.memref_squeeze %dma_wait3A_264 : memref<1x128xi32, #tpu.memory_space<vmem>> -> memref<128xi32, #tpu.memory_space<vmem>>
      %dma_wait3A_266 = arith.constant 0 : i32
      %dma_wait3A_267 = arith.constant 0 : i32
      %dma_wait3A_268 = tpu.memref_slice %arg12[%dma_wait3A_266, %dma_wait3A_267] : memref<10240x128xf32, #tpu.memory_space<vmem_shared>> -> memref<10240x128xf32, #tpu.memory_space<vmem_shared>>
      tpu.wait_indirect_dma semaphore(%run_scoped3A_256 : memref<!tpu.dma_semaphore, #tpu.memory_space<semaphore_mem>>) src(%arg11 : memref<128x128xf32, #tpu.memory_space<vmem>>) dst(%dma_wait3A_268 : memref<10240x128xf32, #tpu.memory_space<vmem_shared>>)
      tpu.yield
    }) : () -> ()
    %dma_start3A_228 = arith.constant 79 : i32
    %dma_start3A_229 = arith.constant 0 : i32
    %dma_start3A_230 = tpu.memref_slice %arg7[%dma_start3A_228, %dma_start3A_229] : memref<80x128xi32, #tpu.memory_space<vmem>> -> memref<1x128xi32, #tpu.memory_space<vmem>>
    %dma_start3A_231 = tpu.memref_squeeze %dma_start3A_230 : memref<1x128xi32, #tpu.memory_space<vmem>> -> memref<128xi32, #tpu.memory_space<vmem>>
    %dma_start3A_232 = arith.constant 0 : i32
    %dma_start3A_233 = arith.constant 0 : i32
    %dma_start3A_234 = tpu.memref_slice %arg2[%dma_start3A_232, %dma_start3A_233] : memref<10240x128xf32, #tpu.memory_space<hbm>> -> memref<10240x128xf32, #tpu.memory_space<hbm>>
    tpu.enqueue_indirect_dma source(%dma_start3A_234 : memref<10240x128xf32, #tpu.memory_space<hbm>>) target(%arg11 : memref<128x128xf32, #tpu.memory_space<vmem>>) offsets(%dma_start3A_231 : memref<128xi32, #tpu.memory_space<vmem>>) semaphore(%arg14 : memref<!tpu.dma_semaphore, #tpu.memory_space<semaphore_mem>>)
    %dma_wait3A_235 = arith.constant 0 : i32
    %dma_wait3A_236 = arith.constant 0 : i32
    %dma_wait3A_237 = tpu.memref_slice %arg7[%dma_wait3A_235, %dma_wait3A_236] : memref<80x128xi32, #tpu.memory_space<vmem>> -> memref<1x128xi32, #tpu.memory_space<vmem>>
    %dma_wait3A_238 = tpu.memref_squeeze %dma_wait3A_237 : memref<1x128xi32, #tpu.memory_space<vmem>> -> memref<128xi32, #tpu.memory_space<vmem>>
    %dma_wait3A_239 = arith.constant 0 : i32
    %dma_wait3A_240 = arith.constant 0 : i32
    %dma_wait3A_241 = tpu.memref_slice %arg2[%dma_wait3A_239, %dma_wait3A_240] : memref<10240x128xf32, #tpu.memory_space<hbm>> -> memref<10240x128xf32, #tpu.memory_space<hbm>>
    tpu.wait_indirect_dma semaphore(%arg13 : memref<!tpu.dma_semaphore, #tpu.memory_space<semaphore_mem>>) src(%dma_wait3A_241 : memref<10240x128xf32, #tpu.memory_space<hbm>>) dst(%arg10 : memref<128x128xf32, #tpu.memory_space<vmem>>)
    %run_scoped3A_242 = arith.constant 6 : i32
    "tpu.region"() ({
      %run_scoped3A_256 = tpu.sem_alloc : memref<!tpu.dma_semaphore, #tpu.memory_space<semaphore_mem>>
      %dma_start3A_257 = arith.constant 0 : i32
      %dma_start3A_258 = tpu.memref_slice %arg9[%run_scoped3A_242, %dma_start3A_257] : memref<8x128xi32, #tpu.memory_space<vmem>> -> memref<1x128xi32, #tpu.memory_space<vmem>>
      %dma_start3A_259 = tpu.memref_squeeze %dma_start3A_258 : memref<1x128xi32, #tpu.memory_space<vmem>> -> memref<128xi32, #tpu.memory_space<vmem>>
      %dma_start3A_260 = arith.constant 0 : i32
      %dma_start3A_261 = arith.constant 0 : i32
      %dma_start3A_262 = tpu.memref_slice %arg12[%dma_start3A_260, %dma_start3A_261] : memref<10240x128xf32, #tpu.memory_space<vmem_shared>> -> memref<10240x128xf32, #tpu.memory_space<vmem_shared>>
      tpu.enqueue_indirect_dma source(%arg10 : memref<128x128xf32, #tpu.memory_space<vmem>>) target(%dma_start3A_262 : memref<10240x128xf32, #tpu.memory_space<vmem_shared>>) offsets(%dma_start3A_259 : memref<128xi32, #tpu.memory_space<vmem>>) semaphore(%run_scoped3A_256 : memref<!tpu.dma_semaphore, #tpu.memory_space<semaphore_mem>>) {add = true}
      %dma_wait3A_263 = arith.constant 0 : i32
      %dma_wait3A_264 = tpu.memref_slice %arg9[%run_scoped3A_242, %dma_wait3A_263] : memref<8x128xi32, #tpu.memory_space<vmem>> -> memref<1x128xi32, #tpu.memory_space<vmem>>
      %dma_wait3A_265 = tpu.memref_squeeze %dma_wait3A_264 : memref<1x128xi32, #tpu.memory_space<vmem>> -> memref<128xi32, #tpu.memory_space<vmem>>
      %dma_wait3A_266 = arith.constant 0 : i32
      %dma_wait3A_267 = arith.constant 0 : i32
      %dma_wait3A_268 = tpu.memref_slice %arg12[%dma_wait3A_266, %dma_wait3A_267] : memref<10240x128xf32, #tpu.memory_space<vmem_shared>> -> memref<10240x128xf32, #tpu.memory_space<vmem_shared>>
      tpu.wait_indirect_dma semaphore(%run_scoped3A_256 : memref<!tpu.dma_semaphore, #tpu.memory_space<semaphore_mem>>) src(%arg10 : memref<128x128xf32, #tpu.memory_space<vmem>>) dst(%dma_wait3A_268 : memref<10240x128xf32, #tpu.memory_space<vmem_shared>>)
      tpu.yield
    }) : () -> ()
    %dma_wait3A_243 = arith.constant 0 : i32
    %dma_wait3A_244 = arith.constant 0 : i32
    %dma_wait3A_245 = tpu.memref_slice %arg7[%dma_wait3A_243, %dma_wait3A_244] : memref<80x128xi32, #tpu.memory_space<vmem>> -> memref<1x128xi32, #tpu.memory_space<vmem>>
    %dma_wait3A_246 = tpu.memref_squeeze %dma_wait3A_245 : memref<1x128xi32, #tpu.memory_space<vmem>> -> memref<128xi32, #tpu.memory_space<vmem>>
    %dma_wait3A_247 = arith.constant 0 : i32
    %dma_wait3A_248 = arith.constant 0 : i32
    %dma_wait3A_249 = tpu.memref_slice %arg2[%dma_wait3A_247, %dma_wait3A_248] : memref<10240x128xf32, #tpu.memory_space<hbm>> -> memref<10240x128xf32, #tpu.memory_space<hbm>>
    tpu.wait_indirect_dma semaphore(%arg14 : memref<!tpu.dma_semaphore, #tpu.memory_space<semaphore_mem>>) src(%dma_wait3A_249 : memref<10240x128xf32, #tpu.memory_space<hbm>>) dst(%arg11 : memref<128x128xf32, #tpu.memory_space<vmem>>)
    %run_scoped3A_250 = arith.constant 7 : i32
    "tpu.region"() ({
      %run_scoped3A_256 = tpu.sem_alloc : memref<!tpu.dma_semaphore, #tpu.memory_space<semaphore_mem>>
      %dma_start3A_257 = arith.constant 0 : i32
      %dma_start3A_258 = tpu.memref_slice %arg9[%run_scoped3A_250, %dma_start3A_257] : memref<8x128xi32, #tpu.memory_space<vmem>> -> memref<1x128xi32, #tpu.memory_space<vmem>>
      %dma_start3A_259 = tpu.memref_squeeze %dma_start3A_258 : memref<1x128xi32, #tpu.memory_space<vmem>> -> memref<128xi32, #tpu.memory_space<vmem>>
      %dma_start3A_260 = arith.constant 0 : i32
      %dma_start3A_261 = arith.constant 0 : i32
      %dma_start3A_262 = tpu.memref_slice %arg12[%dma_start3A_260, %dma_start3A_261] : memref<10240x128xf32, #tpu.memory_space<vmem_shared>> -> memref<10240x128xf32, #tpu.memory_space<vmem_shared>>
      tpu.enqueue_indirect_dma source(%arg11 : memref<128x128xf32, #tpu.memory_space<vmem>>) target(%dma_start3A_262 : memref<10240x128xf32, #tpu.memory_space<vmem_shared>>) offsets(%dma_start3A_259 : memref<128xi32, #tpu.memory_space<vmem>>) semaphore(%run_scoped3A_256 : memref<!tpu.dma_semaphore, #tpu.memory_space<semaphore_mem>>) {add = true}
      %dma_wait3A_263 = arith.constant 0 : i32
      %dma_wait3A_264 = tpu.memref_slice %arg9[%run_scoped3A_250, %dma_wait3A_263] : memref<8x128xi32, #tpu.memory_space<vmem>> -> memref<1x128xi32, #tpu.memory_space<vmem>>
      %dma_wait3A_265 = tpu.memref_squeeze %dma_wait3A_264 : memref<1x128xi32, #tpu.memory_space<vmem>> -> memref<128xi32, #tpu.memory_space<vmem>>
      %dma_wait3A_266 = arith.constant 0 : i32
      %dma_wait3A_267 = arith.constant 0 : i32
      %dma_wait3A_268 = tpu.memref_slice %arg12[%dma_wait3A_266, %dma_wait3A_267] : memref<10240x128xf32, #tpu.memory_space<vmem_shared>> -> memref<10240x128xf32, #tpu.memory_space<vmem_shared>>
      tpu.wait_indirect_dma semaphore(%run_scoped3A_256 : memref<!tpu.dma_semaphore, #tpu.memory_space<semaphore_mem>>) src(%arg11 : memref<128x128xf32, #tpu.memory_space<vmem>>) dst(%dma_wait3A_268 : memref<10240x128xf32, #tpu.memory_space<vmem_shared>>)
      tpu.yield
    }) : () -> ()
    %barrier3A_251 = arith.constant 0 : index
    tpu.barrier barrier_id(%barrier3A_251)
    %mul3A_252 = arith.constant 640 : i32
    %mul3A_253 = arith.muli %arg1, %mul3A_252 : i32
    %mul3A_254 = arith.constant 640 : i32
    %mul3A_255 = arith.muli %arg1, %mul3A_254 : i32
    "tpu.region"() ({
      %run_scoped3A_256 = tpu.sem_alloc : memref<!tpu.dma_semaphore, #tpu.memory_space<semaphore_mem>>
      %dma_start3A_257 = arith.constant 0 : i32
      %dma_start3A_258 = tpu.memref_slice %arg6[%arg0, %mul3A_255, %dma_start3A_257] : memref<2x10240x128xf32, #tpu.memory_space<hbm>> -> memref<1x640x128xf32, #tpu.memory_space<hbm>>
      %dma_start3A_259 = tpu.memref_squeeze %dma_start3A_258 : memref<1x640x128xf32, #tpu.memory_space<hbm>> -> memref<640x128xf32, #tpu.memory_space<hbm>>
      %dma_start3A_260 = arith.constant 0 : i32
      %dma_start3A_261 = tpu.memref_slice %arg12[%mul3A_253, %dma_start3A_260] : memref<10240x128xf32, #tpu.memory_space<vmem_shared>> -> memref<640x128xf32, #tpu.memory_space<vmem_shared>>
      tpu.enqueue_dma source(%dma_start3A_261 : memref<640x128xf32, #tpu.memory_space<vmem_shared>>) target(%dma_start3A_259 : memref<640x128xf32, #tpu.memory_space<hbm>>) target_semaphore(%run_scoped3A_256 : memref<!tpu.dma_semaphore, #tpu.memory_space<semaphore_mem>>)
      %dma_wait3A_262 = arith.constant 0 : i32
      %dma_wait3A_263 = tpu.memref_slice %arg6[%arg0, %mul3A_255, %dma_wait3A_262] : memref<2x10240x128xf32, #tpu.memory_space<hbm>> -> memref<1x640x128xf32, #tpu.memory_space<hbm>>
      %dma_wait3A_264 = tpu.memref_squeeze %dma_wait3A_263 : memref<1x640x128xf32, #tpu.memory_space<hbm>> -> memref<640x128xf32, #tpu.memory_space<hbm>>
      %dma_wait3A_265 = arith.constant 0 : i32
      %dma_wait3A_266 = tpu.memref_slice %arg12[%mul3A_253, %dma_wait3A_265] : memref<10240x128xf32, #tpu.memory_space<vmem_shared>> -> memref<640x128xf32, #tpu.memory_space<vmem_shared>>
      tpu.wait_dma2 semaphore(%run_scoped3A_256 : memref<!tpu.dma_semaphore, #tpu.memory_space<semaphore_mem>>) src(%dma_wait3A_266 : memref<640x128xf32, #tpu.memory_space<vmem_shared>>) dst(%dma_wait3A_264 : memref<640x128xf32, #tpu.memory_space<hbm>>)
      tpu.yield
    }) : () -> ()
    return
  }
}

module attributes {stable_mosaic.version = 14 : i64} {
  func.func @_dense1_body(%arg0: memref<10000x5xf32, #tpu.memory_space<vmem>>, %arg1: memref<5x128xf32, #tpu.memory_space<vmem>>, %arg2: memref<128xf32, #tpu.memory_space<vmem>>, %arg3: memref<128xf32, #tpu.memory_space<vmem>>, %arg4: memref<128xf32, #tpu.memory_space<vmem>>, %arg5: memref<128x128xf32, #tpu.memory_space<vmem>>, %arg6: memref<2x10240xf32, #tpu.memory_space<vmem>>, %arg7: memref<10240x128xf32, #tpu.memory_space<vmem>>) attributes {dimension_semantics = [], scalar_prefetch = 0 : i64, scratch_operands = 0 : i64, tpu.core_type = #tpu.core_type<tc>} {
    %get3A = arith.constant 0 : index
    %get3A_0 = arith.constant 0 : index
    %get3A_1 = vector.load %arg0[%get3A, %get3A_0] : memref<10000x5xf32, #tpu.memory_space<vmem>>, vector<10000x5xf32>
    %get3A_2 = arith.constant 0 : index
    %get3A_3 = arith.constant 0 : index
    %get3A_4 = vector.load %arg1[%get3A_2, %get3A_3] : memref<5x128xf32, #tpu.memory_space<vmem>>, vector<5x128xf32>
    %dot_general3A = arith.constant dense<0.000000e+00> : vector<10000x128xf32>
    %dot_general3A_5 = tpu.matmul %get3A_1, %get3A_4, %dot_general3A {dimension_numbers = #tpu.dot_dimension_numbers<[1], [0], [0], [1], [0, 0, 1, 1], [], []>, transpose_lhs_hint = false} : vector<10000x5xf32>, vector<5x128xf32>, vector<10000x128xf32> -> vector<10000x128xf32>
    %get3A_6 = arith.constant 0 : index
    %get3A_7 = vector.load %arg2[%get3A_6] : memref<128xf32, #tpu.memory_space<vmem>>, vector<128xf32>
    %broadcast_in_dim3A = vector.shape_cast %get3A_7 : vector<128xf32> to vector<1x128xf32>
    %add3A = vector.broadcast %broadcast_in_dim3A : vector<1x128xf32> to vector<10000x128xf32>
    %add3A_8 = arith.addf %dot_general3A_5, %add3A : vector<10000x128xf32>
    %max3A = arith.constant 0.000000e+00 : f32
    %max3A_9 = vector.broadcast %max3A : f32 to vector<10000x128xf32>
    %max3A_10 = arith.maximumf %add3A_8, %max3A_9 : vector<10000x128xf32>
    %get3A_11 = arith.constant 0 : index
    %get3A_12 = vector.load %arg3[%get3A_11] : memref<128xf32, #tpu.memory_space<vmem>>, vector<128xf32>
    %get3A_13 = arith.constant 0 : index
    %get3A_14 = vector.load %arg4[%get3A_13] : memref<128xf32, #tpu.memory_space<vmem>>, vector<128xf32>
    %reduce_sum3A = arith.constant dense<0.000000e+00> : vector<128xf32>
    %reduce_sum3A_15 = vector.multi_reduction <add>, %max3A_10, %reduce_sum3A [0] : vector<10000x128xf32> to vector<128xf32>
    %div3A = arith.constant 1.000000e+04 : f32
    %div3A_16 = vector.broadcast %div3A : f32 to vector<128xf32>
    %div3A_17 = arith.divf %reduce_sum3A_15, %div3A_16 : vector<128xf32>
    %jit3A = arith.constant 0 : i32
    %reduce_sum3A_18 = arith.constant dense<0.000000e+00> : vector<128xf32>
    %reduce_sum3A_19 = vector.multi_reduction <add>, %max3A_10, %reduce_sum3A_18 [0] : vector<10000x128xf32> to vector<128xf32>
    %broadcast_in_dim3A_20 = vector.shape_cast %reduce_sum3A_19 : vector<128xf32> to vector<1x128xf32>
    %div3A_21 = arith.constant 1.000000e+04 : f32
    %div3A_22 = vector.broadcast %div3A_21 : f32 to vector<1x128xf32>
    %div3A_23 = arith.divf %broadcast_in_dim3A_20, %div3A_22 : vector<1x128xf32>
    %sub3A = vector.broadcast %div3A_23 : vector<1x128xf32> to vector<10000x128xf32>
    %sub3A_24 = arith.subf %max3A_10, %sub3A : vector<10000x128xf32>
    %square3A = arith.mulf %sub3A_24, %sub3A_24 : vector<10000x128xf32>
    %convert_element_type3A = arith.sitofp %jit3A : i32 to f32
    %sub3A_25 = arith.constant 1.000000e+04 : f32
    %sub3A_26 = arith.subf %sub3A_25, %convert_element_type3A : f32
    %reduce_sum3A_27 = arith.constant dense<0.000000e+00> : vector<128xf32>
    %reduce_sum3A_28 = vector.multi_reduction <add>, %square3A, %reduce_sum3A_27 [0] : vector<10000x128xf32> to vector<128xf32>
    %div3A_29 = vector.broadcast %sub3A_26 : f32 to vector<128xf32>
    %div3A_30 = arith.divf %reduce_sum3A_28, %div3A_29 : vector<128xf32>
    %gt3A = arith.constant 0.000000e+00 : f32
    %gt3A_31 = arith.cmpf ogt, %sub3A_26, %gt3A : f32
    %jit3A_32 = arith.constant 0x7FC00000 : f32
    %broadcast_in_dim3A_33 = vector.broadcast %jit3A_32 : f32 to vector<128xf32>
    %select_n3A = arith.select %gt3A_31, %div3A_30, %broadcast_in_dim3A_33 : vector<128xf32>
    %broadcast_in_dim3A_34 = vector.shape_cast %div3A_17 : vector<128xf32> to vector<1x128xf32>
    %sub3A_35 = vector.broadcast %broadcast_in_dim3A_34 : vector<1x128xf32> to vector<10000x128xf32>
    %sub3A_36 = arith.subf %max3A_10, %sub3A_35 : vector<10000x128xf32>
    %add3A_37 = arith.constant 9.99999974E-6 : f32
    %add3A_38 = vector.broadcast %add3A_37 : f32 to vector<128xf32>
    %add3A_39 = arith.addf %select_n3A, %add3A_38 : vector<128xf32>
    %sqrt3A = math.sqrt %add3A_39 : vector<128xf32>
    %broadcast_in_dim3A_40 = vector.shape_cast %sqrt3A : vector<128xf32> to vector<1x128xf32>
    %div3A_41 = vector.broadcast %broadcast_in_dim3A_40 : vector<1x128xf32> to vector<10000x128xf32>
    %div3A_42 = arith.divf %sub3A_36, %div3A_41 : vector<10000x128xf32>
    %broadcast_in_dim3A_43 = vector.shape_cast %get3A_12 : vector<128xf32> to vector<1x128xf32>
    %mul3A = vector.broadcast %broadcast_in_dim3A_43 : vector<1x128xf32> to vector<10000x128xf32>
    %mul3A_44 = arith.mulf %div3A_42, %mul3A : vector<10000x128xf32>
    %broadcast_in_dim3A_45 = vector.shape_cast %get3A_14 : vector<128xf32> to vector<1x128xf32>
    %add3A_46 = vector.broadcast %broadcast_in_dim3A_45 : vector<1x128xf32> to vector<10000x128xf32>
    %add3A_47 = arith.addf %mul3A_44, %add3A_46 : vector<10000x128xf32>
    %get3A_48 = arith.constant 0 : index
    %get3A_49 = arith.constant 0 : index
    %get3A_50 = vector.load %arg5[%get3A_48, %get3A_49] : memref<128x128xf32, #tpu.memory_space<vmem>>, vector<128x128xf32>
    %dot_general3A_51 = arith.constant dense<0.000000e+00> : vector<10000x128xf32>
    %dot_general3A_52 = tpu.matmul %add3A_47, %get3A_50, %dot_general3A_51 {dimension_numbers = #tpu.dot_dimension_numbers<[1], [0], [0], [1], [0, 0, 1, 1], [], []>, transpose_lhs_hint = false} : vector<10000x128xf32>, vector<128x128xf32>, vector<10000x128xf32> -> vector<10000x128xf32>
    %get3A_53 = arith.constant 0 : index
    %get3A_54 = arith.constant 0 : index
    %get3A_55 = vector.load %arg6[%get3A_53, %get3A_54] : memref<2x10240xf32, #tpu.memory_space<vmem>>, vector<1x10000xf32>
    %get3A_56 = vector.shape_cast %get3A_55 : vector<1x10000xf32> to vector<10000xf32>
    %get3A_57 = arith.constant 1 : index
    %get3A_58 = arith.constant 0 : index
    %get3A_59 = vector.load %arg6[%get3A_57, %get3A_58] : memref<2x10240xf32, #tpu.memory_space<vmem>>, vector<1x10000xf32>
    %get3A_60 = vector.shape_cast %get3A_59 : vector<1x10000xf32> to vector<10000xf32>
    %add3A_61 = arith.addf %get3A_56, %get3A_60 : vector<10000xf32>
    %add3A_62 = arith.constant 1.000000e+00 : f32
    %add3A_63 = vector.broadcast %add3A_62 : f32 to vector<10000xf32>
    %add3A_64 = arith.addf %add3A_61, %add3A_63 : vector<10000xf32>
    %rsqrt3A = math.rsqrt %add3A_64 : vector<10000xf32>
    %broadcast_in_dim3A_65 = vector.shape_cast %rsqrt3A : vector<10000xf32> to vector<10000x1xf32>
    %mul3A_66 = vector.broadcast %broadcast_in_dim3A_65 : vector<10000x1xf32> to vector<10000x128xf32>
    %mul3A_67 = arith.mulf %mul3A_66, %dot_general3A_52 : vector<10000x128xf32>
    %swap3A = arith.constant 0 : index
    %swap3A_68 = arith.constant 0 : index
    %swap3A_69 = vector.load %arg7[%swap3A, %swap3A_68] : memref<10240x128xf32, #tpu.memory_space<vmem>>, vector<10000x128xf32>
    tpu.vector_store %arg7[%swap3A, %swap3A_68], %mul3A_67 {strides = array<i32>} : memref<10240x128xf32, #tpu.memory_space<vmem>>, vector<10000x128xf32>,
    %broadcast_in_dim3A_70 = arith.constant 0.000000e+00 : f32
    %broadcast_in_dim3A_71 = vector.broadcast %broadcast_in_dim3A_70 : f32 to vector<240x128xf32>
    %swap3A_72 = arith.constant 10000 : index
    %swap3A_73 = arith.constant 0 : index
    %swap3A_74 = vector.load %arg7[%swap3A_72, %swap3A_73] : memref<10240x128xf32, #tpu.memory_space<vmem>>, vector<240x128xf32>
    tpu.vector_store %arg7[%swap3A_72, %swap3A_73], %broadcast_in_dim3A_71 {strides = array<i32>} : memref<10240x128xf32, #tpu.memory_space<vmem>>, vector<240x128xf32>,
    return
  }
}

module attributes {stable_mosaic.version = 14 : i64} {
  func.func @_dense2_body(%arg0: memref<2x10240x128xf32, #tpu.memory_space<vmem>>, %arg1: memref<10240x128xf32, #tpu.memory_space<vmem>>, %arg2: memref<2x10240xf32, #tpu.memory_space<vmem>>, %arg3: memref<128xf32, #tpu.memory_space<vmem>>, %arg4: memref<128xf32, #tpu.memory_space<vmem>>, %arg5: memref<128xf32, #tpu.memory_space<vmem>>, %arg6: memref<128x128xf32, #tpu.memory_space<vmem>>, %arg7: memref<128xf32, #tpu.memory_space<vmem>>, %arg8: memref<128xf32, #tpu.memory_space<vmem>>, %arg9: memref<128xf32, #tpu.memory_space<vmem>>, %arg10: memref<128x128xf32, #tpu.memory_space<vmem>>, %arg11: memref<10240x128xf32, #tpu.memory_space<vmem>>) attributes {dimension_semantics = [], scalar_prefetch = 0 : i64, scratch_operands = 0 : i64, tpu.core_type = #tpu.core_type<tc>} {
    %get3A = arith.constant 0 : index
    %get3A_0 = arith.constant 0 : index
    %get3A_1 = vector.load %arg2[%get3A, %get3A_0] : memref<2x10240xf32, #tpu.memory_space<vmem>>, vector<1x10000xf32>
    %get3A_2 = vector.shape_cast %get3A_1 : vector<1x10000xf32> to vector<10000xf32>
    %get3A_3 = arith.constant 1 : index
    %get3A_4 = arith.constant 0 : index
    %get3A_5 = vector.load %arg2[%get3A_3, %get3A_4] : memref<2x10240xf32, #tpu.memory_space<vmem>>, vector<1x10000xf32>
    %get3A_6 = vector.shape_cast %get3A_5 : vector<1x10000xf32> to vector<10000xf32>
    %add3A = arith.addf %get3A_2, %get3A_6 : vector<10000xf32>
    %add3A_7 = arith.constant 1.000000e+00 : f32
    %add3A_8 = vector.broadcast %add3A_7 : f32 to vector<10000xf32>
    %add3A_9 = arith.addf %add3A, %add3A_8 : vector<10000xf32>
    %rsqrt3A = math.rsqrt %add3A_9 : vector<10000xf32>
    %broadcast_in_dim3A = vector.shape_cast %rsqrt3A : vector<10000xf32> to vector<10000x1xf32>
    %get3A_10 = arith.constant 0 : index
    %get3A_11 = arith.constant 0 : index
    %get3A_12 = arith.constant 0 : index
    %get3A_13 = vector.load %arg0[%get3A_10, %get3A_11, %get3A_12] : memref<2x10240x128xf32, #tpu.memory_space<vmem>>, vector<1x10000x128xf32>
    %get3A_14 = vector.shape_cast %get3A_13 : vector<1x10000x128xf32> to vector<10000x128xf32>
    %get3A_15 = arith.constant 1 : index
    %get3A_16 = arith.constant 0 : index
    %get3A_17 = arith.constant 0 : index
    %get3A_18 = vector.load %arg0[%get3A_15, %get3A_16, %get3A_17] : memref<2x10240x128xf32, #tpu.memory_space<vmem>>, vector<1x10000x128xf32>
    %get3A_19 = vector.shape_cast %get3A_18 : vector<1x10000x128xf32> to vector<10000x128xf32>
    %add3A_20 = arith.addf %get3A_14, %get3A_19 : vector<10000x128xf32>
    %get3A_21 = arith.constant 0 : index
    %get3A_22 = arith.constant 0 : index
    %get3A_23 = vector.load %arg1[%get3A_21, %get3A_22] : memref<10240x128xf32, #tpu.memory_space<vmem>>, vector<10000x128xf32>
    %add3A_24 = arith.addf %add3A_20, %get3A_23 : vector<10000x128xf32>
    %mul3A = vector.broadcast %broadcast_in_dim3A : vector<10000x1xf32> to vector<10000x128xf32>
    %mul3A_25 = arith.mulf %mul3A, %add3A_24 : vector<10000x128xf32>
    %get3A_26 = arith.constant 0 : index
    %get3A_27 = vector.load %arg3[%get3A_26] : memref<128xf32, #tpu.memory_space<vmem>>, vector<128xf32>
    %broadcast_in_dim3A_28 = vector.shape_cast %get3A_27 : vector<128xf32> to vector<1x128xf32>
    %add3A_29 = vector.broadcast %broadcast_in_dim3A_28 : vector<1x128xf32> to vector<10000x128xf32>
    %add3A_30 = arith.addf %mul3A_25, %add3A_29 : vector<10000x128xf32>
    %get3A_31 = arith.constant 0 : index
    %get3A_32 = vector.load %arg4[%get3A_31] : memref<128xf32, #tpu.memory_space<vmem>>, vector<128xf32>
    %get3A_33 = arith.constant 0 : index
    %get3A_34 = vector.load %arg5[%get3A_33] : memref<128xf32, #tpu.memory_space<vmem>>, vector<128xf32>
    %reduce_sum3A = arith.constant dense<0.000000e+00> : vector<128xf32>
    %reduce_sum3A_35 = vector.multi_reduction <add>, %add3A_30, %reduce_sum3A [0] : vector<10000x128xf32> to vector<128xf32>
    %div3A = arith.constant 1.000000e+04 : f32
    %div3A_36 = vector.broadcast %div3A : f32 to vector<128xf32>
    %div3A_37 = arith.divf %reduce_sum3A_35, %div3A_36 : vector<128xf32>
    %jit3A = arith.constant 0 : i32
    %reduce_sum3A_38 = arith.constant dense<0.000000e+00> : vector<128xf32>
    %reduce_sum3A_39 = vector.multi_reduction <add>, %add3A_30, %reduce_sum3A_38 [0] : vector<10000x128xf32> to vector<128xf32>
    %broadcast_in_dim3A_40 = vector.shape_cast %reduce_sum3A_39 : vector<128xf32> to vector<1x128xf32>
    %div3A_41 = arith.constant 1.000000e+04 : f32
    %div3A_42 = vector.broadcast %div3A_41 : f32 to vector<1x128xf32>
    %div3A_43 = arith.divf %broadcast_in_dim3A_40, %div3A_42 : vector<1x128xf32>
    %sub3A = vector.broadcast %div3A_43 : vector<1x128xf32> to vector<10000x128xf32>
    %sub3A_44 = arith.subf %add3A_30, %sub3A : vector<10000x128xf32>
    %square3A = arith.mulf %sub3A_44, %sub3A_44 : vector<10000x128xf32>
    %convert_element_type3A = arith.sitofp %jit3A : i32 to f32
    %sub3A_45 = arith.constant 1.000000e+04 : f32
    %sub3A_46 = arith.subf %sub3A_45, %convert_element_type3A : f32
    %reduce_sum3A_47 = arith.constant dense<0.000000e+00> : vector<128xf32>
    %reduce_sum3A_48 = vector.multi_reduction <add>, %square3A, %reduce_sum3A_47 [0] : vector<10000x128xf32> to vector<128xf32>
    %div3A_49 = vector.broadcast %sub3A_46 : f32 to vector<128xf32>
    %div3A_50 = arith.divf %reduce_sum3A_48, %div3A_49 : vector<128xf32>
    %gt3A = arith.constant 0.000000e+00 : f32
    %gt3A_51 = arith.cmpf ogt, %sub3A_46, %gt3A : f32
    %jit3A_52 = arith.constant 0x7FC00000 : f32
    %broadcast_in_dim3A_53 = vector.broadcast %jit3A_52 : f32 to vector<128xf32>
    %select_n3A = arith.select %gt3A_51, %div3A_50, %broadcast_in_dim3A_53 : vector<128xf32>
    %broadcast_in_dim3A_54 = vector.shape_cast %div3A_37 : vector<128xf32> to vector<1x128xf32>
    %sub3A_55 = vector.broadcast %broadcast_in_dim3A_54 : vector<1x128xf32> to vector<10000x128xf32>
    %sub3A_56 = arith.subf %add3A_30, %sub3A_55 : vector<10000x128xf32>
    %add3A_57 = arith.constant 9.99999974E-6 : f32
    %add3A_58 = vector.broadcast %add3A_57 : f32 to vector<128xf32>
    %add3A_59 = arith.addf %select_n3A, %add3A_58 : vector<128xf32>
    %sqrt3A = math.sqrt %add3A_59 : vector<128xf32>
    %broadcast_in_dim3A_60 = vector.shape_cast %sqrt3A : vector<128xf32> to vector<1x128xf32>
    %div3A_61 = vector.broadcast %broadcast_in_dim3A_60 : vector<1x128xf32> to vector<10000x128xf32>
    %div3A_62 = arith.divf %sub3A_56, %div3A_61 : vector<10000x128xf32>
    %broadcast_in_dim3A_63 = vector.shape_cast %get3A_32 : vector<128xf32> to vector<1x128xf32>
    %mul3A_64 = vector.broadcast %broadcast_in_dim3A_63 : vector<1x128xf32> to vector<10000x128xf32>
    %mul3A_65 = arith.mulf %div3A_62, %mul3A_64 : vector<10000x128xf32>
    %broadcast_in_dim3A_66 = vector.shape_cast %get3A_34 : vector<128xf32> to vector<1x128xf32>
    %add3A_67 = vector.broadcast %broadcast_in_dim3A_66 : vector<1x128xf32> to vector<10000x128xf32>
    %add3A_68 = arith.addf %mul3A_65, %add3A_67 : vector<10000x128xf32>
    %max3A = arith.constant 0.000000e+00 : f32
    %max3A_69 = vector.broadcast %max3A : f32 to vector<10000x128xf32>
    %max3A_70 = arith.maximumf %add3A_68, %max3A_69 : vector<10000x128xf32>
    %get3A_71 = arith.constant 0 : index
    %get3A_72 = arith.constant 0 : index
    %get3A_73 = vector.load %arg6[%get3A_71, %get3A_72] : memref<128x128xf32, #tpu.memory_space<vmem>>, vector<128x128xf32>
    %dot_general3A = arith.constant dense<0.000000e+00> : vector<10000x128xf32>
    %dot_general3A_74 = tpu.matmul %max3A_70, %get3A_73, %dot_general3A {dimension_numbers = #tpu.dot_dimension_numbers<[1], [0], [0], [1], [0, 0, 1, 1], [], []>, transpose_lhs_hint = false} : vector<10000x128xf32>, vector<128x128xf32>, vector<10000x128xf32> -> vector<10000x128xf32>
    %get3A_75 = arith.constant 0 : index
    %get3A_76 = vector.load %arg7[%get3A_75] : memref<128xf32, #tpu.memory_space<vmem>>, vector<128xf32>
    %broadcast_in_dim3A_77 = vector.shape_cast %get3A_76 : vector<128xf32> to vector<1x128xf32>
    %add3A_78 = vector.broadcast %broadcast_in_dim3A_77 : vector<1x128xf32> to vector<10000x128xf32>
    %add3A_79 = arith.addf %dot_general3A_74, %add3A_78 : vector<10000x128xf32>
    %max3A_80 = arith.constant 0.000000e+00 : f32
    %max3A_81 = vector.broadcast %max3A_80 : f32 to vector<10000x128xf32>
    %max3A_82 = arith.maximumf %add3A_79, %max3A_81 : vector<10000x128xf32>
    %get3A_83 = arith.constant 0 : index
    %get3A_84 = vector.load %arg8[%get3A_83] : memref<128xf32, #tpu.memory_space<vmem>>, vector<128xf32>
    %get3A_85 = arith.constant 0 : index
    %get3A_86 = vector.load %arg9[%get3A_85] : memref<128xf32, #tpu.memory_space<vmem>>, vector<128xf32>
    %reduce_sum3A_87 = arith.constant dense<0.000000e+00> : vector<128xf32>
    %reduce_sum3A_88 = vector.multi_reduction <add>, %max3A_82, %reduce_sum3A_87 [0] : vector<10000x128xf32> to vector<128xf32>
    %div3A_89 = arith.constant 1.000000e+04 : f32
    %div3A_90 = vector.broadcast %div3A_89 : f32 to vector<128xf32>
    %div3A_91 = arith.divf %reduce_sum3A_88, %div3A_90 : vector<128xf32>
    %jit3A_92 = arith.constant 0 : i32
    %reduce_sum3A_93 = arith.constant dense<0.000000e+00> : vector<128xf32>
    %reduce_sum3A_94 = vector.multi_reduction <add>, %max3A_82, %reduce_sum3A_93 [0] : vector<10000x128xf32> to vector<128xf32>
    %broadcast_in_dim3A_95 = vector.shape_cast %reduce_sum3A_94 : vector<128xf32> to vector<1x128xf32>
    %div3A_96 = arith.constant 1.000000e+04 : f32
    %div3A_97 = vector.broadcast %div3A_96 : f32 to vector<1x128xf32>
    %div3A_98 = arith.divf %broadcast_in_dim3A_95, %div3A_97 : vector<1x128xf32>
    %sub3A_99 = vector.broadcast %div3A_98 : vector<1x128xf32> to vector<10000x128xf32>
    %sub3A_100 = arith.subf %max3A_82, %sub3A_99 : vector<10000x128xf32>
    %square3A_101 = arith.mulf %sub3A_100, %sub3A_100 : vector<10000x128xf32>
    %convert_element_type3A_102 = arith.sitofp %jit3A_92 : i32 to f32
    %sub3A_103 = arith.constant 1.000000e+04 : f32
    %sub3A_104 = arith.subf %sub3A_103, %convert_element_type3A_102 : f32
    %reduce_sum3A_105 = arith.constant dense<0.000000e+00> : vector<128xf32>
    %reduce_sum3A_106 = vector.multi_reduction <add>, %square3A_101, %reduce_sum3A_105 [0] : vector<10000x128xf32> to vector<128xf32>
    %div3A_107 = vector.broadcast %sub3A_104 : f32 to vector<128xf32>
    %div3A_108 = arith.divf %reduce_sum3A_106, %div3A_107 : vector<128xf32>
    %gt3A_109 = arith.constant 0.000000e+00 : f32
    %gt3A_110 = arith.cmpf ogt, %sub3A_104, %gt3A_109 : f32
    %jit3A_111 = arith.constant 0x7FC00000 : f32
    %broadcast_in_dim3A_112 = vector.broadcast %jit3A_111 : f32 to vector<128xf32>
    %select_n3A_113 = arith.select %gt3A_110, %div3A_108, %broadcast_in_dim3A_112 : vector<128xf32>
    %broadcast_in_dim3A_114 = vector.shape_cast %div3A_91 : vector<128xf32> to vector<1x128xf32>
    %sub3A_115 = vector.broadcast %broadcast_in_dim3A_114 : vector<1x128xf32> to vector<10000x128xf32>
    %sub3A_116 = arith.subf %max3A_82, %sub3A_115 : vector<10000x128xf32>
    %add3A_117 = arith.constant 9.99999974E-6 : f32
    %add3A_118 = vector.broadcast %add3A_117 : f32 to vector<128xf32>
    %add3A_119 = arith.addf %select_n3A_113, %add3A_118 : vector<128xf32>
    %sqrt3A_120 = math.sqrt %add3A_119 : vector<128xf32>
    %broadcast_in_dim3A_121 = vector.shape_cast %sqrt3A_120 : vector<128xf32> to vector<1x128xf32>
    %div3A_122 = vector.broadcast %broadcast_in_dim3A_121 : vector<1x128xf32> to vector<10000x128xf32>
    %div3A_123 = arith.divf %sub3A_116, %div3A_122 : vector<10000x128xf32>
    %broadcast_in_dim3A_124 = vector.shape_cast %get3A_84 : vector<128xf32> to vector<1x128xf32>
    %mul3A_125 = vector.broadcast %broadcast_in_dim3A_124 : vector<1x128xf32> to vector<10000x128xf32>
    %mul3A_126 = arith.mulf %div3A_123, %mul3A_125 : vector<10000x128xf32>
    %broadcast_in_dim3A_127 = vector.shape_cast %get3A_86 : vector<128xf32> to vector<1x128xf32>
    %add3A_128 = vector.broadcast %broadcast_in_dim3A_127 : vector<1x128xf32> to vector<10000x128xf32>
    %add3A_129 = arith.addf %mul3A_126, %add3A_128 : vector<10000x128xf32>
    %get3A_130 = arith.constant 0 : index
    %get3A_131 = arith.constant 0 : index
    %get3A_132 = vector.load %arg10[%get3A_130, %get3A_131] : memref<128x128xf32, #tpu.memory_space<vmem>>, vector<128x128xf32>
    %dot_general3A_133 = arith.constant dense<0.000000e+00> : vector<10000x128xf32>
    %dot_general3A_134 = tpu.matmul %add3A_129, %get3A_132, %dot_general3A_133 {dimension_numbers = #tpu.dot_dimension_numbers<[1], [0], [0], [1], [0, 0, 1, 1], [], []>, transpose_lhs_hint = false} : vector<10000x128xf32>, vector<128x128xf32>, vector<10000x128xf32> -> vector<10000x128xf32>
    %broadcast_in_dim3A_135 = vector.shape_cast %rsqrt3A : vector<10000xf32> to vector<10000x1xf32>
    %mul3A_136 = vector.broadcast %broadcast_in_dim3A_135 : vector<10000x1xf32> to vector<10000x128xf32>
    %mul3A_137 = arith.mulf %mul3A_136, %dot_general3A_134 : vector<10000x128xf32>
    %swap3A = arith.constant 0 : index
    %swap3A_138 = arith.constant 0 : index
    %swap3A_139 = vector.load %arg11[%swap3A, %swap3A_138] : memref<10240x128xf32, #tpu.memory_space<vmem>>, vector<10000x128xf32>
    tpu.vector_store %arg11[%swap3A, %swap3A_138], %mul3A_137 {strides = array<i32>} : memref<10240x128xf32, #tpu.memory_space<vmem>>, vector<10000x128xf32>,
    %broadcast_in_dim3A_140 = arith.constant 0.000000e+00 : f32
    %broadcast_in_dim3A_141 = vector.broadcast %broadcast_in_dim3A_140 : f32 to vector<240x128xf32>
    %swap3A_142 = arith.constant 10000 : index
    %swap3A_143 = arith.constant 0 : index
    %swap3A_144 = vector.load %arg11[%swap3A_142, %swap3A_143] : memref<10240x128xf32, #tpu.memory_space<vmem>>, vector<240x128xf32>
    tpu.vector_store %arg11[%swap3A_142, %swap3A_143], %broadcast_in_dim3A_141 {strides = array<i32>} : memref<10240x128xf32, #tpu.memory_space<vmem>>, vector<240x128xf32>,
    return
  }
}

module attributes {stable_mosaic.version = 14 : i64} {
  func.func @_dense3_body(%arg0: memref<2x10240x128xf32, #tpu.memory_space<vmem>>, %arg1: memref<10240x128xf32, #tpu.memory_space<vmem>>, %arg2: memref<2x10240xf32, #tpu.memory_space<vmem>>, %arg3: memref<128xf32, #tpu.memory_space<vmem>>, %arg4: memref<128xf32, #tpu.memory_space<vmem>>, %arg5: memref<128xf32, #tpu.memory_space<vmem>>, %arg6: memref<10000xi32, #tpu.memory_space<vmem>>, %arg7: memref<128x128xf32, #tpu.memory_space<vmem>>, %arg8: memref<128xf32, #tpu.memory_space<vmem>>, %arg9: memref<128x10xf32, #tpu.memory_space<vmem>>, %arg10: memref<10xf32, #tpu.memory_space<vmem>>, %arg11: memref<16x10xf32, #tpu.memory_space<vmem>>) attributes {dimension_semantics = [], scalar_prefetch = 0 : i64, scratch_operands = 0 : i64, tpu.core_type = #tpu.core_type<tc>} {
    %get3A = arith.constant 0 : index
    %get3A_0 = arith.constant 0 : index
    %get3A_1 = vector.load %arg2[%get3A, %get3A_0] : memref<2x10240xf32, #tpu.memory_space<vmem>>, vector<1x10000xf32>
    %get3A_2 = vector.shape_cast %get3A_1 : vector<1x10000xf32> to vector<10000xf32>
    %get3A_3 = arith.constant 1 : index
    %get3A_4 = arith.constant 0 : index
    %get3A_5 = vector.load %arg2[%get3A_3, %get3A_4] : memref<2x10240xf32, #tpu.memory_space<vmem>>, vector<1x10000xf32>
    %get3A_6 = vector.shape_cast %get3A_5 : vector<1x10000xf32> to vector<10000xf32>
    %add3A = arith.addf %get3A_2, %get3A_6 : vector<10000xf32>
    %add3A_7 = arith.constant 1.000000e+00 : f32
    %add3A_8 = vector.broadcast %add3A_7 : f32 to vector<10000xf32>
    %add3A_9 = arith.addf %add3A, %add3A_8 : vector<10000xf32>
    %rsqrt3A = math.rsqrt %add3A_9 : vector<10000xf32>
    %broadcast_in_dim3A = vector.shape_cast %rsqrt3A : vector<10000xf32> to vector<10000x1xf32>
    %get3A_10 = arith.constant 0 : index
    %get3A_11 = arith.constant 0 : index
    %get3A_12 = arith.constant 0 : index
    %get3A_13 = vector.load %arg0[%get3A_10, %get3A_11, %get3A_12] : memref<2x10240x128xf32, #tpu.memory_space<vmem>>, vector<1x10000x128xf32>
    %get3A_14 = vector.shape_cast %get3A_13 : vector<1x10000x128xf32> to vector<10000x128xf32>
    %get3A_15 = arith.constant 1 : index
    %get3A_16 = arith.constant 0 : index
    %get3A_17 = arith.constant 0 : index
    %get3A_18 = vector.load %arg0[%get3A_15, %get3A_16, %get3A_17] : memref<2x10240x128xf32, #tpu.memory_space<vmem>>, vector<1x10000x128xf32>
    %get3A_19 = vector.shape_cast %get3A_18 : vector<1x10000x128xf32> to vector<10000x128xf32>
    %add3A_20 = arith.addf %get3A_14, %get3A_19 : vector<10000x128xf32>
    %get3A_21 = arith.constant 0 : index
    %get3A_22 = arith.constant 0 : index
    %get3A_23 = vector.load %arg1[%get3A_21, %get3A_22] : memref<10240x128xf32, #tpu.memory_space<vmem>>, vector<10000x128xf32>
    %add3A_24 = arith.addf %add3A_20, %get3A_23 : vector<10000x128xf32>
    %mul3A = vector.broadcast %broadcast_in_dim3A : vector<10000x1xf32> to vector<10000x128xf32>
    %mul3A_25 = arith.mulf %mul3A, %add3A_24 : vector<10000x128xf32>
    %get3A_26 = arith.constant 0 : index
    %get3A_27 = vector.load %arg3[%get3A_26] : memref<128xf32, #tpu.memory_space<vmem>>, vector<128xf32>
    %broadcast_in_dim3A_28 = vector.shape_cast %get3A_27 : vector<128xf32> to vector<1x128xf32>
    %add3A_29 = vector.broadcast %broadcast_in_dim3A_28 : vector<1x128xf32> to vector<10000x128xf32>
    %add3A_30 = arith.addf %mul3A_25, %add3A_29 : vector<10000x128xf32>
    %get3A_31 = arith.constant 0 : index
    %get3A_32 = vector.load %arg4[%get3A_31] : memref<128xf32, #tpu.memory_space<vmem>>, vector<128xf32>
    %get3A_33 = arith.constant 0 : index
    %get3A_34 = vector.load %arg5[%get3A_33] : memref<128xf32, #tpu.memory_space<vmem>>, vector<128xf32>
    %reduce_sum3A = arith.constant dense<0.000000e+00> : vector<128xf32>
    %reduce_sum3A_35 = vector.multi_reduction <add>, %add3A_30, %reduce_sum3A [0] : vector<10000x128xf32> to vector<128xf32>
    %div3A = arith.constant 1.000000e+04 : f32
    %div3A_36 = vector.broadcast %div3A : f32 to vector<128xf32>
    %div3A_37 = arith.divf %reduce_sum3A_35, %div3A_36 : vector<128xf32>
    %jit3A = arith.constant 0 : i32
    %reduce_sum3A_38 = arith.constant dense<0.000000e+00> : vector<128xf32>
    %reduce_sum3A_39 = vector.multi_reduction <add>, %add3A_30, %reduce_sum3A_38 [0] : vector<10000x128xf32> to vector<128xf32>
    %broadcast_in_dim3A_40 = vector.shape_cast %reduce_sum3A_39 : vector<128xf32> to vector<1x128xf32>
    %div3A_41 = arith.constant 1.000000e+04 : f32
    %div3A_42 = vector.broadcast %div3A_41 : f32 to vector<1x128xf32>
    %div3A_43 = arith.divf %broadcast_in_dim3A_40, %div3A_42 : vector<1x128xf32>
    %sub3A = vector.broadcast %div3A_43 : vector<1x128xf32> to vector<10000x128xf32>
    %sub3A_44 = arith.subf %add3A_30, %sub3A : vector<10000x128xf32>
    %square3A = arith.mulf %sub3A_44, %sub3A_44 : vector<10000x128xf32>
    %convert_element_type3A = arith.sitofp %jit3A : i32 to f32
    %sub3A_45 = arith.constant 1.000000e+04 : f32
    %sub3A_46 = arith.subf %sub3A_45, %convert_element_type3A : f32
    %reduce_sum3A_47 = arith.constant dense<0.000000e+00> : vector<128xf32>
    %reduce_sum3A_48 = vector.multi_reduction <add>, %square3A, %reduce_sum3A_47 [0] : vector<10000x128xf32> to vector<128xf32>
    %div3A_49 = vector.broadcast %sub3A_46 : f32 to vector<128xf32>
    %div3A_50 = arith.divf %reduce_sum3A_48, %div3A_49 : vector<128xf32>
    %gt3A = arith.constant 0.000000e+00 : f32
    %gt3A_51 = arith.cmpf ogt, %sub3A_46, %gt3A : f32
    %jit3A_52 = arith.constant 0x7FC00000 : f32
    %broadcast_in_dim3A_53 = vector.broadcast %jit3A_52 : f32 to vector<128xf32>
    %select_n3A = arith.select %gt3A_51, %div3A_50, %broadcast_in_dim3A_53 : vector<128xf32>
    %broadcast_in_dim3A_54 = vector.shape_cast %div3A_37 : vector<128xf32> to vector<1x128xf32>
    %sub3A_55 = vector.broadcast %broadcast_in_dim3A_54 : vector<1x128xf32> to vector<10000x128xf32>
    %sub3A_56 = arith.subf %add3A_30, %sub3A_55 : vector<10000x128xf32>
    %add3A_57 = arith.constant 9.99999974E-6 : f32
    %add3A_58 = vector.broadcast %add3A_57 : f32 to vector<128xf32>
    %add3A_59 = arith.addf %select_n3A, %add3A_58 : vector<128xf32>
    %sqrt3A = math.sqrt %add3A_59 : vector<128xf32>
    %broadcast_in_dim3A_60 = vector.shape_cast %sqrt3A : vector<128xf32> to vector<1x128xf32>
    %div3A_61 = vector.broadcast %broadcast_in_dim3A_60 : vector<1x128xf32> to vector<10000x128xf32>
    %div3A_62 = arith.divf %sub3A_56, %div3A_61 : vector<10000x128xf32>
    %broadcast_in_dim3A_63 = vector.shape_cast %get3A_32 : vector<128xf32> to vector<1x128xf32>
    %mul3A_64 = vector.broadcast %broadcast_in_dim3A_63 : vector<1x128xf32> to vector<10000x128xf32>
    %mul3A_65 = arith.mulf %div3A_62, %mul3A_64 : vector<10000x128xf32>
    %broadcast_in_dim3A_66 = vector.shape_cast %get3A_34 : vector<128xf32> to vector<1x128xf32>
    %add3A_67 = vector.broadcast %broadcast_in_dim3A_66 : vector<1x128xf32> to vector<10000x128xf32>
    %add3A_68 = arith.addf %mul3A_65, %add3A_67 : vector<10000x128xf32>
    %max3A = arith.constant 0.000000e+00 : f32
    %max3A_69 = vector.broadcast %max3A : f32 to vector<10000x128xf32>
    %max3A_70 = arith.maximumf %add3A_68, %max3A_69 : vector<10000x128xf32>
    %get3A_71 = arith.constant 0 : index
    %get3A_72 = vector.load %arg6[%get3A_71] : memref<10000xi32, #tpu.memory_space<vmem>>, vector<10000xi32>
    %broadcast_in_dim3A_73 = vector.shape_cast %get3A_72 : vector<10000xi32> to vector<10000x1xi32>
    %iota3A = tpu.iota {dimensions = array<i32: 1>} : vector<10000x16xi32>
    %eq3A = vector.broadcast %broadcast_in_dim3A_73 : vector<10000x1xi32> to vector<10000x16xi32>
    %eq3A_74 = arith.cmpi eq, %eq3A, %iota3A : vector<10000x16xi32>
    %convert_element_type3A_75 = arith.extui %eq3A_74 : vector<10000x16xi1> to vector<10000x16xi32>
    %convert_element_type3A_76 = arith.sitofp %convert_element_type3A_75 : vector<10000x16xi32> to vector<10000x16xf32>
    %dot_general3A = arith.constant dense<0.000000e+00> : vector<16x128xf32>
    %dot_general3A_77 = tpu.matmul %convert_element_type3A_76, %max3A_70, %dot_general3A {dimension_numbers = #tpu.dot_dimension_numbers<[0], [0], [1], [1], [0, 1, 1, 1], [], []>, transpose_lhs_hint = false} : vector<10000x16xf32>, vector<10000x128xf32>, vector<16x128xf32> -> vector<16x128xf32>
    %reduce_sum3A_78 = arith.constant dense<0.000000e+00> : vector<16xf32>
    %reduce_sum3A_79 = vector.multi_reduction <add>, %convert_element_type3A_76, %reduce_sum3A_78 [0] : vector<10000x16xf32> to vector<16xf32>
    %max3A_80 = arith.constant 1.000000e+00 : f32
    %max3A_81 = vector.broadcast %max3A_80 : f32 to vector<16xf32>
    %max3A_82 = arith.maximumf %reduce_sum3A_79, %max3A_81 : vector<16xf32>
    %broadcast_in_dim3A_83 = vector.shape_cast %max3A_82 : vector<16xf32> to vector<16x1xf32>
    %div3A_84 = vector.broadcast %broadcast_in_dim3A_83 : vector<16x1xf32> to vector<16x128xf32>
    %div3A_85 = arith.divf %dot_general3A_77, %div3A_84 : vector<16x128xf32>
    %get3A_86 = arith.constant 0 : index
    %get3A_87 = arith.constant 0 : index
    %get3A_88 = vector.load %arg7[%get3A_86, %get3A_87] : memref<128x128xf32, #tpu.memory_space<vmem>>, vector<128x128xf32>
    %dot_general3A_89 = arith.constant dense<0.000000e+00> : vector<16x128xf32>
    %dot_general3A_90 = tpu.matmul %div3A_85, %get3A_88, %dot_general3A_89 {dimension_numbers = #tpu.dot_dimension_numbers<[1], [0], [0], [1], [0, 0, 1, 1], [], []>, transpose_lhs_hint = false} : vector<16x128xf32>, vector<128x128xf32>, vector<16x128xf32> -> vector<16x128xf32>
    %get3A_91 = arith.constant 0 : index
    %get3A_92 = vector.load %arg8[%get3A_91] : memref<128xf32, #tpu.memory_space<vmem>>, vector<128xf32>
    %broadcast_in_dim3A_93 = vector.shape_cast %get3A_92 : vector<128xf32> to vector<1x128xf32>
    %add3A_94 = vector.broadcast %broadcast_in_dim3A_93 : vector<1x128xf32> to vector<16x128xf32>
    %add3A_95 = arith.addf %dot_general3A_90, %add3A_94 : vector<16x128xf32>
    %max3A_96 = arith.constant 0.000000e+00 : f32
    %max3A_97 = vector.broadcast %max3A_96 : f32 to vector<16x128xf32>
    %max3A_98 = arith.maximumf %add3A_95, %max3A_97 : vector<16x128xf32>
    %get3A_99 = arith.constant 0 : index
    %get3A_100 = arith.constant 0 : index
    %get3A_101 = vector.load %arg9[%get3A_99, %get3A_100] : memref<128x10xf32, #tpu.memory_space<vmem>>, vector<128x10xf32>
    %dot_general3A_102 = arith.constant dense<0.000000e+00> : vector<16x10xf32>
    %dot_general3A_103 = tpu.matmul %max3A_98, %get3A_101, %dot_general3A_102 {dimension_numbers = #tpu.dot_dimension_numbers<[1], [0], [0], [1], [0, 0, 1, 1], [], []>, transpose_lhs_hint = false} : vector<16x128xf32>, vector<128x10xf32>, vector<16x10xf32> -> vector<16x10xf32>
    %get3A_104 = arith.constant 0 : index
    %get3A_105 = vector.load %arg10[%get3A_104] : memref<10xf32, #tpu.memory_space<vmem>>, vector<10xf32>
    %broadcast_in_dim3A_106 = vector.shape_cast %get3A_105 : vector<10xf32> to vector<1x10xf32>
    %add3A_107 = vector.broadcast %broadcast_in_dim3A_106 : vector<1x10xf32> to vector<16x10xf32>
    %add3A_108 = arith.addf %dot_general3A_103, %add3A_107 : vector<16x10xf32>
    %swap3A = arith.constant 0 : index
    %swap3A_109 = arith.constant 0 : index
    %swap3A_110 = vector.load %arg11[%swap3A, %swap3A_109] : memref<16x10xf32, #tpu.memory_space<vmem>>, vector<16x10xf32>
    tpu.vector_store %arg11[%swap3A, %swap3A_109], %add3A_108 {strides = array<i32>} : memref<16x10xf32, #tpu.memory_space<vmem>>, vector<16x10xf32>,
    return
  }
}

</mosaic_0001>

<sc_bundles>
// kernel: kernel.11.cloned.1.call-start
scs
__scs_entry_jumppad:
0x0: {  	(pc) =	sbr.rel $0x88, $3  }
0x1: {  	(tag) =	ssettag $0x0;
	lr =	simm.s32 $0x1  }
0x2: {  	[smem:$0x3F8A] =	sst lr;
	_ =	strace $0xD0000000  }
0x3: {  	_ = 	snop  }
0x4: {  	_ = 	snop  }
0x5: {  	_ = 	snop  }
0x6: {  	_ = 	snop  }
0x7: {  	_ = 	snop  }
__scs_overlays_trampoline_lowered:
0x8: {  	[smem:$0x3F99] =	sst s0  }
0x9: {  	[smem:$0x3F9A] =	sst s1  }
0xa: {  	[smem:$0x3F9B] =	sst s2  }
0xb: {  	[smem:$0x3F9C] =	sst s3  }
0xc: {  	[smem:$0x3F9D] =	sst s4  }
0xd: {  	[smem:$0x3F9E] =	sst s5  }
0xe: {  	[smem:$0x3F9F] =	sst s6  }
0xf: {  	[smem:$0x3FA0] =	sst s7  }
0x10: {  	[smem:$0x3FA1] =	sst s8  }
0x11: {  	[smem:$0x3FA2] =	sst s9;
	s0 =	simm.s32 @!p0 $0x0  }
0x12: {  	s1 =	sld [smem:$0x3F88];
	s0 =	simm.s32 @p0 $0x1  }
0x13: {  	[smem:$0x3FA3] =	sst s0;
	s0 =	simm.s32 @!p1 $0x0  }
0x14: {  	s2 =	sld [smem:$0x3F87];
	s0 =	simm.s32 @p1 $0x1  }
0x15: {  	[smem:$0x3FA4] =	sst s0;
	s0 =	simm.s32 @!p2 $0x0  }
0x16: {  	s3 =	sld [smem:$0x3FDB];
	s0 =	simm.s32 @p2 $0x1  }
0x17: {  	s4 =	simm.s32 $0x1BF5;
	[smem:$0x3FA6] =	sst s0  }
0x18: {  	s0 =	sld [smem:$0x3F89];
	_ =	swait.ge [sflag:s4], $0x0  }
0x19: {  	s7 =	sld [smem:$0x3F8A]  }
0x1a: {  	s8 =	sadd.s32 $0xFFFFE003, lr  }
0x1b: {  	s9 =	sadd.s32 $0xFFFFFEF7, lr;
	s5 =	simm.s32 $0xFFFFFFFF;
	p2 =	slt.u32 s8, $0xFFFFF086  }
0x1c: {  	p1 =	slt.u32 s9, $0xF7A;
	s5 =	simm.s32 @!p2 $0x0  }
0x1d: {  	s5 =	simm.s32 @p1 $0x1;
	p0 =	seq.s32 s7, s2  }
0x1e: {  	s7 =	smul.u32 @!p0 $0xF7A, s2;
	p2 =	seq.s32 @!p0 s5, $0x0  }
0x1f: {  	s9 =	smul.u32 $0xF7A, s1;
	s8 =	simm.s32 @!p0 $0x1BF5;
	p2 =	por !p2, p0  }
0x20: {  	[sflag:s8] =	ssyncset.s32 @!p0 $0xFFFFF086;
	s6 =	sadd.s32 @!p0 s3, s7;
	s7 =	simm.s32 @!p0 $0x108  }
0x21: {  	s3 =	sadd.s32 s3, s9;
	s6 =	sadd.s32 @!p0 $0x88, s6;
	s7 =	simm.s32 @p2 $0x1082  }
0x22: {  	[simem:s7], [sflag:s8] =	dma.local @!p0 [hbm:s6], $0xF7A  }
0x23: {  	s9 =	sor.u32 $0xD0000000, s2;
	s6 =	simm.s32 $0x108;
	_ =	swait.ge @!p0 [sflag:s8], $0x0  }
0x24: {  	s3 =	sadd.s32 $0x88, s3;
	s6 =	simm.s32 @!p1 $0x1082;
	[sflag:s4] =	ssyncset.s32 $0xFFFFF086  }
0x25: {  	[simem:s6], [sflag:s4] =	dma.local [hbm:s3], $0xF7A  }
0x26: {  	[smem:$0x3F8A] =	sst s1;
	(tag) =	ssettag s2;
	_ =	strace s9  }
0x27: {  	s1 =	sld [smem:$0x3F9A]  }
0x28: {  	s2 =	sld [smem:$0x3F9B]  }
0x29: {  	s4 =	sld [smem:$0x3F9D]  }
0x2a: {  	p0 =	seq.s32 s5, $0x0;
	s5 =	sld [smem:$0x3F9E]  }
0x2b: {  	s6 =	sld [smem:$0x3F9F]  }
0x2c: {  	s7 =	sld [smem:$0x3FA0]  }
0x2d: {  	s3 =	simm.s32 $0x108;
	s8 =	sld [smem:$0x3FA1]  }
0x2e: {  	s3 =	simm.s32 @!p0 $0x1082;
	s9 =	sld [smem:$0x3FA2]  }
0x2f: {  	lr =	sadd.s32 s0, s3;
	s0 =	sld [smem:$0x3F99]  }
0x30: {  	s3 =	sld [smem:$0x3F9C]  }
0x31: {  	[smem:$0x3FA5] =	sst s10  }
0x32: {  	s10 =	sld [smem:$0x3FA3];
	_ =	sdelay $0x3  }
0x33: {  	p0 =	seq.s32 s10, $0x1;
	s10 =	sld [smem:$0x3FA5];
	_ =	sdelay $0x3  }
0x34: {  	[smem:$0x3FA5] =	sst s10  }
0x35: {  	s10 =	sld [smem:$0x3FA4];
	_ =	sdelay $0x3  }
0x36: {  	p1 =	seq.s32 s10, $0x1;
	s10 =	sld [smem:$0x3FA5];
	_ =	sdelay $0x3  }
0x37: {  	[smem:$0x3FA5] =	sst s10  }
0x38: {  	s10 =	sld [smem:$0x3FA6]  }
0x39: {  	_ = 	snop;
	(pc) =	sbr.ind lr, $3  }
0x3a: {  	_ = 	snop  }
0x3b: {  	_ = 	snop  }
0x3c: {  	p2 =	seq.s32 s10, $0x1;
	s10 =	sld [smem:$0x3FA5]  }
0x3d: {  	_ =	shalt  }
0x3e: {  	_ =	shalt  }
0x3f: {  	_ =	shalt  }
0x40: {  	_ =	shalt  }
0x41: {  	_ =	shalt  }
0x42: {  	_ =	shalt  }
0x43: {  	_ =	shalt  }
0x44: {  	_ =	shalt  }
0x45: {  	_ =	shalt  }
0x46: {  	_ =	shalt  }
0x47: {  	_ =	shalt  }
0x48: {  	_ =	shalt  }
0x49: {  	_ =	shalt  }
0x4a: {  	_ =	shalt  }
0x4b: {  	_ =	shalt  }
0x4c: {  	_ =	shalt  }
0x4d: {  	_ =	shalt  }
0x4e: {  	_ =	shalt  }
0x4f: {  	_ =	shalt  }
0x50: {  	_ =	shalt  }
0x51: {  	_ =	shalt  }
0x52: {  	_ =	shalt  }
0x53: {  	_ =	shalt  }
0x54: {  	_ =	shalt  }
0x55: {  	_ =	shalt  }
0x56: {  	_ =	shalt  }
0x57: {  	_ =	shalt  }
0x58: {  	_ =	shalt  }
0x59: {  	_ =	shalt  }
0x5a: {  	_ =	shalt  }
0x5b: {  	_ =	shalt  }
0x5c: {  	_ =	shalt  }
0x5d: {  	_ =	shalt  }
0x5e: {  	_ =	shalt  }
0x5f: {  	_ =	shalt  }
0x60: {  	_ =	shalt  }
0x61: {  	_ =	shalt  }
0x62: {  	_ =	shalt  }
0x63: {  	_ =	shalt  }
0x64: {  	_ =	shalt  }
0x65: {  	_ =	shalt  }
0x66: {  	_ =	shalt  }
0x67: {  	_ =	shalt  }
0x68: {  	_ =	shalt  }
0x69: {  	_ =	shalt  }
0x6a: {  	_ =	shalt  }
0x6b: {  	_ =	shalt  }
0x6c: {  	_ =	shalt  }
0x6d: {  	_ =	shalt  }
0x6e: {  	_ =	shalt  }
0x6f: {  	_ =	shalt  }
0x70: {  	_ =	shalt  }
0x71: {  	_ =	shalt  }
0x72: {  	_ =	shalt  }
0x73: {  	_ =	shalt  }
0x74: {  	_ =	shalt  }
0x75: {  	_ =	shalt  }
0x76: {  	_ =	shalt  }
0x77: {  	_ =	shalt  }
0x78: {  	_ =	shalt  }
0x79: {  	_ =	shalt  }
0x7a: {  	_ =	shalt  }
0x7b: {  	_ =	shalt  }
0x7c: {  	_ =	shalt  }
0x7d: {  	_ =	shalt  }
0x7e: {  	_ =	shalt  }
0x7f: {  	_ =	shalt  }
0x80: {  	_ =	shalt  }
0x81: {  	_ =	shalt  }
0x82: {  	_ =	shalt  }
0x83: {  	_ =	shalt  }
0x84: {  	_ =	shalt  }
0x85: {  	_ =	shalt  }
0x86: {  	_ =	shalt  }
0x87: {  	_ =	shalt  }
.Lfunc_end0:
.L_simem_size_0:
called_computation.1_lowered:
.L_overlay_start_0:
0x88: {  	s2 =	sld [smem:$0x3FD9]  }
0x89: {  	s3 =	sld [smem:$0x3FFE];
	_ =	sdelay $0x1  }
0x8a: {  	s1 =	srdreg.scid  }
0x8b: {  	s0 =	sand.u32 $0x1, s1  }
0x8c: {  	s16 =	sshll.u32 s0, $0xA;
	s2 =	sadd.s32 s3, s2  }
0x8d: {  	s2 =	sadd.s32 s2, s16  }
0x8e: {  	[smem:$0x3FB1] =	sst s2  }
0x8f: {  	_ = 	snop  }
0x90: {  	(tm) =	ssettm $0x1  }
0x91: {  	s17 =	sld [smem:$0x3FFB];
	_ =	sdelay $0x3  }
0x92: {  	_ =	strace s17  }
0x93: {  	s2 =	sld [smem:$0x3FFC];
	_ =	sdelay $0x3  }
0x94: {  	_ =	strace s2  }
0x95: {  	s2 =	sld [smem:$0x3FFD];
	_ =	sdelay $0x3  }
0x96: {  	_ =	strace s2  }
0x97: {  	_ =	strace $0x8FFFFFFF  }
0x98: {  	s18 =	sld [smem:$0x3FDB];
	_ =	sdelay $0x1  }
0x99: {  	s19 =	simm.s32 $_scs_section_size  }
0x9a: {  	s4 =	simm.s32 $_size__tile_overlayer_lowered;
	s5 =	simm.s32 $_tile_overlayer_lowered  }
0x9b: {  	s22 =	simm.s32 $0x1BFF;
	s21 =	sshll.u32 s5, $0x1;
	s2 =	sadd.s32 s19, s18  }
0x9c: {  	s6 =	simm.s32 $0x0;
	s20 =	sshll.u32 s4, $0x1;
	s4 =	sadd.s32 s21, s2  }
0x9d: {  	[timem:s6], [sflag:s22] =	dma.local [hbm:s4], s20  }
0x9e: {  	_ =	swait.ge [sflag:s22], s20  }
0x9f: {  	s3 =	ssub.s32 $0x0, s20;
	[sflag:s22] =	ssyncset.done $0x0  }
0xa0: {  	[sflag:s22] =	ssyncadd.s32 s3;
	_ =	sdelay $0x1  }
0xa1: {  	s23 =	simm.s32 $0x1B8B  }
0xa2: {  	_ =	swait.ge [sflag:s23], $0x1  }
0xa3: {  	[sflag:s23] =	ssyncset.done $0x0  }
0xa4: {  	s25 =	simm.s32 $0x1B8E;
	s24 =	sld [smem:$0x3FFE];
	[sflag:s23] =	ssyncadd.s32 $0xFFFFFFFF  }
0xa5: {  	s26 =	simm.s32 $execute0_lowered;
	[smem:$0x3FD2] =	sst s25  }
0xa6: {  	s4 =	sshll.u32 s26, $0x1;
	_ =	strace $0x80000049;
	[dreg:$0x1] =	wrdreg $0xFFFFFFFF  }
0xa7: {  	s28 =	simm.s32 $_size_execute0_lowered;
	s2 =	sadd.s32 s2, s4;
	[dreg:$0x0] =	wrdreg $0x0  }
0xa8: {  	s4 =	sshll.u32 s28, $0x1;
	[dreg:$0x2] =	wrdreg s2  }
0xa9: {  	[dreg:$0x3] =	wrdreg s4  }
0xaa: {  	[dreg:$0x4] =	wrdreg $0xC0  }
0xab: {  	_ =	task [dreg:s6], $0x5FFFF  }
0xac: {  	[dreg:$0x1] =	wrdreg $0xFFFFFFFF  }
0xad: {  	[dreg:$0x0] =	wrdreg $0x60  }
0xae: {  	[dreg:$0x2] =	wrdreg s24  }
0xaf: {  	[dreg:$0x3] =	wrdreg $0xB0000  }
0xb0: {  	[dreg:$0x4] =	wrdreg $0x9  }
0xb1: {  	_ =	task.clear_ibuf [dreg:s6], $0x5FFFF;
	_ =	strace $0x90000049  }
0xb2: {  	s29 =	simm.s32 $0x9;
	_ =	strace $0x8000004B  }
0xb3: {  	_ =	swait.ge [sflag:s29], $0x1  }
0xb4: {  	[sflag:s29] =	ssyncadd.s32 $0xFFFFFFFF  }
0xb5: {  	_ =	strace $0x9000004B  }
0xb6: {  	_ =	sfence  }
0xb7: {  	s30 =	sld [smem:$0x0];
	_ =	sdelay $0x2  }
0xb8: {  	s31 =	sshll.u32 s1, $0xD;
	s1 =	sshrl.u32 s1, $0x2  }
0xb9: {  	s3 =	sand.u32 $0x4000, s31;
	s1 =	sadd.s32 s1, s30  }
0xba: {  	s0 =	sor.u32 s3, s0;
	s1 =	sshll.u32 s1, $0x11  }
0xbb: {  	s0 =	sor.u32 s1, s0  }
0xbc: {  	s0 =	sadd.s32 $0x8F2B, s0  }
0xbd: {  	[sflag:s0] =	ssyncadd.remote.s32 $0x1  }
0xbe: {  	_ =	sfence.sel $0xFFFF  }
0xbf: {  	[dreg:$0x0] =	wrdreg $0xFFFFFFFF;
	(pc) =	sbr.abs _section_cstart, $3  }
0xc0: {  	[dreg:$0x1] =	wrdreg $0xFFFFFFFF  }
0xc1: {  	_ =	task.clear_ibuf [dreg:s6], $0x2FFFF;
	_ =	strace $0x9FFFFFFF  }
0xc2: {  	(tm) =	ssettm $0x7FFFFFFF  }
0xc3: {  	_ =	shalt  }
tec
execute0_lowered:
.L_overlay_start_1:
0x0: {  	(tag) =	ssettag $0x1  }
0x1: {  	s0 =	srdreg.scid;
	s5 =	rddreg [dreg:$0x0]  }
0x2: {  	s11 =	stileid.u32;
	s2 =	rddreg [dreg:$0x1];
	s3 =	simm.s32 $0x0  }
0x3: {  	s14 =	simm.s32 $0x3;
	s15 =	simm.s32 $0x80;
	s16 =	simm.s32 $0x3000  }
0x4: {  	s17 =	simm.s32 $0x2800;
	s18 =	simm.s32 $0x7000;
	s28 =	simm.s32 $0x2B80  }
0x5: {  	s29 =	simm.s32 $0x2C00;
	s30 =	simm.s32 $0x2C80;
	s31 =	simm.s32 $0x2D00  }
0x6: {  	s0 =	sand.u32 $0x1, s0;
	[smem:$0x7FF] =	sst s3;
	s8 =	smul.u32 $0x14000, s11  }
0x7: {  	s4 =	sadd.s32 $0x18600, s5;
	s9 =	sadd.s32 $0xE600, s5;
	s10 =	smul.u32 $0x50000, s11  }
0x8: {  	s12 =	sadd.s32 $0x40600, s5;
	s22 =	sshll.u32 s11, $0x6;
	s23 =	smul.u32 $0x500, s11  }
0x9: {  	s1 =	sshll.u32 s0, $0x4;
	s7 =	smul.u32 $0x140000, s0;
	_ =	strace $0x8000004A  }
0xa: {  	s19 =	ssub.s32 $0x2, s0;
	[dreg:$0x3] =	wrdreg s12;
	s0 =	smul.u32 $0x5000, s0  }
0xb: {  	s12 =	sor.u32 $0x1C03, s22;
	s22 =	simm.s32 $0x2900;
	s1 =	sor.u32 s11, s1  }
0xc: {  	s20 =	sshrl.u32 s19, $0x1;
	s21 =	sshrl.u32 s10, $0x2;
	s6 =	smul.u32 $0x500, s1  }
0xd: {  	[dreg:$0x4] =	wrdreg s12;
	s7 =	sadd.s32 s8, s7;
	s1 =	smul.u32 $0x2800, s1  }
0xe: {  	s8 =	sadd.s32 s21, s2;
	s0 =	sadd.s32 s0, s9;
	s21 =	simm.s32 $0x2880  }
0xf: {  	s7 =	sshrl.u32 s7, $0x3;
	s0 =	sadd.s32 s23, s0;
	s10 =	sshrl.u32 s8, $0x3  }
0x10: {  	s23 =	simm.s32 $0x2980;
	s8 =	simm.s32 $0x2F80;
	s6 =	sadd.s32 s6, s5  }
0x11: {  	s5 =	sadd.s32 s7, s5;
	s7 =	ssub.s32 s19, s20;
	s1 =	sshrl.u32 s1, $0x3  }
0x12: {  	s0 =	sadd.s32 $0x80, s0;
	s19 =	simm.s32 $0x1;
	s20 =	simm.s32 $0x2  }
0x13: {  	[dreg:$0xb] =	wrdreg s10;
	s6 =	sadd.s32 $0x4600, s6;
	s1 =	sadd.s32 s9, s1  }
0x14: {  	s25 =	sadd.s32 $0x42E00, s5;
	s26 =	smax.u32 s7, $0x1;
	[dreg:$0xa] =	wrdreg s0  }
0x15: {  	s0 =	simm.s32 $0x2E00;
	s5 =	simm.s32 $0x2E80;
	[dreg:$0x5] =	wrdreg s6  }
0x16: {  	s7 =	simm.s32 $0x2F00;
	s9 =	simm.s32 $0x0;
	[dreg:$0x8] =	wrdreg s25  }
0x17: {  	s24 =	sadd.s32 $0x400, s1;
	s1 =	sadd.s32 $0x480, s1;
	[dreg:$0x9] =	wrdreg s26  }
0x18: {  	s25 =	simm.s32 $0x2A80;
	s26 =	simm.s32 $0x2B00;
	[dreg:$0x6] =	wrdreg s24  }
0x19: {  	[dreg:$0x7] =	wrdreg s1;
	s24 =	simm.s32 $0x2A00;
	s1 =	simm.s32 $0x2D80  }
.LBB2_1:
0x1a: {  	s6 =	rddreg [dreg:$0x3]  }
0x1b: {  	[spmem:s10], [sflag:s12] =	dma.local [hbm:s6], $0x2800  }
0x1c: {  	_ =	swait.ge [sflag:s14], $0x2800  }
0x1d: {  	[sflag:s14] =	ssyncset.done $0x0  }
0x1e: {  	s11 =	rddreg [dreg:$0x5];
	[sflag:s14] =	ssyncadd.s32 $0xFFFFD800  }
0x1f: {  	[tilespmem:s3], [sflag:$0x3] =	stream.linear.gather [hbm4b:s11+s3], $0x2800, $0x38;
	[tilespmem:$0x1F000] =	vst v63  }
0x20: {  	_ =	swait.ge [sflag:s14], $0x2800  }
0x21: {  	[sflag:s14] =	ssyncset.done $0x0  }
0x22: {  	[sflag:s14] =	ssyncadd.s32 $0xFFFFD800  }
0x23: {  	[bflag:$0x0] =	sbarrier.arrive $0xFFFF  }
0x24: {  	[tilespmem:s16], [sflag:$0x1] =	stream.indirect.gather [hbm4b:s4+s15], $0x80, s3, s15, $0xb8;
	[tilespmem:$0x1F000] =	vst v63  }
0x25: {  	s10 =	rddreg [dreg:$0xa]  }
0x26: {  	s12 =	sadd.s32 $0xFFFFFF80, s10  }
0x27: {  	[tilespmem:s17], [sflag:$0x3] =	stream.linear.gather [hbm4b:s12+s3], $0x400, $0x38;
	[tilespmem:$0x1F000] =	vst v63  }
0x28: {  	_ =	swait.ge [sflag:s14], $0x400  }
0x29: {  	[sflag:s14] =	ssyncset.done $0x0  }
0x2a: {  	s13 =	simm.s32 $0x80;
	[sflag:s14] =	ssyncadd.s32 $0xFFFFFC00  }
0x2b: {  	[tilespmem:s18], [sflag:$0x2] =	stream.indirect.gather [hbm4b:s4+s15], $0x80, s13, s15, $0xb8;
	[tilespmem:$0x1F000] =	vst v63  }
0x2c: {  	_ =	swait.ge [sflag:s19], $0x4000  }
0x2d: {  	[sflag:s19] =	ssyncset.done $0x0  }
0x2e: {  	[sflag:s19] =	ssyncadd.s32 $0xFFFFC000  }
0x2f: {  	[spmem:s2] =	stream.indirect.scatter.add.f32 [tilespmem:s16], [sflag:$0x3], $0x80, s17, s15, $0xb8;
	[tilespmem:$0x1F000] =	vst v63  }
0x30: {  	_ =	swait.ge [sflag:s14], $0x4000  }
0x31: {  	[sflag:s14] =	ssyncset.done $0x0  }
0x32: {  	s11 =	simm.s32 $0x100;
	[sflag:s14] =	ssyncadd.s32 $0xFFFFC000  }
0x33: {  	[tilespmem:s16], [sflag:$0x1] =	stream.indirect.gather [hbm4b:s4+s15], $0x80, s11, s15, $0xb8;
	[tilespmem:$0x1F000] =	vst v63  }
0x34: {  	_ =	swait.ge [sflag:s20], $0x4000  }
0x35: {  	[sflag:s20] =	ssyncset.done $0x0  }
0x36: {  	[sflag:s20] =	ssyncadd.s32 $0xFFFFC000  }
0x37: {  	[spmem:s2] =	stream.indirect.scatter.add.f32 [tilespmem:s18], [sflag:$0x3], $0x80, s21, s15, $0xb8;
	[tilespmem:$0x1F000] =	vst v63  }
0x38: {  	_ =	swait.ge [sflag:s14], $0x4000  }
0x39: {  	[sflag:s14] =	ssyncset.done $0x0  }
0x3a: {  	s12 =	simm.s32 $0x180;
	[sflag:s14] =	ssyncadd.s32 $0xFFFFC000  }
0x3b: {  	[tilespmem:s18], [sflag:$0x2] =	stream.indirect.gather [hbm4b:s4+s15], $0x80, s12, s15, $0xb8;
	[tilespmem:$0x1F000] =	vst v63  }
0x3c: {  	_ =	swait.ge [sflag:s19], $0x4000  }
0x3d: {  	[sflag:s19] =	ssyncset.done $0x0  }
0x3e: {  	[sflag:s19] =	ssyncadd.s32 $0xFFFFC000  }
0x3f: {  	[spmem:s2] =	stream.indirect.scatter.add.f32 [tilespmem:s16], [sflag:$0x3], $0x80, s22, s15, $0xb8;
	[tilespmem:$0x1F000] =	vst v63  }
0x40: {  	_ =	swait.ge [sflag:s14], $0x4000  }
0x41: {  	[sflag:s14] =	ssyncset.done $0x0  }
0x42: {  	s13 =	simm.s32 $0x200;
	[sflag:s14] =	ssyncadd.s32 $0xFFFFC000  }
0x43: {  	[tilespmem:s16], [sflag:$0x1] =	stream.indirect.gather [hbm4b:s4+s15], $0x80, s13, s15, $0xb8;
	[tilespmem:$0x1F000] =	vst v63  }
0x44: {  	_ =	swait.ge [sflag:s20], $0x4000  }
0x45: {  	[sflag:s20] =	ssyncset.done $0x0  }
0x46: {  	[sflag:s20] =	ssyncadd.s32 $0xFFFFC000  }
0x47: {  	[spmem:s2] =	stream.indirect.scatter.add.f32 [tilespmem:s18], [sflag:$0x3], $0x80, s23, s15, $0xb8;
	[tilespmem:$0x1F000] =	vst v63  }
0x48: {  	_ =	swait.ge [sflag:s14], $0x4000  }
0x49: {  	[sflag:s14] =	ssyncset.done $0x0  }
0x4a: {  	s11 =	simm.s32 $0x280;
	[sflag:s14] =	ssyncadd.s32 $0xFFFFC000  }
0x4b: {  	[tilespmem:s18], [sflag:$0x2] =	stream.indirect.gather [hbm4b:s4+s15], $0x80, s11, s15, $0xb8;
	[tilespmem:$0x1F000] =	vst v63  }
0x4c: {  	_ =	swait.ge [sflag:s19], $0x4000  }
0x4d: {  	[sflag:s19] =	ssyncset.done $0x0  }
0x4e: {  	[sflag:s19] =	ssyncadd.s32 $0xFFFFC000  }
0x4f: {  	[spmem:s2] =	stream.indirect.scatter.add.f32 [tilespmem:s16], [sflag:$0x3], $0x80, s24, s15, $0xb8;
	[tilespmem:$0x1F000] =	vst v63  }
0x50: {  	_ =	swait.ge [sflag:s14], $0x4000  }
0x51: {  	[sflag:s14] =	ssyncset.done $0x0  }
0x52: {  	s12 =	simm.s32 $0x300;
	[sflag:s14] =	ssyncadd.s32 $0xFFFFC000  }
0x53: {  	[tilespmem:s16], [sflag:$0x1] =	stream.indirect.gather [hbm4b:s4+s15], $0x80, s12, s15, $0xb8;
	[tilespmem:$0x1F000] =	vst v63  }
0x54: {  	_ =	swait.ge [sflag:s20], $0x4000  }
0x55: {  	[sflag:s20] =	ssyncset.done $0x0  }
0x56: {  	[sflag:s20] =	ssyncadd.s32 $0xFFFFC000  }
0x57: {  	[spmem:s2] =	stream.indirect.scatter.add.f32 [tilespmem:s18], [sflag:$0x3], $0x80, s25, s15, $0xb8;
	[tilespmem:$0x1F000] =	vst v63  }
0x58: {  	_ =	swait.ge [sflag:s14], $0x4000  }
0x59: {  	[sflag:s14] =	ssyncset.done $0x0  }
0x5a: {  	s13 =	simm.s32 $0x380;
	[sflag:s14] =	ssyncadd.s32 $0xFFFFC000  }
0x5b: {  	[tilespmem:s18], [sflag:$0x2] =	stream.indirect.gather [hbm4b:s4+s15], $0x80, s13, s15, $0xb8;
	[tilespmem:$0x1F000] =	vst v63  }
0x5c: {  	_ =	swait.ge [sflag:s19], $0x4000  }
0x5d: {  	[sflag:s19] =	ssyncset.done $0x0  }
0x5e: {  	[sflag:s19] =	ssyncadd.s32 $0xFFFFC000  }
0x5f: {  	[spmem:s2] =	stream.indirect.scatter.add.f32 [tilespmem:s16], [sflag:$0x3], $0x80, s26, s15, $0xb8;
	[tilespmem:$0x1F000] =	vst v63  }
0x60: {  	_ =	swait.ge [sflag:s14], $0x4000  }
0x61: {  	[sflag:s14] =	ssyncset.done $0x0  }
0x62: {  	s11 =	simm.s32 $0x400;
	[sflag:s14] =	ssyncadd.s32 $0xFFFFC000  }
0x63: {  	[tilespmem:s16], [sflag:$0x1] =	stream.indirect.gather [hbm4b:s4+s15], $0x80, s11, s15, $0xb8;
	[tilespmem:$0x1F000] =	vst v63  }
0x64: {  	_ =	swait.ge [sflag:s20], $0x4000  }
0x65: {  	[sflag:s20] =	ssyncset.done $0x0  }
0x66: {  	[sflag:s20] =	ssyncadd.s32 $0xFFFFC000  }
0x67: {  	[spmem:s2] =	stream.indirect.scatter.add.f32 [tilespmem:s18], [sflag:$0x3], $0x80, s28, s15, $0xb8;
	[tilespmem:$0x1F000] =	vst v63  }
0x68: {  	_ =	swait.ge [sflag:s14], $0x4000  }
0x69: {  	[sflag:s14] =	ssyncset.done $0x0  }
0x6a: {  	[sflag:s14] =	ssyncadd.s32 $0xFFFFC000  }
0x6b: {  	[tilespmem:s29], [sflag:$0x3] =	stream.linear.gather [hbm4b:s10+s3], $0x400, $0x38;
	[tilespmem:$0x1F000] =	vst v63  }
0x6c: {  	_ =	swait.ge [sflag:s14], $0x400  }
0x6d: {  	[sflag:s14] =	ssyncset.done $0x0  }
0x6e: {  	s12 =	simm.s32 $0x480;
	[sflag:s14] =	ssyncadd.s32 $0xFFFFFC00  }
0x6f: {  	[tilespmem:s18], [sflag:$0x2] =	stream.indirect.gather [hbm4b:s4+s15], $0x80, s12, s15, $0xb8;
	[tilespmem:$0x1F000] =	vst v63  }
0x70: {  	_ =	swait.ge [sflag:s19], $0x4000  }
0x71: {  	[sflag:s19] =	ssyncset.done $0x0  }
0x72: {  	[sflag:s19] =	ssyncadd.s32 $0xFFFFC000  }
0x73: {  	[spmem:s2] =	stream.indirect.scatter.add.f32 [tilespmem:s16], [sflag:$0x3], $0x80, s29, s15, $0xb8;
	[tilespmem:$0x1F000] =	vst v63  }
0x74: {  	_ =	swait.ge [sflag:s14], $0x4000  }
0x75: {  	[sflag:s14] =	ssyncset.done $0x0  }
0x76: {  	s13 =	simm.s32 $0x500;
	[sflag:s14] =	ssyncadd.s32 $0xFFFFC000  }
0x77: {  	[tilespmem:s16], [sflag:$0x1] =	stream.indirect.gather [hbm4b:s4+s15], $0x80, s13, s15, $0xb8;
	[tilespmem:$0x1F000] =	vst v63  }
0x78: {  	_ =	swait.ge [sflag:s20], $0x4000  }
0x79: {  	[sflag:s20] =	ssyncset.done $0x0  }
0x7a: {  	[sflag:s20] =	ssyncadd.s32 $0xFFFFC000  }
0x7b: {  	[spmem:s2] =	stream.indirect.scatter.add.f32 [tilespmem:s18], [sflag:$0x3], $0x80, s30, s15, $0xb8;
	[tilespmem:$0x1F000] =	vst v63  }
0x7c: {  	_ =	swait.ge [sflag:s14], $0x4000  }
0x7d: {  	[sflag:s14] =	ssyncset.done $0x0  }
0x7e: {  	s11 =	simm.s32 $0x580;
	[sflag:s14] =	ssyncadd.s32 $0xFFFFC000  }
0x7f: {  	[tilespmem:s18], [sflag:$0x2] =	stream.indirect.gather [hbm4b:s4+s15], $0x80, s11, s15, $0xb8;
	[tilespmem:$0x1F000] =	vst v63  }
0x80: {  	_ =	swait.ge [sflag:s19], $0x4000  }
0x81: {  	[sflag:s19] =	ssyncset.done $0x0  }
0x82: {  	[sflag:s19] =	ssyncadd.s32 $0xFFFFC000  }
0x83: {  	[spmem:s2] =	stream.indirect.scatter.add.f32 [tilespmem:s16], [sflag:$0x3], $0x80, s31, s15, $0xb8;
	[tilespmem:$0x1F000] =	vst v63  }
0x84: {  	_ =	swait.ge [sflag:s14], $0x4000  }
0x85: {  	[sflag:s14] =	ssyncset.done $0x0  }
0x86: {  	s12 =	simm.s32 $0x600;
	[sflag:s14] =	ssyncadd.s32 $0xFFFFC000  }
0x87: {  	[tilespmem:s16], [sflag:$0x1] =	stream.indirect.gather [hbm4b:s4+s15], $0x80, s12, s15, $0xb8;
	[tilespmem:$0x1F000] =	vst v63  }
0x88: {  	_ =	swait.ge [sflag:s20], $0x4000  }
0x89: {  	[sflag:s20] =	ssyncset.done $0x0  }
0x8a: {  	[sflag:s20] =	ssyncadd.s32 $0xFFFFC000  }
0x8b: {  	[spmem:s2] =	stream.indirect.scatter.add.f32 [tilespmem:s18], [sflag:$0x3], $0x80, s1, s15, $0xb8;
	[tilespmem:$0x1F000] =	vst v63  }
0x8c: {  	_ =	swait.ge [sflag:s14], $0x4000  }
0x8d: {  	[sflag:s14] =	ssyncset.done $0x0  }
0x8e: {  	s13 =	simm.s32 $0x680;
	[sflag:s14] =	ssyncadd.s32 $0xFFFFC000  }
0x8f: {  	[tilespmem:s18], [sflag:$0x2] =	stream.indirect.gather [hbm4b:s4+s15], $0x80, s13, s15, $0xb8;
	[tilespmem:$0x1F000] =	vst v63  }
0x90: {  	_ =	swait.ge [sflag:s19], $0x4000  }
0x91: {  	[sflag:s19] =	ssyncset.done $0x0  }
0x92: {  	[sflag:s19] =	ssyncadd.s32 $0xFFFFC000  }
0x93: {  	[spmem:s2] =	stream.indirect.scatter.add.f32 [tilespmem:s16], [sflag:$0x3], $0x80, s0, s15, $0xb8;
	[tilespmem:$0x1F000] =	vst v63  }
0x94: {  	_ =	swait.ge [sflag:s14], $0x4000  }
0x95: {  	[sflag:s14] =	ssyncset.done $0x0  }
0x96: {  	s11 =	simm.s32 $0x700;
	[sflag:s14] =	ssyncadd.s32 $0xFFFFC000  }
0x97: {  	[tilespmem:s16], [sflag:$0x1] =	stream.indirect.gather [hbm4b:s4+s15], $0x80, s11, s15, $0xb8;
	[tilespmem:$0x1F000] =	vst v63  }
0x98: {  	_ =	swait.ge [sflag:s20], $0x4000  }
0x99: {  	[sflag:s20] =	ssyncset.done $0x0  }
0x9a: {  	[sflag:s20] =	ssyncadd.s32 $0xFFFFC000  }
0x9b: {  	[spmem:s2] =	stream.indirect.scatter.add.f32 [tilespmem:s18], [sflag:$0x3], $0x80, s5, s15, $0xb8;
	[tilespmem:$0x1F000] =	vst v63  }
0x9c: {  	_ =	swait.ge [sflag:s14], $0x4000  }
0x9d: {  	[sflag:s14] =	ssyncset.done $0x0  }
0x9e: {  	s12 =	simm.s32 $0x780;
	[sflag:s14] =	ssyncadd.s32 $0xFFFFC000  }
0x9f: {  	[tilespmem:s18], [sflag:$0x2] =	stream.indirect.gather [hbm4b:s4+s15], $0x80, s12, s15, $0xb8;
	[tilespmem:$0x1F000] =	vst v63  }
0xa0: {  	_ =	swait.ge [sflag:s19], $0x4000  }
0xa1: {  	[sflag:s19] =	ssyncset.done $0x0  }
0xa2: {  	[sflag:s19] =	ssyncadd.s32 $0xFFFFC000  }
0xa3: {  	[spmem:s2] =	stream.indirect.scatter.add.f32 [tilespmem:s16], [sflag:$0x3], $0x80, s7, s15, $0xb8;
	[tilespmem:$0x1F000] =	vst v63  }
0xa4: {  	_ =	swait.ge [sflag:s14], $0x4000  }
0xa5: {  	[sflag:s14] =	ssyncset.done $0x0  }
0xa6: {  	s13 =	simm.s32 $0x800;
	[sflag:s14] =	ssyncadd.s32 $0xFFFFC000  }
0xa7: {  	[tilespmem:s16], [sflag:$0x1] =	stream.indirect.gather [hbm4b:s4+s15], $0x80, s13, s15, $0xb8;
	[tilespmem:$0x1F000] =	vst v63  }
0xa8: {  	_ =	swait.ge [sflag:s20], $0x4000  }
0xa9: {  	[sflag:s20] =	ssyncset.done $0x0  }
0xaa: {  	[sflag:s20] =	ssyncadd.s32 $0xFFFFC000  }
0xab: {  	[spmem:s2] =	stream.indirect.scatter.add.f32 [tilespmem:s18], [sflag:$0x3], $0x80, s8, s15, $0xb8;
	[tilespmem:$0x1F000] =	vst v63  }
0xac: {  	s6 =	simm.s32 $0x4000;
	_ =	swait.ge [sflag:s14], $0x4000  }
0xad: {  	s10 =	sadd.s32 $0x100, s10;
	s11 =	simm.s32 $0x2000;
	[sflag:s14] =	ssyncset.done $0x0  }
.LBB2_2:
0xae: {  	p0 =	sne.s32 s6, $0x6000;
	s13 =	sadd.s32 $0xFFFFFF80, s10;
	[sflag:s14] =	ssyncadd.s32 $0xFFFFC000  }
0xaf: {  	[tilespmem:s17], [sflag:$0x3] =	stream.linear.gather [hbm4b:s13+s3], $0x400, $0x38;
	[tilespmem:$0x1F000] =	vst v63  }
0xb0: {  	s12 =	smov.u32 s6;
	s6 =	sadd.s32 $0x2000, s6;
	_ =	swait.ge [sflag:s14], $0x400  }
0xb1: {  	s13 =	sshra.s32 s11, $0x2;
	s11 =	smov.u32 s12;
	[sflag:s14] =	ssyncset.done $0x0  }
0xb2: {  	s12 =	sadd.s32 $0x80, s13;
	[sflag:s14] =	ssyncadd.s32 $0xFFFFFC00  }
0xb3: {  	[tilespmem:s18], [sflag:$0x2] =	stream.indirect.gather [hbm4b:s4+s15], $0x80, s12, s15, $0xb8;
	[tilespmem:$0x1F000] =	vst v63  }
0xb4: {  	_ =	swait.ge [sflag:s19], $0x4000  }
0xb5: {  	[sflag:s19] =	ssyncset.done $0x0  }
0xb6: {  	[sflag:s19] =	ssyncadd.s32 $0xFFFFC000  }
0xb7: {  	[spmem:s2] =	stream.indirect.scatter.add.f32 [tilespmem:s16], [sflag:$0x3], $0x80, s17, s15, $0xb8;
	[tilespmem:$0x1F000] =	vst v63  }
0xb8: {  	_ =	swait.ge [sflag:s14], $0x4000  }
0xb9: {  	[sflag:s14] =	ssyncset.done $0x0  }
0xba: {  	s12 =	sadd.s32 $0x100, s13;
	[sflag:s14] =	ssyncadd.s32 $0xFFFFC000  }
0xbb: {  	[tilespmem:s16], [sflag:$0x1] =	stream.indirect.gather [hbm4b:s4+s15], $0x80, s12, s15, $0xb8;
	[tilespmem:$0x1F000] =	vst v63  }
0xbc: {  	_ =	swait.ge [sflag:s20], $0x4000  }
0xbd: {  	[sflag:s20] =	ssyncset.done $0x0  }
0xbe: {  	[sflag:s20] =	ssyncadd.s32 $0xFFFFC000  }
0xbf: {  	[spmem:s2] =	stream.indirect.scatter.add.f32 [tilespmem:s18], [sflag:$0x3], $0x80, s21, s15, $0xb8;
	[tilespmem:$0x1F000] =	vst v63  }
0xc0: {  	_ =	swait.ge [sflag:s14], $0x4000  }
0xc1: {  	[sflag:s14] =	ssyncset.done $0x0  }
0xc2: {  	s12 =	sadd.s32 $0x180, s13;
	[sflag:s14] =	ssyncadd.s32 $0xFFFFC000  }
0xc3: {  	[tilespmem:s18], [sflag:$0x2] =	stream.indirect.gather [hbm4b:s4+s15], $0x80, s12, s15, $0xb8;
	[tilespmem:$0x1F000] =	vst v63  }
0xc4: {  	_ =	swait.ge [sflag:s19], $0x4000  }
0xc5: {  	[sflag:s19] =	ssyncset.done $0x0  }
0xc6: {  	[sflag:s19] =	ssyncadd.s32 $0xFFFFC000  }
0xc7: {  	[spmem:s2] =	stream.indirect.scatter.add.f32 [tilespmem:s16], [sflag:$0x3], $0x80, s22, s15, $0xb8;
	[tilespmem:$0x1F000] =	vst v63  }
0xc8: {  	_ =	swait.ge [sflag:s14], $0x4000  }
0xc9: {  	[sflag:s14] =	ssyncset.done $0x0  }
0xca: {  	s12 =	sadd.s32 $0x200, s13;
	[sflag:s14] =	ssyncadd.s32 $0xFFFFC000  }
0xcb: {  	[tilespmem:s16], [sflag:$0x1] =	stream.indirect.gather [hbm4b:s4+s15], $0x80, s12, s15, $0xb8;
	[tilespmem:$0x1F000] =	vst v63  }
0xcc: {  	_ =	swait.ge [sflag:s20], $0x4000  }
0xcd: {  	[sflag:s20] =	ssyncset.done $0x0  }
0xce: {  	[sflag:s20] =	ssyncadd.s32 $0xFFFFC000  }
0xcf: {  	[spmem:s2] =	stream.indirect.scatter.add.f32 [tilespmem:s18], [sflag:$0x3], $0x80, s23, s15, $0xb8;
	[tilespmem:$0x1F000] =	vst v63  }
0xd0: {  	_ =	swait.ge [sflag:s14], $0x4000  }
0xd1: {  	[sflag:s14] =	ssyncset.done $0x0  }
0xd2: {  	s12 =	sadd.s32 $0x280, s13;
	[sflag:s14] =	ssyncadd.s32 $0xFFFFC000  }
0xd3: {  	[tilespmem:s18], [sflag:$0x2] =	stream.indirect.gather [hbm4b:s4+s15], $0x80, s12, s15, $0xb8;
	[tilespmem:$0x1F000] =	vst v63  }
0xd4: {  	_ =	swait.ge [sflag:s19], $0x4000  }
0xd5: {  	[sflag:s19] =	ssyncset.done $0x0  }
0xd6: {  	[sflag:s19] =	ssyncadd.s32 $0xFFFFC000  }
0xd7: {  	[spmem:s2] =	stream.indirect.scatter.add.f32 [tilespmem:s16], [sflag:$0x3], $0x80, s24, s15, $0xb8;
	[tilespmem:$0x1F000] =	vst v63  }
0xd8: {  	_ =	swait.ge [sflag:s14], $0x4000  }
0xd9: {  	[sflag:s14] =	ssyncset.done $0x0  }
0xda: {  	s12 =	sadd.s32 $0x300, s13;
	[sflag:s14] =	ssyncadd.s32 $0xFFFFC000  }
0xdb: {  	[tilespmem:s16], [sflag:$0x1] =	stream.indirect.gather [hbm4b:s4+s15], $0x80, s12, s15, $0xb8;
	[tilespmem:$0x1F000] =	vst v63  }
0xdc: {  	_ =	swait.ge [sflag:s20], $0x4000  }
0xdd: {  	[sflag:s20] =	ssyncset.done $0x0  }
0xde: {  	[sflag:s20] =	ssyncadd.s32 $0xFFFFC000  }
0xdf: {  	[spmem:s2] =	stream.indirect.scatter.add.f32 [tilespmem:s18], [sflag:$0x3], $0x80, s25, s15, $0xb8;
	[tilespmem:$0x1F000] =	vst v63  }
0xe0: {  	_ =	swait.ge [sflag:s14], $0x4000  }
0xe1: {  	[sflag:s14] =	ssyncset.done $0x0  }
0xe2: {  	s12 =	sadd.s32 $0x380, s13;
	[sflag:s14] =	ssyncadd.s32 $0xFFFFC000  }
0xe3: {  	[tilespmem:s18], [sflag:$0x2] =	stream.indirect.gather [hbm4b:s4+s15], $0x80, s12, s15, $0xb8;
	[tilespmem:$0x1F000] =	vst v63  }
0xe4: {  	_ =	swait.ge [sflag:s19], $0x4000  }
0xe5: {  	[sflag:s19] =	ssyncset.done $0x0  }
0xe6: {  	[sflag:s19] =	ssyncadd.s32 $0xFFFFC000  }
0xe7: {  	[spmem:s2] =	stream.indirect.scatter.add.f32 [tilespmem:s16], [sflag:$0x3], $0x80, s26, s15, $0xb8;
	[tilespmem:$0x1F000] =	vst v63  }
0xe8: {  	_ =	swait.ge [sflag:s14], $0x4000  }
0xe9: {  	[sflag:s14] =	ssyncset.done $0x0  }
0xea: {  	s12 =	sadd.s32 $0x400, s13;
	[sflag:s14] =	ssyncadd.s32 $0xFFFFC000  }
0xeb: {  	[tilespmem:s16], [sflag:$0x1] =	stream.indirect.gather [hbm4b:s4+s15], $0x80, s12, s15, $0xb8;
	[tilespmem:$0x1F000] =	vst v63  }
0xec: {  	_ =	swait.ge [sflag:s20], $0x4000  }
0xed: {  	[sflag:s20] =	ssyncset.done $0x0  }
0xee: {  	[sflag:s20] =	ssyncadd.s32 $0xFFFFC000  }
0xef: {  	[spmem:s2] =	stream.indirect.scatter.add.f32 [tilespmem:s18], [sflag:$0x3], $0x80, s28, s15, $0xb8;
	[tilespmem:$0x1F000] =	vst v63  }
0xf0: {  	_ =	swait.ge [sflag:s14], $0x4000  }
0xf1: {  	[sflag:s14] =	ssyncset.done $0x0  }
0xf2: {  	[sflag:s14] =	ssyncadd.s32 $0xFFFFC000  }
0xf3: {  	[tilespmem:s29], [sflag:$0x3] =	stream.linear.gather [hbm4b:s10+s3], $0x400, $0x38;
	[tilespmem:$0x1F000] =	vst v63  }
0xf4: {  	_ =	swait.ge [sflag:s14], $0x400  }
0xf5: {  	[sflag:s14] =	ssyncset.done $0x0  }
0xf6: {  	s12 =	sadd.s32 $0x480, s13;
	[sflag:s14] =	ssyncadd.s32 $0xFFFFFC00  }
0xf7: {  	[tilespmem:s18], [sflag:$0x2] =	stream.indirect.gather [hbm4b:s4+s15], $0x80, s12, s15, $0xb8;
	[tilespmem:$0x1F000] =	vst v63  }
0xf8: {  	_ =	swait.ge [sflag:s19], $0x4000  }
0xf9: {  	[sflag:s19] =	ssyncset.done $0x0  }
0xfa: {  	[sflag:s19] =	ssyncadd.s32 $0xFFFFC000  }
0xfb: {  	[spmem:s2] =	stream.indirect.scatter.add.f32 [tilespmem:s16], [sflag:$0x3], $0x80, s29, s15, $0xb8;
	[tilespmem:$0x1F000] =	vst v63  }
0xfc: {  	_ =	swait.ge [sflag:s14], $0x4000  }
0xfd: {  	[sflag:s14] =	ssyncset.done $0x0  }
0xfe: {  	s12 =	sadd.s32 $0x500, s13;
	[sflag:s14] =	ssyncadd.s32 $0xFFFFC000  }
0xff: {  	[tilespmem:s16], [sflag:$0x1] =	stream.indirect.gather [hbm4b:s4+s15], $0x80, s12, s15, $0xb8;
	[tilespmem:$0x1F000] =	vst v63  }
0x100: {  	_ =	swait.ge [sflag:s20], $0x4000  }
0x101: {  	[sflag:s20] =	ssyncset.done $0x0  }
0x102: {  	[sflag:s20] =	ssyncadd.s32 $0xFFFFC000  }
0x103: {  	[spmem:s2] =	stream.indirect.scatter.add.f32 [tilespmem:s18], [sflag:$0x3], $0x80, s30, s15, $0xb8;
	[tilespmem:$0x1F000] =	vst v63  }
0x104: {  	_ =	swait.ge [sflag:s14], $0x4000  }
0x105: {  	[sflag:s14] =	ssyncset.done $0x0  }
0x106: {  	s12 =	sadd.s32 $0x580, s13;
	[sflag:s14] =	ssyncadd.s32 $0xFFFFC000  }
0x107: {  	[tilespmem:s18], [sflag:$0x2] =	stream.indirect.gather [hbm4b:s4+s15], $0x80, s12, s15, $0xb8;
	[tilespmem:$0x1F000] =	vst v63  }
0x108: {  	_ =	swait.ge [sflag:s19], $0x4000  }
0x109: {  	[sflag:s19] =	ssyncset.done $0x0  }
0x10a: {  	[sflag:s19] =	ssyncadd.s32 $0xFFFFC000  }
0x10b: {  	[spmem:s2] =	stream.indirect.scatter.add.f32 [tilespmem:s16], [sflag:$0x3], $0x80, s31, s15, $0xb8;
	[tilespmem:$0x1F000] =	vst v63  }
0x10c: {  	_ =	swait.ge [sflag:s14], $0x4000  }
0x10d: {  	[sflag:s14] =	ssyncset.done $0x0  }
0x10e: {  	s12 =	sadd.s32 $0x600, s13;
	[sflag:s14] =	ssyncadd.s32 $0xFFFFC000  }
0x10f: {  	[tilespmem:s16], [sflag:$0x1] =	stream.indirect.gather [hbm4b:s4+s15], $0x80, s12, s15, $0xb8;
	[tilespmem:$0x1F000] =	vst v63  }
0x110: {  	_ =	swait.ge [sflag:s20], $0x4000  }
0x111: {  	[sflag:s20] =	ssyncset.done $0x0  }
0x112: {  	[sflag:s20] =	ssyncadd.s32 $0xFFFFC000  }
0x113: {  	[spmem:s2] =	stream.indirect.scatter.add.f32 [tilespmem:s18], [sflag:$0x3], $0x80, s1, s15, $0xb8;
	[tilespmem:$0x1F000] =	vst v63  }
0x114: {  	_ =	swait.ge [sflag:s14], $0x4000  }
0x115: {  	[sflag:s14] =	ssyncset.done $0x0  }
0x116: {  	s12 =	sadd.s32 $0x680, s13;
	[sflag:s14] =	ssyncadd.s32 $0xFFFFC000  }
0x117: {  	[tilespmem:s18], [sflag:$0x2] =	stream.indirect.gather [hbm4b:s4+s15], $0x80, s12, s15, $0xb8;
	[tilespmem:$0x1F000] =	vst v63  }
0x118: {  	_ =	swait.ge [sflag:s19], $0x4000  }
0x119: {  	[sflag:s19] =	ssyncset.done $0x0  }
0x11a: {  	[sflag:s19] =	ssyncadd.s32 $0xFFFFC000  }
0x11b: {  	[spmem:s2] =	stream.indirect.scatter.add.f32 [tilespmem:s16], [sflag:$0x3], $0x80, s0, s15, $0xb8;
	[tilespmem:$0x1F000] =	vst v63  }
0x11c: {  	_ =	swait.ge [sflag:s14], $0x4000  }
0x11d: {  	[sflag:s14] =	ssyncset.done $0x0  }
0x11e: {  	s12 =	sadd.s32 $0x700, s13;
	[sflag:s14] =	ssyncadd.s32 $0xFFFFC000  }
0x11f: {  	[tilespmem:s16], [sflag:$0x1] =	stream.indirect.gather [hbm4b:s4+s15], $0x80, s12, s15, $0xb8;
	[tilespmem:$0x1F000] =	vst v63  }
0x120: {  	_ =	swait.ge [sflag:s20], $0x4000  }
0x121: {  	[sflag:s20] =	ssyncset.done $0x0  }
0x122: {  	[sflag:s20] =	ssyncadd.s32 $0xFFFFC000  }
0x123: {  	[spmem:s2] =	stream.indirect.scatter.add.f32 [tilespmem:s18], [sflag:$0x3], $0x80, s5, s15, $0xb8;
	[tilespmem:$0x1F000] =	vst v63  }
0x124: {  	_ =	swait.ge [sflag:s14], $0x4000  }
0x125: {  	[sflag:s14] =	ssyncset.done $0x0  }
0x126: {  	s12 =	sadd.s32 $0x780, s13;
	[sflag:s14] =	ssyncadd.s32 $0xFFFFC000  }
0x127: {  	[tilespmem:s18], [sflag:$0x2] =	stream.indirect.gather [hbm4b:s4+s15], $0x80, s12, s15, $0xb8;
	[tilespmem:$0x1F000] =	vst v63  }
0x128: {  	_ =	swait.ge [sflag:s19], $0x4000  }
0x129: {  	[sflag:s19] =	ssyncset.done $0x0  }
0x12a: {  	[sflag:s19] =	ssyncadd.s32 $0xFFFFC000  }
0x12b: {  	[spmem:s2] =	stream.indirect.scatter.add.f32 [tilespmem:s16], [sflag:$0x3], $0x80, s7, s15, $0xb8;
	[tilespmem:$0x1F000] =	vst v63  }
0x12c: {  	_ =	swait.ge [sflag:s14], $0x4000  }
0x12d: {  	[sflag:s14] =	ssyncset.done $0x0  }
0x12e: {  	s12 =	sadd.s32 $0x800, s13;
	[sflag:s14] =	ssyncadd.s32 $0xFFFFC000  }
0x12f: {  	[tilespmem:s16], [sflag:$0x1] =	stream.indirect.gather [hbm4b:s4+s15], $0x80, s12, s15, $0xb8;
	[tilespmem:$0x1F000] =	vst v63  }
0x130: {  	_ =	swait.ge [sflag:s20], $0x4000  }
.Ltmp0:
0x131: {  	[sflag:s20] =	ssyncset.done $0x0;
	(pc) =	sbr.rel @p0 .LBB2_2-.Ltmp0, $4  }
0x132: {  	[sflag:s20] =	ssyncadd.s32 $0xFFFFC000  }
0x133: {  	[spmem:s2] =	stream.indirect.scatter.add.f32 [tilespmem:s18], [sflag:$0x3], $0x80, s8, s15, $0xb8;
	[tilespmem:$0x1F000] =	vst v63  }
0x134: {  	_ =	swait.ge [sflag:s14], $0x4000  }
0x135: {  	s10 =	sadd.s32 $0x100, s10;
	[sflag:s14] =	ssyncset.done $0x0  }
0x136: {  	s6 =	sadd.s32 $0xFFFFFF80, s10;
	[sflag:s14] =	ssyncadd.s32 $0xFFFFC000  }
0x137: {  	[tilespmem:s17], [sflag:$0x3] =	stream.linear.gather [hbm4b:s6+s3], $0x400, $0x38;
	[tilespmem:$0x1F000] =	vst v63  }
0x138: {  	_ =	swait.ge [sflag:s14], $0x400  }
0x139: {  	s6 =	sshra.s32 s11, $0x2;
	[sflag:s14] =	ssyncset.done $0x0  }
0x13a: {  	s11 =	sadd.s32 $0x80, s6;
	[sflag:s14] =	ssyncadd.s32 $0xFFFFFC00  }
0x13b: {  	[tilespmem:s18], [sflag:$0x2] =	stream.indirect.gather [hbm4b:s4+s15], $0x80, s11, s15, $0xb8;
	[tilespmem:$0x1F000] =	vst v63  }
0x13c: {  	_ =	swait.ge [sflag:s19], $0x4000  }
0x13d: {  	[sflag:s19] =	ssyncset.done $0x0  }
0x13e: {  	[sflag:s19] =	ssyncadd.s32 $0xFFFFC000  }
0x13f: {  	[spmem:s2] =	stream.indirect.scatter.add.f32 [tilespmem:s16], [sflag:$0x3], $0x80, s17, s15, $0xb8;
	[tilespmem:$0x1F000] =	vst v63  }
0x140: {  	_ =	swait.ge [sflag:s14], $0x4000  }
0x141: {  	[sflag:s14] =	ssyncset.done $0x0  }
0x142: {  	s12 =	sadd.s32 $0x100, s6;
	[sflag:s14] =	ssyncadd.s32 $0xFFFFC000  }
0x143: {  	[tilespmem:s16], [sflag:$0x1] =	stream.indirect.gather [hbm4b:s4+s15], $0x80, s12, s15, $0xb8;
	[tilespmem:$0x1F000] =	vst v63  }
0x144: {  	_ =	swait.ge [sflag:s20], $0x4000  }
0x145: {  	[sflag:s20] =	ssyncset.done $0x0  }
0x146: {  	[sflag:s20] =	ssyncadd.s32 $0xFFFFC000  }
0x147: {  	[spmem:s2] =	stream.indirect.scatter.add.f32 [tilespmem:s18], [sflag:$0x3], $0x80, s21, s15, $0xb8;
	[tilespmem:$0x1F000] =	vst v63  }
0x148: {  	_ =	swait.ge [sflag:s14], $0x4000  }
0x149: {  	[sflag:s14] =	ssyncset.done $0x0  }
0x14a: {  	s13 =	sadd.s32 $0x180, s6;
	[sflag:s14] =	ssyncadd.s32 $0xFFFFC000  }
0x14b: {  	[tilespmem:s18], [sflag:$0x2] =	stream.indirect.gather [hbm4b:s4+s15], $0x80, s13, s15, $0xb8;
	[tilespmem:$0x1F000] =	vst v63  }
0x14c: {  	_ =	swait.ge [sflag:s19], $0x4000  }
0x14d: {  	[sflag:s19] =	ssyncset.done $0x0  }
0x14e: {  	[sflag:s19] =	ssyncadd.s32 $0xFFFFC000  }
0x14f: {  	[spmem:s2] =	stream.indirect.scatter.add.f32 [tilespmem:s16], [sflag:$0x3], $0x80, s22, s15, $0xb8;
	[tilespmem:$0x1F000] =	vst v63  }
0x150: {  	_ =	swait.ge [sflag:s14], $0x4000  }
0x151: {  	[sflag:s14] =	ssyncset.done $0x0  }
0x152: {  	s12 =	sadd.s32 $0x200, s6;
	[sflag:s14] =	ssyncadd.s32 $0xFFFFC000  }
0x153: {  	[tilespmem:s16], [sflag:$0x1] =	stream.indirect.gather [hbm4b:s4+s15], $0x80, s12, s15, $0xb8;
	[tilespmem:$0x1F000] =	vst v63  }
0x154: {  	_ =	swait.ge [sflag:s20], $0x4000  }
0x155: {  	[sflag:s20] =	ssyncset.done $0x0  }
0x156: {  	[sflag:s20] =	ssyncadd.s32 $0xFFFFC000  }
0x157: {  	[spmem:s2] =	stream.indirect.scatter.add.f32 [tilespmem:s18], [sflag:$0x3], $0x80, s23, s15, $0xb8;
	[tilespmem:$0x1F000] =	vst v63  }
0x158: {  	_ =	swait.ge [sflag:s14], $0x4000  }
0x159: {  	[sflag:s14] =	ssyncset.done $0x0  }
0x15a: {  	s13 =	sadd.s32 $0x280, s6;
	[sflag:s14] =	ssyncadd.s32 $0xFFFFC000  }
0x15b: {  	[tilespmem:s18], [sflag:$0x2] =	stream.indirect.gather [hbm4b:s4+s15], $0x80, s13, s15, $0xb8;
	[tilespmem:$0x1F000] =	vst v63  }
0x15c: {  	_ =	swait.ge [sflag:s19], $0x4000  }
0x15d: {  	[sflag:s19] =	ssyncset.done $0x0  }
0x15e: {  	[sflag:s19] =	ssyncadd.s32 $0xFFFFC000  }
0x15f: {  	[spmem:s2] =	stream.indirect.scatter.add.f32 [tilespmem:s16], [sflag:$0x3], $0x80, s24, s15, $0xb8;
	[tilespmem:$0x1F000] =	vst v63  }
0x160: {  	_ =	swait.ge [sflag:s14], $0x4000  }
0x161: {  	[sflag:s14] =	ssyncset.done $0x0  }
0x162: {  	s12 =	sadd.s32 $0x300, s6;
	[sflag:s14] =	ssyncadd.s32 $0xFFFFC000  }
0x163: {  	[tilespmem:s16], [sflag:$0x1] =	stream.indirect.gather [hbm4b:s4+s15], $0x80, s12, s15, $0xb8;
	[tilespmem:$0x1F000] =	vst v63  }
0x164: {  	_ =	swait.ge [sflag:s20], $0x4000  }
0x165: {  	[sflag:s20] =	ssyncset.done $0x0  }
0x166: {  	[sflag:s20] =	ssyncadd.s32 $0xFFFFC000  }
0x167: {  	[spmem:s2] =	stream.indirect.scatter.add.f32 [tilespmem:s18], [sflag:$0x3], $0x80, s25, s15, $0xb8;
	[tilespmem:$0x1F000] =	vst v63  }
0x168: {  	_ =	swait.ge [sflag:s14], $0x4000  }
0x169: {  	[sflag:s14] =	ssyncset.done $0x0  }
0x16a: {  	s13 =	sadd.s32 $0x380, s6;
	[sflag:s14] =	ssyncadd.s32 $0xFFFFC000  }
0x16b: {  	[tilespmem:s18], [sflag:$0x2] =	stream.indirect.gather [hbm4b:s4+s15], $0x80, s13, s15, $0xb8;
	[tilespmem:$0x1F000] =	vst v63  }
0x16c: {  	_ =	swait.ge [sflag:s19], $0x4000  }
0x16d: {  	[sflag:s19] =	ssyncset.done $0x0  }
0x16e: {  	[sflag:s19] =	ssyncadd.s32 $0xFFFFC000  }
0x16f: {  	[spmem:s2] =	stream.indirect.scatter.add.f32 [tilespmem:s16], [sflag:$0x3], $0x80, s26, s15, $0xb8;
	[tilespmem:$0x1F000] =	vst v63  }
0x170: {  	_ =	swait.ge [sflag:s14], $0x4000  }
0x171: {  	[sflag:s14] =	ssyncset.done $0x0  }
0x172: {  	s12 =	sadd.s32 $0x400, s6;
	[sflag:s14] =	ssyncadd.s32 $0xFFFFC000  }
0x173: {  	[tilespmem:s16], [sflag:$0x1] =	stream.indirect.gather [hbm4b:s4+s15], $0x80, s12, s15, $0xb8;
	[tilespmem:$0x1F000] =	vst v63  }
0x174: {  	_ =	swait.ge [sflag:s20], $0x4000  }
0x175: {  	[sflag:s20] =	ssyncset.done $0x0  }
0x176: {  	[sflag:s20] =	ssyncadd.s32 $0xFFFFC000  }
0x177: {  	[spmem:s2] =	stream.indirect.scatter.add.f32 [tilespmem:s18], [sflag:$0x3], $0x80, s28, s15, $0xb8;
	[tilespmem:$0x1F000] =	vst v63  }
0x178: {  	_ =	swait.ge [sflag:s14], $0x4000  }
0x179: {  	[sflag:s14] =	ssyncset.done $0x0  }
0x17a: {  	[sflag:s14] =	ssyncadd.s32 $0xFFFFC000  }
0x17b: {  	[tilespmem:s29], [sflag:$0x3] =	stream.linear.gather [hbm4b:s10+s3], $0x400, $0x38;
	[tilespmem:$0x1F000] =	vst v63  }
0x17c: {  	_ =	swait.ge [sflag:s14], $0x400  }
0x17d: {  	[sflag:s14] =	ssyncset.done $0x0  }
0x17e: {  	s13 =	sadd.s32 $0x480, s6;
	[sflag:s14] =	ssyncadd.s32 $0xFFFFFC00  }
0x17f: {  	[tilespmem:s18], [sflag:$0x2] =	stream.indirect.gather [hbm4b:s4+s15], $0x80, s13, s15, $0xb8;
	[tilespmem:$0x1F000] =	vst v63  }
0x180: {  	_ =	swait.ge [sflag:s19], $0x4000  }
0x181: {  	[sflag:s19] =	ssyncset.done $0x0  }
0x182: {  	[sflag:s19] =	ssyncadd.s32 $0xFFFFC000  }
0x183: {  	[spmem:s2] =	stream.indirect.scatter.add.f32 [tilespmem:s16], [sflag:$0x3], $0x80, s29, s15, $0xb8;
	[tilespmem:$0x1F000] =	vst v63  }
0x184: {  	_ =	swait.ge [sflag:s14], $0x4000  }
0x185: {  	[sflag:s14] =	ssyncset.done $0x0  }
0x186: {  	s11 =	sadd.s32 $0x500, s6;
	[sflag:s14] =	ssyncadd.s32 $0xFFFFC000  }
0x187: {  	[tilespmem:s16], [sflag:$0x1] =	stream.indirect.gather [hbm4b:s4+s15], $0x80, s11, s15, $0xb8;
	[tilespmem:$0x1F000] =	vst v63  }
0x188: {  	_ =	swait.ge [sflag:s20], $0x4000  }
0x189: {  	[sflag:s20] =	ssyncset.done $0x0  }
0x18a: {  	[sflag:s20] =	ssyncadd.s32 $0xFFFFC000  }
0x18b: {  	[spmem:s2] =	stream.indirect.scatter.add.f32 [tilespmem:s18], [sflag:$0x3], $0x80, s30, s15, $0xb8;
	[tilespmem:$0x1F000] =	vst v63  }
0x18c: {  	_ =	swait.ge [sflag:s14], $0x4000  }
0x18d: {  	[sflag:s14] =	ssyncset.done $0x0  }
0x18e: {  	s12 =	sadd.s32 $0x580, s6;
	[sflag:s14] =	ssyncadd.s32 $0xFFFFC000  }
0x18f: {  	[tilespmem:s18], [sflag:$0x2] =	stream.indirect.gather [hbm4b:s4+s15], $0x80, s12, s15, $0xb8;
	[tilespmem:$0x1F000] =	vst v63  }
0x190: {  	_ =	swait.ge [sflag:s19], $0x4000  }
0x191: {  	[sflag:s19] =	ssyncset.done $0x0  }
0x192: {  	[sflag:s19] =	ssyncadd.s32 $0xFFFFC000  }
0x193: {  	[spmem:s2] =	stream.indirect.scatter.add.f32 [tilespmem:s16], [sflag:$0x3], $0x80, s31, s15, $0xb8;
	[tilespmem:$0x1F000] =	vst v63  }
0x194: {  	_ =	swait.ge [sflag:s14], $0x4000  }
0x195: {  	[sflag:s14] =	ssyncset.done $0x0  }
0x196: {  	s13 =	sadd.s32 $0x600, s6;
	[sflag:s14] =	ssyncadd.s32 $0xFFFFC000  }
0x197: {  	[tilespmem:s16], [sflag:$0x1] =	stream.indirect.gather [hbm4b:s4+s15], $0x80, s13, s15, $0xb8;
	[tilespmem:$0x1F000] =	vst v63  }
0x198: {  	_ =	swait.ge [sflag:s20], $0x4000  }
0x199: {  	[sflag:s20] =	ssyncset.done $0x0  }
0x19a: {  	[sflag:s20] =	ssyncadd.s32 $0xFFFFC000  }
0x19b: {  	[spmem:s2] =	stream.indirect.scatter.add.f32 [tilespmem:s18], [sflag:$0x3], $0x80, s1, s15, $0xb8;
	[tilespmem:$0x1F000] =	vst v63  }
0x19c: {  	_ =	swait.ge [sflag:s14], $0x4000  }
0x19d: {  	[sflag:s14] =	ssyncset.done $0x0  }
0x19e: {  	s11 =	sadd.s32 $0x680, s6;
	[sflag:s14] =	ssyncadd.s32 $0xFFFFC000  }
0x19f: {  	[tilespmem:s18], [sflag:$0x2] =	stream.indirect.gather [hbm4b:s4+s15], $0x80, s11, s15, $0xb8;
	[tilespmem:$0x1F000] =	vst v63  }
0x1a0: {  	_ =	swait.ge [sflag:s19], $0x4000  }
0x1a1: {  	[sflag:s19] =	ssyncset.done $0x0  }
0x1a2: {  	[sflag:s19] =	ssyncadd.s32 $0xFFFFC000  }
0x1a3: {  	[spmem:s2] =	stream.indirect.scatter.add.f32 [tilespmem:s16], [sflag:$0x3], $0x80, s0, s15, $0xb8;
	[tilespmem:$0x1F000] =	vst v63  }
0x1a4: {  	_ =	swait.ge [sflag:s14], $0x4000  }
0x1a5: {  	[sflag:s14] =	ssyncset.done $0x0  }
0x1a6: {  	s12 =	sadd.s32 $0x700, s6;
	[sflag:s14] =	ssyncadd.s32 $0xFFFFC000  }
0x1a7: {  	[tilespmem:s16], [sflag:$0x1] =	stream.indirect.gather [hbm4b:s4+s15], $0x80, s12, s15, $0xb8;
	[tilespmem:$0x1F000] =	vst v63  }
0x1a8: {  	_ =	swait.ge [sflag:s20], $0x4000  }
0x1a9: {  	[sflag:s20] =	ssyncset.done $0x0  }
0x1aa: {  	[sflag:s20] =	ssyncadd.s32 $0xFFFFC000  }
0x1ab: {  	[spmem:s2] =	stream.indirect.scatter.add.f32 [tilespmem:s18], [sflag:$0x3], $0x80, s5, s15, $0xb8;
	[tilespmem:$0x1F000] =	vst v63  }
0x1ac: {  	_ =	swait.ge [sflag:s14], $0x4000  }
0x1ad: {  	[sflag:s14] =	ssyncset.done $0x0  }
0x1ae: {  	s13 =	sadd.s32 $0x780, s6;
	[sflag:s14] =	ssyncadd.s32 $0xFFFFC000  }
0x1af: {  	[tilespmem:s18], [sflag:$0x2] =	stream.indirect.gather [hbm4b:s4+s15], $0x80, s13, s15, $0xb8;
	[tilespmem:$0x1F000] =	vst v63  }
0x1b0: {  	_ =	swait.ge [sflag:s19], $0x4000  }
0x1b1: {  	[sflag:s19] =	ssyncset.done $0x0  }
0x1b2: {  	[sflag:s19] =	ssyncadd.s32 $0xFFFFC000  }
0x1b3: {  	[spmem:s2] =	stream.indirect.scatter.add.f32 [tilespmem:s16], [sflag:$0x3], $0x80, s7, s15, $0xb8;
	[tilespmem:$0x1F000] =	vst v63  }
0x1b4: {  	_ =	swait.ge [sflag:s14], $0x4000  }
0x1b5: {  	[sflag:s14] =	ssyncset.done $0x0  }
0x1b6: {  	s6 =	sadd.s32 $0x800, s6;
	[sflag:s14] =	ssyncadd.s32 $0xFFFFC000  }
0x1b7: {  	[tilespmem:s16], [sflag:$0x1] =	stream.indirect.gather [hbm4b:s4+s15], $0x80, s6, s15, $0xb8;
	[tilespmem:$0x1F000] =	vst v63  }
0x1b8: {  	_ =	swait.ge [sflag:s20], $0x4000  }
0x1b9: {  	[sflag:s20] =	ssyncset.done $0x0  }
0x1ba: {  	[sflag:s20] =	ssyncadd.s32 $0xFFFFC000  }
0x1bb: {  	[spmem:s2] =	stream.indirect.scatter.add.f32 [tilespmem:s18], [sflag:$0x3], $0x80, s8, s15, $0xb8;
	[tilespmem:$0x1F000] =	vst v63  }
0x1bc: {  	_ =	swait.ge [sflag:s14], $0x4000  }
0x1bd: {  	[sflag:s14] =	ssyncset.done $0x0  }
0x1be: {  	s10 =	rddreg [dreg:$0x6];
	[sflag:s14] =	ssyncadd.s32 $0xFFFFC000  }
0x1bf: {  	[tilespmem:s17], [sflag:$0x3] =	stream.linear.gather [hbm4b:s10+s3], $0x400, $0x38;
	[tilespmem:$0x1F000] =	vst v63  }
0x1c0: {  	_ =	swait.ge [sflag:s14], $0x400  }
0x1c1: {  	[sflag:s14] =	ssyncset.done $0x0  }
0x1c2: {  	s11 =	simm.s32 $0x2080;
	[sflag:s14] =	ssyncadd.s32 $0xFFFFFC00  }
0x1c3: {  	[tilespmem:s18], [sflag:$0x2] =	stream.indirect.gather [hbm4b:s4+s15], $0x80, s11, s15, $0xb8;
	[tilespmem:$0x1F000] =	vst v63  }
0x1c4: {  	_ =	swait.ge [sflag:s19], $0x4000  }
0x1c5: {  	[sflag:s19] =	ssyncset.done $0x0  }
0x1c6: {  	[sflag:s19] =	ssyncadd.s32 $0xFFFFC000  }
0x1c7: {  	[spmem:s2] =	stream.indirect.scatter.add.f32 [tilespmem:s16], [sflag:$0x3], $0x80, s17, s15, $0xb8;
	[tilespmem:$0x1F000] =	vst v63  }
0x1c8: {  	_ =	swait.ge [sflag:s14], $0x4000  }
0x1c9: {  	[sflag:s14] =	ssyncset.done $0x0  }
0x1ca: {  	s12 =	simm.s32 $0x2100;
	[sflag:s14] =	ssyncadd.s32 $0xFFFFC000  }
0x1cb: {  	[tilespmem:s16], [sflag:$0x1] =	stream.indirect.gather [hbm4b:s4+s15], $0x80, s12, s15, $0xb8;
	[tilespmem:$0x1F000] =	vst v63  }
0x1cc: {  	_ =	swait.ge [sflag:s20], $0x4000  }
0x1cd: {  	[sflag:s20] =	ssyncset.done $0x0  }
0x1ce: {  	[sflag:s20] =	ssyncadd.s32 $0xFFFFC000  }
0x1cf: {  	[spmem:s2] =	stream.indirect.scatter.add.f32 [tilespmem:s18], [sflag:$0x3], $0x80, s21, s15, $0xb8;
	[tilespmem:$0x1F000] =	vst v63  }
0x1d0: {  	_ =	swait.ge [sflag:s14], $0x4000  }
0x1d1: {  	[sflag:s14] =	ssyncset.done $0x0  }
0x1d2: {  	s13 =	simm.s32 $0x2180;
	[sflag:s14] =	ssyncadd.s32 $0xFFFFC000  }
0x1d3: {  	[tilespmem:s18], [sflag:$0x2] =	stream.indirect.gather [hbm4b:s4+s15], $0x80, s13, s15, $0xb8;
	[tilespmem:$0x1F000] =	vst v63  }
0x1d4: {  	_ =	swait.ge [sflag:s19], $0x4000  }
0x1d5: {  	[sflag:s19] =	ssyncset.done $0x0  }
0x1d6: {  	[sflag:s19] =	ssyncadd.s32 $0xFFFFC000  }
0x1d7: {  	[spmem:s2] =	stream.indirect.scatter.add.f32 [tilespmem:s16], [sflag:$0x3], $0x80, s22, s15, $0xb8;
	[tilespmem:$0x1F000] =	vst v63  }
0x1d8: {  	_ =	swait.ge [sflag:s14], $0x4000  }
0x1d9: {  	[sflag:s14] =	ssyncset.done $0x0  }
0x1da: {  	s10 =	simm.s32 $0x2200;
	[sflag:s14] =	ssyncadd.s32 $0xFFFFC000  }
0x1db: {  	[tilespmem:s16], [sflag:$0x1] =	stream.indirect.gather [hbm4b:s4+s15], $0x80, s10, s15, $0xb8;
	[tilespmem:$0x1F000] =	vst v63  }
0x1dc: {  	_ =	swait.ge [sflag:s20], $0x4000  }
0x1dd: {  	[sflag:s20] =	ssyncset.done $0x0  }
0x1de: {  	[sflag:s20] =	ssyncadd.s32 $0xFFFFC000  }
0x1df: {  	[spmem:s2] =	stream.indirect.scatter.add.f32 [tilespmem:s18], [sflag:$0x3], $0x80, s23, s15, $0xb8;
	[tilespmem:$0x1F000] =	vst v63  }
0x1e0: {  	_ =	swait.ge [sflag:s14], $0x4000  }
0x1e1: {  	[sflag:s14] =	ssyncset.done $0x0  }
0x1e2: {  	s11 =	simm.s32 $0x2280;
	[sflag:s14] =	ssyncadd.s32 $0xFFFFC000  }
0x1e3: {  	[tilespmem:s18], [sflag:$0x2] =	stream.indirect.gather [hbm4b:s4+s15], $0x80, s11, s15, $0xb8;
	[tilespmem:$0x1F000] =	vst v63  }
0x1e4: {  	_ =	swait.ge [sflag:s19], $0x4000  }
0x1e5: {  	[sflag:s19] =	ssyncset.done $0x0  }
0x1e6: {  	[sflag:s19] =	ssyncadd.s32 $0xFFFFC000  }
0x1e7: {  	[spmem:s2] =	stream.indirect.scatter.add.f32 [tilespmem:s16], [sflag:$0x3], $0x80, s24, s15, $0xb8;
	[tilespmem:$0x1F000] =	vst v63  }
0x1e8: {  	_ =	swait.ge [sflag:s14], $0x4000  }
0x1e9: {  	[sflag:s14] =	ssyncset.done $0x0  }
0x1ea: {  	s12 =	simm.s32 $0x2300;
	[sflag:s14] =	ssyncadd.s32 $0xFFFFC000  }
0x1eb: {  	[tilespmem:s16], [sflag:$0x1] =	stream.indirect.gather [hbm4b:s4+s15], $0x80, s12, s15, $0xb8;
	[tilespmem:$0x1F000] =	vst v63  }
0x1ec: {  	_ =	swait.ge [sflag:s20], $0x4000  }
0x1ed: {  	[sflag:s20] =	ssyncset.done $0x0  }
0x1ee: {  	[sflag:s20] =	ssyncadd.s32 $0xFFFFC000  }
0x1ef: {  	[spmem:s2] =	stream.indirect.scatter.add.f32 [tilespmem:s18], [sflag:$0x3], $0x80, s25, s15, $0xb8;
	[tilespmem:$0x1F000] =	vst v63  }
0x1f0: {  	_ =	swait.ge [sflag:s14], $0x4000  }
0x1f1: {  	[sflag:s14] =	ssyncset.done $0x0  }
0x1f2: {  	s13 =	simm.s32 $0x2380;
	[sflag:s14] =	ssyncadd.s32 $0xFFFFC000  }
0x1f3: {  	[tilespmem:s18], [sflag:$0x2] =	stream.indirect.gather [hbm4b:s4+s15], $0x80, s13, s15, $0xb8;
	[tilespmem:$0x1F000] =	vst v63  }
0x1f4: {  	_ =	swait.ge [sflag:s19], $0x4000  }
0x1f5: {  	[sflag:s19] =	ssyncset.done $0x0  }
0x1f6: {  	[sflag:s19] =	ssyncadd.s32 $0xFFFFC000  }
0x1f7: {  	[spmem:s2] =	stream.indirect.scatter.add.f32 [tilespmem:s16], [sflag:$0x3], $0x80, s26, s15, $0xb8;
	[tilespmem:$0x1F000] =	vst v63  }
0x1f8: {  	_ =	swait.ge [sflag:s14], $0x4000  }
0x1f9: {  	[sflag:s14] =	ssyncset.done $0x0  }
0x1fa: {  	s10 =	simm.s32 $0x2400;
	[sflag:s14] =	ssyncadd.s32 $0xFFFFC000  }
0x1fb: {  	[tilespmem:s16], [sflag:$0x1] =	stream.indirect.gather [hbm4b:s4+s15], $0x80, s10, s15, $0xb8;
	[tilespmem:$0x1F000] =	vst v63  }
0x1fc: {  	_ =	swait.ge [sflag:s20], $0x4000  }
0x1fd: {  	[sflag:s20] =	ssyncset.done $0x0  }
0x1fe: {  	[sflag:s20] =	ssyncadd.s32 $0xFFFFC000  }
0x1ff: {  	[spmem:s2] =	stream.indirect.scatter.add.f32 [tilespmem:s18], [sflag:$0x3], $0x80, s28, s15, $0xb8;
	[tilespmem:$0x1F000] =	vst v63  }
0x200: {  	_ =	swait.ge [sflag:s14], $0x4000  }
0x201: {  	[sflag:s14] =	ssyncset.done $0x0  }
0x202: {  	s11 =	rddreg [dreg:$0x7];
	[sflag:s14] =	ssyncadd.s32 $0xFFFFC000  }
0x203: {  	[tilespmem:s29], [sflag:$0x3] =	stream.linear.gather [hbm4b:s11+s3], $0x400, $0x38;
	[tilespmem:$0x1F000] =	vst v63  }
0x204: {  	_ =	swait.ge [sflag:s14], $0x400  }
0x205: {  	[sflag:s14] =	ssyncset.done $0x0  }
0x206: {  	s12 =	simm.s32 $0x2480;
	[sflag:s14] =	ssyncadd.s32 $0xFFFFFC00  }
0x207: {  	[tilespmem:s18], [sflag:$0x2] =	stream.indirect.gather [hbm4b:s4+s15], $0x80, s12, s15, $0xb8;
	[tilespmem:$0x1F000] =	vst v63  }
0x208: {  	_ =	swait.ge [sflag:s19], $0x4000  }
0x209: {  	[sflag:s19] =	ssyncset.done $0x0  }
0x20a: {  	[sflag:s19] =	ssyncadd.s32 $0xFFFFC000  }
0x20b: {  	[spmem:s2] =	stream.indirect.scatter.add.f32 [tilespmem:s16], [sflag:$0x3], $0x80, s29, s15, $0xb8;
	[tilespmem:$0x1F000] =	vst v63  }
0x20c: {  	_ =	swait.ge [sflag:s14], $0x4000  }
0x20d: {  	[sflag:s14] =	ssyncset.done $0x0  }
0x20e: {  	s13 =	simm.s32 $0x2500;
	[sflag:s14] =	ssyncadd.s32 $0xFFFFC000  }
0x20f: {  	[tilespmem:s16], [sflag:$0x1] =	stream.indirect.gather [hbm4b:s4+s15], $0x80, s13, s15, $0xb8;
	[tilespmem:$0x1F000] =	vst v63  }
0x210: {  	_ =	swait.ge [sflag:s20], $0x4000  }
0x211: {  	[sflag:s20] =	ssyncset.done $0x0  }
0x212: {  	[sflag:s20] =	ssyncadd.s32 $0xFFFFC000  }
0x213: {  	[spmem:s2] =	stream.indirect.scatter.add.f32 [tilespmem:s18], [sflag:$0x3], $0x80, s30, s15, $0xb8;
	[tilespmem:$0x1F000] =	vst v63  }
0x214: {  	_ =	swait.ge [sflag:s14], $0x4000  }
0x215: {  	[sflag:s14] =	ssyncset.done $0x0  }
0x216: {  	s10 =	simm.s32 $0x2580;
	[sflag:s14] =	ssyncadd.s32 $0xFFFFC000  }
0x217: {  	[tilespmem:s18], [sflag:$0x2] =	stream.indirect.gather [hbm4b:s4+s15], $0x80, s10, s15, $0xb8;
	[tilespmem:$0x1F000] =	vst v63  }
0x218: {  	_ =	swait.ge [sflag:s19], $0x4000  }
0x219: {  	[sflag:s19] =	ssyncset.done $0x0  }
0x21a: {  	[sflag:s19] =	ssyncadd.s32 $0xFFFFC000  }
0x21b: {  	[spmem:s2] =	stream.indirect.scatter.add.f32 [tilespmem:s16], [sflag:$0x3], $0x80, s31, s15, $0xb8;
	[tilespmem:$0x1F000] =	vst v63  }
0x21c: {  	_ =	swait.ge [sflag:s14], $0x4000  }
0x21d: {  	[sflag:s14] =	ssyncset.done $0x0  }
0x21e: {  	s11 =	simm.s32 $0x2600;
	[sflag:s14] =	ssyncadd.s32 $0xFFFFC000  }
0x21f: {  	[tilespmem:s16], [sflag:$0x1] =	stream.indirect.gather [hbm4b:s4+s15], $0x80, s11, s15, $0xb8;
	[tilespmem:$0x1F000] =	vst v63  }
0x220: {  	_ =	swait.ge [sflag:s20], $0x4000  }
0x221: {  	[sflag:s20] =	ssyncset.done $0x0  }
0x222: {  	[sflag:s20] =	ssyncadd.s32 $0xFFFFC000  }
0x223: {  	[spmem:s2] =	stream.indirect.scatter.add.f32 [tilespmem:s18], [sflag:$0x3], $0x80, s1, s15, $0xb8;
	[tilespmem:$0x1F000] =	vst v63  }
0x224: {  	_ =	swait.ge [sflag:s14], $0x4000  }
0x225: {  	[sflag:s14] =	ssyncset.done $0x0  }
0x226: {  	s12 =	simm.s32 $0x2680;
	[sflag:s14] =	ssyncadd.s32 $0xFFFFC000  }
0x227: {  	[tilespmem:s18], [sflag:$0x2] =	stream.indirect.gather [hbm4b:s4+s15], $0x80, s12, s15, $0xb8;
	[tilespmem:$0x1F000] =	vst v63  }
0x228: {  	_ =	swait.ge [sflag:s19], $0x4000  }
0x229: {  	[sflag:s19] =	ssyncset.done $0x0  }
0x22a: {  	[sflag:s19] =	ssyncadd.s32 $0xFFFFC000  }
0x22b: {  	[spmem:s2] =	stream.indirect.scatter.add.f32 [tilespmem:s16], [sflag:$0x3], $0x80, s0, s15, $0xb8;
	[tilespmem:$0x1F000] =	vst v63  }
0x22c: {  	_ =	swait.ge [sflag:s14], $0x4000  }
0x22d: {  	[sflag:s14] =	ssyncset.done $0x0  }
0x22e: {  	s13 =	simm.s32 $0x2700;
	[sflag:s14] =	ssyncadd.s32 $0xFFFFC000  }
0x22f: {  	[tilespmem:s16], [sflag:$0x1] =	stream.indirect.gather [hbm4b:s4+s15], $0x80, s13, s15, $0xb8;
	[tilespmem:$0x1F000] =	vst v63  }
0x230: {  	_ =	swait.ge [sflag:s20], $0x4000  }
0x231: {  	[sflag:s20] =	ssyncset.done $0x0  }
0x232: {  	[sflag:s20] =	ssyncadd.s32 $0xFFFFC000  }
0x233: {  	[spmem:s2] =	stream.indirect.scatter.add.f32 [tilespmem:s18], [sflag:$0x3], $0x80, s5, s15, $0xb8;
	[tilespmem:$0x1F000] =	vst v63  }
0x234: {  	_ =	swait.ge [sflag:s14], $0x4000  }
0x235: {  	[sflag:s14] =	ssyncset.done $0x0  }
0x236: {  	s10 =	simm.s32 $0x2780;
	[sflag:s14] =	ssyncadd.s32 $0xFFFFC000  }
0x237: {  	[tilespmem:s18], [sflag:$0x2] =	stream.indirect.gather [hbm4b:s4+s15], $0x80, s10, s15, $0xb8;
	[tilespmem:$0x1F000] =	vst v63  }
0x238: {  	_ =	swait.ge [sflag:s19], $0x4000  }
0x239: {  	[sflag:s19] =	ssyncset.done $0x0  }
0x23a: {  	[sflag:s19] =	ssyncadd.s32 $0xFFFFC000  }
0x23b: {  	[spmem:s2] =	stream.indirect.scatter.add.f32 [tilespmem:s16], [sflag:$0x3], $0x80, s7, s15, $0xb8;
	[tilespmem:$0x1F000] =	vst v63  }
0x23c: {  	_ =	swait.ge [sflag:s14], $0x4000  }
0x23d: {  	[sflag:s14] =	ssyncset.done $0x0  }
0x23e: {  	[sflag:s14] =	ssyncadd.s32 $0xFFFFC000  }
0x23f: {  	_ =	swait.ge [sflag:s20], $0x4000  }
0x240: {  	[sflag:s20] =	ssyncset.done $0x0  }
0x241: {  	[sflag:s20] =	ssyncadd.s32 $0xFFFFC000  }
0x242: {  	[spmem:s2] =	stream.indirect.scatter.add.f32 [tilespmem:s18], [sflag:$0x3], $0x80, s8, s15, $0xb8;
	[tilespmem:$0x1F000] =	vst v63  }
0x243: {  	_ =	swait.ge [sflag:s14], $0x4000  }
0x244: {  	[sflag:s14] =	ssyncset.done $0x0  }
0x245: {  	[sflag:s14] =	ssyncadd.s32 $0xFFFFC000  }
0x246: {  	[bflag:$0x0] =	sbarrier.arrive $0xFFFF  }
0x247: {  	s12 =	rddreg [dreg:$0x4]  }
0x248: {  	s11 =	rddreg [dreg:$0x8]  }
0x249: {  	s10 =	rddreg [dreg:$0xb]  }
0x24a: {  	[hbm:s11], [sflag:s12] =	dma.local [spmem:s10], $0x2800  }
0x24b: {  	_ =	swait.ge [sflag:s14], $0x2800  }
0x24c: {  	s9 =	sadd.s32 $0x1, s9;
	s13 =	rddreg [dreg:$0x9]  }
0x24d: {  	p0 =	sne.s32 s9, s13  }
.Ltmp1:
0x24e: {  	_ = 	snop;
	(pc) =	sbr.rel @p0 .LBB2_1-.Ltmp1, $3  }
0x24f: {  	_ =	sdelay $0x1  }
0x250: {  	[sflag:s14] =	ssyncset.done $0x0  }
0x251: {  	[sflag:s14] =	ssyncadd.s32 $0xFFFFD800  }
0x252: {  	_ =	sfence.sel $0x180000  }
0x253: {  	[bflag:$0x0] =	sbarrier.arrive $0xFFFF  }
0x254: {  	_ =	strace $0x9000004A  }
0x255: {  	s0 =	stileid.u32;
	[bflag:$0x2] =	sbarrier.arrive $0xFFFF  }
0x256: {  	p0 =	sne.s32 s0, $0x0;
	s0 =	rddreg [dreg:$0x2]  }
0x257: {  	s0 =	sadd.s32 @!p0 $0x100000, s0  }
0x258: {  	[sflag:s0] =	ssyncadd.tile.s32 @!p0 $0x1;
	_ =	shalt  }
.Lfunc_end2:
_tile_overlayer_lowered:
.L_overlay_start_2:
0x259: {  	(tag) =	ssettag $0x2  }
0x25a: {  	s0 =	rddreg [dreg:$0x0];
	s2 =	stileid.u32  }
0x25b: {  	s1 =	rddreg [dreg:$0x1];
	p0 =	sne.s32 s2, $0x0  }
0x25c: {  	s3 =	rddreg [dreg:$0x2];
	[bflag:$0x3] =	sbarrier.arrive $0xFFFF;
	s2 =	simm.s32 @!p0 $0x1C03  }
0x25d: {  	[timem:s3], [sflag:s2] =	dma.local @!p0 [hbm:s0], s1  }
0x25e: {  	s0 =	simm.s32 @!p0 $0x3  }
0x25f: {  	_ =	swait.ge @!p0 [sflag:s0], s1  }
0x260: {  	s1 =	ssub.s32 @!p0 $0x0, s1;
	[sflag:s0] =	ssyncset.done @!p0 $0x0  }
0x261: {  	[sflag:s0] =	ssyncadd.s32 @!p0 s1  }
0x262: {  	[bflag:$0x3] =	sbarrier.arrive $0xFFFF  }
0x263: {  	_ =	shalt  }

// kernel: kernel.14.cloned.1.call-start
scs
__scs_entry_jumppad:
0x0: {  	(pc) =	sbr.rel $0x88, $3  }
0x1: {  	(tag) =	ssettag $0x0;
	lr =	simm.s32 $0x1  }
0x2: {  	[smem:$0x3F8A] =	sst lr;
	_ =	strace $0xD0000000  }
0x3: {  	_ = 	snop  }
0x4: {  	_ = 	snop  }
0x5: {  	_ = 	snop  }
0x6: {  	_ = 	snop  }
0x7: {  	_ = 	snop  }
__scs_overlays_trampoline_lowered:
0x8: {  	[smem:$0x3F99] =	sst s0  }
0x9: {  	[smem:$0x3F9A] =	sst s1  }
0xa: {  	[smem:$0x3F9B] =	sst s2  }
0xb: {  	[smem:$0x3F9C] =	sst s3  }
0xc: {  	[smem:$0x3F9D] =	sst s4  }
0xd: {  	[smem:$0x3F9E] =	sst s5  }
0xe: {  	[smem:$0x3F9F] =	sst s6  }
0xf: {  	[smem:$0x3FA0] =	sst s7  }
0x10: {  	[smem:$0x3FA1] =	sst s8  }
0x11: {  	[smem:$0x3FA2] =	sst s9;
	s0 =	simm.s32 @!p0 $0x0  }
0x12: {  	s1 =	sld [smem:$0x3F88];
	s0 =	simm.s32 @p0 $0x1  }
0x13: {  	[smem:$0x3FA3] =	sst s0;
	s0 =	simm.s32 @!p1 $0x0  }
0x14: {  	s2 =	sld [smem:$0x3F87];
	s0 =	simm.s32 @p1 $0x1  }
0x15: {  	[smem:$0x3FA4] =	sst s0;
	s0 =	simm.s32 @!p2 $0x0  }
0x16: {  	s3 =	sld [smem:$0x3FDB];
	s0 =	simm.s32 @p2 $0x1  }
0x17: {  	s4 =	simm.s32 $0x1BF5;
	[smem:$0x3FA6] =	sst s0  }
0x18: {  	s0 =	sld [smem:$0x3F89];
	_ =	swait.ge [sflag:s4], $0x0  }
0x19: {  	s7 =	sld [smem:$0x3F8A]  }
0x1a: {  	s8 =	sadd.s32 $0xFFFFE003, lr  }
0x1b: {  	s9 =	sadd.s32 $0xFFFFFEF7, lr;
	s5 =	simm.s32 $0xFFFFFFFF;
	p2 =	slt.u32 s8, $0xFFFFF086  }
0x1c: {  	p1 =	slt.u32 s9, $0xF7A;
	s5 =	simm.s32 @!p2 $0x0  }
0x1d: {  	s5 =	simm.s32 @p1 $0x1;
	p0 =	seq.s32 s7, s2  }
0x1e: {  	s7 =	smul.u32 @!p0 $0xF7A, s2;
	p2 =	seq.s32 @!p0 s5, $0x0  }
0x1f: {  	s9 =	smul.u32 $0xF7A, s1;
	s8 =	simm.s32 @!p0 $0x1BF5;
	p2 =	por !p2, p0  }
0x20: {  	[sflag:s8] =	ssyncset.s32 @!p0 $0xFFFFF086;
	s6 =	sadd.s32 @!p0 s3, s7;
	s7 =	simm.s32 @!p0 $0x108  }
0x21: {  	s3 =	sadd.s32 s3, s9;
	s6 =	sadd.s32 @!p0 $0x88, s6;
	s7 =	simm.s32 @p2 $0x1082  }
0x22: {  	[simem:s7], [sflag:s8] =	dma.local @!p0 [hbm:s6], $0xF7A  }
0x23: {  	s9 =	sor.u32 $0xD0000000, s2;
	s6 =	simm.s32 $0x108;
	_ =	swait.ge @!p0 [sflag:s8], $0x0  }
0x24: {  	s3 =	sadd.s32 $0x88, s3;
	s6 =	simm.s32 @!p1 $0x1082;
	[sflag:s4] =	ssyncset.s32 $0xFFFFF086  }
0x25: {  	[simem:s6], [sflag:s4] =	dma.local [hbm:s3], $0xF7A  }
0x26: {  	[smem:$0x3F8A] =	sst s1;
	(tag) =	ssettag s2;
	_ =	strace s9  }
0x27: {  	s1 =	sld [smem:$0x3F9A]  }
0x28: {  	s2 =	sld [smem:$0x3F9B]  }
0x29: {  	s4 =	sld [smem:$0x3F9D]  }
0x2a: {  	p0 =	seq.s32 s5, $0x0;
	s5 =	sld [smem:$0x3F9E]  }
0x2b: {  	s6 =	sld [smem:$0x3F9F]  }
0x2c: {  	s7 =	sld [smem:$0x3FA0]  }
0x2d: {  	s3 =	simm.s32 $0x108;
	s8 =	sld [smem:$0x3FA1]  }
0x2e: {  	s3 =	simm.s32 @!p0 $0x1082;
	s9 =	sld [smem:$0x3FA2]  }
0x2f: {  	lr =	sadd.s32 s0, s3;
	s0 =	sld [smem:$0x3F99]  }
0x30: {  	s3 =	sld [smem:$0x3F9C]  }
0x31: {  	[smem:$0x3FA5] =	sst s10  }
0x32: {  	s10 =	sld [smem:$0x3FA3];
	_ =	sdelay $0x3  }
0x33: {  	p0 =	seq.s32 s10, $0x1;
	s10 =	sld [smem:$0x3FA5];
	_ =	sdelay $0x3  }
0x34: {  	[smem:$0x3FA5] =	sst s10  }
0x35: {  	s10 =	sld [smem:$0x3FA4];
	_ =	sdelay $0x3  }
0x36: {  	p1 =	seq.s32 s10, $0x1;
	s10 =	sld [smem:$0x3FA5];
	_ =	sdelay $0x3  }
0x37: {  	[smem:$0x3FA5] =	sst s10  }
0x38: {  	s10 =	sld [smem:$0x3FA6]  }
0x39: {  	_ = 	snop;
	(pc) =	sbr.ind lr, $3  }
0x3a: {  	_ = 	snop  }
0x3b: {  	_ = 	snop  }
0x3c: {  	p2 =	seq.s32 s10, $0x1;
	s10 =	sld [smem:$0x3FA5]  }
0x3d: {  	_ =	shalt  }
0x3e: {  	_ =	shalt  }
0x3f: {  	_ =	shalt  }
0x40: {  	_ =	shalt  }
0x41: {  	_ =	shalt  }
0x42: {  	_ =	shalt  }
0x43: {  	_ =	shalt  }
0x44: {  	_ =	shalt  }
0x45: {  	_ =	shalt  }
0x46: {  	_ =	shalt  }
0x47: {  	_ =	shalt  }
0x48: {  	_ =	shalt  }
0x49: {  	_ =	shalt  }
0x4a: {  	_ =	shalt  }
0x4b: {  	_ =	shalt  }
0x4c: {  	_ =	shalt  }
0x4d: {  	_ =	shalt  }
0x4e: {  	_ =	shalt  }
0x4f: {  	_ =	shalt  }
0x50: {  	_ =	shalt  }
0x51: {  	_ =	shalt  }
0x52: {  	_ =	shalt  }
0x53: {  	_ =	shalt  }
0x54: {  	_ =	shalt  }
0x55: {  	_ =	shalt  }
0x56: {  	_ =	shalt  }
0x57: {  	_ =	shalt  }
0x58: {  	_ =	shalt  }
0x59: {  	_ =	shalt  }
0x5a: {  	_ =	shalt  }
0x5b: {  	_ =	shalt  }
0x5c: {  	_ =	shalt  }
0x5d: {  	_ =	shalt  }
0x5e: {  	_ =	shalt  }
0x5f: {  	_ =	shalt  }
0x60: {  	_ =	shalt  }
0x61: {  	_ =	shalt  }
0x62: {  	_ =	shalt  }
0x63: {  	_ =	shalt  }
0x64: {  	_ =	shalt  }
0x65: {  	_ =	shalt  }
0x66: {  	_ =	shalt  }
0x67: {  	_ =	shalt  }
0x68: {  	_ =	shalt  }
0x69: {  	_ =	shalt  }
0x6a: {  	_ =	shalt  }
0x6b: {  	_ =	shalt  }
0x6c: {  	_ =	shalt  }
0x6d: {  	_ =	shalt  }
0x6e: {  	_ =	shalt  }
0x6f: {  	_ =	shalt  }
0x70: {  	_ =	shalt  }
0x71: {  	_ =	shalt  }
0x72: {  	_ =	shalt  }
0x73: {  	_ =	shalt  }
0x74: {  	_ =	shalt  }
0x75: {  	_ =	shalt  }
0x76: {  	_ =	shalt  }
0x77: {  	_ =	shalt  }
0x78: {  	_ =	shalt  }
0x79: {  	_ =	shalt  }
0x7a: {  	_ =	shalt  }
0x7b: {  	_ =	shalt  }
0x7c: {  	_ =	shalt  }
0x7d: {  	_ =	shalt  }
0x7e: {  	_ =	shalt  }
0x7f: {  	_ =	shalt  }
0x80: {  	_ =	shalt  }
0x81: {  	_ =	shalt  }
0x82: {  	_ =	shalt  }
0x83: {  	_ =	shalt  }
0x84: {  	_ =	shalt  }
0x85: {  	_ =	shalt  }
0x86: {  	_ =	shalt  }
0x87: {  	_ =	shalt  }
.Lfunc_end0:
.L_simem_size_0:
called_computation.2_lowered:
.L_overlay_start_0:
0x88: {  	s2 =	sld [smem:$0x3FD9]  }
0x89: {  	s3 =	sld [smem:$0x3FFE];
	_ =	sdelay $0x1  }
0x8a: {  	s1 =	srdreg.scid  }
0x8b: {  	s0 =	sand.u32 $0x1, s1  }
0x8c: {  	s16 =	sshll.u32 s0, $0xA;
	s2 =	sadd.s32 s3, s2  }
0x8d: {  	s2 =	sadd.s32 s2, s16  }
0x8e: {  	[smem:$0x3FB1] =	sst s2  }
0x8f: {  	_ = 	snop  }
0x90: {  	(tm) =	ssettm $0x1  }
0x91: {  	s17 =	sld [smem:$0x3FFB];
	_ =	sdelay $0x3  }
0x92: {  	_ =	strace s17  }
0x93: {  	s2 =	sld [smem:$0x3FFC];
	_ =	sdelay $0x3  }
0x94: {  	_ =	strace s2  }
0x95: {  	s2 =	sld [smem:$0x3FFD];
	_ =	sdelay $0x3  }
0x96: {  	_ =	strace s2  }
0x97: {  	_ =	strace $0x8FFFFFFF  }
0x98: {  	s18 =	sld [smem:$0x3FDB];
	_ =	sdelay $0x1  }
0x99: {  	s19 =	simm.s32 $_scs_section_size  }
0x9a: {  	s4 =	simm.s32 $_size__tile_overlayer_lowered;
	s5 =	simm.s32 $_tile_overlayer_lowered  }
0x9b: {  	s22 =	simm.s32 $0x1BFF;
	s21 =	sshll.u32 s5, $0x1;
	s2 =	sadd.s32 s19, s18  }
0x9c: {  	s6 =	simm.s32 $0x0;
	s20 =	sshll.u32 s4, $0x1;
	s4 =	sadd.s32 s21, s2  }
0x9d: {  	[timem:s6], [sflag:s22] =	dma.local [hbm:s4], s20  }
0x9e: {  	_ =	swait.ge [sflag:s22], s20  }
0x9f: {  	s3 =	ssub.s32 $0x0, s20;
	[sflag:s22] =	ssyncset.done $0x0  }
0xa0: {  	[sflag:s22] =	ssyncadd.s32 s3;
	_ =	sdelay $0x1  }
0xa1: {  	s23 =	simm.s32 $0x1B8B  }
0xa2: {  	_ =	swait.ge [sflag:s23], $0x1  }
0xa3: {  	[sflag:s23] =	ssyncset.done $0x0  }
0xa4: {  	s25 =	simm.s32 $0x1B8E;
	s24 =	sld [smem:$0x3FFE];
	[sflag:s23] =	ssyncadd.s32 $0xFFFFFFFF  }
0xa5: {  	s26 =	simm.s32 $execute0_lowered;
	[smem:$0x3FD2] =	sst s25  }
0xa6: {  	s4 =	sshll.u32 s26, $0x1;
	_ =	strace $0x8000004C;
	[dreg:$0x1] =	wrdreg $0xFFFFFFFF  }
0xa7: {  	s28 =	simm.s32 $_size_execute0_lowered;
	s2 =	sadd.s32 s2, s4;
	[dreg:$0x0] =	wrdreg $0x0  }
0xa8: {  	s4 =	sshll.u32 s28, $0x1;
	[dreg:$0x2] =	wrdreg s2  }
0xa9: {  	[dreg:$0x3] =	wrdreg s4  }
0xaa: {  	[dreg:$0x4] =	wrdreg $0xC0  }
0xab: {  	_ =	task [dreg:s6], $0x5FFFF  }
0xac: {  	[dreg:$0x1] =	wrdreg $0xFFFFFFFF  }
0xad: {  	[dreg:$0x0] =	wrdreg $0x60  }
0xae: {  	[dreg:$0x2] =	wrdreg s24  }
0xaf: {  	[dreg:$0x3] =	wrdreg $0xB0000  }
0xb0: {  	[dreg:$0x4] =	wrdreg $0x9  }
0xb1: {  	_ =	task.clear_ibuf [dreg:s6], $0x5FFFF;
	_ =	strace $0x9000004C  }
0xb2: {  	s29 =	simm.s32 $0x9;
	_ =	strace $0x8000004E  }
0xb3: {  	_ =	swait.ge [sflag:s29], $0x1  }
0xb4: {  	[sflag:s29] =	ssyncadd.s32 $0xFFFFFFFF  }
0xb5: {  	_ =	strace $0x9000004E  }
0xb6: {  	_ =	sfence  }
0xb7: {  	s30 =	sld [smem:$0x0];
	_ =	sdelay $0x2  }
0xb8: {  	s31 =	sshll.u32 s1, $0xD;
	s1 =	sshrl.u32 s1, $0x2  }
0xb9: {  	s3 =	sand.u32 $0x4000, s31;
	s1 =	sadd.s32 s1, s30  }
0xba: {  	s0 =	sor.u32 s3, s0;
	s1 =	sshll.u32 s1, $0x11  }
0xbb: {  	s0 =	sor.u32 s1, s0  }
0xbc: {  	s0 =	sadd.s32 $0x8F2B, s0  }
0xbd: {  	[sflag:s0] =	ssyncadd.remote.s32 $0x1  }
0xbe: {  	_ =	sfence.sel $0xFFFF  }
0xbf: {  	[dreg:$0x0] =	wrdreg $0xFFFFFFFF;
	(pc) =	sbr.abs _section_cstart, $3  }
0xc0: {  	[dreg:$0x1] =	wrdreg $0xFFFFFFFF  }
0xc1: {  	_ =	task.clear_ibuf [dreg:s6], $0x2FFFF;
	_ =	strace $0x9FFFFFFF  }
0xc2: {  	(tm) =	ssettm $0x7FFFFFFF  }
0xc3: {  	_ =	shalt  }
tec
execute0_lowered:
.L_overlay_start_1:
0x0: {  	(tag) =	ssettag $0x1  }
0x1: {  	s0 =	srdreg.scid;
	s5 =	rddreg [dreg:$0x0]  }
0x2: {  	s11 =	stileid.u32;
	s2 =	rddreg [dreg:$0x1];
	s3 =	simm.s32 $0x0  }
0x3: {  	s14 =	simm.s32 $0x3;
	s15 =	simm.s32 $0x80;
	s16 =	simm.s32 $0x3000  }
0x4: {  	s17 =	simm.s32 $0x2800;
	s18 =	simm.s32 $0x7000;
	s28 =	simm.s32 $0x2B80  }
0x5: {  	s29 =	simm.s32 $0x2C00;
	s30 =	simm.s32 $0x2C80;
	s31 =	simm.s32 $0x2D00  }
0x6: {  	s0 =	sand.u32 $0x1, s0;
	[smem:$0x7FF] =	sst s3;
	s8 =	smul.u32 $0x14000, s11  }
0x7: {  	s4 =	sadd.s32 $0x18600, s5;
	s9 =	sadd.s32 $0xE600, s5;
	s10 =	smul.u32 $0x50000, s11  }
0x8: {  	s12 =	sadd.s32 $0x40600, s5;
	s22 =	sshll.u32 s11, $0x6;
	s23 =	smul.u32 $0x500, s11  }
0x9: {  	s1 =	sshll.u32 s0, $0x4;
	s7 =	smul.u32 $0x140000, s0;
	_ =	strace $0x8000004D  }
0xa: {  	s19 =	ssub.s32 $0x2, s0;
	[dreg:$0x3] =	wrdreg s12;
	s0 =	smul.u32 $0x5000, s0  }
0xb: {  	s12 =	sor.u32 $0x1C03, s22;
	s22 =	simm.s32 $0x2900;
	s1 =	sor.u32 s11, s1  }
0xc: {  	s20 =	sshrl.u32 s19, $0x1;
	s21 =	sshrl.u32 s10, $0x2;
	s6 =	smul.u32 $0x500, s1  }
0xd: {  	[dreg:$0x4] =	wrdreg s12;
	s7 =	sadd.s32 s8, s7;
	s1 =	smul.u32 $0x2800, s1  }
0xe: {  	s8 =	sadd.s32 s21, s2;
	s0 =	sadd.s32 s0, s9;
	s21 =	simm.s32 $0x2880  }
0xf: {  	s7 =	sshrl.u32 s7, $0x3;
	s0 =	sadd.s32 s23, s0;
	s10 =	sshrl.u32 s8, $0x3  }
0x10: {  	s23 =	simm.s32 $0x2980;
	s8 =	simm.s32 $0x2F80;
	s6 =	sadd.s32 s6, s5  }
0x11: {  	s5 =	sadd.s32 s7, s5;
	s7 =	ssub.s32 s19, s20;
	s1 =	sshrl.u32 s1, $0x3  }
0x12: {  	s0 =	sadd.s32 $0x80, s0;
	s19 =	simm.s32 $0x1;
	s20 =	simm.s32 $0x2  }
0x13: {  	[dreg:$0xb] =	wrdreg s10;
	s6 =	sadd.s32 $0x4600, s6;
	s1 =	sadd.s32 s9, s1  }
0x14: {  	s25 =	sadd.s32 $0x42E00, s5;
	s26 =	smax.u32 s7, $0x1;
	[dreg:$0xa] =	wrdreg s0  }
0x15: {  	s0 =	simm.s32 $0x2E00;
	s5 =	simm.s32 $0x2E80;
	[dreg:$0x5] =	wrdreg s6  }
0x16: {  	s7 =	simm.s32 $0x2F00;
	s9 =	simm.s32 $0x0;
	[dreg:$0x8] =	wrdreg s25  }
0x17: {  	s24 =	sadd.s32 $0x400, s1;
	s1 =	sadd.s32 $0x480, s1;
	[dreg:$0x9] =	wrdreg s26  }
0x18: {  	s25 =	simm.s32 $0x2A80;
	s26 =	simm.s32 $0x2B00;
	[dreg:$0x6] =	wrdreg s24  }
0x19: {  	[dreg:$0x7] =	wrdreg s1;
	s24 =	simm.s32 $0x2A00;
	s1 =	simm.s32 $0x2D80  }
.LBB2_1:
0x1a: {  	s6 =	rddreg [dreg:$0x3]  }
0x1b: {  	[spmem:s10], [sflag:s12] =	dma.local [hbm:s6], $0x2800  }
0x1c: {  	_ =	swait.ge [sflag:s14], $0x2800  }
0x1d: {  	[sflag:s14] =	ssyncset.done $0x0  }
0x1e: {  	s11 =	rddreg [dreg:$0x5];
	[sflag:s14] =	ssyncadd.s32 $0xFFFFD800  }
0x1f: {  	[tilespmem:s3], [sflag:$0x3] =	stream.linear.gather [hbm4b:s11+s3], $0x2800, $0x38;
	[tilespmem:$0x1F000] =	vst v63  }
0x20: {  	_ =	swait.ge [sflag:s14], $0x2800  }
0x21: {  	[sflag:s14] =	ssyncset.done $0x0  }
0x22: {  	[sflag:s14] =	ssyncadd.s32 $0xFFFFD800  }
0x23: {  	[bflag:$0x0] =	sbarrier.arrive $0xFFFF  }
0x24: {  	[tilespmem:s16], [sflag:$0x1] =	stream.indirect.gather [hbm4b:s4+s15], $0x80, s3, s15, $0xb8;
	[tilespmem:$0x1F000] =	vst v63  }
0x25: {  	s10 =	rddreg [dreg:$0xa]  }
0x26: {  	s12 =	sadd.s32 $0xFFFFFF80, s10  }
0x27: {  	[tilespmem:s17], [sflag:$0x3] =	stream.linear.gather [hbm4b:s12+s3], $0x400, $0x38;
	[tilespmem:$0x1F000] =	vst v63  }
0x28: {  	_ =	swait.ge [sflag:s14], $0x400  }
0x29: {  	[sflag:s14] =	ssyncset.done $0x0  }
0x2a: {  	s13 =	simm.s32 $0x80;
	[sflag:s14] =	ssyncadd.s32 $0xFFFFFC00  }
0x2b: {  	[tilespmem:s18], [sflag:$0x2] =	stream.indirect.gather [hbm4b:s4+s15], $0x80, s13, s15, $0xb8;
	[tilespmem:$0x1F000] =	vst v63  }
0x2c: {  	_ =	swait.ge [sflag:s19], $0x4000  }
0x2d: {  	[sflag:s19] =	ssyncset.done $0x0  }
0x2e: {  	[sflag:s19] =	ssyncadd.s32 $0xFFFFC000  }
0x2f: {  	[spmem:s2] =	stream.indirect.scatter.add.f32 [tilespmem:s16], [sflag:$0x3], $0x80, s17, s15, $0xb8;
	[tilespmem:$0x1F000] =	vst v63  }
0x30: {  	_ =	swait.ge [sflag:s14], $0x4000  }
0x31: {  	[sflag:s14] =	ssyncset.done $0x0  }
0x32: {  	s11 =	simm.s32 $0x100;
	[sflag:s14] =	ssyncadd.s32 $0xFFFFC000  }
0x33: {  	[tilespmem:s16], [sflag:$0x1] =	stream.indirect.gather [hbm4b:s4+s15], $0x80, s11, s15, $0xb8;
	[tilespmem:$0x1F000] =	vst v63  }
0x34: {  	_ =	swait.ge [sflag:s20], $0x4000  }
0x35: {  	[sflag:s20] =	ssyncset.done $0x0  }
0x36: {  	[sflag:s20] =	ssyncadd.s32 $0xFFFFC000  }
0x37: {  	[spmem:s2] =	stream.indirect.scatter.add.f32 [tilespmem:s18], [sflag:$0x3], $0x80, s21, s15, $0xb8;
	[tilespmem:$0x1F000] =	vst v63  }
0x38: {  	_ =	swait.ge [sflag:s14], $0x4000  }
0x39: {  	[sflag:s14] =	ssyncset.done $0x0  }
0x3a: {  	s12 =	simm.s32 $0x180;
	[sflag:s14] =	ssyncadd.s32 $0xFFFFC000  }
0x3b: {  	[tilespmem:s18], [sflag:$0x2] =	stream.indirect.gather [hbm4b:s4+s15], $0x80, s12, s15, $0xb8;
	[tilespmem:$0x1F000] =	vst v63  }
0x3c: {  	_ =	swait.ge [sflag:s19], $0x4000  }
0x3d: {  	[sflag:s19] =	ssyncset.done $0x0  }
0x3e: {  	[sflag:s19] =	ssyncadd.s32 $0xFFFFC000  }
0x3f: {  	[spmem:s2] =	stream.indirect.scatter.add.f32 [tilespmem:s16], [sflag:$0x3], $0x80, s22, s15, $0xb8;
	[tilespmem:$0x1F000] =	vst v63  }
0x40: {  	_ =	swait.ge [sflag:s14], $0x4000  }
0x41: {  	[sflag:s14] =	ssyncset.done $0x0  }
0x42: {  	s13 =	simm.s32 $0x200;
	[sflag:s14] =	ssyncadd.s32 $0xFFFFC000  }
0x43: {  	[tilespmem:s16], [sflag:$0x1] =	stream.indirect.gather [hbm4b:s4+s15], $0x80, s13, s15, $0xb8;
	[tilespmem:$0x1F000] =	vst v63  }
0x44: {  	_ =	swait.ge [sflag:s20], $0x4000  }
0x45: {  	[sflag:s20] =	ssyncset.done $0x0  }
0x46: {  	[sflag:s20] =	ssyncadd.s32 $0xFFFFC000  }
0x47: {  	[spmem:s2] =	stream.indirect.scatter.add.f32 [tilespmem:s18], [sflag:$0x3], $0x80, s23, s15, $0xb8;
	[tilespmem:$0x1F000] =	vst v63  }
0x48: {  	_ =	swait.ge [sflag:s14], $0x4000  }
0x49: {  	[sflag:s14] =	ssyncset.done $0x0  }
0x4a: {  	s11 =	simm.s32 $0x280;
	[sflag:s14] =	ssyncadd.s32 $0xFFFFC000  }
0x4b: {  	[tilespmem:s18], [sflag:$0x2] =	stream.indirect.gather [hbm4b:s4+s15], $0x80, s11, s15, $0xb8;
	[tilespmem:$0x1F000] =	vst v63  }
0x4c: {  	_ =	swait.ge [sflag:s19], $0x4000  }
0x4d: {  	[sflag:s19] =	ssyncset.done $0x0  }
0x4e: {  	[sflag:s19] =	ssyncadd.s32 $0xFFFFC000  }
0x4f: {  	[spmem:s2] =	stream.indirect.scatter.add.f32 [tilespmem:s16], [sflag:$0x3], $0x80, s24, s15, $0xb8;
	[tilespmem:$0x1F000] =	vst v63  }
0x50: {  	_ =	swait.ge [sflag:s14], $0x4000  }
0x51: {  	[sflag:s14] =	ssyncset.done $0x0  }
0x52: {  	s12 =	simm.s32 $0x300;
	[sflag:s14] =	ssyncadd.s32 $0xFFFFC000  }
0x53: {  	[tilespmem:s16], [sflag:$0x1] =	stream.indirect.gather [hbm4b:s4+s15], $0x80, s12, s15, $0xb8;
	[tilespmem:$0x1F000] =	vst v63  }
0x54: {  	_ =	swait.ge [sflag:s20], $0x4000  }
0x55: {  	[sflag:s20] =	ssyncset.done $0x0  }
0x56: {  	[sflag:s20] =	ssyncadd.s32 $0xFFFFC000  }
0x57: {  	[spmem:s2] =	stream.indirect.scatter.add.f32 [tilespmem:s18], [sflag:$0x3], $0x80, s25, s15, $0xb8;
	[tilespmem:$0x1F000] =	vst v63  }
0x58: {  	_ =	swait.ge [sflag:s14], $0x4000  }
0x59: {  	[sflag:s14] =	ssyncset.done $0x0  }
0x5a: {  	s13 =	simm.s32 $0x380;
	[sflag:s14] =	ssyncadd.s32 $0xFFFFC000  }
0x5b: {  	[tilespmem:s18], [sflag:$0x2] =	stream.indirect.gather [hbm4b:s4+s15], $0x80, s13, s15, $0xb8;
	[tilespmem:$0x1F000] =	vst v63  }
0x5c: {  	_ =	swait.ge [sflag:s19], $0x4000  }
0x5d: {  	[sflag:s19] =	ssyncset.done $0x0  }
0x5e: {  	[sflag:s19] =	ssyncadd.s32 $0xFFFFC000  }
0x5f: {  	[spmem:s2] =	stream.indirect.scatter.add.f32 [tilespmem:s16], [sflag:$0x3], $0x80, s26, s15, $0xb8;
	[tilespmem:$0x1F000] =	vst v63  }
0x60: {  	_ =	swait.ge [sflag:s14], $0x4000  }
0x61: {  	[sflag:s14] =	ssyncset.done $0x0  }
0x62: {  	s11 =	simm.s32 $0x400;
	[sflag:s14] =	ssyncadd.s32 $0xFFFFC000  }
0x63: {  	[tilespmem:s16], [sflag:$0x1] =	stream.indirect.gather [hbm4b:s4+s15], $0x80, s11, s15, $0xb8;
	[tilespmem:$0x1F000] =	vst v63  }
0x64: {  	_ =	swait.ge [sflag:s20], $0x4000  }
0x65: {  	[sflag:s20] =	ssyncset.done $0x0  }
0x66: {  	[sflag:s20] =	ssyncadd.s32 $0xFFFFC000  }
0x67: {  	[spmem:s2] =	stream.indirect.scatter.add.f32 [tilespmem:s18], [sflag:$0x3], $0x80, s28, s15, $0xb8;
	[tilespmem:$0x1F000] =	vst v63  }
0x68: {  	_ =	swait.ge [sflag:s14], $0x4000  }
0x69: {  	[sflag:s14] =	ssyncset.done $0x0  }
0x6a: {  	[sflag:s14] =	ssyncadd.s32 $0xFFFFC000  }
0x6b: {  	[tilespmem:s29], [sflag:$0x3] =	stream.linear.gather [hbm4b:s10+s3], $0x400, $0x38;
	[tilespmem:$0x1F000] =	vst v63  }
0x6c: {  	_ =	swait.ge [sflag:s14], $0x400  }
0x6d: {  	[sflag:s14] =	ssyncset.done $0x0  }
0x6e: {  	s12 =	simm.s32 $0x480;
	[sflag:s14] =	ssyncadd.s32 $0xFFFFFC00  }
0x6f: {  	[tilespmem:s18], [sflag:$0x2] =	stream.indirect.gather [hbm4b:s4+s15], $0x80, s12, s15, $0xb8;
	[tilespmem:$0x1F000] =	vst v63  }
0x70: {  	_ =	swait.ge [sflag:s19], $0x4000  }
0x71: {  	[sflag:s19] =	ssyncset.done $0x0  }
0x72: {  	[sflag:s19] =	ssyncadd.s32 $0xFFFFC000  }
0x73: {  	[spmem:s2] =	stream.indirect.scatter.add.f32 [tilespmem:s16], [sflag:$0x3], $0x80, s29, s15, $0xb8;
	[tilespmem:$0x1F000] =	vst v63  }
0x74: {  	_ =	swait.ge [sflag:s14], $0x4000  }
0x75: {  	[sflag:s14] =	ssyncset.done $0x0  }
0x76: {  	s13 =	simm.s32 $0x500;
	[sflag:s14] =	ssyncadd.s32 $0xFFFFC000  }
0x77: {  	[tilespmem:s16], [sflag:$0x1] =	stream.indirect.gather [hbm4b:s4+s15], $0x80, s13, s15, $0xb8;
	[tilespmem:$0x1F000] =	vst v63  }
0x78: {  	_ =	swait.ge [sflag:s20], $0x4000  }
0x79: {  	[sflag:s20] =	ssyncset.done $0x0  }
0x7a: {  	[sflag:s20] =	ssyncadd.s32 $0xFFFFC000  }
0x7b: {  	[spmem:s2] =	stream.indirect.scatter.add.f32 [tilespmem:s18], [sflag:$0x3], $0x80, s30, s15, $0xb8;
	[tilespmem:$0x1F000] =	vst v63  }
0x7c: {  	_ =	swait.ge [sflag:s14], $0x4000  }
0x7d: {  	[sflag:s14] =	ssyncset.done $0x0  }
0x7e: {  	s11 =	simm.s32 $0x580;
	[sflag:s14] =	ssyncadd.s32 $0xFFFFC000  }
0x7f: {  	[tilespmem:s18], [sflag:$0x2] =	stream.indirect.gather [hbm4b:s4+s15], $0x80, s11, s15, $0xb8;
	[tilespmem:$0x1F000] =	vst v63  }
0x80: {  	_ =	swait.ge [sflag:s19], $0x4000  }
0x81: {  	[sflag:s19] =	ssyncset.done $0x0  }
0x82: {  	[sflag:s19] =	ssyncadd.s32 $0xFFFFC000  }
0x83: {  	[spmem:s2] =	stream.indirect.scatter.add.f32 [tilespmem:s16], [sflag:$0x3], $0x80, s31, s15, $0xb8;
	[tilespmem:$0x1F000] =	vst v63  }
0x84: {  	_ =	swait.ge [sflag:s14], $0x4000  }
0x85: {  	[sflag:s14] =	ssyncset.done $0x0  }
0x86: {  	s12 =	simm.s32 $0x600;
	[sflag:s14] =	ssyncadd.s32 $0xFFFFC000  }
0x87: {  	[tilespmem:s16], [sflag:$0x1] =	stream.indirect.gather [hbm4b:s4+s15], $0x80, s12, s15, $0xb8;
	[tilespmem:$0x1F000] =	vst v63  }
0x88: {  	_ =	swait.ge [sflag:s20], $0x4000  }
0x89: {  	[sflag:s20] =	ssyncset.done $0x0  }
0x8a: {  	[sflag:s20] =	ssyncadd.s32 $0xFFFFC000  }
0x8b: {  	[spmem:s2] =	stream.indirect.scatter.add.f32 [tilespmem:s18], [sflag:$0x3], $0x80, s1, s15, $0xb8;
	[tilespmem:$0x1F000] =	vst v63  }
0x8c: {  	_ =	swait.ge [sflag:s14], $0x4000  }
0x8d: {  	[sflag:s14] =	ssyncset.done $0x0  }
0x8e: {  	s13 =	simm.s32 $0x680;
	[sflag:s14] =	ssyncadd.s32 $0xFFFFC000  }
0x8f: {  	[tilespmem:s18], [sflag:$0x2] =	stream.indirect.gather [hbm4b:s4+s15], $0x80, s13, s15, $0xb8;
	[tilespmem:$0x1F000] =	vst v63  }
0x90: {  	_ =	swait.ge [sflag:s19], $0x4000  }
0x91: {  	[sflag:s19] =	ssyncset.done $0x0  }
0x92: {  	[sflag:s19] =	ssyncadd.s32 $0xFFFFC000  }
0x93: {  	[spmem:s2] =	stream.indirect.scatter.add.f32 [tilespmem:s16], [sflag:$0x3], $0x80, s0, s15, $0xb8;
	[tilespmem:$0x1F000] =	vst v63  }
0x94: {  	_ =	swait.ge [sflag:s14], $0x4000  }
0x95: {  	[sflag:s14] =	ssyncset.done $0x0  }
0x96: {  	s11 =	simm.s32 $0x700;
	[sflag:s14] =	ssyncadd.s32 $0xFFFFC000  }
0x97: {  	[tilespmem:s16], [sflag:$0x1] =	stream.indirect.gather [hbm4b:s4+s15], $0x80, s11, s15, $0xb8;
	[tilespmem:$0x1F000] =	vst v63  }
0x98: {  	_ =	swait.ge [sflag:s20], $0x4000  }
0x99: {  	[sflag:s20] =	ssyncset.done $0x0  }
0x9a: {  	[sflag:s20] =	ssyncadd.s32 $0xFFFFC000  }
0x9b: {  	[spmem:s2] =	stream.indirect.scatter.add.f32 [tilespmem:s18], [sflag:$0x3], $0x80, s5, s15, $0xb8;
	[tilespmem:$0x1F000] =	vst v63  }
0x9c: {  	_ =	swait.ge [sflag:s14], $0x4000  }
0x9d: {  	[sflag:s14] =	ssyncset.done $0x0  }
0x9e: {  	s12 =	simm.s32 $0x780;
	[sflag:s14] =	ssyncadd.s32 $0xFFFFC000  }
0x9f: {  	[tilespmem:s18], [sflag:$0x2] =	stream.indirect.gather [hbm4b:s4+s15], $0x80, s12, s15, $0xb8;
	[tilespmem:$0x1F000] =	vst v63  }
0xa0: {  	_ =	swait.ge [sflag:s19], $0x4000  }
0xa1: {  	[sflag:s19] =	ssyncset.done $0x0  }
0xa2: {  	[sflag:s19] =	ssyncadd.s32 $0xFFFFC000  }
0xa3: {  	[spmem:s2] =	stream.indirect.scatter.add.f32 [tilespmem:s16], [sflag:$0x3], $0x80, s7, s15, $0xb8;
	[tilespmem:$0x1F000] =	vst v63  }
0xa4: {  	_ =	swait.ge [sflag:s14], $0x4000  }
0xa5: {  	[sflag:s14] =	ssyncset.done $0x0  }
0xa6: {  	s13 =	simm.s32 $0x800;
	[sflag:s14] =	ssyncadd.s32 $0xFFFFC000  }
0xa7: {  	[tilespmem:s16], [sflag:$0x1] =	stream.indirect.gather [hbm4b:s4+s15], $0x80, s13, s15, $0xb8;
	[tilespmem:$0x1F000] =	vst v63  }
0xa8: {  	_ =	swait.ge [sflag:s20], $0x4000  }
0xa9: {  	[sflag:s20] =	ssyncset.done $0x0  }
0xaa: {  	[sflag:s20] =	ssyncadd.s32 $0xFFFFC000  }
0xab: {  	[spmem:s2] =	stream.indirect.scatter.add.f32 [tilespmem:s18], [sflag:$0x3], $0x80, s8, s15, $0xb8;
	[tilespmem:$0x1F000] =	vst v63  }
0xac: {  	s6 =	simm.s32 $0x4000;
	_ =	swait.ge [sflag:s14], $0x4000  }
0xad: {  	s10 =	sadd.s32 $0x100, s10;
	s11 =	simm.s32 $0x2000;
	[sflag:s14] =	ssyncset.done $0x0  }
.LBB2_2:
0xae: {  	p0 =	sne.s32 s6, $0x6000;
	s13 =	sadd.s32 $0xFFFFFF80, s10;
	[sflag:s14] =	ssyncadd.s32 $0xFFFFC000  }
0xaf: {  	[tilespmem:s17], [sflag:$0x3] =	stream.linear.gather [hbm4b:s13+s3], $0x400, $0x38;
	[tilespmem:$0x1F000] =	vst v63  }
0xb0: {  	s12 =	smov.u32 s6;
	s6 =	sadd.s32 $0x2000, s6;
	_ =	swait.ge [sflag:s14], $0x400  }
0xb1: {  	s13 =	sshra.s32 s11, $0x2;
	s11 =	smov.u32 s12;
	[sflag:s14] =	ssyncset.done $0x0  }
0xb2: {  	s12 =	sadd.s32 $0x80, s13;
	[sflag:s14] =	ssyncadd.s32 $0xFFFFFC00  }
0xb3: {  	[tilespmem:s18], [sflag:$0x2] =	stream.indirect.gather [hbm4b:s4+s15], $0x80, s12, s15, $0xb8;
	[tilespmem:$0x1F000] =	vst v63  }
0xb4: {  	_ =	swait.ge [sflag:s19], $0x4000  }
0xb5: {  	[sflag:s19] =	ssyncset.done $0x0  }
0xb6: {  	[sflag:s19] =	ssyncadd.s32 $0xFFFFC000  }
0xb7: {  	[spmem:s2] =	stream.indirect.scatter.add.f32 [tilespmem:s16], [sflag:$0x3], $0x80, s17, s15, $0xb8;
	[tilespmem:$0x1F000] =	vst v63  }
0xb8: {  	_ =	swait.ge [sflag:s14], $0x4000  }
0xb9: {  	[sflag:s14] =	ssyncset.done $0x0  }
0xba: {  	s12 =	sadd.s32 $0x100, s13;
	[sflag:s14] =	ssyncadd.s32 $0xFFFFC000  }
0xbb: {  	[tilespmem:s16], [sflag:$0x1] =	stream.indirect.gather [hbm4b:s4+s15], $0x80, s12, s15, $0xb8;
	[tilespmem:$0x1F000] =	vst v63  }
0xbc: {  	_ =	swait.ge [sflag:s20], $0x4000  }
0xbd: {  	[sflag:s20] =	ssyncset.done $0x0  }
0xbe: {  	[sflag:s20] =	ssyncadd.s32 $0xFFFFC000  }
0xbf: {  	[spmem:s2] =	stream.indirect.scatter.add.f32 [tilespmem:s18], [sflag:$0x3], $0x80, s21, s15, $0xb8;
	[tilespmem:$0x1F000] =	vst v63  }
0xc0: {  	_ =	swait.ge [sflag:s14], $0x4000  }
0xc1: {  	[sflag:s14] =	ssyncset.done $0x0  }
0xc2: {  	s12 =	sadd.s32 $0x180, s13;
	[sflag:s14] =	ssyncadd.s32 $0xFFFFC000  }
0xc3: {  	[tilespmem:s18], [sflag:$0x2] =	stream.indirect.gather [hbm4b:s4+s15], $0x80, s12, s15, $0xb8;
	[tilespmem:$0x1F000] =	vst v63  }
0xc4: {  	_ =	swait.ge [sflag:s19], $0x4000  }
0xc5: {  	[sflag:s19] =	ssyncset.done $0x0  }
0xc6: {  	[sflag:s19] =	ssyncadd.s32 $0xFFFFC000  }
0xc7: {  	[spmem:s2] =	stream.indirect.scatter.add.f32 [tilespmem:s16], [sflag:$0x3], $0x80, s22, s15, $0xb8;
	[tilespmem:$0x1F000] =	vst v63  }
0xc8: {  	_ =	swait.ge [sflag:s14], $0x4000  }
0xc9: {  	[sflag:s14] =	ssyncset.done $0x0  }
0xca: {  	s12 =	sadd.s32 $0x200, s13;
	[sflag:s14] =	ssyncadd.s32 $0xFFFFC000  }
0xcb: {  	[tilespmem:s16], [sflag:$0x1] =	stream.indirect.gather [hbm4b:s4+s15], $0x80, s12, s15, $0xb8;
	[tilespmem:$0x1F000] =	vst v63  }
0xcc: {  	_ =	swait.ge [sflag:s20], $0x4000  }
0xcd: {  	[sflag:s20] =	ssyncset.done $0x0  }
0xce: {  	[sflag:s20] =	ssyncadd.s32 $0xFFFFC000  }
0xcf: {  	[spmem:s2] =	stream.indirect.scatter.add.f32 [tilespmem:s18], [sflag:$0x3], $0x80, s23, s15, $0xb8;
	[tilespmem:$0x1F000] =	vst v63  }
0xd0: {  	_ =	swait.ge [sflag:s14], $0x4000  }
0xd1: {  	[sflag:s14] =	ssyncset.done $0x0  }
0xd2: {  	s12 =	sadd.s32 $0x280, s13;
	[sflag:s14] =	ssyncadd.s32 $0xFFFFC000  }
0xd3: {  	[tilespmem:s18], [sflag:$0x2] =	stream.indirect.gather [hbm4b:s4+s15], $0x80, s12, s15, $0xb8;
	[tilespmem:$0x1F000] =	vst v63  }
0xd4: {  	_ =	swait.ge [sflag:s19], $0x4000  }
0xd5: {  	[sflag:s19] =	ssyncset.done $0x0  }
0xd6: {  	[sflag:s19] =	ssyncadd.s32 $0xFFFFC000  }
0xd7: {  	[spmem:s2] =	stream.indirect.scatter.add.f32 [tilespmem:s16], [sflag:$0x3], $0x80, s24, s15, $0xb8;
	[tilespmem:$0x1F000] =	vst v63  }
0xd8: {  	_ =	swait.ge [sflag:s14], $0x4000  }
0xd9: {  	[sflag:s14] =	ssyncset.done $0x0  }
0xda: {  	s12 =	sadd.s32 $0x300, s13;
	[sflag:s14] =	ssyncadd.s32 $0xFFFFC000  }
0xdb: {  	[tilespmem:s16], [sflag:$0x1] =	stream.indirect.gather [hbm4b:s4+s15], $0x80, s12, s15, $0xb8;
	[tilespmem:$0x1F000] =	vst v63  }
0xdc: {  	_ =	swait.ge [sflag:s20], $0x4000  }
0xdd: {  	[sflag:s20] =	ssyncset.done $0x0  }
0xde: {  	[sflag:s20] =	ssyncadd.s32 $0xFFFFC000  }
0xdf: {  	[spmem:s2] =	stream.indirect.scatter.add.f32 [tilespmem:s18], [sflag:$0x3], $0x80, s25, s15, $0xb8;
	[tilespmem:$0x1F000] =	vst v63  }
0xe0: {  	_ =	swait.ge [sflag:s14], $0x4000  }
0xe1: {  	[sflag:s14] =	ssyncset.done $0x0  }
0xe2: {  	s12 =	sadd.s32 $0x380, s13;
	[sflag:s14] =	ssyncadd.s32 $0xFFFFC000  }
0xe3: {  	[tilespmem:s18], [sflag:$0x2] =	stream.indirect.gather [hbm4b:s4+s15], $0x80, s12, s15, $0xb8;
	[tilespmem:$0x1F000] =	vst v63  }
0xe4: {  	_ =	swait.ge [sflag:s19], $0x4000  }
0xe5: {  	[sflag:s19] =	ssyncset.done $0x0  }
0xe6: {  	[sflag:s19] =	ssyncadd.s32 $0xFFFFC000  }
0xe7: {  	[spmem:s2] =	stream.indirect.scatter.add.f32 [tilespmem:s16], [sflag:$0x3], $0x80, s26, s15, $0xb8;
	[tilespmem:$0x1F000] =	vst v63  }
0xe8: {  	_ =	swait.ge [sflag:s14], $0x4000  }
0xe9: {  	[sflag:s14] =	ssyncset.done $0x0  }
0xea: {  	s12 =	sadd.s32 $0x400, s13;
	[sflag:s14] =	ssyncadd.s32 $0xFFFFC000  }
0xeb: {  	[tilespmem:s16], [sflag:$0x1] =	stream.indirect.gather [hbm4b:s4+s15], $0x80, s12, s15, $0xb8;
	[tilespmem:$0x1F000] =	vst v63  }
0xec: {  	_ =	swait.ge [sflag:s20], $0x4000  }
0xed: {  	[sflag:s20] =	ssyncset.done $0x0  }
0xee: {  	[sflag:s20] =	ssyncadd.s32 $0xFFFFC000  }
0xef: {  	[spmem:s2] =	stream.indirect.scatter.add.f32 [tilespmem:s18], [sflag:$0x3], $0x80, s28, s15, $0xb8;
	[tilespmem:$0x1F000] =	vst v63  }
0xf0: {  	_ =	swait.ge [sflag:s14], $0x4000  }
0xf1: {  	[sflag:s14] =	ssyncset.done $0x0  }
0xf2: {  	[sflag:s14] =	ssyncadd.s32 $0xFFFFC000  }
0xf3: {  	[tilespmem:s29], [sflag:$0x3] =	stream.linear.gather [hbm4b:s10+s3], $0x400, $0x38;
	[tilespmem:$0x1F000] =	vst v63  }
0xf4: {  	_ =	swait.ge [sflag:s14], $0x400  }
0xf5: {  	[sflag:s14] =	ssyncset.done $0x0  }
0xf6: {  	s12 =	sadd.s32 $0x480, s13;
	[sflag:s14] =	ssyncadd.s32 $0xFFFFFC00  }
0xf7: {  	[tilespmem:s18], [sflag:$0x2] =	stream.indirect.gather [hbm4b:s4+s15], $0x80, s12, s15, $0xb8;
	[tilespmem:$0x1F000] =	vst v63  }
0xf8: {  	_ =	swait.ge [sflag:s19], $0x4000  }
0xf9: {  	[sflag:s19] =	ssyncset.done $0x0  }
0xfa: {  	[sflag:s19] =	ssyncadd.s32 $0xFFFFC000  }
0xfb: {  	[spmem:s2] =	stream.indirect.scatter.add.f32 [tilespmem:s16], [sflag:$0x3], $0x80, s29, s15, $0xb8;
	[tilespmem:$0x1F000] =	vst v63  }
0xfc: {  	_ =	swait.ge [sflag:s14], $0x4000  }
0xfd: {  	[sflag:s14] =	ssyncset.done $0x0  }
0xfe: {  	s12 =	sadd.s32 $0x500, s13;
	[sflag:s14] =	ssyncadd.s32 $0xFFFFC000  }
0xff: {  	[tilespmem:s16], [sflag:$0x1] =	stream.indirect.gather [hbm4b:s4+s15], $0x80, s12, s15, $0xb8;
	[tilespmem:$0x1F000] =	vst v63  }
0x100: {  	_ =	swait.ge [sflag:s20], $0x4000  }
0x101: {  	[sflag:s20] =	ssyncset.done $0x0  }
0x102: {  	[sflag:s20] =	ssyncadd.s32 $0xFFFFC000  }
0x103: {  	[spmem:s2] =	stream.indirect.scatter.add.f32 [tilespmem:s18], [sflag:$0x3], $0x80, s30, s15, $0xb8;
	[tilespmem:$0x1F000] =	vst v63  }
0x104: {  	_ =	swait.ge [sflag:s14], $0x4000  }
0x105: {  	[sflag:s14] =	ssyncset.done $0x0  }
0x106: {  	s12 =	sadd.s32 $0x580, s13;
	[sflag:s14] =	ssyncadd.s32 $0xFFFFC000  }
0x107: {  	[tilespmem:s18], [sflag:$0x2] =	stream.indirect.gather [hbm4b:s4+s15], $0x80, s12, s15, $0xb8;
	[tilespmem:$0x1F000] =	vst v63  }
0x108: {  	_ =	swait.ge [sflag:s19], $0x4000  }
0x109: {  	[sflag:s19] =	ssyncset.done $0x0  }
0x10a: {  	[sflag:s19] =	ssyncadd.s32 $0xFFFFC000  }
0x10b: {  	[spmem:s2] =	stream.indirect.scatter.add.f32 [tilespmem:s16], [sflag:$0x3], $0x80, s31, s15, $0xb8;
	[tilespmem:$0x1F000] =	vst v63  }
0x10c: {  	_ =	swait.ge [sflag:s14], $0x4000  }
0x10d: {  	[sflag:s14] =	ssyncset.done $0x0  }
0x10e: {  	s12 =	sadd.s32 $0x600, s13;
	[sflag:s14] =	ssyncadd.s32 $0xFFFFC000  }
0x10f: {  	[tilespmem:s16], [sflag:$0x1] =	stream.indirect.gather [hbm4b:s4+s15], $0x80, s12, s15, $0xb8;
	[tilespmem:$0x1F000] =	vst v63  }
0x110: {  	_ =	swait.ge [sflag:s20], $0x4000  }
0x111: {  	[sflag:s20] =	ssyncset.done $0x0  }
0x112: {  	[sflag:s20] =	ssyncadd.s32 $0xFFFFC000  }
0x113: {  	[spmem:s2] =	stream.indirect.scatter.add.f32 [tilespmem:s18], [sflag:$0x3], $0x80, s1, s15, $0xb8;
	[tilespmem:$0x1F000] =	vst v63  }
0x114: {  	_ =	swait.ge [sflag:s14], $0x4000  }
0x115: {  	[sflag:s14] =	ssyncset.done $0x0  }
0x116: {  	s12 =	sadd.s32 $0x680, s13;
	[sflag:s14] =	ssyncadd.s32 $0xFFFFC000  }
0x117: {  	[tilespmem:s18], [sflag:$0x2] =	stream.indirect.gather [hbm4b:s4+s15], $0x80, s12, s15, $0xb8;
	[tilespmem:$0x1F000] =	vst v63  }
0x118: {  	_ =	swait.ge [sflag:s19], $0x4000  }
0x119: {  	[sflag:s19] =	ssyncset.done $0x0  }
0x11a: {  	[sflag:s19] =	ssyncadd.s32 $0xFFFFC000  }
0x11b: {  	[spmem:s2] =	stream.indirect.scatter.add.f32 [tilespmem:s16], [sflag:$0x3], $0x80, s0, s15, $0xb8;
	[tilespmem:$0x1F000] =	vst v63  }
0x11c: {  	_ =	swait.ge [sflag:s14], $0x4000  }
0x11d: {  	[sflag:s14] =	ssyncset.done $0x0  }
0x11e: {  	s12 =	sadd.s32 $0x700, s13;
	[sflag:s14] =	ssyncadd.s32 $0xFFFFC000  }
0x11f: {  	[tilespmem:s16], [sflag:$0x1] =	stream.indirect.gather [hbm4b:s4+s15], $0x80, s12, s15, $0xb8;
	[tilespmem:$0x1F000] =	vst v63  }
0x120: {  	_ =	swait.ge [sflag:s20], $0x4000  }
0x121: {  	[sflag:s20] =	ssyncset.done $0x0  }
0x122: {  	[sflag:s20] =	ssyncadd.s32 $0xFFFFC000  }
0x123: {  	[spmem:s2] =	stream.indirect.scatter.add.f32 [tilespmem:s18], [sflag:$0x3], $0x80, s5, s15, $0xb8;
	[tilespmem:$0x1F000] =	vst v63  }
0x124: {  	_ =	swait.ge [sflag:s14], $0x4000  }
0x125: {  	[sflag:s14] =	ssyncset.done $0x0  }
0x126: {  	s12 =	sadd.s32 $0x780, s13;
	[sflag:s14] =	ssyncadd.s32 $0xFFFFC000  }
0x127: {  	[tilespmem:s18], [sflag:$0x2] =	stream.indirect.gather [hbm4b:s4+s15], $0x80, s12, s15, $0xb8;
	[tilespmem:$0x1F000] =	vst v63  }
0x128: {  	_ =	swait.ge [sflag:s19], $0x4000  }
0x129: {  	[sflag:s19] =	ssyncset.done $0x0  }
0x12a: {  	[sflag:s19] =	ssyncadd.s32 $0xFFFFC000  }
0x12b: {  	[spmem:s2] =	stream.indirect.scatter.add.f32 [tilespmem:s16], [sflag:$0x3], $0x80, s7, s15, $0xb8;
	[tilespmem:$0x1F000] =	vst v63  }
0x12c: {  	_ =	swait.ge [sflag:s14], $0x4000  }
0x12d: {  	[sflag:s14] =	ssyncset.done $0x0  }
0x12e: {  	s12 =	sadd.s32 $0x800, s13;
	[sflag:s14] =	ssyncadd.s32 $0xFFFFC000  }
0x12f: {  	[tilespmem:s16], [sflag:$0x1] =	stream.indirect.gather [hbm4b:s4+s15], $0x80, s12, s15, $0xb8;
	[tilespmem:$0x1F000] =	vst v63  }
0x130: {  	_ =	swait.ge [sflag:s20], $0x4000  }
.Ltmp0:
0x131: {  	[sflag:s20] =	ssyncset.done $0x0;
	(pc) =	sbr.rel @p0 .LBB2_2-.Ltmp0, $4  }
0x132: {  	[sflag:s20] =	ssyncadd.s32 $0xFFFFC000  }
0x133: {  	[spmem:s2] =	stream.indirect.scatter.add.f32 [tilespmem:s18], [sflag:$0x3], $0x80, s8, s15, $0xb8;
	[tilespmem:$0x1F000] =	vst v63  }
0x134: {  	_ =	swait.ge [sflag:s14], $0x4000  }
0x135: {  	s10 =	sadd.s32 $0x100, s10;
	[sflag:s14] =	ssyncset.done $0x0  }
0x136: {  	s6 =	sadd.s32 $0xFFFFFF80, s10;
	[sflag:s14] =	ssyncadd.s32 $0xFFFFC000  }
0x137: {  	[tilespmem:s17], [sflag:$0x3] =	stream.linear.gather [hbm4b:s6+s3], $0x400, $0x38;
	[tilespmem:$0x1F000] =	vst v63  }
0x138: {  	_ =	swait.ge [sflag:s14], $0x400  }
0x139: {  	s6 =	sshra.s32 s11, $0x2;
	[sflag:s14] =	ssyncset.done $0x0  }
0x13a: {  	s11 =	sadd.s32 $0x80, s6;
	[sflag:s14] =	ssyncadd.s32 $0xFFFFFC00  }
0x13b: {  	[tilespmem:s18], [sflag:$0x2] =	stream.indirect.gather [hbm4b:s4+s15], $0x80, s11, s15, $0xb8;
	[tilespmem:$0x1F000] =	vst v63  }
0x13c: {  	_ =	swait.ge [sflag:s19], $0x4000  }
0x13d: {  	[sflag:s19] =	ssyncset.done $0x0  }
0x13e: {  	[sflag:s19] =	ssyncadd.s32 $0xFFFFC000  }
0x13f: {  	[spmem:s2] =	stream.indirect.scatter.add.f32 [tilespmem:s16], [sflag:$0x3], $0x80, s17, s15, $0xb8;
	[tilespmem:$0x1F000] =	vst v63  }
0x140: {  	_ =	swait.ge [sflag:s14], $0x4000  }
0x141: {  	[sflag:s14] =	ssyncset.done $0x0  }
0x142: {  	s12 =	sadd.s32 $0x100, s6;
	[sflag:s14] =	ssyncadd.s32 $0xFFFFC000  }
0x143: {  	[tilespmem:s16], [sflag:$0x1] =	stream.indirect.gather [hbm4b:s4+s15], $0x80, s12, s15, $0xb8;
	[tilespmem:$0x1F000] =	vst v63  }
0x144: {  	_ =	swait.ge [sflag:s20], $0x4000  }
0x145: {  	[sflag:s20] =	ssyncset.done $0x0  }
0x146: {  	[sflag:s20] =	ssyncadd.s32 $0xFFFFC000  }
0x147: {  	[spmem:s2] =	stream.indirect.scatter.add.f32 [tilespmem:s18], [sflag:$0x3], $0x80, s21, s15, $0xb8;
	[tilespmem:$0x1F000] =	vst v63  }
0x148: {  	_ =	swait.ge [sflag:s14], $0x4000  }
0x149: {  	[sflag:s14] =	ssyncset.done $0x0  }
0x14a: {  	s13 =	sadd.s32 $0x180, s6;
	[sflag:s14] =	ssyncadd.s32 $0xFFFFC000  }
0x14b: {  	[tilespmem:s18], [sflag:$0x2] =	stream.indirect.gather [hbm4b:s4+s15], $0x80, s13, s15, $0xb8;
	[tilespmem:$0x1F000] =	vst v63  }
0x14c: {  	_ =	swait.ge [sflag:s19], $0x4000  }
0x14d: {  	[sflag:s19] =	ssyncset.done $0x0  }
0x14e: {  	[sflag:s19] =	ssyncadd.s32 $0xFFFFC000  }
0x14f: {  	[spmem:s2] =	stream.indirect.scatter.add.f32 [tilespmem:s16], [sflag:$0x3], $0x80, s22, s15, $0xb8;
	[tilespmem:$0x1F000] =	vst v63  }
0x150: {  	_ =	swait.ge [sflag:s14], $0x4000  }
0x151: {  	[sflag:s14] =	ssyncset.done $0x0  }
0x152: {  	s12 =	sadd.s32 $0x200, s6;
	[sflag:s14] =	ssyncadd.s32 $0xFFFFC000  }
0x153: {  	[tilespmem:s16], [sflag:$0x1] =	stream.indirect.gather [hbm4b:s4+s15], $0x80, s12, s15, $0xb8;
	[tilespmem:$0x1F000] =	vst v63  }
0x154: {  	_ =	swait.ge [sflag:s20], $0x4000  }
0x155: {  	[sflag:s20] =	ssyncset.done $0x0  }
0x156: {  	[sflag:s20] =	ssyncadd.s32 $0xFFFFC000  }
0x157: {  	[spmem:s2] =	stream.indirect.scatter.add.f32 [tilespmem:s18], [sflag:$0x3], $0x80, s23, s15, $0xb8;
	[tilespmem:$0x1F000] =	vst v63  }
0x158: {  	_ =	swait.ge [sflag:s14], $0x4000  }
0x159: {  	[sflag:s14] =	ssyncset.done $0x0  }
0x15a: {  	s13 =	sadd.s32 $0x280, s6;
	[sflag:s14] =	ssyncadd.s32 $0xFFFFC000  }
0x15b: {  	[tilespmem:s18], [sflag:$0x2] =	stream.indirect.gather [hbm4b:s4+s15], $0x80, s13, s15, $0xb8;
	[tilespmem:$0x1F000] =	vst v63  }
0x15c: {  	_ =	swait.ge [sflag:s19], $0x4000  }
0x15d: {  	[sflag:s19] =	ssyncset.done $0x0  }
0x15e: {  	[sflag:s19] =	ssyncadd.s32 $0xFFFFC000  }
0x15f: {  	[spmem:s2] =	stream.indirect.scatter.add.f32 [tilespmem:s16], [sflag:$0x3], $0x80, s24, s15, $0xb8;
	[tilespmem:$0x1F000] =	vst v63  }
0x160: {  	_ =	swait.ge [sflag:s14], $0x4000  }
0x161: {  	[sflag:s14] =	ssyncset.done $0x0  }
0x162: {  	s12 =	sadd.s32 $0x300, s6;
	[sflag:s14] =	ssyncadd.s32 $0xFFFFC000  }
0x163: {  	[tilespmem:s16], [sflag:$0x1] =	stream.indirect.gather [hbm4b:s4+s15], $0x80, s12, s15, $0xb8;
	[tilespmem:$0x1F000] =	vst v63  }
0x164: {  	_ =	swait.ge [sflag:s20], $0x4000  }
0x165: {  	[sflag:s20] =	ssyncset.done $0x0  }
0x166: {  	[sflag:s20] =	ssyncadd.s32 $0xFFFFC000  }
0x167: {  	[spmem:s2] =	stream.indirect.scatter.add.f32 [tilespmem:s18], [sflag:$0x3], $0x80, s25, s15, $0xb8;
	[tilespmem:$0x1F000] =	vst v63  }
0x168: {  	_ =	swait.ge [sflag:s14], $0x4000  }
0x169: {  	[sflag:s14] =	ssyncset.done $0x0  }
0x16a: {  	s13 =	sadd.s32 $0x380, s6;
	[sflag:s14] =	ssyncadd.s32 $0xFFFFC000  }
0x16b: {  	[tilespmem:s18], [sflag:$0x2] =	stream.indirect.gather [hbm4b:s4+s15], $0x80, s13, s15, $0xb8;
	[tilespmem:$0x1F000] =	vst v63  }
0x16c: {  	_ =	swait.ge [sflag:s19], $0x4000  }
0x16d: {  	[sflag:s19] =	ssyncset.done $0x0  }
0x16e: {  	[sflag:s19] =	ssyncadd.s32 $0xFFFFC000  }
0x16f: {  	[spmem:s2] =	stream.indirect.scatter.add.f32 [tilespmem:s16], [sflag:$0x3], $0x80, s26, s15, $0xb8;
	[tilespmem:$0x1F000] =	vst v63  }
0x170: {  	_ =	swait.ge [sflag:s14], $0x4000  }
0x171: {  	[sflag:s14] =	ssyncset.done $0x0  }
0x172: {  	s12 =	sadd.s32 $0x400, s6;
	[sflag:s14] =	ssyncadd.s32 $0xFFFFC000  }
0x173: {  	[tilespmem:s16], [sflag:$0x1] =	stream.indirect.gather [hbm4b:s4+s15], $0x80, s12, s15, $0xb8;
	[tilespmem:$0x1F000] =	vst v63  }
0x174: {  	_ =	swait.ge [sflag:s20], $0x4000  }
0x175: {  	[sflag:s20] =	ssyncset.done $0x0  }
0x176: {  	[sflag:s20] =	ssyncadd.s32 $0xFFFFC000  }
0x177: {  	[spmem:s2] =	stream.indirect.scatter.add.f32 [tilespmem:s18], [sflag:$0x3], $0x80, s28, s15, $0xb8;
	[tilespmem:$0x1F000] =	vst v63  }
0x178: {  	_ =	swait.ge [sflag:s14], $0x4000  }
0x179: {  	[sflag:s14] =	ssyncset.done $0x0  }
0x17a: {  	[sflag:s14] =	ssyncadd.s32 $0xFFFFC000  }
0x17b: {  	[tilespmem:s29], [sflag:$0x3] =	stream.linear.gather [hbm4b:s10+s3], $0x400, $0x38;
	[tilespmem:$0x1F000] =	vst v63  }
0x17c: {  	_ =	swait.ge [sflag:s14], $0x400  }
0x17d: {  	[sflag:s14] =	ssyncset.done $0x0  }
0x17e: {  	s13 =	sadd.s32 $0x480, s6;
	[sflag:s14] =	ssyncadd.s32 $0xFFFFFC00  }
0x17f: {  	[tilespmem:s18], [sflag:$0x2] =	stream.indirect.gather [hbm4b:s4+s15], $0x80, s13, s15, $0xb8;
	[tilespmem:$0x1F000] =	vst v63  }
0x180: {  	_ =	swait.ge [sflag:s19], $0x4000  }
0x181: {  	[sflag:s19] =	ssyncset.done $0x0  }
0x182: {  	[sflag:s19] =	ssyncadd.s32 $0xFFFFC000  }
0x183: {  	[spmem:s2] =	stream.indirect.scatter.add.f32 [tilespmem:s16], [sflag:$0x3], $0x80, s29, s15, $0xb8;
	[tilespmem:$0x1F000] =	vst v63  }
0x184: {  	_ =	swait.ge [sflag:s14], $0x4000  }
0x185: {  	[sflag:s14] =	ssyncset.done $0x0  }
0x186: {  	s11 =	sadd.s32 $0x500, s6;
	[sflag:s14] =	ssyncadd.s32 $0xFFFFC000  }
0x187: {  	[tilespmem:s16], [sflag:$0x1] =	stream.indirect.gather [hbm4b:s4+s15], $0x80, s11, s15, $0xb8;
	[tilespmem:$0x1F000] =	vst v63  }
0x188: {  	_ =	swait.ge [sflag:s20], $0x4000  }
0x189: {  	[sflag:s20] =	ssyncset.done $0x0  }
0x18a: {  	[sflag:s20] =	ssyncadd.s32 $0xFFFFC000  }
0x18b: {  	[spmem:s2] =	stream.indirect.scatter.add.f32 [tilespmem:s18], [sflag:$0x3], $0x80, s30, s15, $0xb8;
	[tilespmem:$0x1F000] =	vst v63  }
0x18c: {  	_ =	swait.ge [sflag:s14], $0x4000  }
0x18d: {  	[sflag:s14] =	ssyncset.done $0x0  }
0x18e: {  	s12 =	sadd.s32 $0x580, s6;
	[sflag:s14] =	ssyncadd.s32 $0xFFFFC000  }
0x18f: {  	[tilespmem:s18], [sflag:$0x2] =	stream.indirect.gather [hbm4b:s4+s15], $0x80, s12, s15, $0xb8;
	[tilespmem:$0x1F000] =	vst v63  }
0x190: {  	_ =	swait.ge [sflag:s19], $0x4000  }
0x191: {  	[sflag:s19] =	ssyncset.done $0x0  }
0x192: {  	[sflag:s19] =	ssyncadd.s32 $0xFFFFC000  }
0x193: {  	[spmem:s2] =	stream.indirect.scatter.add.f32 [tilespmem:s16], [sflag:$0x3], $0x80, s31, s15, $0xb8;
	[tilespmem:$0x1F000] =	vst v63  }
0x194: {  	_ =	swait.ge [sflag:s14], $0x4000  }
0x195: {  	[sflag:s14] =	ssyncset.done $0x0  }
0x196: {  	s13 =	sadd.s32 $0x600, s6;
	[sflag:s14] =	ssyncadd.s32 $0xFFFFC000  }
0x197: {  	[tilespmem:s16], [sflag:$0x1] =	stream.indirect.gather [hbm4b:s4+s15], $0x80, s13, s15, $0xb8;
	[tilespmem:$0x1F000] =	vst v63  }
0x198: {  	_ =	swait.ge [sflag:s20], $0x4000  }
0x199: {  	[sflag:s20] =	ssyncset.done $0x0  }
0x19a: {  	[sflag:s20] =	ssyncadd.s32 $0xFFFFC000  }
0x19b: {  	[spmem:s2] =	stream.indirect.scatter.add.f32 [tilespmem:s18], [sflag:$0x3], $0x80, s1, s15, $0xb8;
	[tilespmem:$0x1F000] =	vst v63  }
0x19c: {  	_ =	swait.ge [sflag:s14], $0x4000  }
0x19d: {  	[sflag:s14] =	ssyncset.done $0x0  }
0x19e: {  	s11 =	sadd.s32 $0x680, s6;
	[sflag:s14] =	ssyncadd.s32 $0xFFFFC000  }
0x19f: {  	[tilespmem:s18], [sflag:$0x2] =	stream.indirect.gather [hbm4b:s4+s15], $0x80, s11, s15, $0xb8;
	[tilespmem:$0x1F000] =	vst v63  }
0x1a0: {  	_ =	swait.ge [sflag:s19], $0x4000  }
0x1a1: {  	[sflag:s19] =	ssyncset.done $0x0  }
0x1a2: {  	[sflag:s19] =	ssyncadd.s32 $0xFFFFC000  }
0x1a3: {  	[spmem:s2] =	stream.indirect.scatter.add.f32 [tilespmem:s16], [sflag:$0x3], $0x80, s0, s15, $0xb8;
	[tilespmem:$0x1F000] =	vst v63  }
0x1a4: {  	_ =	swait.ge [sflag:s14], $0x4000  }
0x1a5: {  	[sflag:s14] =	ssyncset.done $0x0  }
0x1a6: {  	s12 =	sadd.s32 $0x700, s6;
	[sflag:s14] =	ssyncadd.s32 $0xFFFFC000  }
0x1a7: {  	[tilespmem:s16], [sflag:$0x1] =	stream.indirect.gather [hbm4b:s4+s15], $0x80, s12, s15, $0xb8;
	[tilespmem:$0x1F000] =	vst v63  }
0x1a8: {  	_ =	swait.ge [sflag:s20], $0x4000  }
0x1a9: {  	[sflag:s20] =	ssyncset.done $0x0  }
0x1aa: {  	[sflag:s20] =	ssyncadd.s32 $0xFFFFC000  }
0x1ab: {  	[spmem:s2] =	stream.indirect.scatter.add.f32 [tilespmem:s18], [sflag:$0x3], $0x80, s5, s15, $0xb8;
	[tilespmem:$0x1F000] =	vst v63  }
0x1ac: {  	_ =	swait.ge [sflag:s14], $0x4000  }
0x1ad: {  	[sflag:s14] =	ssyncset.done $0x0  }
0x1ae: {  	s13 =	sadd.s32 $0x780, s6;
	[sflag:s14] =	ssyncadd.s32 $0xFFFFC000  }
0x1af: {  	[tilespmem:s18], [sflag:$0x2] =	stream.indirect.gather [hbm4b:s4+s15], $0x80, s13, s15, $0xb8;
	[tilespmem:$0x1F000] =	vst v63  }
0x1b0: {  	_ =	swait.ge [sflag:s19], $0x4000  }
0x1b1: {  	[sflag:s19] =	ssyncset.done $0x0  }
0x1b2: {  	[sflag:s19] =	ssyncadd.s32 $0xFFFFC000  }
0x1b3: {  	[spmem:s2] =	stream.indirect.scatter.add.f32 [tilespmem:s16], [sflag:$0x3], $0x80, s7, s15, $0xb8;
	[tilespmem:$0x1F000] =	vst v63  }
0x1b4: {  	_ =	swait.ge [sflag:s14], $0x4000  }
0x1b5: {  	[sflag:s14] =	ssyncset.done $0x0  }
0x1b6: {  	s6 =	sadd.s32 $0x800, s6;
	[sflag:s14] =	ssyncadd.s32 $0xFFFFC000  }
0x1b7: {  	[tilespmem:s16], [sflag:$0x1] =	stream.indirect.gather [hbm4b:s4+s15], $0x80, s6, s15, $0xb8;
	[tilespmem:$0x1F000] =	vst v63  }
0x1b8: {  	_ =	swait.ge [sflag:s20], $0x4000  }
0x1b9: {  	[sflag:s20] =	ssyncset.done $0x0  }
0x1ba: {  	[sflag:s20] =	ssyncadd.s32 $0xFFFFC000  }
0x1bb: {  	[spmem:s2] =	stream.indirect.scatter.add.f32 [tilespmem:s18], [sflag:$0x3], $0x80, s8, s15, $0xb8;
	[tilespmem:$0x1F000] =	vst v63  }
0x1bc: {  	_ =	swait.ge [sflag:s14], $0x4000  }
0x1bd: {  	[sflag:s14] =	ssyncset.done $0x0  }
0x1be: {  	s10 =	rddreg [dreg:$0x6];
	[sflag:s14] =	ssyncadd.s32 $0xFFFFC000  }
0x1bf: {  	[tilespmem:s17], [sflag:$0x3] =	stream.linear.gather [hbm4b:s10+s3], $0x400, $0x38;
	[tilespmem:$0x1F000] =	vst v63  }
0x1c0: {  	_ =	swait.ge [sflag:s14], $0x400  }
0x1c1: {  	[sflag:s14] =	ssyncset.done $0x0  }
0x1c2: {  	s11 =	simm.s32 $0x2080;
	[sflag:s14] =	ssyncadd.s32 $0xFFFFFC00  }
0x1c3: {  	[tilespmem:s18], [sflag:$0x2] =	stream.indirect.gather [hbm4b:s4+s15], $0x80, s11, s15, $0xb8;
	[tilespmem:$0x1F000] =	vst v63  }
0x1c4: {  	_ =	swait.ge [sflag:s19], $0x4000  }
0x1c5: {  	[sflag:s19] =	ssyncset.done $0x0  }
0x1c6: {  	[sflag:s19] =	ssyncadd.s32 $0xFFFFC000  }
0x1c7: {  	[spmem:s2] =	stream.indirect.scatter.add.f32 [tilespmem:s16], [sflag:$0x3], $0x80, s17, s15, $0xb8;
	[tilespmem:$0x1F000] =	vst v63  }
0x1c8: {  	_ =	swait.ge [sflag:s14], $0x4000  }
0x1c9: {  	[sflag:s14] =	ssyncset.done $0x0  }
0x1ca: {  	s12 =	simm.s32 $0x2100;
	[sflag:s14] =	ssyncadd.s32 $0xFFFFC000  }
0x1cb: {  	[tilespmem:s16], [sflag:$0x1] =	stream.indirect.gather [hbm4b:s4+s15], $0x80, s12, s15, $0xb8;
	[tilespmem:$0x1F000] =	vst v63  }
0x1cc: {  	_ =	swait.ge [sflag:s20], $0x4000  }
0x1cd: {  	[sflag:s20] =	ssyncset.done $0x0  }
0x1ce: {  	[sflag:s20] =	ssyncadd.s32 $0xFFFFC000  }
0x1cf: {  	[spmem:s2] =	stream.indirect.scatter.add.f32 [tilespmem:s18], [sflag:$0x3], $0x80, s21, s15, $0xb8;
	[tilespmem:$0x1F000] =	vst v63  }
0x1d0: {  	_ =	swait.ge [sflag:s14], $0x4000  }
0x1d1: {  	[sflag:s14] =	ssyncset.done $0x0  }
0x1d2: {  	s13 =	simm.s32 $0x2180;
	[sflag:s14] =	ssyncadd.s32 $0xFFFFC000  }
0x1d3: {  	[tilespmem:s18], [sflag:$0x2] =	stream.indirect.gather [hbm4b:s4+s15], $0x80, s13, s15, $0xb8;
	[tilespmem:$0x1F000] =	vst v63  }
0x1d4: {  	_ =	swait.ge [sflag:s19], $0x4000  }
0x1d5: {  	[sflag:s19] =	ssyncset.done $0x0  }
0x1d6: {  	[sflag:s19] =	ssyncadd.s32 $0xFFFFC000  }
0x1d7: {  	[spmem:s2] =	stream.indirect.scatter.add.f32 [tilespmem:s16], [sflag:$0x3], $0x80, s22, s15, $0xb8;
	[tilespmem:$0x1F000] =	vst v63  }
0x1d8: {  	_ =	swait.ge [sflag:s14], $0x4000  }
0x1d9: {  	[sflag:s14] =	ssyncset.done $0x0  }
0x1da: {  	s10 =	simm.s32 $0x2200;
	[sflag:s14] =	ssyncadd.s32 $0xFFFFC000  }
0x1db: {  	[tilespmem:s16], [sflag:$0x1] =	stream.indirect.gather [hbm4b:s4+s15], $0x80, s10, s15, $0xb8;
	[tilespmem:$0x1F000] =	vst v63  }
0x1dc: {  	_ =	swait.ge [sflag:s20], $0x4000  }
0x1dd: {  	[sflag:s20] =	ssyncset.done $0x0  }
0x1de: {  	[sflag:s20] =	ssyncadd.s32 $0xFFFFC000  }
0x1df: {  	[spmem:s2] =	stream.indirect.scatter.add.f32 [tilespmem:s18], [sflag:$0x3], $0x80, s23, s15, $0xb8;
	[tilespmem:$0x1F000] =	vst v63  }
0x1e0: {  	_ =	swait.ge [sflag:s14], $0x4000  }
0x1e1: {  	[sflag:s14] =	ssyncset.done $0x0  }
0x1e2: {  	s11 =	simm.s32 $0x2280;
	[sflag:s14] =	ssyncadd.s32 $0xFFFFC000  }
0x1e3: {  	[tilespmem:s18], [sflag:$0x2] =	stream.indirect.gather [hbm4b:s4+s15], $0x80, s11, s15, $0xb8;
	[tilespmem:$0x1F000] =	vst v63  }
0x1e4: {  	_ =	swait.ge [sflag:s19], $0x4000  }
0x1e5: {  	[sflag:s19] =	ssyncset.done $0x0  }
0x1e6: {  	[sflag:s19] =	ssyncadd.s32 $0xFFFFC000  }
0x1e7: {  	[spmem:s2] =	stream.indirect.scatter.add.f32 [tilespmem:s16], [sflag:$0x3], $0x80, s24, s15, $0xb8;
	[tilespmem:$0x1F000] =	vst v63  }
0x1e8: {  	_ =	swait.ge [sflag:s14], $0x4000  }
0x1e9: {  	[sflag:s14] =	ssyncset.done $0x0  }
0x1ea: {  	s12 =	simm.s32 $0x2300;
	[sflag:s14] =	ssyncadd.s32 $0xFFFFC000  }
0x1eb: {  	[tilespmem:s16], [sflag:$0x1] =	stream.indirect.gather [hbm4b:s4+s15], $0x80, s12, s15, $0xb8;
	[tilespmem:$0x1F000] =	vst v63  }
0x1ec: {  	_ =	swait.ge [sflag:s20], $0x4000  }
0x1ed: {  	[sflag:s20] =	ssyncset.done $0x0  }
0x1ee: {  	[sflag:s20] =	ssyncadd.s32 $0xFFFFC000  }
0x1ef: {  	[spmem:s2] =	stream.indirect.scatter.add.f32 [tilespmem:s18], [sflag:$0x3], $0x80, s25, s15, $0xb8;
	[tilespmem:$0x1F000] =	vst v63  }
0x1f0: {  	_ =	swait.ge [sflag:s14], $0x4000  }
0x1f1: {  	[sflag:s14] =	ssyncset.done $0x0  }
0x1f2: {  	s13 =	simm.s32 $0x2380;
	[sflag:s14] =	ssyncadd.s32 $0xFFFFC000  }
0x1f3: {  	[tilespmem:s18], [sflag:$0x2] =	stream.indirect.gather [hbm4b:s4+s15], $0x80, s13, s15, $0xb8;
	[tilespmem:$0x1F000] =	vst v63  }
0x1f4: {  	_ =	swait.ge [sflag:s19], $0x4000  }
0x1f5: {  	[sflag:s19] =	ssyncset.done $0x0  }
0x1f6: {  	[sflag:s19] =	ssyncadd.s32 $0xFFFFC000  }
0x1f7: {  	[spmem:s2] =	stream.indirect.scatter.add.f32 [tilespmem:s16], [sflag:$0x3], $0x80, s26, s15, $0xb8;
	[tilespmem:$0x1F000] =	vst v63  }
0x1f8: {  	_ =	swait.ge [sflag:s14], $0x4000  }
0x1f9: {  	[sflag:s14] =	ssyncset.done $0x0  }
0x1fa: {  	s10 =	simm.s32 $0x2400;
	[sflag:s14] =	ssyncadd.s32 $0xFFFFC000  }
0x1fb: {  	[tilespmem:s16], [sflag:$0x1] =	stream.indirect.gather [hbm4b:s4+s15], $0x80, s10, s15, $0xb8;
	[tilespmem:$0x1F000] =	vst v63  }
0x1fc: {  	_ =	swait.ge [sflag:s20], $0x4000  }
0x1fd: {  	[sflag:s20] =	ssyncset.done $0x0  }
0x1fe: {  	[sflag:s20] =	ssyncadd.s32 $0xFFFFC000  }
0x1ff: {  	[spmem:s2] =	stream.indirect.scatter.add.f32 [tilespmem:s18], [sflag:$0x3], $0x80, s28, s15, $0xb8;
	[tilespmem:$0x1F000] =	vst v63  }
0x200: {  	_ =	swait.ge [sflag:s14], $0x4000  }
0x201: {  	[sflag:s14] =	ssyncset.done $0x0  }
0x202: {  	s11 =	rddreg [dreg:$0x7];
	[sflag:s14] =	ssyncadd.s32 $0xFFFFC000  }
0x203: {  	[tilespmem:s29], [sflag:$0x3] =	stream.linear.gather [hbm4b:s11+s3], $0x400, $0x38;
	[tilespmem:$0x1F000] =	vst v63  }
0x204: {  	_ =	swait.ge [sflag:s14], $0x400  }
0x205: {  	[sflag:s14] =	ssyncset.done $0x0  }
0x206: {  	s12 =	simm.s32 $0x2480;
	[sflag:s14] =	ssyncadd.s32 $0xFFFFFC00  }
0x207: {  	[tilespmem:s18], [sflag:$0x2] =	stream.indirect.gather [hbm4b:s4+s15], $0x80, s12, s15, $0xb8;
	[tilespmem:$0x1F000] =	vst v63  }
0x208: {  	_ =	swait.ge [sflag:s19], $0x4000  }
0x209: {  	[sflag:s19] =	ssyncset.done $0x0  }
0x20a: {  	[sflag:s19] =	ssyncadd.s32 $0xFFFFC000  }
0x20b: {  	[spmem:s2] =	stream.indirect.scatter.add.f32 [tilespmem:s16], [sflag:$0x3], $0x80, s29, s15, $0xb8;
	[tilespmem:$0x1F000] =	vst v63  }
0x20c: {  	_ =	swait.ge [sflag:s14], $0x4000  }
0x20d: {  	[sflag:s14] =	ssyncset.done $0x0  }
0x20e: {  	s13 =	simm.s32 $0x2500;
	[sflag:s14] =	ssyncadd.s32 $0xFFFFC000  }
0x20f: {  	[tilespmem:s16], [sflag:$0x1] =	stream.indirect.gather [hbm4b:s4+s15], $0x80, s13, s15, $0xb8;
	[tilespmem:$0x1F000] =	vst v63  }
0x210: {  	_ =	swait.ge [sflag:s20], $0x4000  }
0x211: {  	[sflag:s20] =	ssyncset.done $0x0  }
0x212: {  	[sflag:s20] =	ssyncadd.s32 $0xFFFFC000  }
0x213: {  	[spmem:s2] =	stream.indirect.scatter.add.f32 [tilespmem:s18], [sflag:$0x3], $0x80, s30, s15, $0xb8;
	[tilespmem:$0x1F000] =	vst v63  }
0x214: {  	_ =	swait.ge [sflag:s14], $0x4000  }
0x215: {  	[sflag:s14] =	ssyncset.done $0x0  }
0x216: {  	s10 =	simm.s32 $0x2580;
	[sflag:s14] =	ssyncadd.s32 $0xFFFFC000  }
0x217: {  	[tilespmem:s18], [sflag:$0x2] =	stream.indirect.gather [hbm4b:s4+s15], $0x80, s10, s15, $0xb8;
	[tilespmem:$0x1F000] =	vst v63  }
0x218: {  	_ =	swait.ge [sflag:s19], $0x4000  }
0x219: {  	[sflag:s19] =	ssyncset.done $0x0  }
0x21a: {  	[sflag:s19] =	ssyncadd.s32 $0xFFFFC000  }
0x21b: {  	[spmem:s2] =	stream.indirect.scatter.add.f32 [tilespmem:s16], [sflag:$0x3], $0x80, s31, s15, $0xb8;
	[tilespmem:$0x1F000] =	vst v63  }
0x21c: {  	_ =	swait.ge [sflag:s14], $0x4000  }
0x21d: {  	[sflag:s14] =	ssyncset.done $0x0  }
0x21e: {  	s11 =	simm.s32 $0x2600;
	[sflag:s14] =	ssyncadd.s32 $0xFFFFC000  }
0x21f: {  	[tilespmem:s16], [sflag:$0x1] =	stream.indirect.gather [hbm4b:s4+s15], $0x80, s11, s15, $0xb8;
	[tilespmem:$0x1F000] =	vst v63  }
0x220: {  	_ =	swait.ge [sflag:s20], $0x4000  }
0x221: {  	[sflag:s20] =	ssyncset.done $0x0  }
0x222: {  	[sflag:s20] =	ssyncadd.s32 $0xFFFFC000  }
0x223: {  	[spmem:s2] =	stream.indirect.scatter.add.f32 [tilespmem:s18], [sflag:$0x3], $0x80, s1, s15, $0xb8;
	[tilespmem:$0x1F000] =	vst v63  }
0x224: {  	_ =	swait.ge [sflag:s14], $0x4000  }
0x225: {  	[sflag:s14] =	ssyncset.done $0x0  }
0x226: {  	s12 =	simm.s32 $0x2680;
	[sflag:s14] =	ssyncadd.s32 $0xFFFFC000  }
0x227: {  	[tilespmem:s18], [sflag:$0x2] =	stream.indirect.gather [hbm4b:s4+s15], $0x80, s12, s15, $0xb8;
	[tilespmem:$0x1F000] =	vst v63  }
0x228: {  	_ =	swait.ge [sflag:s19], $0x4000  }
0x229: {  	[sflag:s19] =	ssyncset.done $0x0  }
0x22a: {  	[sflag:s19] =	ssyncadd.s32 $0xFFFFC000  }
0x22b: {  	[spmem:s2] =	stream.indirect.scatter.add.f32 [tilespmem:s16], [sflag:$0x3], $0x80, s0, s15, $0xb8;
	[tilespmem:$0x1F000] =	vst v63  }
0x22c: {  	_ =	swait.ge [sflag:s14], $0x4000  }
0x22d: {  	[sflag:s14] =	ssyncset.done $0x0  }
0x22e: {  	s13 =	simm.s32 $0x2700;
	[sflag:s14] =	ssyncadd.s32 $0xFFFFC000  }
0x22f: {  	[tilespmem:s16], [sflag:$0x1] =	stream.indirect.gather [hbm4b:s4+s15], $0x80, s13, s15, $0xb8;
	[tilespmem:$0x1F000] =	vst v63  }
0x230: {  	_ =	swait.ge [sflag:s20], $0x4000  }
0x231: {  	[sflag:s20] =	ssyncset.done $0x0  }
0x232: {  	[sflag:s20] =	ssyncadd.s32 $0xFFFFC000  }
0x233: {  	[spmem:s2] =	stream.indirect.scatter.add.f32 [tilespmem:s18], [sflag:$0x3], $0x80, s5, s15, $0xb8;
	[tilespmem:$0x1F000] =	vst v63  }
0x234: {  	_ =	swait.ge [sflag:s14], $0x4000  }
0x235: {  	[sflag:s14] =	ssyncset.done $0x0  }
0x236: {  	s10 =	simm.s32 $0x2780;
	[sflag:s14] =	ssyncadd.s32 $0xFFFFC000  }
0x237: {  	[tilespmem:s18], [sflag:$0x2] =	stream.indirect.gather [hbm4b:s4+s15], $0x80, s10, s15, $0xb8;
	[tilespmem:$0x1F000] =	vst v63  }
0x238: {  	_ =	swait.ge [sflag:s19], $0x4000  }
0x239: {  	[sflag:s19] =	ssyncset.done $0x0  }
0x23a: {  	[sflag:s19] =	ssyncadd.s32 $0xFFFFC000  }
0x23b: {  	[spmem:s2] =	stream.indirect.scatter.add.f32 [tilespmem:s16], [sflag:$0x3], $0x80, s7, s15, $0xb8;
	[tilespmem:$0x1F000] =	vst v63  }
0x23c: {  	_ =	swait.ge [sflag:s14], $0x4000  }
0x23d: {  	[sflag:s14] =	ssyncset.done $0x0  }
0x23e: {  	[sflag:s14] =	ssyncadd.s32 $0xFFFFC000  }
0x23f: {  	_ =	swait.ge [sflag:s20], $0x4000  }
0x240: {  	[sflag:s20] =	ssyncset.done $0x0  }
0x241: {  	[sflag:s20] =	ssyncadd.s32 $0xFFFFC000  }
0x242: {  	[spmem:s2] =	stream.indirect.scatter.add.f32 [tilespmem:s18], [sflag:$0x3], $0x80, s8, s15, $0xb8;
	[tilespmem:$0x1F000] =	vst v63  }
0x243: {  	_ =	swait.ge [sflag:s14], $0x4000  }
0x244: {  	[sflag:s14] =	ssyncset.done $0x0  }
0x245: {  	[sflag:s14] =	ssyncadd.s32 $0xFFFFC000  }
0x246: {  	[bflag:$0x0] =	sbarrier.arrive $0xFFFF  }
0x247: {  	s12 =	rddreg [dreg:$0x4]  }
0x248: {  	s11 =	rddreg [dreg:$0x8]  }
0x249: {  	s10 =	rddreg [dreg:$0xb]  }
0x24a: {  	[hbm:s11], [sflag:s12] =	dma.local [spmem:s10], $0x2800  }
0x24b: {  	_ =	swait.ge [sflag:s14], $0x2800  }
0x24c: {  	s9 =	sadd.s32 $0x1, s9;
	s13 =	rddreg [dreg:$0x9]  }
0x24d: {  	p0 =	sne.s32 s9, s13  }
.Ltmp1:
0x24e: {  	_ = 	snop;
	(pc) =	sbr.rel @p0 .LBB2_1-.Ltmp1, $3  }
0x24f: {  	_ =	sdelay $0x1  }
0x250: {  	[sflag:s14] =	ssyncset.done $0x0  }
0x251: {  	[sflag:s14] =	ssyncadd.s32 $0xFFFFD800  }
0x252: {  	_ =	sfence.sel $0x180000  }
0x253: {  	[bflag:$0x0] =	sbarrier.arrive $0xFFFF  }
0x254: {  	_ =	strace $0x9000004D  }
0x255: {  	s0 =	stileid.u32;
	[bflag:$0x2] =	sbarrier.arrive $0xFFFF  }
0x256: {  	p0 =	sne.s32 s0, $0x0;
	s0 =	rddreg [dreg:$0x2]  }
0x257: {  	s0 =	sadd.s32 @!p0 $0x100000, s0  }
0x258: {  	[sflag:s0] =	ssyncadd.tile.s32 @!p0 $0x1;
	_ =	shalt  }
.Lfunc_end2:
_tile_overlayer_lowered:
.L_overlay_start_2:
0x259: {  	(tag) =	ssettag $0x2  }
0x25a: {  	s0 =	rddreg [dreg:$0x0];
	s2 =	stileid.u32  }
0x25b: {  	s1 =	rddreg [dreg:$0x1];
	p0 =	sne.s32 s2, $0x0  }
0x25c: {  	s3 =	rddreg [dreg:$0x2];
	[bflag:$0x3] =	sbarrier.arrive $0xFFFF;
	s2 =	simm.s32 @!p0 $0x1C03  }
0x25d: {  	[timem:s3], [sflag:s2] =	dma.local @!p0 [hbm:s0], s1  }
0x25e: {  	s0 =	simm.s32 @!p0 $0x3  }
0x25f: {  	_ =	swait.ge @!p0 [sflag:s0], s1  }
0x260: {  	s1 =	ssub.s32 @!p0 $0x0, s1;
	[sflag:s0] =	ssyncset.done @!p0 $0x0  }
0x261: {  	[sflag:s0] =	ssyncadd.s32 @!p0 s1  }
0x262: {  	[bflag:$0x3] =	sbarrier.arrive $0xFFFF  }
0x263: {  	_ =	shalt  }

// kernel: kernel.8.cloned.1.call-start
scs
__scs_entry_jumppad:
0x0: {  	(pc) =	sbr.rel $0x88, $3  }
0x1: {  	(tag) =	ssettag $0x0;
	lr =	simm.s32 $0x1  }
0x2: {  	[smem:$0x3F8A] =	sst lr;
	_ =	strace $0xD0000000  }
0x3: {  	_ = 	snop  }
0x4: {  	_ = 	snop  }
0x5: {  	_ = 	snop  }
0x6: {  	_ = 	snop  }
0x7: {  	_ = 	snop  }
__scs_overlays_trampoline_lowered:
0x8: {  	[smem:$0x3F99] =	sst s0  }
0x9: {  	[smem:$0x3F9A] =	sst s1  }
0xa: {  	[smem:$0x3F9B] =	sst s2  }
0xb: {  	[smem:$0x3F9C] =	sst s3  }
0xc: {  	[smem:$0x3F9D] =	sst s4  }
0xd: {  	[smem:$0x3F9E] =	sst s5  }
0xe: {  	[smem:$0x3F9F] =	sst s6  }
0xf: {  	[smem:$0x3FA0] =	sst s7  }
0x10: {  	[smem:$0x3FA1] =	sst s8  }
0x11: {  	[smem:$0x3FA2] =	sst s9;
	s0 =	simm.s32 @!p0 $0x0  }
0x12: {  	s1 =	sld [smem:$0x3F88];
	s0 =	simm.s32 @p0 $0x1  }
0x13: {  	[smem:$0x3FA3] =	sst s0;
	s0 =	simm.s32 @!p1 $0x0  }
0x14: {  	s2 =	sld [smem:$0x3F87];
	s0 =	simm.s32 @p1 $0x1  }
0x15: {  	[smem:$0x3FA4] =	sst s0;
	s0 =	simm.s32 @!p2 $0x0  }
0x16: {  	s3 =	sld [smem:$0x3FDB];
	s0 =	simm.s32 @p2 $0x1  }
0x17: {  	s4 =	simm.s32 $0x1BF5;
	[smem:$0x3FA6] =	sst s0  }
0x18: {  	s0 =	sld [smem:$0x3F89];
	_ =	swait.ge [sflag:s4], $0x0  }
0x19: {  	s7 =	sld [smem:$0x3F8A]  }
0x1a: {  	s8 =	sadd.s32 $0xFFFFE003, lr  }
0x1b: {  	s9 =	sadd.s32 $0xFFFFFEF7, lr;
	s5 =	simm.s32 $0xFFFFFFFF;
	p2 =	slt.u32 s8, $0xFFFFF086  }
0x1c: {  	p1 =	slt.u32 s9, $0xF7A;
	s5 =	simm.s32 @!p2 $0x0  }
0x1d: {  	s5 =	simm.s32 @p1 $0x1;
	p0 =	seq.s32 s7, s2  }
0x1e: {  	s7 =	smul.u32 @!p0 $0xF7A, s2;
	p2 =	seq.s32 @!p0 s5, $0x0  }
0x1f: {  	s9 =	smul.u32 $0xF7A, s1;
	s8 =	simm.s32 @!p0 $0x1BF5;
	p2 =	por !p2, p0  }
0x20: {  	[sflag:s8] =	ssyncset.s32 @!p0 $0xFFFFF086;
	s6 =	sadd.s32 @!p0 s3, s7;
	s7 =	simm.s32 @!p0 $0x108  }
0x21: {  	s3 =	sadd.s32 s3, s9;
	s6 =	sadd.s32 @!p0 $0x88, s6;
	s7 =	simm.s32 @p2 $0x1082  }
0x22: {  	[simem:s7], [sflag:s8] =	dma.local @!p0 [hbm:s6], $0xF7A  }
0x23: {  	s9 =	sor.u32 $0xD0000000, s2;
	s6 =	simm.s32 $0x108;
	_ =	swait.ge @!p0 [sflag:s8], $0x0  }
0x24: {  	s3 =	sadd.s32 $0x88, s3;
	s6 =	simm.s32 @!p1 $0x1082;
	[sflag:s4] =	ssyncset.s32 $0xFFFFF086  }
0x25: {  	[simem:s6], [sflag:s4] =	dma.local [hbm:s3], $0xF7A  }
0x26: {  	[smem:$0x3F8A] =	sst s1;
	(tag) =	ssettag s2;
	_ =	strace s9  }
0x27: {  	s1 =	sld [smem:$0x3F9A]  }
0x28: {  	s2 =	sld [smem:$0x3F9B]  }
0x29: {  	s4 =	sld [smem:$0x3F9D]  }
0x2a: {  	p0 =	seq.s32 s5, $0x0;
	s5 =	sld [smem:$0x3F9E]  }
0x2b: {  	s6 =	sld [smem:$0x3F9F]  }
0x2c: {  	s7 =	sld [smem:$0x3FA0]  }
0x2d: {  	s3 =	simm.s32 $0x108;
	s8 =	sld [smem:$0x3FA1]  }
0x2e: {  	s3 =	simm.s32 @!p0 $0x1082;
	s9 =	sld [smem:$0x3FA2]  }
0x2f: {  	lr =	sadd.s32 s0, s3;
	s0 =	sld [smem:$0x3F99]  }
0x30: {  	s3 =	sld [smem:$0x3F9C]  }
0x31: {  	[smem:$0x3FA5] =	sst s10  }
0x32: {  	s10 =	sld [smem:$0x3FA3];
	_ =	sdelay $0x3  }
0x33: {  	p0 =	seq.s32 s10, $0x1;
	s10 =	sld [smem:$0x3FA5];
	_ =	sdelay $0x3  }
0x34: {  	[smem:$0x3FA5] =	sst s10  }
0x35: {  	s10 =	sld [smem:$0x3FA4];
	_ =	sdelay $0x3  }
0x36: {  	p1 =	seq.s32 s10, $0x1;
	s10 =	sld [smem:$0x3FA5];
	_ =	sdelay $0x3  }
0x37: {  	[smem:$0x3FA5] =	sst s10  }
0x38: {  	s10 =	sld [smem:$0x3FA6]  }
0x39: {  	_ = 	snop;
	(pc) =	sbr.ind lr, $3  }
0x3a: {  	_ = 	snop  }
0x3b: {  	_ = 	snop  }
0x3c: {  	p2 =	seq.s32 s10, $0x1;
	s10 =	sld [smem:$0x3FA5]  }
0x3d: {  	_ =	shalt  }
0x3e: {  	_ =	shalt  }
0x3f: {  	_ =	shalt  }
0x40: {  	_ =	shalt  }
0x41: {  	_ =	shalt  }
0x42: {  	_ =	shalt  }
0x43: {  	_ =	shalt  }
0x44: {  	_ =	shalt  }
0x45: {  	_ =	shalt  }
0x46: {  	_ =	shalt  }
0x47: {  	_ =	shalt  }
0x48: {  	_ =	shalt  }
0x49: {  	_ =	shalt  }
0x4a: {  	_ =	shalt  }
0x4b: {  	_ =	shalt  }
0x4c: {  	_ =	shalt  }
0x4d: {  	_ =	shalt  }
0x4e: {  	_ =	shalt  }
0x4f: {  	_ =	shalt  }
0x50: {  	_ =	shalt  }
0x51: {  	_ =	shalt  }
0x52: {  	_ =	shalt  }
0x53: {  	_ =	shalt  }
0x54: {  	_ =	shalt  }
0x55: {  	_ =	shalt  }
0x56: {  	_ =	shalt  }
0x57: {  	_ =	shalt  }
0x58: {  	_ =	shalt  }
0x59: {  	_ =	shalt  }
0x5a: {  	_ =	shalt  }
0x5b: {  	_ =	shalt  }
0x5c: {  	_ =	shalt  }
0x5d: {  	_ =	shalt  }
0x5e: {  	_ =	shalt  }
0x5f: {  	_ =	shalt  }
0x60: {  	_ =	shalt  }
0x61: {  	_ =	shalt  }
0x62: {  	_ =	shalt  }
0x63: {  	_ =	shalt  }
0x64: {  	_ =	shalt  }
0x65: {  	_ =	shalt  }
0x66: {  	_ =	shalt  }
0x67: {  	_ =	shalt  }
0x68: {  	_ =	shalt  }
0x69: {  	_ =	shalt  }
0x6a: {  	_ =	shalt  }
0x6b: {  	_ =	shalt  }
0x6c: {  	_ =	shalt  }
0x6d: {  	_ =	shalt  }
0x6e: {  	_ =	shalt  }
0x6f: {  	_ =	shalt  }
0x70: {  	_ =	shalt  }
0x71: {  	_ =	shalt  }
0x72: {  	_ =	shalt  }
0x73: {  	_ =	shalt  }
0x74: {  	_ =	shalt  }
0x75: {  	_ =	shalt  }
0x76: {  	_ =	shalt  }
0x77: {  	_ =	shalt  }
0x78: {  	_ =	shalt  }
0x79: {  	_ =	shalt  }
0x7a: {  	_ =	shalt  }
0x7b: {  	_ =	shalt  }
0x7c: {  	_ =	shalt  }
0x7d: {  	_ =	shalt  }
0x7e: {  	_ =	shalt  }
0x7f: {  	_ =	shalt  }
0x80: {  	_ =	shalt  }
0x81: {  	_ =	shalt  }
0x82: {  	_ =	shalt  }
0x83: {  	_ =	shalt  }
0x84: {  	_ =	shalt  }
0x85: {  	_ =	shalt  }
0x86: {  	_ =	shalt  }
0x87: {  	_ =	shalt  }
.Lfunc_end0:
.L_simem_size_0:
called_computation_lowered:
.L_overlay_start_0:
0x88: {  	s2 =	sld [smem:$0x3FD9]  }
0x89: {  	s3 =	sld [smem:$0x3FFE];
	_ =	sdelay $0x1  }
0x8a: {  	s1 =	srdreg.scid  }
0x8b: {  	s0 =	sand.u32 $0x1, s1  }
0x8c: {  	s14 =	sshll.u32 s0, $0xA;
	s2 =	sadd.s32 s3, s2  }
0x8d: {  	s2 =	sadd.s32 s2, s14  }
0x8e: {  	[smem:$0x3FB1] =	sst s2  }
0x8f: {  	_ = 	snop  }
0x90: {  	s2 =	sld [smem:$0x3FD0];
	_ =	sdelay $0x2  }
0x91: {  	s15 =	simm.s32 $0xA;
	s4 =	simm.s32 $0x10  }
0x92: {  	[smem:s4], [sflag:s15] =	dma.local [hbm:s2], $0x1  }
0x93: {  	_ =	swait.eq [sflag:s15], $0x1  }
0x94: {  	[sflag:s15] =	ssyncset.done $0x0  }
0x95: {  	s16 =	sld [smem:$0x10];
	[sflag:s15] =	ssyncadd.s32 $0xFFFFFFFF  }
0x96: {  	s17 =	sld [smem:$0x11];
	(tm) =	ssettm $0x1  }
0x97: {  	s18 =	sld [smem:$0x3FFB];
	_ =	sdelay $0x3  }
0x98: {  	_ =	strace s18  }
0x99: {  	s4 =	sld [smem:$0x3FFC];
	_ =	sdelay $0x3  }
0x9a: {  	_ =	strace s4  }
0x9b: {  	s4 =	sld [smem:$0x3FFD];
	_ =	sdelay $0x3  }
0x9c: {  	_ =	strace s4  }
0x9d: {  	_ =	strace $0x8FFFFFFF  }
0x9e: {  	s19 =	sld [smem:$0x3FDB];
	_ =	sdelay $0x1  }
0x9f: {  	s5 =	simm.s32 $_scs_section_size  }
0xa0: {  	s6 =	simm.s32 $_size__tile_overlayer_lowered;
	s7 =	simm.s32 $_tile_overlayer_lowered  }
0xa1: {  	s22 =	simm.s32 $0x1BFF;
	s21 =	sshll.u32 s7, $0x1;
	s4 =	sadd.s32 s5, s19  }
0xa2: {  	s8 =	simm.s32 $0x0;
	s20 =	sshll.u32 s6, $0x1;
	s6 =	sadd.s32 s21, s4  }
0xa3: {  	[timem:s8], [sflag:s22] =	dma.local [hbm:s6], s20  }
0xa4: {  	_ =	swait.ge [sflag:s22], s20  }
0xa5: {  	s5 =	ssub.s32 $0x0, s20;
	[sflag:s22] =	ssyncset.done $0x0  }
0xa6: {  	[sflag:s22] =	ssyncadd.s32 s5;
	_ =	sdelay $0x1  }
0xa7: {  	s23 =	simm.s32 $0x1B8B  }
0xa8: {  	_ =	swait.ge [sflag:s23], $0x1  }
0xa9: {  	[sflag:s23] =	ssyncset.done $0x0  }
0xaa: {  	s25 =	simm.s32 $0x1B8E;
	s24 =	sld [smem:$0x3FFE];
	[sflag:s23] =	ssyncadd.s32 $0xFFFFFFFF  }
0xab: {  	s26 =	simm.s32 $execute0_lowered;
	[smem:$0x3FD2] =	sst s25  }
0xac: {  	s6 =	sshll.u32 s26, $0x1;
	_ =	strace $0x80000046;
	[dreg:$0x1] =	wrdreg $0xFFFFFFFF  }
0xad: {  	s28 =	simm.s32 $_size_execute0_lowered;
	s4 =	sadd.s32 s4, s6;
	[dreg:$0x0] =	wrdreg $0x0  }
0xae: {  	s6 =	sshll.u32 s28, $0x1;
	[dreg:$0x2] =	wrdreg s4  }
0xaf: {  	[dreg:$0x3] =	wrdreg s6  }
0xb0: {  	[dreg:$0x4] =	wrdreg $0xC0  }
0xb1: {  	_ =	task [dreg:s8], $0x5FFFF  }
0xb2: {  	[dreg:$0x1] =	wrdreg $0xFFFFFFFF  }
0xb3: {  	[dreg:$0x0] =	wrdreg $0x60  }
0xb4: {  	[dreg:$0x2] =	wrdreg s24  }
0xb5: {  	[dreg:$0x3] =	wrdreg s16  }
0xb6: {  	[dreg:$0x4] =	wrdreg s17  }
0xb7: {  	[dreg:$0x5] =	wrdreg $0x28800  }
0xb8: {  	[dreg:$0x6] =	wrdreg $0x9  }
0xb9: {  	_ =	task.clear_ibuf [dreg:s8], $0x7FFFF;
	_ =	strace $0x90000046  }
0xba: {  	s29 =	simm.s32 $0x9;
	_ =	strace $0x80000048  }
0xbb: {  	_ =	swait.ge [sflag:s29], $0x1  }
0xbc: {  	[sflag:s29] =	ssyncadd.s32 $0xFFFFFFFF  }
0xbd: {  	_ =	strace $0x90000048  }
0xbe: {  	_ =	sfence  }
0xbf: {  	s30 =	sld [smem:$0x0];
	_ =	sdelay $0x2  }
0xc0: {  	s31 =	sshll.u32 s1, $0xD;
	s1 =	sshrl.u32 s1, $0x2  }
0xc1: {  	s3 =	sand.u32 $0x4000, s31;
	s1 =	sadd.s32 s1, s30  }
0xc2: {  	s0 =	sor.u32 s3, s0;
	s1 =	sshll.u32 s1, $0x11  }
0xc3: {  	s0 =	sor.u32 s1, s0  }
0xc4: {  	s0 =	sadd.s32 $0x8F2B, s0  }
0xc5: {  	[sflag:s0] =	ssyncadd.remote.s32 $0x1  }
0xc6: {  	_ =	sfence.sel $0xFFFF  }
0xc7: {  	[dreg:$0x0] =	wrdreg $0xFFFFFFFF;
	(pc) =	sbr.abs _section_cstart, $3  }
0xc8: {  	[dreg:$0x1] =	wrdreg $0xFFFFFFFF  }
0xc9: {  	_ =	task.clear_ibuf [dreg:s8], $0x2FFFF;
	_ =	strace $0x9FFFFFFF  }
0xca: {  	(tm) =	ssettm $0x7FFFFFFF  }
0xcb: {  	_ =	shalt  }
tec
execute0_lowered:
.L_overlay_start_1:
0x0: {  	(tag) =	ssettag $0x1  }
0x1: {  	s6 =	rddreg [dreg:$0x0]  }
0x2: {  	s1 =	rddreg [dreg:$0x1]  }
0x3: {  	s2 =	rddreg [dreg:$0x2];
	s0 =	srdreg.scid  }
0x4: {  	s4 =	rddreg [dreg:$0x3];
	s3 =	stileid.u32  }
0x5: {  	s5 =	simm.s32 $0x0;
	s12 =	simm.s32 $0x2800;
	s13 =	simm.s32 $0x80  }
0x6: {  	s14 =	simm.s32 $0x1;
	s15 =	simm.s32 $0x20;
	s16 =	simm.s32 $0x10  }
0x7: {  	s7 =	sand.u32 $0x1, s0;
	s0 =	rddreg [dreg:$0x4];
	s9 =	smul.u32 $0x500, s3  }
0x8: {  	s17 =	simm.s32 $0x0;
	[smem:$0x7FF] =	sst s5;
	s29 =	smul.u32 $0xA00, s3  }
0x9: {  	s31 =	sshll.u32 s3, $0x6;
	s8 =	sshll.u32 s7, $0x4;
	s10 =	sshll.u32 s7, $0x7  }
0xa: {  	_ =	strace $0x80000047;
	s7 =	ssub.s32 $0x2, s7;
	s8 =	sor.u32 s3, s8  }
0xb: {  	s9 =	sor.u32 s10, s9;
	s30 =	sshrl.u32 s7, $0x1;
	s8 =	smul.u32 $0x500, s8  }
0xc: {  	s10 =	sshrl.u32 s29, $0x2;
	s9 =	sshrl.u32 s9, $0x3;
	s11 =	ssub.s32 s7, s30  }
0xd: {  	s10 =	sadd.s32 s10, s4;
	s9 =	sadd.s32 s9, s6;
	s8 =	sadd.s32 s8, s6  }
0xe: {  	s10 =	sshrl.u32 s10, $0x3;
	s6 =	sor.u32 $0x1C02, s31;
	s7 =	sadd.s32 $0xE600, s8  }
0xf: {  	s8 =	sadd.s32 $0x18600, s9;
	s9 =	smax.u32 s11, $0x1;
	s11 =	simm.s32 $0x2  }
.LBB2_1:
0x10: {  	[spmem:s10], [sflag:s6] =	dma.local [hbm:s2], $0x50  }
0x11: {  	_ =	swait.ge [sflag:s11], $0x50  }
0x12: {  	[sflag:s11] =	ssyncset.done $0x0  }
0x13: {  	[sflag:s11] =	ssyncadd.s32 $0xFFFFFFB0  }
0x14: {  	[tilespmem:s12], [sflag:$0x2] =	stream.linear.gather [hbm4b:s1+s5], $0x80, $0x38;
	[tilespmem:$0x2B00] =	vst v63  }
0x15: {  	_ =	swait.ge [sflag:s11], $0x80  }
0x16: {  	[sflag:s11] =	ssyncset.done $0x0  }
0x17: {  	[sflag:s11] =	ssyncadd.s32 $0xFFFFFF80  }
0x18: {  	[tilespmem:s5], [sflag:$0x2] =	stream.linear.gather [hbm4b:s7+s5], $0x2800, $0x38;
	[tilespmem:$0x2B00] =	vst v63  }
0x19: {  	_ =	swait.ge [sflag:s11], $0x2800  }
0x1a: {  	[sflag:s11] =	ssyncset.done $0x0  }
0x1b: {  	[sflag:s11] =	ssyncadd.s32 $0xFFFFD800  }
0x1c: {  	s18 =	simm.s32 $0x0;
	[bflag:$0x0] =	sbarrier.arrive $0xFFFF  }
0x1d: {  	[spmem:s4] =	stream.indirect.scatter.add.f32 [tilespmem:s12], [sflag:$0x1], $0x1, s18, s13, $0xb8;
	[tilespmem:$0x2B00] =	vst v63  }
0x1e: {  	s24 =	simm.s32 $0x80  }
0x1f: {  	[spmem:s4] =	stream.indirect.scatter.add.f32 [tilespmem:s12], [sflag:$0x1], $0x1, s24, s13, $0xb8;
	[tilespmem:$0x2B00] =	vst v63  }
0x20: {  	s25 =	simm.s32 $0x100  }
0x21: {  	[spmem:s4] =	stream.indirect.scatter.add.f32 [tilespmem:s12], [sflag:$0x1], $0x1, s25, s13, $0xb8;
	[tilespmem:$0x2B00] =	vst v63  }
0x22: {  	s26 =	simm.s32 $0x180  }
0x23: {  	[spmem:s4] =	stream.indirect.scatter.add.f32 [tilespmem:s12], [sflag:$0x1], $0x1, s26, s13, $0xb8;
	[tilespmem:$0x2B00] =	vst v63  }
0x24: {  	s28 =	simm.s32 $0x200  }
0x25: {  	[spmem:s4] =	stream.indirect.scatter.add.f32 [tilespmem:s12], [sflag:$0x1], $0x1, s28, s13, $0xb8;
	[tilespmem:$0x2B00] =	vst v63  }
0x26: {  	s29 =	simm.s32 $0x280  }
0x27: {  	[spmem:s4] =	stream.indirect.scatter.add.f32 [tilespmem:s12], [sflag:$0x1], $0x1, s29, s13, $0xb8;
	[tilespmem:$0x2B00] =	vst v63  }
0x28: {  	s30 =	simm.s32 $0x300  }
0x29: {  	[spmem:s4] =	stream.indirect.scatter.add.f32 [tilespmem:s12], [sflag:$0x1], $0x1, s30, s13, $0xb8;
	[tilespmem:$0x2B00] =	vst v63  }
0x2a: {  	s31 =	simm.s32 $0x380  }
0x2b: {  	[spmem:s4] =	stream.indirect.scatter.add.f32 [tilespmem:s12], [sflag:$0x1], $0x1, s31, s13, $0xb8;
	[tilespmem:$0x2B00] =	vst v63  }
0x2c: {  	_ =	swait.ge [sflag:s14], $0x80  }
0x2d: {  	[sflag:s14] =	ssyncset.done $0x0  }
0x2e: {  	[sflag:s14] =	ssyncadd.s32 $0xFFFFFF80  }
0x2f: {  	_ =	swait.ge [sflag:s14], $0x80  }
0x30: {  	[sflag:s14] =	ssyncset.done $0x0  }
0x31: {  	[sflag:s14] =	ssyncadd.s32 $0xFFFFFF80  }
0x32: {  	_ =	swait.ge [sflag:s14], $0x80  }
0x33: {  	[sflag:s14] =	ssyncset.done $0x0  }
0x34: {  	[sflag:s14] =	ssyncadd.s32 $0xFFFFFF80  }
0x35: {  	_ =	swait.ge [sflag:s14], $0x80  }
0x36: {  	[sflag:s14] =	ssyncset.done $0x0  }
0x37: {  	[sflag:s14] =	ssyncadd.s32 $0xFFFFFF80  }
0x38: {  	_ =	swait.ge [sflag:s14], $0x80  }
0x39: {  	[sflag:s14] =	ssyncset.done $0x0  }
0x3a: {  	[sflag:s14] =	ssyncadd.s32 $0xFFFFFF80  }
0x3b: {  	_ =	swait.ge [sflag:s14], $0x80  }
0x3c: {  	[sflag:s14] =	ssyncset.done $0x0  }
0x3d: {  	[sflag:s14] =	ssyncadd.s32 $0xFFFFFF80  }
0x3e: {  	_ =	swait.ge [sflag:s14], $0x80  }
0x3f: {  	[sflag:s14] =	ssyncset.done $0x0  }
0x40: {  	[sflag:s14] =	ssyncadd.s32 $0xFFFFFF80  }
0x41: {  	_ =	swait.ge [sflag:s14], $0x80  }
0x42: {  	s20 =	simm.s32 $0x2000;
	s18 =	simm.s32 $0x1000;
	[sflag:s14] =	ssyncset.done $0x0  }
.LBB2_2:
0x43: {  	s21 =	sshra.s32 s18, $0x2  }
0x44: {  	[sflag:s14] =	ssyncadd.s32 $0xFFFFFF80;
	s18 =	smov.u32 s20;
	s19 =	sadd.s32 $0x1000, s20  }
0x45: {  	[spmem:s4] =	stream.indirect.scatter.add.f32 [tilespmem:s12], [sflag:$0x1], $0x1, s21, s13, $0xb8;
	[tilespmem:$0x2B00] =	vst v63  }
0x46: {  	p0 =	sne.s32 s20, $0x9000;
	s20 =	sadd.s32 $0x80, s21  }
0x47: {  	[spmem:s4] =	stream.indirect.scatter.add.f32 [tilespmem:s12], [sflag:$0x1], $0x1, s20, s13, $0xb8;
	[tilespmem:$0x2B00] =	vst v63  }
0x48: {  	s20 =	sadd.s32 $0x100, s21  }
0x49: {  	[spmem:s4] =	stream.indirect.scatter.add.f32 [tilespmem:s12], [sflag:$0x1], $0x1, s20, s13, $0xb8;
	[tilespmem:$0x2B00] =	vst v63  }
0x4a: {  	s20 =	sadd.s32 $0x180, s21  }
0x4b: {  	[spmem:s4] =	stream.indirect.scatter.add.f32 [tilespmem:s12], [sflag:$0x1], $0x1, s20, s13, $0xb8;
	[tilespmem:$0x2B00] =	vst v63  }
0x4c: {  	s20 =	sadd.s32 $0x200, s21  }
0x4d: {  	[spmem:s4] =	stream.indirect.scatter.add.f32 [tilespmem:s12], [sflag:$0x1], $0x1, s20, s13, $0xb8;
	[tilespmem:$0x2B00] =	vst v63  }
0x4e: {  	s20 =	sadd.s32 $0x280, s21  }
0x4f: {  	[spmem:s4] =	stream.indirect.scatter.add.f32 [tilespmem:s12], [sflag:$0x1], $0x1, s20, s13, $0xb8;
	[tilespmem:$0x2B00] =	vst v63  }
0x50: {  	s20 =	sadd.s32 $0x300, s21  }
0x51: {  	[spmem:s4] =	stream.indirect.scatter.add.f32 [tilespmem:s12], [sflag:$0x1], $0x1, s20, s13, $0xb8;
	[tilespmem:$0x2B00] =	vst v63  }
0x52: {  	s20 =	sadd.s32 $0x380, s21  }
0x53: {  	[spmem:s4] =	stream.indirect.scatter.add.f32 [tilespmem:s12], [sflag:$0x1], $0x1, s20, s13, $0xb8;
	[tilespmem:$0x2B00] =	vst v63  }
0x54: {  	_ =	swait.ge [sflag:s14], $0x80  }
0x55: {  	[sflag:s14] =	ssyncset.done $0x0  }
0x56: {  	[sflag:s14] =	ssyncadd.s32 $0xFFFFFF80  }
0x57: {  	_ =	swait.ge [sflag:s14], $0x80  }
0x58: {  	[sflag:s14] =	ssyncset.done $0x0  }
0x59: {  	[sflag:s14] =	ssyncadd.s32 $0xFFFFFF80  }
0x5a: {  	_ =	swait.ge [sflag:s14], $0x80  }
0x5b: {  	[sflag:s14] =	ssyncset.done $0x0  }
0x5c: {  	[sflag:s14] =	ssyncadd.s32 $0xFFFFFF80  }
0x5d: {  	_ =	swait.ge [sflag:s14], $0x80  }
0x5e: {  	[sflag:s14] =	ssyncset.done $0x0  }
0x5f: {  	[sflag:s14] =	ssyncadd.s32 $0xFFFFFF80  }
0x60: {  	_ =	swait.ge [sflag:s14], $0x80  }
0x61: {  	[sflag:s14] =	ssyncset.done $0x0  }
0x62: {  	[sflag:s14] =	ssyncadd.s32 $0xFFFFFF80  }
0x63: {  	_ =	swait.ge [sflag:s14], $0x80  }
0x64: {  	[sflag:s14] =	ssyncset.done $0x0  }
0x65: {  	[sflag:s14] =	ssyncadd.s32 $0xFFFFFF80  }
.Ltmp0:
0x66: {  	_ =	swait.ge [sflag:s14], $0x80;
	(pc) =	sbr.rel @p0 .LBB2_2-.Ltmp0, $4  }
0x67: {  	[sflag:s14] =	ssyncset.done $0x0  }
0x68: {  	[sflag:s14] =	ssyncadd.s32 $0xFFFFFF80  }
0x69: {  	_ =	swait.ge [sflag:s14], $0x80  }
0x6a: {  	s20 =	smov.u32 s19;
	[sflag:s14] =	ssyncset.done $0x0  }
0x6b: {  	s18 =	sshra.s32 s18, $0x2;
	[sflag:s14] =	ssyncadd.s32 $0xFFFFFF80  }
0x6c: {  	[spmem:s4] =	stream.indirect.scatter.add.f32 [tilespmem:s12], [sflag:$0x1], $0x1, s18, s13, $0xb8;
	[tilespmem:$0x2B00] =	vst v63  }
0x6d: {  	s19 =	sadd.s32 $0x80, s18  }
0x6e: {  	[spmem:s4] =	stream.indirect.scatter.add.f32 [tilespmem:s12], [sflag:$0x1], $0x1, s19, s13, $0xb8;
	[tilespmem:$0x2B00] =	vst v63  }
0x6f: {  	s26 =	sadd.s32 $0x100, s18  }
0x70: {  	[spmem:s4] =	stream.indirect.scatter.add.f32 [tilespmem:s12], [sflag:$0x1], $0x1, s26, s13, $0xb8;
	[tilespmem:$0x2B00] =	vst v63  }
0x71: {  	s28 =	sadd.s32 $0x180, s18  }
0x72: {  	[spmem:s4] =	stream.indirect.scatter.add.f32 [tilespmem:s12], [sflag:$0x1], $0x1, s28, s13, $0xb8;
	[tilespmem:$0x2B00] =	vst v63  }
0x73: {  	s29 =	sadd.s32 $0x200, s18  }
0x74: {  	[spmem:s4] =	stream.indirect.scatter.add.f32 [tilespmem:s12], [sflag:$0x1], $0x1, s29, s13, $0xb8;
	[tilespmem:$0x2B00] =	vst v63  }
0x75: {  	s30 =	sadd.s32 $0x280, s18  }
0x76: {  	[spmem:s4] =	stream.indirect.scatter.add.f32 [tilespmem:s12], [sflag:$0x1], $0x1, s30, s13, $0xb8;
	[tilespmem:$0x2B00] =	vst v63  }
0x77: {  	s31 =	sadd.s32 $0x300, s18  }
0x78: {  	[spmem:s4] =	stream.indirect.scatter.add.f32 [tilespmem:s12], [sflag:$0x1], $0x1, s31, s13, $0xb8;
	[tilespmem:$0x2B00] =	vst v63  }
0x79: {  	s18 =	sadd.s32 $0x380, s18  }
0x7a: {  	[spmem:s4] =	stream.indirect.scatter.add.f32 [tilespmem:s12], [sflag:$0x1], $0x1, s18, s13, $0xb8;
	[tilespmem:$0x2B00] =	vst v63  }
0x7b: {  	_ =	swait.ge [sflag:s14], $0x80  }
0x7c: {  	[sflag:s14] =	ssyncset.done $0x0  }
0x7d: {  	[sflag:s14] =	ssyncadd.s32 $0xFFFFFF80  }
0x7e: {  	_ =	swait.ge [sflag:s14], $0x80  }
0x7f: {  	[sflag:s14] =	ssyncset.done $0x0  }
0x80: {  	[sflag:s14] =	ssyncadd.s32 $0xFFFFFF80  }
0x81: {  	_ =	swait.ge [sflag:s14], $0x80  }
0x82: {  	[sflag:s14] =	ssyncset.done $0x0  }
0x83: {  	[sflag:s14] =	ssyncadd.s32 $0xFFFFFF80  }
0x84: {  	_ =	swait.ge [sflag:s14], $0x80  }
0x85: {  	[sflag:s14] =	ssyncset.done $0x0  }
0x86: {  	[sflag:s14] =	ssyncadd.s32 $0xFFFFFF80  }
0x87: {  	_ =	swait.ge [sflag:s14], $0x80  }
0x88: {  	[sflag:s14] =	ssyncset.done $0x0  }
0x89: {  	[sflag:s14] =	ssyncadd.s32 $0xFFFFFF80  }
0x8a: {  	_ =	swait.ge [sflag:s14], $0x80  }
0x8b: {  	[sflag:s14] =	ssyncset.done $0x0  }
0x8c: {  	[sflag:s14] =	ssyncadd.s32 $0xFFFFFF80  }
0x8d: {  	_ =	swait.ge [sflag:s14], $0x80  }
0x8e: {  	[sflag:s14] =	ssyncset.done $0x0  }
0x8f: {  	[sflag:s14] =	ssyncadd.s32 $0xFFFFFF80  }
0x90: {  	_ =	swait.ge [sflag:s14], $0x80  }
0x91: {  	s17 =	sadd.s32 $0x1, s17;
	[sflag:s14] =	ssyncset.done $0x0  }
0x92: {  	p0 =	sne.s32 s17, s9;
	[sflag:s14] =	ssyncadd.s32 $0xFFFFFF80  }
.Ltmp1:
0x93: {  	[bflag:$0x0] =	sbarrier.arrive $0xFFFF;
	(pc) =	sbr.rel @p0 .LBB2_1-.Ltmp1, $4  }
0x94: {  	[hbm:s8@s15], [sflag:s6] =	dma.strided [spmem:s10@s16], $0x50, s14, $0x10   }
0x95: {  	_ =	swait.ge [sflag:s11], $0x50  }
0x96: {  	[sflag:s11] =	ssyncset.done $0x0  }
0x97: {  	[sflag:s11] =	ssyncadd.s32 $0xFFFFFFB0  }
0x98: {  	_ =	sfence.sel $0x180000  }
0x99: {  	[bflag:$0x0] =	sbarrier.arrive $0xFFFF  }
0x9a: {  	p0 =	sne.s32 s3, $0x0;
	_ =	strace $0x90000047  }
0x9b: {  	s0 =	sadd.s32 @!p0 $0x100000, s0;
	[bflag:$0x2] =	sbarrier.arrive $0xFFFF  }
0x9c: {  	[sflag:s0] =	ssyncadd.tile.s32 @!p0 $0x1;
	_ =	shalt  }
.Lfunc_end2:
_tile_overlayer_lowered:
.L_overlay_start_2:
0x9d: {  	(tag) =	ssettag $0x2  }
0x9e: {  	s0 =	rddreg [dreg:$0x0];
	s2 =	stileid.u32  }
0x9f: {  	s1 =	rddreg [dreg:$0x1];
	p0 =	sne.s32 s2, $0x0  }
0xa0: {  	s3 =	rddreg [dreg:$0x2];
	[bflag:$0x3] =	sbarrier.arrive $0xFFFF;
	s2 =	simm.s32 @!p0 $0x1C02  }
0xa1: {  	[timem:s3], [sflag:s2] =	dma.local @!p0 [hbm:s0], s1  }
0xa2: {  	s0 =	simm.s32 @!p0 $0x2  }
0xa3: {  	_ =	swait.ge @!p0 [sflag:s0], s1  }
0xa4: {  	s1 =	ssub.s32 @!p0 $0x0, s1;
	[sflag:s0] =	ssyncset.done @!p0 $0x0  }
0xa5: {  	[sflag:s0] =	ssyncadd.s32 @!p0 s1  }
0xa6: {  	[bflag:$0x3] =	sbarrier.arrive $0xFFFF  }
0xa7: {  	_ =	shalt  }

</sc_bundles>
